<compile_context>
chip_gen: v7x
topology: tpu7x:2x2x1
jax: 0.10.2.dev20260603
libtpu: 0.0.44.dev20260713+nightly
codegen_flags: <defaults>
</compile_context>

<pallas_src>
import functools

import jax
import jax.numpy as jnp
from jax import lax
from jax.experimental import pallas as pl
from jax.experimental.pallas import tpu as pltpu
from jax.experimental.pallas import tpu_sc as plsc

N = 10000
E = 320000
ED = 16
G = 256

NC = 2
NS = 16
NW = NC * NS
EPT = E // NW
CH = 80
NCHUNK = EPT // CH
NP = 10240
RPT = NP // NS
BLK = 1024
NBLK = NP // BLK
F = 128

_MESH = plsc.VectorSubcoreMesh(core_axis_name="c", subcore_axis_name="s")


def _edge_pass_body(gather, src_hbm, dst_hbm, dat_hbm, z_hbm, agg_out,
                    srcv, dstv, rows_v, agg_s, sem):
    c = lax.axis_index("c")
    s = lax.axis_index("s")
    wid = c * NS + s
    rbase = pl.multiple_of(s * RPT, 8)

    pltpu.sync_copy(z_hbm, rows_v)
    for j in range(RPT // CH):
        o = pl.multiple_of(rbase + j * CH, 8)
        pltpu.sync_copy(rows_v, agg_s.at[pl.ds(o, CH)])
    plsc.subcore_barrier()

    def chunk(k, _):
        e0 = pl.multiple_of(wid * EPT + k * CH, 8)
        pltpu.sync_copy(dst_hbm.at[pl.ds(e0, CH)], dstv)
        if gather:
            pltpu.sync_copy(src_hbm.at[pl.ds(e0, CH)], srcv)
            pltpu.async_copy(dat_hbm.at[srcv], rows_v, sem).wait()
        else:
            pltpu.sync_copy(dat_hbm.at[pl.ds(e0, CH)], rows_v)
        pltpu.sync_copy(rows_v, agg_s.at[dstv], add=True)
        return 0

    lax.fori_loop(0, NCHUNK, chunk, 0)
    plsc.subcore_barrier()

    obase = pl.multiple_of(c * NP + s * RPT, 8)
    for j in range(RPT // CH):
        oi = pl.multiple_of(rbase + j * CH, 8)
        oo = pl.multiple_of(obase + j * CH, 8)
        pltpu.sync_copy(agg_s.at[pl.ds(oi, CH)], rows_v)
        pltpu.sync_copy(rows_v, agg_out.at[pl.ds(oo, CH)])


def _make_edge_pass(gather):
    def body(src, dst, dat, z, agg_out, *sc):
        _edge_pass_body(gather, src, dst, dat, z, agg_out, *sc)

    return pl.kernel(
        body,
        out_type=[jax.ShapeDtypeStruct((NC * NP, F), jnp.float32)],
        mesh=_MESH,
        scratch_types=[
            pltpu.VMEM((CH,), jnp.int32),
            pltpu.VMEM((CH,), jnp.int32),
            pltpu.VMEM((CH, F), jnp.float32),
            pltpu.VMEM_SHARED((NP, F), jnp.float32),
            pltpu.SemaphoreType.DMA,
        ])


_edge_gather_pass = _make_edge_pass(True)
_edge_linear_pass = _make_edge_pass(False)

_DOT = functools.partial(jnp.dot, preferred_element_type=jnp.float32,
                         precision=jax.lax.Precision.HIGHEST)


def _row_mask(i):
    rid = i * BLK + jax.lax.broadcasted_iota(jnp.int32, (BLK, 1), 0)
    return rid < N


def _tc_a(x_ref, wn_ref, ws_ref, hn_ref, hs_ref):
    x = x_ref[...]
    hn_ref[...] = _DOT(x, wn_ref[...])
    hs_ref[...] = _DOT(x, ws_ref[...])


def _tc_stats(fin):
    def body(hs_ref, agga_ref, aggb_ref, eaa_ref, eab_ref, we_ref, b_ref,
             hraw_ref, ea_ref, sums_ref, sumsq_ref, acc1, acc2):
        i = pl.program_id(0)
        ea = eaa_ref[:, 0:ED] + eab_ref[:, 0:ED]
        t = (hs_ref[...] + agga_ref[:, 0:fin] + aggb_ref[:, 0:fin]
             + _DOT(ea, we_ref[...]) + b_ref[...])
        h = jnp.where(_row_mask(i), jnp.maximum(t, 0.0), 0.0)
        hraw_ref[...] = h
        ea_ref[...] = ea

        @pl.when(i == 0)
        def _():
            acc1[...] = jnp.zeros_like(acc1)
            acc2[...] = jnp.zeros_like(acc2)

        acc1[...] += jnp.sum(h, axis=0, keepdims=True)
        acc2[...] += jnp.sum(h * h, axis=0, keepdims=True)

        @pl.when(i == NBLK - 1)
        def _():
            sums_ref[...] = acc1[...]
            sumsq_ref[...] = acc2[...]

    return body


def _tc_norm(hraw_ref, sums_ref, sumsq_ref, g_ref, bt_ref, wn_ref, ws_ref,
             hn_ref, hs_ref):
    i = pl.program_id(0)
    mean = sums_ref[...] / N
    var = sumsq_ref[...] / N - mean * mean
    scale = jax.lax.rsqrt(var + 1e-5) * g_ref[...]
    h = jnp.where(_row_mask(i),
                  (hraw_ref[...] - mean) * scale + bt_ref[...], 0.0)
    hn_ref[...] = _DOT(h, wn_ref[...])
    hs_ref[...] = _DOT(h, ws_ref[...])


def _tc_d(hs_ref, agg_ref, ea_ref, we_ref, b_ref, g_ref, bt_ref, batch_ref,
          lw0_ref, lb0_ref, lw1_ref, lb1_ref, lw2_ref, lb2_ref, ow_ref, ob_ref,
          out_ref):
    t = (hs_ref[...] + agg_ref[0:NP, 0:16] + agg_ref[NP:2 * NP, 0:16]
         + _DOT(ea_ref[...], we_ref[...]) + b_ref[...])[0:N, :]
    h = jnp.maximum(t, 0.0)
    total = jnp.sum(h)
    mean = total / N
    var = jnp.sum(h * h) / N - mean * mean
    scale = g_ref[0, 0] * jax.lax.rsqrt(var + 1e-5)
    shift = bt_ref[0, 0] - mean * scale
    col = jax.lax.broadcasted_iota(jnp.int32, (N, 16), 1)
    haug = h + jnp.where(col == 1, 1.0, 0.0)
    gids = jax.lax.broadcasted_iota(jnp.int32, (G, 1), 0)
    mask = (batch_ref[...] == gids).astype(jnp.float32)
    z = _DOT(mask, haug)
    y = z[:, 0:1] * scale + z[:, 1:2] * shift
    y = jnp.maximum(_DOT(y, lw0_ref[...]) + lb0_ref[...], 0.0)
    y = jnp.maximum(_DOT(y, lw1_ref[...]) + lb1_ref[...], 0.0)
    y = jnp.maximum(_DOT(y, lw2_ref[...]) + lb2_ref[...], 0.0)
    out_ref[...] = _DOT(y, ow_ref[...]) + ob_ref[...]


def _rows(i):
    return (i, 0)


def _rows_hi(i):
    return (i + NBLK, 0)


def _rep(i):
    return (0, 0)


def _blocked_layer(fin, fout, hs, agg, ea128, ea, we, b, g, bt, wn, ws,
                   first_layer):
    f32 = jnp.float32
    sds = jax.ShapeDtypeStruct
    bspec = functools.partial(pl.BlockSpec, index_map=_rows)
    rep = functools.partial(pl.BlockSpec, index_map=_rep)

    eaw = F if first_layer else ED
    in_specs = [
        bspec((BLK, fin)),
        bspec((BLK, F)),
        pl.BlockSpec((BLK, F), index_map=_rows_hi),
        bspec((BLK, eaw)),
        (pl.BlockSpec((BLK, eaw), index_map=_rows_hi) if first_layer
         else bspec((BLK, eaw))),
        rep((ED, fin)),
        rep((1, fin)),
    ]
    outs = [sds((NP, fin), f32), sds((NP, ED), f32),
            sds((1, fin), f32), sds((1, fin), f32)]
    out_specs = [bspec((BLK, fin)), bspec((BLK, ED)),
                 rep((1, fin)), rep((1, fin))]
    ea_a = ea128 if first_layer else ea
    ea_b = ea128 if first_layer else jnp.zeros_like(ea)
    hraw, ea_out, sums, sumsq = pl.pallas_call(
        _tc_stats(fin), grid=(NBLK,),
        in_specs=in_specs, out_specs=out_specs, out_shape=outs,
        scratch_shapes=[pltpu.VMEM((1, fin), f32), pltpu.VMEM((1, fin), f32)],
    )(hs, agg, agg, ea_a, ea_b, we, b)

    hn, hs_next = pl.pallas_call(
        _tc_norm, grid=(NBLK,),
        in_specs=[bspec((BLK, fin)), rep((1, fin)), rep((1, fin)),
                  rep((1, fin)), rep((1, fin)),
                  rep((fin, F)), rep((fin, fout))],
        out_specs=[bspec((BLK, F)), bspec((BLK, fout))],
        out_shape=[sds((NP, F), f32), sds((NP, fout), f32)],
    )(hraw, sums, sumsq, g, bt, wn, ws)
    return hn, hs_next, ea_out


def _padw(w, cols):
    return jnp.concatenate(
        [w, jnp.zeros((w.shape[0], cols - w.shape[1]), jnp.float32)], axis=1)


def kernel(x, edge_index, edge_attr, batch, fp, fp_length,
           ws0, wn0, we0, b0, g0, bt0,
           ws1, wn1, we1, b1, g1, bt1,
           ws2, wn2, we2, b2, g2, bt2,
           lw0, lb0, lw1, lb1, lw2, lb2, ow, ob):
    f32 = jnp.float32
    src = edge_index[0]
    dst = edge_index[1]
    xp = jnp.pad(x, ((0, NP - N), (0, 0)))
    eap = jnp.pad(edge_attr, ((0, 0), (0, F - ED)))
    wn1p = _padw(wn1, F)
    wn2p = _padw(wn2, F)
    ws2p = _padw(ws2, 16)
    we2p = _padw(we2, 16)
    b2p = _padw(b2.reshape(1, 1), 16)
    z128 = jnp.zeros((CH, F), f32)

    sds = jax.ShapeDtypeStruct
    bspec = functools.partial(pl.BlockSpec, index_map=_rows)
    rep = functools.partial(pl.BlockSpec, index_map=_rep)

    ea128, = _edge_linear_pass(src, dst, eap, z128)

    hn0, hs0 = pl.pallas_call(
        _tc_a, grid=(NBLK,),
        in_specs=[bspec((BLK, 128)), rep((128, 128)), rep((128, 128))],
        out_specs=[bspec((BLK, 128)), bspec((BLK, 128))],
        out_shape=[sds((NP, 128), f32), sds((NP, 128), f32)],
    )(xp, wn0, ws0)

    agg0, = _edge_gather_pass(src, dst, hn0, z128)

    hn1, hs1, ea = _blocked_layer(
        128, 64, hs0, agg0, ea128, None, we0, b0.reshape(1, -1),
        g0.reshape(1, -1), bt0.reshape(1, -1), wn1p, ws1, first_layer=True)

    agg1, = _edge_gather_pass(src, dst, hn1, z128)

    hn2, hs2, _ = _blocked_layer(
        64, 16, hs1, agg1, None, ea, we1, b1.reshape(1, -1),
        g1.reshape(1, -1), bt1.reshape(1, -1), wn2p, ws2p, first_layer=False)

    agg2, = _edge_gather_pass(src, dst, hn2, z128)

    out = pl.pallas_call(
        _tc_d, out_shape=sds((G, 1), f32))(
        hs2, agg2, ea, we2p, b2p, g2.reshape(1, -1), bt2.reshape(1, -1),
        batch.reshape(1, N), lw0, lb0.reshape(1, -1), lw1, lb1.reshape(1, -1),
        lw2, lb2.reshape(1, -1), ow, ob.reshape(1, -1))
    return out

# --- scband reference (transcript-rebuilt; emitter-appended) ---
"""Pipeline reference for scband-gnn-base-25752623907485 (READ-ONLY COPY).

The authoritative reference and input builder live on the scoring server;
editing this copy changes nothing except your own understanding.
"""

import jax, jax.numpy as jnp
import numpy as np

N = 10000
E = 320000
ED = 16
G = 256
DIMS = [128, 128, 64, 1]
DENSE = [1, 512, 128, 32]
OUT = 1


def setup_inputs(seed: int = 0) -> dict:
    key = jax.random.key(seed)
    k = iter(jax.random.split(key, 40))
    inp = {}
    inp["x"] = jax.random.normal(next(k), (N, DIMS[0]), dtype=jnp.float32)
    inp["edge_index"] = jax.random.randint(next(k), (2, E), 0, N, dtype=jnp.int32)
    inp["edge_attr"] = jax.random.normal(next(k), (E, ED), dtype=jnp.float32)
    inp["batch"] = jnp.sort(jax.random.randint(next(k), (N,), 0, G, dtype=jnp.int32))
    inp["fp"] = jnp.zeros((G, 16), dtype=jnp.float32)
    inp["fp_length"] = 16
    for i in range(3):
        fi, fo = DIMS[i], DIMS[i + 1]
        s = 1.0 / np.sqrt(fi)
        inp[f"ws{i}"] = jax.random.normal(next(k), (fi, fo), dtype=jnp.float32) * s
        inp[f"wn{i}"] = jax.random.normal(next(k), (fi, fo), dtype=jnp.float32) * s
        inp[f"we{i}"] = jax.random.normal(next(k), (ED, fo), dtype=jnp.float32) * (1.0 / np.sqrt(ED))
        inp[f"b{i}"] = jnp.zeros((fo,), dtype=jnp.float32)
        inp[f"g{i}"] = jnp.ones((fo,), dtype=jnp.float32)
        inp[f"bt{i}"] = jnp.zeros((fo,), dtype=jnp.float32)
    for i in range(3):
        fi, fo = DENSE[i], DENSE[i + 1]
        inp[f"lw{i}"] = jax.random.normal(next(k), (fi, fo), dtype=jnp.float32) * (1.0 / np.sqrt(fi))
        inp[f"lb{i}"] = jnp.zeros((fo,), dtype=jnp.float32)
    inp["ow"] = jax.random.normal(next(k), (DENSE[-1], OUT), dtype=jnp.float32) * (1.0 / np.sqrt(DENSE[-1]))
    inp["ob"] = jnp.zeros((OUT,), dtype=jnp.float32)
    return inp


def reference(x, edge_index, edge_attr, batch, fp, fp_length,
              ws0, wn0, we0, b0, g0, bt0,
              ws1, wn1, we1, b1, g1, bt1,
              ws2, wn2, we2, b2, g2, bt2,
              lw0, lb0, lw1, lb1, lw2, lb2, ow, ob):
    src = edge_index[0]
    dst = edge_index[1]
    h = x
    layers = [(ws0, wn0, we0, b0, g0, bt0),
              (ws1, wn1, we1, b1, g1, bt1),
              (ws2, wn2, we2, b2, g2, bt2)]
    for (ws, wn, we, b, g, bt) in layers:
        # message passing: gather source node features + edge feature transform,
        # scatter-add (segment_sum) to destination nodes
        msg = h[src] @ wn + edge_attr @ we
        agg = jax.ops.segment_sum(msg, dst, num_segments=N)
        h = h @ ws + agg + b
        h = jax.nn.relu(h)
        # BatchNorm1d (training-mode statistics over nodes)
        mean = jnp.mean(h, axis=0)
        var = jnp.var(h, axis=0)
        h = (h - mean) / jnp.sqrt(var + 1e-5) * g + bt
    # global_add_pool over batch segment ids
    y = jax.ops.segment_sum(h, batch, num_segments=G)
    for (lw, lb) in [(lw0, lb0), (lw1, lb1), (lw2, lb2)]:
        y = jax.nn.relu(y @ lw + lb)
    out = y @ ow + ob
    return out

if __name__ == "__main__":
    import jax
    _d = setup_inputs()
    print(jax.jit(kernel)(*tuple(_d.values())))

</pallas_src>

<mosaic_0001>
#map = affine_map<(d0, d1) -> (0)>
#map1 = affine_map<(d0, d1) -> (0, 0)>
module attributes {stable_mosaic.version = 14 : i64} {
  func.func @body(%arg0: i32, %arg1: i32, %arg2: memref<320000xi32, #tpu.memory_space<hbm>>, %arg3: memref<320000xi32, #tpu.memory_space<hbm>>, %arg4: memref<10240x128xf32, #tpu.memory_space<hbm>>, %arg5: memref<80x128xf32, #tpu.memory_space<hbm>>, %arg6: memref<20480x128xf32, #tpu.memory_space<hbm>>, %arg7: memref<80xi32, #tpu.memory_space<vmem>>, %arg8: memref<80xi32, #tpu.memory_space<vmem>>, %arg9: memref<80x128xf32, #tpu.memory_space<vmem>>, %arg10: memref<10240x128xf32, #tpu.memory_space<vmem_shared>>, %arg11: memref<!tpu.dma_semaphore, #tpu.memory_space<semaphore_mem>>) attributes {dimension_semantics = [#tpu.dimension_semantics<core_parallel>, #tpu.dimension_semantics<subcore_parallel>], iteration_bounds = array<i64: 2, 16>, scalar_prefetch = 0 : i64, scratch_operands = 5 : i64, tpu.core_type = #tpu.core_type<sc_vector_subcore>, window_params = [{transform_indices = #map}, {transform_indices = #map}, {transform_indices = #map1}, {transform_indices = #map1}, {transform_indices = #map1}]} {
    %mul3A = arith.constant 16 : i32
    %mul3A_0 = arith.muli %arg0, %mul3A : i32
    %add3A = arith.addi %mul3A_0, %arg1 : i32
    %mul3A_1 = arith.constant 640 : i32
    %mul3A_2 = arith.muli %arg1, %mul3A_1 : i32
    %multiple_of3A = tpu.assume_multiple %mul3A_2, 8 : i32
    "tpu.region"() ({
      %run_scoped3A = tpu.sem_alloc : memref<!tpu.dma_semaphore, #tpu.memory_space<semaphore_mem>>
      tpu.enqueue_dma source(%arg5 : memref<80x128xf32, #tpu.memory_space<hbm>>) target(%arg9 : memref<80x128xf32, #tpu.memory_space<vmem>>) target_semaphore(%run_scoped3A : memref<!tpu.dma_semaphore, #tpu.memory_space<semaphore_mem>>)
      tpu.wait_dma2 semaphore(%run_scoped3A : memref<!tpu.dma_semaphore, #tpu.memory_space<semaphore_mem>>) src(%arg5 : memref<80x128xf32, #tpu.memory_space<hbm>>) dst(%arg9 : memref<80x128xf32, #tpu.memory_space<vmem>>)
      tpu.yield
    }) : () -> ()
    %add3A_3 = arith.constant 0 : i32
    %add3A_4 = arith.addi %multiple_of3A, %add3A_3 : i32
    %multiple_of3A_5 = tpu.assume_multiple %add3A_4, 8 : i32
    "tpu.region"() ({
      %run_scoped3A = tpu.sem_alloc : memref<!tpu.dma_semaphore, #tpu.memory_space<semaphore_mem>>
      %dma_start3A = arith.constant 0 : i32
      %dma_start3A_88 = tpu.memref_slice %arg10[%multiple_of3A_5, %dma_start3A] : memref<10240x128xf32, #tpu.memory_space<vmem_shared>> -> memref<80x128xf32, #tpu.memory_space<vmem_shared>>
      %dma_start3A_89 = arith.constant 0 : i32
      %dma_start3A_90 = tpu.memref_slice %arg10[%multiple_of3A_5, %dma_start3A_89] : memref<10240x128xf32, #tpu.memory_space<vmem_shared>> -> memref<80x128xf32, #tpu.memory_space<vmem_shared>>
      tpu.enqueue_dma source(%arg9 : memref<80x128xf32, #tpu.memory_space<vmem>>) target(%dma_start3A_90 : memref<80x128xf32, #tpu.memory_space<vmem_shared>>) target_semaphore(%run_scoped3A : memref<!tpu.dma_semaphore, #tpu.memory_space<semaphore_mem>>)
      %dma_wait3A = arith.constant 0 : i32
      %dma_wait3A_91 = tpu.memref_slice %arg10[%multiple_of3A_5, %dma_wait3A] : memref<10240x128xf32, #tpu.memory_space<vmem_shared>> -> memref<80x128xf32, #tpu.memory_space<vmem_shared>>
      %dma_wait3A_92 = arith.constant 0 : i32
      %dma_wait3A_93 = tpu.memref_slice %arg10[%multiple_of3A_5, %dma_wait3A_92] : memref<10240x128xf32, #tpu.memory_space<vmem_shared>> -> memref<80x128xf32, #tpu.memory_space<vmem_shared>>
      tpu.wait_dma2 semaphore(%run_scoped3A : memref<!tpu.dma_semaphore, #tpu.memory_space<semaphore_mem>>) src(%arg9 : memref<80x128xf32, #tpu.memory_space<vmem>>) dst(%dma_wait3A_93 : memref<80x128xf32, #tpu.memory_space<vmem_shared>>)
      tpu.yield
    }) : () -> ()
    %add3A_6 = arith.constant 80 : i32
    %add3A_7 = arith.addi %multiple_of3A, %add3A_6 : i32
    %multiple_of3A_8 = tpu.assume_multiple %add3A_7, 8 : i32
    "tpu.region"() ({
      %run_scoped3A = tpu.sem_alloc : memref<!tpu.dma_semaphore, #tpu.memory_space<semaphore_mem>>
      %dma_start3A = arith.constant 0 : i32
      %dma_start3A_88 = tpu.memref_slice %arg10[%multiple_of3A_8, %dma_start3A] : memref<10240x128xf32, #tpu.memory_space<vmem_shared>> -> memref<80x128xf32, #tpu.memory_space<vmem_shared>>
      %dma_start3A_89 = arith.constant 0 : i32
      %dma_start3A_90 = tpu.memref_slice %arg10[%multiple_of3A_8, %dma_start3A_89] : memref<10240x128xf32, #tpu.memory_space<vmem_shared>> -> memref<80x128xf32, #tpu.memory_space<vmem_shared>>
      tpu.enqueue_dma source(%arg9 : memref<80x128xf32, #tpu.memory_space<vmem>>) target(%dma_start3A_90 : memref<80x128xf32, #tpu.memory_space<vmem_shared>>) target_semaphore(%run_scoped3A : memref<!tpu.dma_semaphore, #tpu.memory_space<semaphore_mem>>)
      %dma_wait3A = arith.constant 0 : i32
      %dma_wait3A_91 = tpu.memref_slice %arg10[%multiple_of3A_8, %dma_wait3A] : memref<10240x128xf32, #tpu.memory_space<vmem_shared>> -> memref<80x128xf32, #tpu.memory_space<vmem_shared>>
      %dma_wait3A_92 = arith.constant 0 : i32
      %dma_wait3A_93 = tpu.memref_slice %arg10[%multiple_of3A_8, %dma_wait3A_92] : memref<10240x128xf32, #tpu.memory_space<vmem_shared>> -> memref<80x128xf32, #tpu.memory_space<vmem_shared>>
      tpu.wait_dma2 semaphore(%run_scoped3A : memref<!tpu.dma_semaphore, #tpu.memory_space<semaphore_mem>>) src(%arg9 : memref<80x128xf32, #tpu.memory_space<vmem>>) dst(%dma_wait3A_93 : memref<80x128xf32, #tpu.memory_space<vmem_shared>>)
      tpu.yield
    }) : () -> ()
    %add3A_9 = arith.constant 160 : i32
    %add3A_10 = arith.addi %multiple_of3A, %add3A_9 : i32
    %multiple_of3A_11 = tpu.assume_multiple %add3A_10, 8 : i32
    "tpu.region"() ({
      %run_scoped3A = tpu.sem_alloc : memref<!tpu.dma_semaphore, #tpu.memory_space<semaphore_mem>>
      %dma_start3A = arith.constant 0 : i32
      %dma_start3A_88 = tpu.memref_slice %arg10[%multiple_of3A_11, %dma_start3A] : memref<10240x128xf32, #tpu.memory_space<vmem_shared>> -> memref<80x128xf32, #tpu.memory_space<vmem_shared>>
      %dma_start3A_89 = arith.constant 0 : i32
      %dma_start3A_90 = tpu.memref_slice %arg10[%multiple_of3A_11, %dma_start3A_89] : memref<10240x128xf32, #tpu.memory_space<vmem_shared>> -> memref<80x128xf32, #tpu.memory_space<vmem_shared>>
      tpu.enqueue_dma source(%arg9 : memref<80x128xf32, #tpu.memory_space<vmem>>) target(%dma_start3A_90 : memref<80x128xf32, #tpu.memory_space<vmem_shared>>) target_semaphore(%run_scoped3A : memref<!tpu.dma_semaphore, #tpu.memory_space<semaphore_mem>>)
      %dma_wait3A = arith.constant 0 : i32
      %dma_wait3A_91 = tpu.memref_slice %arg10[%multiple_of3A_11, %dma_wait3A] : memref<10240x128xf32, #tpu.memory_space<vmem_shared>> -> memref<80x128xf32, #tpu.memory_space<vmem_shared>>
      %dma_wait3A_92 = arith.constant 0 : i32
      %dma_wait3A_93 = tpu.memref_slice %arg10[%multiple_of3A_11, %dma_wait3A_92] : memref<10240x128xf32, #tpu.memory_space<vmem_shared>> -> memref<80x128xf32, #tpu.memory_space<vmem_shared>>
      tpu.wait_dma2 semaphore(%run_scoped3A : memref<!tpu.dma_semaphore, #tpu.memory_space<semaphore_mem>>) src(%arg9 : memref<80x128xf32, #tpu.memory_space<vmem>>) dst(%dma_wait3A_93 : memref<80x128xf32, #tpu.memory_space<vmem_shared>>)
      tpu.yield
    }) : () -> ()
    %add3A_12 = arith.constant 240 : i32
    %add3A_13 = arith.addi %multiple_of3A, %add3A_12 : i32
    %multiple_of3A_14 = tpu.assume_multiple %add3A_13, 8 : i32
    "tpu.region"() ({
      %run_scoped3A = tpu.sem_alloc : memref<!tpu.dma_semaphore, #tpu.memory_space<semaphore_mem>>
      %dma_start3A = arith.constant 0 : i32
      %dma_start3A_88 = tpu.memref_slice %arg10[%multiple_of3A_14, %dma_start3A] : memref<10240x128xf32, #tpu.memory_space<vmem_shared>> -> memref<80x128xf32, #tpu.memory_space<vmem_shared>>
      %dma_start3A_89 = arith.constant 0 : i32
      %dma_start3A_90 = tpu.memref_slice %arg10[%multiple_of3A_14, %dma_start3A_89] : memref<10240x128xf32, #tpu.memory_space<vmem_shared>> -> memref<80x128xf32, #tpu.memory_space<vmem_shared>>
      tpu.enqueue_dma source(%arg9 : memref<80x128xf32, #tpu.memory_space<vmem>>) target(%dma_start3A_90 : memref<80x128xf32, #tpu.memory_space<vmem_shared>>) target_semaphore(%run_scoped3A : memref<!tpu.dma_semaphore, #tpu.memory_space<semaphore_mem>>)
      %dma_wait3A = arith.constant 0 : i32
      %dma_wait3A_91 = tpu.memref_slice %arg10[%multiple_of3A_14, %dma_wait3A] : memref<10240x128xf32, #tpu.memory_space<vmem_shared>> -> memref<80x128xf32, #tpu.memory_space<vmem_shared>>
      %dma_wait3A_92 = arith.constant 0 : i32
      %dma_wait3A_93 = tpu.memref_slice %arg10[%multiple_of3A_14, %dma_wait3A_92] : memref<10240x128xf32, #tpu.memory_space<vmem_shared>> -> memref<80x128xf32, #tpu.memory_space<vmem_shared>>
      tpu.wait_dma2 semaphore(%run_scoped3A : memref<!tpu.dma_semaphore, #tpu.memory_space<semaphore_mem>>) src(%arg9 : memref<80x128xf32, #tpu.memory_space<vmem>>) dst(%dma_wait3A_93 : memref<80x128xf32, #tpu.memory_space<vmem_shared>>)
      tpu.yield
    }) : () -> ()
    %add3A_15 = arith.constant 320 : i32
    %add3A_16 = arith.addi %multiple_of3A, %add3A_15 : i32
    %multiple_of3A_17 = tpu.assume_multiple %add3A_16, 8 : i32
    "tpu.region"() ({
      %run_scoped3A = tpu.sem_alloc : memref<!tpu.dma_semaphore, #tpu.memory_space<semaphore_mem>>
      %dma_start3A = arith.constant 0 : i32
      %dma_start3A_88 = tpu.memref_slice %arg10[%multiple_of3A_17, %dma_start3A] : memref<10240x128xf32, #tpu.memory_space<vmem_shared>> -> memref<80x128xf32, #tpu.memory_space<vmem_shared>>
      %dma_start3A_89 = arith.constant 0 : i32
      %dma_start3A_90 = tpu.memref_slice %arg10[%multiple_of3A_17, %dma_start3A_89] : memref<10240x128xf32, #tpu.memory_space<vmem_shared>> -> memref<80x128xf32, #tpu.memory_space<vmem_shared>>
      tpu.enqueue_dma source(%arg9 : memref<80x128xf32, #tpu.memory_space<vmem>>) target(%dma_start3A_90 : memref<80x128xf32, #tpu.memory_space<vmem_shared>>) target_semaphore(%run_scoped3A : memref<!tpu.dma_semaphore, #tpu.memory_space<semaphore_mem>>)
      %dma_wait3A = arith.constant 0 : i32
      %dma_wait3A_91 = tpu.memref_slice %arg10[%multiple_of3A_17, %dma_wait3A] : memref<10240x128xf32, #tpu.memory_space<vmem_shared>> -> memref<80x128xf32, #tpu.memory_space<vmem_shared>>
      %dma_wait3A_92 = arith.constant 0 : i32
      %dma_wait3A_93 = tpu.memref_slice %arg10[%multiple_of3A_17, %dma_wait3A_92] : memref<10240x128xf32, #tpu.memory_space<vmem_shared>> -> memref<80x128xf32, #tpu.memory_space<vmem_shared>>
      tpu.wait_dma2 semaphore(%run_scoped3A : memref<!tpu.dma_semaphore, #tpu.memory_space<semaphore_mem>>) src(%arg9 : memref<80x128xf32, #tpu.memory_space<vmem>>) dst(%dma_wait3A_93 : memref<80x128xf32, #tpu.memory_space<vmem_shared>>)
      tpu.yield
    }) : () -> ()
    %add3A_18 = arith.constant 400 : i32
    %add3A_19 = arith.addi %multiple_of3A, %add3A_18 : i32
    %multiple_of3A_20 = tpu.assume_multiple %add3A_19, 8 : i32
    "tpu.region"() ({
      %run_scoped3A = tpu.sem_alloc : memref<!tpu.dma_semaphore, #tpu.memory_space<semaphore_mem>>
      %dma_start3A = arith.constant 0 : i32
      %dma_start3A_88 = tpu.memref_slice %arg10[%multiple_of3A_20, %dma_start3A] : memref<10240x128xf32, #tpu.memory_space<vmem_shared>> -> memref<80x128xf32, #tpu.memory_space<vmem_shared>>
      %dma_start3A_89 = arith.constant 0 : i32
      %dma_start3A_90 = tpu.memref_slice %arg10[%multiple_of3A_20, %dma_start3A_89] : memref<10240x128xf32, #tpu.memory_space<vmem_shared>> -> memref<80x128xf32, #tpu.memory_space<vmem_shared>>
      tpu.enqueue_dma source(%arg9 : memref<80x128xf32, #tpu.memory_space<vmem>>) target(%dma_start3A_90 : memref<80x128xf32, #tpu.memory_space<vmem_shared>>) target_semaphore(%run_scoped3A : memref<!tpu.dma_semaphore, #tpu.memory_space<semaphore_mem>>)
      %dma_wait3A = arith.constant 0 : i32
      %dma_wait3A_91 = tpu.memref_slice %arg10[%multiple_of3A_20, %dma_wait3A] : memref<10240x128xf32, #tpu.memory_space<vmem_shared>> -> memref<80x128xf32, #tpu.memory_space<vmem_shared>>
      %dma_wait3A_92 = arith.constant 0 : i32
      %dma_wait3A_93 = tpu.memref_slice %arg10[%multiple_of3A_20, %dma_wait3A_92] : memref<10240x128xf32, #tpu.memory_space<vmem_shared>> -> memref<80x128xf32, #tpu.memory_space<vmem_shared>>
      tpu.wait_dma2 semaphore(%run_scoped3A : memref<!tpu.dma_semaphore, #tpu.memory_space<semaphore_mem>>) src(%arg9 : memref<80x128xf32, #tpu.memory_space<vmem>>) dst(%dma_wait3A_93 : memref<80x128xf32, #tpu.memory_space<vmem_shared>>)
      tpu.yield
    }) : () -> ()
    %add3A_21 = arith.constant 480 : i32
    %add3A_22 = arith.addi %multiple_of3A, %add3A_21 : i32
    %multiple_of3A_23 = tpu.assume_multiple %add3A_22, 8 : i32
    "tpu.region"() ({
      %run_scoped3A = tpu.sem_alloc : memref<!tpu.dma_semaphore, #tpu.memory_space<semaphore_mem>>
      %dma_start3A = arith.constant 0 : i32
      %dma_start3A_88 = tpu.memref_slice %arg10[%multiple_of3A_23, %dma_start3A] : memref<10240x128xf32, #tpu.memory_space<vmem_shared>> -> memref<80x128xf32, #tpu.memory_space<vmem_shared>>
      %dma_start3A_89 = arith.constant 0 : i32
      %dma_start3A_90 = tpu.memref_slice %arg10[%multiple_of3A_23, %dma_start3A_89] : memref<10240x128xf32, #tpu.memory_space<vmem_shared>> -> memref<80x128xf32, #tpu.memory_space<vmem_shared>>
      tpu.enqueue_dma source(%arg9 : memref<80x128xf32, #tpu.memory_space<vmem>>) target(%dma_start3A_90 : memref<80x128xf32, #tpu.memory_space<vmem_shared>>) target_semaphore(%run_scoped3A : memref<!tpu.dma_semaphore, #tpu.memory_space<semaphore_mem>>)
      %dma_wait3A = arith.constant 0 : i32
      %dma_wait3A_91 = tpu.memref_slice %arg10[%multiple_of3A_23, %dma_wait3A] : memref<10240x128xf32, #tpu.memory_space<vmem_shared>> -> memref<80x128xf32, #tpu.memory_space<vmem_shared>>
      %dma_wait3A_92 = arith.constant 0 : i32
      %dma_wait3A_93 = tpu.memref_slice %arg10[%multiple_of3A_23, %dma_wait3A_92] : memref<10240x128xf32, #tpu.memory_space<vmem_shared>> -> memref<80x128xf32, #tpu.memory_space<vmem_shared>>
      tpu.wait_dma2 semaphore(%run_scoped3A : memref<!tpu.dma_semaphore, #tpu.memory_space<semaphore_mem>>) src(%arg9 : memref<80x128xf32, #tpu.memory_space<vmem>>) dst(%dma_wait3A_93 : memref<80x128xf32, #tpu.memory_space<vmem_shared>>)
      tpu.yield
    }) : () -> ()
    %add3A_24 = arith.constant 560 : i32
    %add3A_25 = arith.addi %multiple_of3A, %add3A_24 : i32
    %multiple_of3A_26 = tpu.assume_multiple %add3A_25, 8 : i32
    "tpu.region"() ({
      %run_scoped3A = tpu.sem_alloc : memref<!tpu.dma_semaphore, #tpu.memory_space<semaphore_mem>>
      %dma_start3A = arith.constant 0 : i32
      %dma_start3A_88 = tpu.memref_slice %arg10[%multiple_of3A_26, %dma_start3A] : memref<10240x128xf32, #tpu.memory_space<vmem_shared>> -> memref<80x128xf32, #tpu.memory_space<vmem_shared>>
      %dma_start3A_89 = arith.constant 0 : i32
      %dma_start3A_90 = tpu.memref_slice %arg10[%multiple_of3A_26, %dma_start3A_89] : memref<10240x128xf32, #tpu.memory_space<vmem_shared>> -> memref<80x128xf32, #tpu.memory_space<vmem_shared>>
      tpu.enqueue_dma source(%arg9 : memref<80x128xf32, #tpu.memory_space<vmem>>) target(%dma_start3A_90 : memref<80x128xf32, #tpu.memory_space<vmem_shared>>) target_semaphore(%run_scoped3A : memref<!tpu.dma_semaphore, #tpu.memory_space<semaphore_mem>>)
      %dma_wait3A = arith.constant 0 : i32
      %dma_wait3A_91 = tpu.memref_slice %arg10[%multiple_of3A_26, %dma_wait3A] : memref<10240x128xf32, #tpu.memory_space<vmem_shared>> -> memref<80x128xf32, #tpu.memory_space<vmem_shared>>
      %dma_wait3A_92 = arith.constant 0 : i32
      %dma_wait3A_93 = tpu.memref_slice %arg10[%multiple_of3A_26, %dma_wait3A_92] : memref<10240x128xf32, #tpu.memory_space<vmem_shared>> -> memref<80x128xf32, #tpu.memory_space<vmem_shared>>
      tpu.wait_dma2 semaphore(%run_scoped3A : memref<!tpu.dma_semaphore, #tpu.memory_space<semaphore_mem>>) src(%arg9 : memref<80x128xf32, #tpu.memory_space<vmem>>) dst(%dma_wait3A_93 : memref<80x128xf32, #tpu.memory_space<vmem_shared>>)
      tpu.yield
    }) : () -> ()
    %barrier3A = arith.constant 0 : index
    tpu.barrier barrier_id(%barrier3A)
    %scan3A = arith.constant 0 : i32
    %scan3A_27 = arith.constant 0 : i32
    %scan3A_28 = arith.constant 125 : i32
    %scan3A_29 = arith.addi %scan3A_27, %scan3A_28 : i32
    %scan3A_30 = arith.constant 1 : i32
    %scan3A_31 = scf.for %scan3A_88 = %scan3A_27 to %scan3A_29 step %scan3A_30 iter_args(%scan3A_89 = %scan3A) -> (i32)  : i32 {
      %mul3A_90 = arith.constant 10000 : i32
      %mul3A_91 = arith.muli %add3A, %mul3A_90 : i32
      %mul3A_92 = arith.constant 80 : i32
      %mul3A_93 = arith.muli %scan3A_88, %mul3A_92 : i32
      %add3A_94 = arith.addi %mul3A_91, %mul3A_93 : i32
      %multiple_of3A_95 = tpu.assume_multiple %add3A_94, 8 : i32
      "tpu.region"() ({
        %run_scoped3A = tpu.sem_alloc : memref<!tpu.dma_semaphore, #tpu.memory_space<semaphore_mem>>
        %dma_start3A_101 = tpu.memref_slice %arg3[%multiple_of3A_95] : memref<320000xi32, #tpu.memory_space<hbm>> -> memref<80xi32, #tpu.memory_space<hbm>>
        %dma_start3A_102 = tpu.memref_slice %arg3[%multiple_of3A_95] : memref<320000xi32, #tpu.memory_space<hbm>> -> memref<80xi32, #tpu.memory_space<hbm>>
        tpu.enqueue_dma source(%dma_start3A_102 : memref<80xi32, #tpu.memory_space<hbm>>) target(%arg8 : memref<80xi32, #tpu.memory_space<vmem>>) target_semaphore(%run_scoped3A : memref<!tpu.dma_semaphore, #tpu.memory_space<semaphore_mem>>)
        %dma_wait3A_103 = tpu.memref_slice %arg3[%multiple_of3A_95] : memref<320000xi32, #tpu.memory_space<hbm>> -> memref<80xi32, #tpu.memory_space<hbm>>
        %dma_wait3A_104 = tpu.memref_slice %arg3[%multiple_of3A_95] : memref<320000xi32, #tpu.memory_space<hbm>> -> memref<80xi32, #tpu.memory_space<hbm>>
        tpu.wait_dma2 semaphore(%run_scoped3A : memref<!tpu.dma_semaphore, #tpu.memory_space<semaphore_mem>>) src(%dma_wait3A_104 : memref<80xi32, #tpu.memory_space<hbm>>) dst(%arg8 : memref<80xi32, #tpu.memory_space<vmem>>)
        tpu.yield
      }) : () -> ()
      "tpu.region"() ({
        %run_scoped3A = tpu.sem_alloc : memref<!tpu.dma_semaphore, #tpu.memory_space<semaphore_mem>>
        %dma_start3A_101 = tpu.memref_slice %arg2[%multiple_of3A_95] : memref<320000xi32, #tpu.memory_space<hbm>> -> memref<80xi32, #tpu.memory_space<hbm>>
        %dma_start3A_102 = tpu.memref_slice %arg2[%multiple_of3A_95] : memref<320000xi32, #tpu.memory_space<hbm>> -> memref<80xi32, #tpu.memory_space<hbm>>
        tpu.enqueue_dma source(%dma_start3A_102 : memref<80xi32, #tpu.memory_space<hbm>>) target(%arg7 : memref<80xi32, #tpu.memory_space<vmem>>) target_semaphore(%run_scoped3A : memref<!tpu.dma_semaphore, #tpu.memory_space<semaphore_mem>>)
        %dma_wait3A_103 = tpu.memref_slice %arg2[%multiple_of3A_95] : memref<320000xi32, #tpu.memory_space<hbm>> -> memref<80xi32, #tpu.memory_space<hbm>>
        %dma_wait3A_104 = tpu.memref_slice %arg2[%multiple_of3A_95] : memref<320000xi32, #tpu.memory_space<hbm>> -> memref<80xi32, #tpu.memory_space<hbm>>
        tpu.wait_dma2 semaphore(%run_scoped3A : memref<!tpu.dma_semaphore, #tpu.memory_space<semaphore_mem>>) src(%dma_wait3A_104 : memref<80xi32, #tpu.memory_space<hbm>>) dst(%arg7 : memref<80xi32, #tpu.memory_space<vmem>>)
        tpu.yield
      }) : () -> ()
      %dma_start3A = arith.constant 0 : i32
      %dma_start3A_96 = arith.constant 0 : i32
      %dma_start3A_97 = tpu.memref_slice %arg4[%dma_start3A, %dma_start3A_96] : memref<10240x128xf32, #tpu.memory_space<hbm>> -> memref<10240x128xf32, #tpu.memory_space<hbm>>
      tpu.enqueue_indirect_dma source(%dma_start3A_97 : memref<10240x128xf32, #tpu.memory_space<hbm>>) target(%arg9 : memref<80x128xf32, #tpu.memory_space<vmem>>) offsets(%arg7 : memref<80xi32, #tpu.memory_space<vmem>>) semaphore(%arg11 : memref<!tpu.dma_semaphore, #tpu.memory_space<semaphore_mem>>)
      %dma_wait3A = arith.constant 0 : i32
      %dma_wait3A_98 = arith.constant 0 : i32
      %dma_wait3A_99 = tpu.memref_slice %arg4[%dma_wait3A, %dma_wait3A_98] : memref<10240x128xf32, #tpu.memory_space<hbm>> -> memref<10240x128xf32, #tpu.memory_space<hbm>>
      tpu.wait_indirect_dma semaphore(%arg11 : memref<!tpu.dma_semaphore, #tpu.memory_space<semaphore_mem>>) src(%dma_wait3A_99 : memref<10240x128xf32, #tpu.memory_space<hbm>>) dst(%arg9 : memref<80x128xf32, #tpu.memory_space<vmem>>)
      "tpu.region"() ({
        %run_scoped3A = tpu.sem_alloc : memref<!tpu.dma_semaphore, #tpu.memory_space<semaphore_mem>>
        %dma_start3A_101 = arith.constant 0 : i32
        %dma_start3A_102 = arith.constant 0 : i32
        %dma_start3A_103 = tpu.memref_slice %arg10[%dma_start3A_101, %dma_start3A_102] : memref<10240x128xf32, #tpu.memory_space<vmem_shared>> -> memref<10240x128xf32, #tpu.memory_space<vmem_shared>>
        tpu.enqueue_indirect_dma source(%arg9 : memref<80x128xf32, #tpu.memory_space<vmem>>) target(%dma_start3A_103 : memref<10240x128xf32, #tpu.memory_space<vmem_shared>>) offsets(%arg8 : memref<80xi32, #tpu.memory_space<vmem>>) semaphore(%run_scoped3A : memref<!tpu.dma_semaphore, #tpu.memory_space<semaphore_mem>>) {add = true}
        %dma_wait3A_104 = arith.constant 0 : i32
        %dma_wait3A_105 = arith.constant 0 : i32
        %dma_wait3A_106 = tpu.memref_slice %arg10[%dma_wait3A_104, %dma_wait3A_105] : memref<10240x128xf32, #tpu.memory_space<vmem_shared>> -> memref<10240x128xf32, #tpu.memory_space<vmem_shared>>
        tpu.wait_indirect_dma semaphore(%run_scoped3A : memref<!tpu.dma_semaphore, #tpu.memory_space<semaphore_mem>>) src(%arg9 : memref<80x128xf32, #tpu.memory_space<vmem>>) dst(%dma_wait3A_106 : memref<10240x128xf32, #tpu.memory_space<vmem_shared>>)
        tpu.yield
      }) : () -> ()
      %scan3A_100 = arith.constant 0 : i32
      scf.yield %scan3A_100 : i32
    }
    %scan3A_32 = arith.constant 125 : i32
    %barrier3A_33 = arith.constant 0 : index
    tpu.barrier barrier_id(%barrier3A_33)
    %mul3A_34 = arith.constant 10240 : i32
    %mul3A_35 = arith.muli %arg0, %mul3A_34 : i32
    %mul3A_36 = arith.constant 640 : i32
    %mul3A_37 = arith.muli %arg1, %mul3A_36 : i32
    %add3A_38 = arith.addi %mul3A_35, %mul3A_37 : i32
    %multiple_of3A_39 = tpu.assume_multiple %add3A_38, 8 : i32
    %add3A_40 = arith.constant 0 : i32
    %add3A_41 = arith.addi %multiple_of3A, %add3A_40 : i32
    %multiple_of3A_42 = tpu.assume_multiple %add3A_41, 8 : i32
    %add3A_43 = arith.constant 0 : i32
    %add3A_44 = arith.addi %multiple_of3A_39, %add3A_43 : i32
    %multiple_of3A_45 = tpu.assume_multiple %add3A_44, 8 : i32
    "tpu.region"() ({
      %run_scoped3A = tpu.sem_alloc : memref<!tpu.dma_semaphore, #tpu.memory_space<semaphore_mem>>
      %dma_start3A = arith.constant 0 : i32
      %dma_start3A_88 = tpu.memref_slice %arg10[%multiple_of3A_42, %dma_start3A] : memref<10240x128xf32, #tpu.memory_space<vmem_shared>> -> memref<80x128xf32, #tpu.memory_space<vmem_shared>>
      %dma_start3A_89 = arith.constant 0 : i32
      %dma_start3A_90 = tpu.memref_slice %arg10[%multiple_of3A_42, %dma_start3A_89] : memref<10240x128xf32, #tpu.memory_space<vmem_shared>> -> memref<80x128xf32, #tpu.memory_space<vmem_shared>>
      tpu.enqueue_dma source(%dma_start3A_90 : memref<80x128xf32, #tpu.memory_space<vmem_shared>>) target(%arg9 : memref<80x128xf32, #tpu.memory_space<vmem>>) target_semaphore(%run_scoped3A : memref<!tpu.dma_semaphore, #tpu.memory_space<semaphore_mem>>)
      %dma_wait3A = arith.constant 0 : i32
      %dma_wait3A_91 = tpu.memref_slice %arg10[%multiple_of3A_42, %dma_wait3A] : memref<10240x128xf32, #tpu.memory_space<vmem_shared>> -> memref<80x128xf32, #tpu.memory_space<vmem_shared>>
      %dma_wait3A_92 = arith.constant 0 : i32
      %dma_wait3A_93 = tpu.memref_slice %arg10[%multiple_of3A_42, %dma_wait3A_92] : memref<10240x128xf32, #tpu.memory_space<vmem_shared>> -> memref<80x128xf32, #tpu.memory_space<vmem_shared>>
      tpu.wait_dma2 semaphore(%run_scoped3A : memref<!tpu.dma_semaphore, #tpu.memory_space<semaphore_mem>>) src(%dma_wait3A_93 : memref<80x128xf32, #tpu.memory_space<vmem_shared>>) dst(%arg9 : memref<80x128xf32, #tpu.memory_space<vmem>>)
      tpu.yield
    }) : () -> ()
    "tpu.region"() ({
      %run_scoped3A = tpu.sem_alloc : memref<!tpu.dma_semaphore, #tpu.memory_space<semaphore_mem>>
      %dma_start3A = arith.constant 0 : i32
      %dma_start3A_88 = tpu.memref_slice %arg6[%multiple_of3A_45, %dma_start3A] : memref<20480x128xf32, #tpu.memory_space<hbm>> -> memref<80x128xf32, #tpu.memory_space<hbm>>
      %dma_start3A_89 = arith.constant 0 : i32
      %dma_start3A_90 = tpu.memref_slice %arg6[%multiple_of3A_45, %dma_start3A_89] : memref<20480x128xf32, #tpu.memory_space<hbm>> -> memref<80x128xf32, #tpu.memory_space<hbm>>
      tpu.enqueue_dma source(%arg9 : memref<80x128xf32, #tpu.memory_space<vmem>>) target(%dma_start3A_90 : memref<80x128xf32, #tpu.memory_space<hbm>>) target_semaphore(%run_scoped3A : memref<!tpu.dma_semaphore, #tpu.memory_space<semaphore_mem>>)
      %dma_wait3A = arith.constant 0 : i32
      %dma_wait3A_91 = tpu.memref_slice %arg6[%multiple_of3A_45, %dma_wait3A] : memref<20480x128xf32, #tpu.memory_space<hbm>> -> memref<80x128xf32, #tpu.memory_space<hbm>>
      %dma_wait3A_92 = arith.constant 0 : i32
      %dma_wait3A_93 = tpu.memref_slice %arg6[%multiple_of3A_45, %dma_wait3A_92] : memref<20480x128xf32, #tpu.memory_space<hbm>> -> memref<80x128xf32, #tpu.memory_space<hbm>>
      tpu.wait_dma2 semaphore(%run_scoped3A : memref<!tpu.dma_semaphore, #tpu.memory_space<semaphore_mem>>) src(%arg9 : memref<80x128xf32, #tpu.memory_space<vmem>>) dst(%dma_wait3A_93 : memref<80x128xf32, #tpu.memory_space<hbm>>)
      tpu.yield
    }) : () -> ()
    %add3A_46 = arith.constant 80 : i32
    %add3A_47 = arith.addi %multiple_of3A, %add3A_46 : i32
    %multiple_of3A_48 = tpu.assume_multiple %add3A_47, 8 : i32
    %add3A_49 = arith.constant 80 : i32
    %add3A_50 = arith.addi %multiple_of3A_39, %add3A_49 : i32
    %multiple_of3A_51 = tpu.assume_multiple %add3A_50, 8 : i32
    "tpu.region"() ({
      %run_scoped3A = tpu.sem_alloc : memref<!tpu.dma_semaphore, #tpu.memory_space<semaphore_mem>>
      %dma_start3A = arith.constant 0 : i32
      %dma_start3A_88 = tpu.memref_slice %arg10[%multiple_of3A_48, %dma_start3A] : memref<10240x128xf32, #tpu.memory_space<vmem_shared>> -> memref<80x128xf32, #tpu.memory_space<vmem_shared>>
      %dma_start3A_89 = arith.constant 0 : i32
      %dma_start3A_90 = tpu.memref_slice %arg10[%multiple_of3A_48, %dma_start3A_89] : memref<10240x128xf32, #tpu.memory_space<vmem_shared>> -> memref<80x128xf32, #tpu.memory_space<vmem_shared>>
      tpu.enqueue_dma source(%dma_start3A_90 : memref<80x128xf32, #tpu.memory_space<vmem_shared>>) target(%arg9 : memref<80x128xf32, #tpu.memory_space<vmem>>) target_semaphore(%run_scoped3A : memref<!tpu.dma_semaphore, #tpu.memory_space<semaphore_mem>>)
      %dma_wait3A = arith.constant 0 : i32
      %dma_wait3A_91 = tpu.memref_slice %arg10[%multiple_of3A_48, %dma_wait3A] : memref<10240x128xf32, #tpu.memory_space<vmem_shared>> -> memref<80x128xf32, #tpu.memory_space<vmem_shared>>
      %dma_wait3A_92 = arith.constant 0 : i32
      %dma_wait3A_93 = tpu.memref_slice %arg10[%multiple_of3A_48, %dma_wait3A_92] : memref<10240x128xf32, #tpu.memory_space<vmem_shared>> -> memref<80x128xf32, #tpu.memory_space<vmem_shared>>
      tpu.wait_dma2 semaphore(%run_scoped3A : memref<!tpu.dma_semaphore, #tpu.memory_space<semaphore_mem>>) src(%dma_wait3A_93 : memref<80x128xf32, #tpu.memory_space<vmem_shared>>) dst(%arg9 : memref<80x128xf32, #tpu.memory_space<vmem>>)
      tpu.yield
    }) : () -> ()
    "tpu.region"() ({
      %run_scoped3A = tpu.sem_alloc : memref<!tpu.dma_semaphore, #tpu.memory_space<semaphore_mem>>
      %dma_start3A = arith.constant 0 : i32
      %dma_start3A_88 = tpu.memref_slice %arg6[%multiple_of3A_51, %dma_start3A] : memref<20480x128xf32, #tpu.memory_space<hbm>> -> memref<80x128xf32, #tpu.memory_space<hbm>>
      %dma_start3A_89 = arith.constant 0 : i32
      %dma_start3A_90 = tpu.memref_slice %arg6[%multiple_of3A_51, %dma_start3A_89] : memref<20480x128xf32, #tpu.memory_space<hbm>> -> memref<80x128xf32, #tpu.memory_space<hbm>>
      tpu.enqueue_dma source(%arg9 : memref<80x128xf32, #tpu.memory_space<vmem>>) target(%dma_start3A_90 : memref<80x128xf32, #tpu.memory_space<hbm>>) target_semaphore(%run_scoped3A : memref<!tpu.dma_semaphore, #tpu.memory_space<semaphore_mem>>)
      %dma_wait3A = arith.constant 0 : i32
      %dma_wait3A_91 = tpu.memref_slice %arg6[%multiple_of3A_51, %dma_wait3A] : memref<20480x128xf32, #tpu.memory_space<hbm>> -> memref<80x128xf32, #tpu.memory_space<hbm>>
      %dma_wait3A_92 = arith.constant 0 : i32
      %dma_wait3A_93 = tpu.memref_slice %arg6[%multiple_of3A_51, %dma_wait3A_92] : memref<20480x128xf32, #tpu.memory_space<hbm>> -> memref<80x128xf32, #tpu.memory_space<hbm>>
      tpu.wait_dma2 semaphore(%run_scoped3A : memref<!tpu.dma_semaphore, #tpu.memory_space<semaphore_mem>>) src(%arg9 : memref<80x128xf32, #tpu.memory_space<vmem>>) dst(%dma_wait3A_93 : memref<80x128xf32, #tpu.memory_space<hbm>>)
      tpu.yield
    }) : () -> ()
    %add3A_52 = arith.constant 160 : i32
    %add3A_53 = arith.addi %multiple_of3A, %add3A_52 : i32
    %multiple_of3A_54 = tpu.assume_multiple %add3A_53, 8 : i32
    %add3A_55 = arith.constant 160 : i32
    %add3A_56 = arith.addi %multiple_of3A_39, %add3A_55 : i32
    %multiple_of3A_57 = tpu.assume_multiple %add3A_56, 8 : i32
    "tpu.region"() ({
      %run_scoped3A = tpu.sem_alloc : memref<!tpu.dma_semaphore, #tpu.memory_space<semaphore_mem>>
      %dma_start3A = arith.constant 0 : i32
      %dma_start3A_88 = tpu.memref_slice %arg10[%multiple_of3A_54, %dma_start3A] : memref<10240x128xf32, #tpu.memory_space<vmem_shared>> -> memref<80x128xf32, #tpu.memory_space<vmem_shared>>
      %dma_start3A_89 = arith.constant 0 : i32
      %dma_start3A_90 = tpu.memref_slice %arg10[%multiple_of3A_54, %dma_start3A_89] : memref<10240x128xf32, #tpu.memory_space<vmem_shared>> -> memref<80x128xf32, #tpu.memory_space<vmem_shared>>
      tpu.enqueue_dma source(%dma_start3A_90 : memref<80x128xf32, #tpu.memory_space<vmem_shared>>) target(%arg9 : memref<80x128xf32, #tpu.memory_space<vmem>>) target_semaphore(%run_scoped3A : memref<!tpu.dma_semaphore, #tpu.memory_space<semaphore_mem>>)
      %dma_wait3A = arith.constant 0 : i32
      %dma_wait3A_91 = tpu.memref_slice %arg10[%multiple_of3A_54, %dma_wait3A] : memref<10240x128xf32, #tpu.memory_space<vmem_shared>> -> memref<80x128xf32, #tpu.memory_space<vmem_shared>>
      %dma_wait3A_92 = arith.constant 0 : i32
      %dma_wait3A_93 = tpu.memref_slice %arg10[%multiple_of3A_54, %dma_wait3A_92] : memref<10240x128xf32, #tpu.memory_space<vmem_shared>> -> memref<80x128xf32, #tpu.memory_space<vmem_shared>>
      tpu.wait_dma2 semaphore(%run_scoped3A : memref<!tpu.dma_semaphore, #tpu.memory_space<semaphore_mem>>) src(%dma_wait3A_93 : memref<80x128xf32, #tpu.memory_space<vmem_shared>>) dst(%arg9 : memref<80x128xf32, #tpu.memory_space<vmem>>)
      tpu.yield
    }) : () -> ()
    "tpu.region"() ({
      %run_scoped3A = tpu.sem_alloc : memref<!tpu.dma_semaphore, #tpu.memory_space<semaphore_mem>>
      %dma_start3A = arith.constant 0 : i32
      %dma_start3A_88 = tpu.memref_slice %arg6[%multiple_of3A_57, %dma_start3A] : memref<20480x128xf32, #tpu.memory_space<hbm>> -> memref<80x128xf32, #tpu.memory_space<hbm>>
      %dma_start3A_89 = arith.constant 0 : i32
      %dma_start3A_90 = tpu.memref_slice %arg6[%multiple_of3A_57, %dma_start3A_89] : memref<20480x128xf32, #tpu.memory_space<hbm>> -> memref<80x128xf32, #tpu.memory_space<hbm>>
      tpu.enqueue_dma source(%arg9 : memref<80x128xf32, #tpu.memory_space<vmem>>) target(%dma_start3A_90 : memref<80x128xf32, #tpu.memory_space<hbm>>) target_semaphore(%run_scoped3A : memref<!tpu.dma_semaphore, #tpu.memory_space<semaphore_mem>>)
      %dma_wait3A = arith.constant 0 : i32
      %dma_wait3A_91 = tpu.memref_slice %arg6[%multiple_of3A_57, %dma_wait3A] : memref<20480x128xf32, #tpu.memory_space<hbm>> -> memref<80x128xf32, #tpu.memory_space<hbm>>
      %dma_wait3A_92 = arith.constant 0 : i32
      %dma_wait3A_93 = tpu.memref_slice %arg6[%multiple_of3A_57, %dma_wait3A_92] : memref<20480x128xf32, #tpu.memory_space<hbm>> -> memref<80x128xf32, #tpu.memory_space<hbm>>
      tpu.wait_dma2 semaphore(%run_scoped3A : memref<!tpu.dma_semaphore, #tpu.memory_space<semaphore_mem>>) src(%arg9 : memref<80x128xf32, #tpu.memory_space<vmem>>) dst(%dma_wait3A_93 : memref<80x128xf32, #tpu.memory_space<hbm>>)
      tpu.yield
    }) : () -> ()
    %add3A_58 = arith.constant 240 : i32
    %add3A_59 = arith.addi %multiple_of3A, %add3A_58 : i32
    %multiple_of3A_60 = tpu.assume_multiple %add3A_59, 8 : i32
    %add3A_61 = arith.constant 240 : i32
    %add3A_62 = arith.addi %multiple_of3A_39, %add3A_61 : i32
    %multiple_of3A_63 = tpu.assume_multiple %add3A_62, 8 : i32
    "tpu.region"() ({
      %run_scoped3A = tpu.sem_alloc : memref<!tpu.dma_semaphore, #tpu.memory_space<semaphore_mem>>
      %dma_start3A = arith.constant 0 : i32
      %dma_start3A_88 = tpu.memref_slice %arg10[%multiple_of3A_60, %dma_start3A] : memref<10240x128xf32, #tpu.memory_space<vmem_shared>> -> memref<80x128xf32, #tpu.memory_space<vmem_shared>>
      %dma_start3A_89 = arith.constant 0 : i32
      %dma_start3A_90 = tpu.memref_slice %arg10[%multiple_of3A_60, %dma_start3A_89] : memref<10240x128xf32, #tpu.memory_space<vmem_shared>> -> memref<80x128xf32, #tpu.memory_space<vmem_shared>>
      tpu.enqueue_dma source(%dma_start3A_90 : memref<80x128xf32, #tpu.memory_space<vmem_shared>>) target(%arg9 : memref<80x128xf32, #tpu.memory_space<vmem>>) target_semaphore(%run_scoped3A : memref<!tpu.dma_semaphore, #tpu.memory_space<semaphore_mem>>)
      %dma_wait3A = arith.constant 0 : i32
      %dma_wait3A_91 = tpu.memref_slice %arg10[%multiple_of3A_60, %dma_wait3A] : memref<10240x128xf32, #tpu.memory_space<vmem_shared>> -> memref<80x128xf32, #tpu.memory_space<vmem_shared>>
      %dma_wait3A_92 = arith.constant 0 : i32
      %dma_wait3A_93 = tpu.memref_slice %arg10[%multiple_of3A_60, %dma_wait3A_92] : memref<10240x128xf32, #tpu.memory_space<vmem_shared>> -> memref<80x128xf32, #tpu.memory_space<vmem_shared>>
      tpu.wait_dma2 semaphore(%run_scoped3A : memref<!tpu.dma_semaphore, #tpu.memory_space<semaphore_mem>>) src(%dma_wait3A_93 : memref<80x128xf32, #tpu.memory_space<vmem_shared>>) dst(%arg9 : memref<80x128xf32, #tpu.memory_space<vmem>>)
      tpu.yield
    }) : () -> ()
    "tpu.region"() ({
      %run_scoped3A = tpu.sem_alloc : memref<!tpu.dma_semaphore, #tpu.memory_space<semaphore_mem>>
      %dma_start3A = arith.constant 0 : i32
      %dma_start3A_88 = tpu.memref_slice %arg6[%multiple_of3A_63, %dma_start3A] : memref<20480x128xf32, #tpu.memory_space<hbm>> -> memref<80x128xf32, #tpu.memory_space<hbm>>
      %dma_start3A_89 = arith.constant 0 : i32
      %dma_start3A_90 = tpu.memref_slice %arg6[%multiple_of3A_63, %dma_start3A_89] : memref<20480x128xf32, #tpu.memory_space<hbm>> -> memref<80x128xf32, #tpu.memory_space<hbm>>
      tpu.enqueue_dma source(%arg9 : memref<80x128xf32, #tpu.memory_space<vmem>>) target(%dma_start3A_90 : memref<80x128xf32, #tpu.memory_space<hbm>>) target_semaphore(%run_scoped3A : memref<!tpu.dma_semaphore, #tpu.memory_space<semaphore_mem>>)
      %dma_wait3A = arith.constant 0 : i32
      %dma_wait3A_91 = tpu.memref_slice %arg6[%multiple_of3A_63, %dma_wait3A] : memref<20480x128xf32, #tpu.memory_space<hbm>> -> memref<80x128xf32, #tpu.memory_space<hbm>>
      %dma_wait3A_92 = arith.constant 0 : i32
      %dma_wait3A_93 = tpu.memref_slice %arg6[%multiple_of3A_63, %dma_wait3A_92] : memref<20480x128xf32, #tpu.memory_space<hbm>> -> memref<80x128xf32, #tpu.memory_space<hbm>>
      tpu.wait_dma2 semaphore(%run_scoped3A : memref<!tpu.dma_semaphore, #tpu.memory_space<semaphore_mem>>) src(%arg9 : memref<80x128xf32, #tpu.memory_space<vmem>>) dst(%dma_wait3A_93 : memref<80x128xf32, #tpu.memory_space<hbm>>)
      tpu.yield
    }) : () -> ()
    %add3A_64 = arith.constant 320 : i32
    %add3A_65 = arith.addi %multiple_of3A, %add3A_64 : i32
    %multiple_of3A_66 = tpu.assume_multiple %add3A_65, 8 : i32
    %add3A_67 = arith.constant 320 : i32
    %add3A_68 = arith.addi %multiple_of3A_39, %add3A_67 : i32
    %multiple_of3A_69 = tpu.assume_multiple %add3A_68, 8 : i32
    "tpu.region"() ({
      %run_scoped3A = tpu.sem_alloc : memref<!tpu.dma_semaphore, #tpu.memory_space<semaphore_mem>>
      %dma_start3A = arith.constant 0 : i32
      %dma_start3A_88 = tpu.memref_slice %arg10[%multiple_of3A_66, %dma_start3A] : memref<10240x128xf32, #tpu.memory_space<vmem_shared>> -> memref<80x128xf32, #tpu.memory_space<vmem_shared>>
      %dma_start3A_89 = arith.constant 0 : i32
      %dma_start3A_90 = tpu.memref_slice %arg10[%multiple_of3A_66, %dma_start3A_89] : memref<10240x128xf32, #tpu.memory_space<vmem_shared>> -> memref<80x128xf32, #tpu.memory_space<vmem_shared>>
      tpu.enqueue_dma source(%dma_start3A_90 : memref<80x128xf32, #tpu.memory_space<vmem_shared>>) target(%arg9 : memref<80x128xf32, #tpu.memory_space<vmem>>) target_semaphore(%run_scoped3A : memref<!tpu.dma_semaphore, #tpu.memory_space<semaphore_mem>>)
      %dma_wait3A = arith.constant 0 : i32
      %dma_wait3A_91 = tpu.memref_slice %arg10[%multiple_of3A_66, %dma_wait3A] : memref<10240x128xf32, #tpu.memory_space<vmem_shared>> -> memref<80x128xf32, #tpu.memory_space<vmem_shared>>
      %dma_wait3A_92 = arith.constant 0 : i32
      %dma_wait3A_93 = tpu.memref_slice %arg10[%multiple_of3A_66, %dma_wait3A_92] : memref<10240x128xf32, #tpu.memory_space<vmem_shared>> -> memref<80x128xf32, #tpu.memory_space<vmem_shared>>
      tpu.wait_dma2 semaphore(%run_scoped3A : memref<!tpu.dma_semaphore, #tpu.memory_space<semaphore_mem>>) src(%dma_wait3A_93 : memref<80x128xf32, #tpu.memory_space<vmem_shared>>) dst(%arg9 : memref<80x128xf32, #tpu.memory_space<vmem>>)
      tpu.yield
    }) : () -> ()
    "tpu.region"() ({
      %run_scoped3A = tpu.sem_alloc : memref<!tpu.dma_semaphore, #tpu.memory_space<semaphore_mem>>
      %dma_start3A = arith.constant 0 : i32
      %dma_start3A_88 = tpu.memref_slice %arg6[%multiple_of3A_69, %dma_start3A] : memref<20480x128xf32, #tpu.memory_space<hbm>> -> memref<80x128xf32, #tpu.memory_space<hbm>>
      %dma_start3A_89 = arith.constant 0 : i32
      %dma_start3A_90 = tpu.memref_slice %arg6[%multiple_of3A_69, %dma_start3A_89] : memref<20480x128xf32, #tpu.memory_space<hbm>> -> memref<80x128xf32, #tpu.memory_space<hbm>>
      tpu.enqueue_dma source(%arg9 : memref<80x128xf32, #tpu.memory_space<vmem>>) target(%dma_start3A_90 : memref<80x128xf32, #tpu.memory_space<hbm>>) target_semaphore(%run_scoped3A : memref<!tpu.dma_semaphore, #tpu.memory_space<semaphore_mem>>)
      %dma_wait3A = arith.constant 0 : i32
      %dma_wait3A_91 = tpu.memref_slice %arg6[%multiple_of3A_69, %dma_wait3A] : memref<20480x128xf32, #tpu.memory_space<hbm>> -> memref<80x128xf32, #tpu.memory_space<hbm>>
      %dma_wait3A_92 = arith.constant 0 : i32
      %dma_wait3A_93 = tpu.memref_slice %arg6[%multiple_of3A_69, %dma_wait3A_92] : memref<20480x128xf32, #tpu.memory_space<hbm>> -> memref<80x128xf32, #tpu.memory_space<hbm>>
      tpu.wait_dma2 semaphore(%run_scoped3A : memref<!tpu.dma_semaphore, #tpu.memory_space<semaphore_mem>>) src(%arg9 : memref<80x128xf32, #tpu.memory_space<vmem>>) dst(%dma_wait3A_93 : memref<80x128xf32, #tpu.memory_space<hbm>>)
      tpu.yield
    }) : () -> ()
    %add3A_70 = arith.constant 400 : i32
    %add3A_71 = arith.addi %multiple_of3A, %add3A_70 : i32
    %multiple_of3A_72 = tpu.assume_multiple %add3A_71, 8 : i32
    %add3A_73 = arith.constant 400 : i32
    %add3A_74 = arith.addi %multiple_of3A_39, %add3A_73 : i32
    %multiple_of3A_75 = tpu.assume_multiple %add3A_74, 8 : i32
    "tpu.region"() ({
      %run_scoped3A = tpu.sem_alloc : memref<!tpu.dma_semaphore, #tpu.memory_space<semaphore_mem>>
      %dma_start3A = arith.constant 0 : i32
      %dma_start3A_88 = tpu.memref_slice %arg10[%multiple_of3A_72, %dma_start3A] : memref<10240x128xf32, #tpu.memory_space<vmem_shared>> -> memref<80x128xf32, #tpu.memory_space<vmem_shared>>
      %dma_start3A_89 = arith.constant 0 : i32
      %dma_start3A_90 = tpu.memref_slice %arg10[%multiple_of3A_72, %dma_start3A_89] : memref<10240x128xf32, #tpu.memory_space<vmem_shared>> -> memref<80x128xf32, #tpu.memory_space<vmem_shared>>
      tpu.enqueue_dma source(%dma_start3A_90 : memref<80x128xf32, #tpu.memory_space<vmem_shared>>) target(%arg9 : memref<80x128xf32, #tpu.memory_space<vmem>>) target_semaphore(%run_scoped3A : memref<!tpu.dma_semaphore, #tpu.memory_space<semaphore_mem>>)
      %dma_wait3A = arith.constant 0 : i32
      %dma_wait3A_91 = tpu.memref_slice %arg10[%multiple_of3A_72, %dma_wait3A] : memref<10240x128xf32, #tpu.memory_space<vmem_shared>> -> memref<80x128xf32, #tpu.memory_space<vmem_shared>>
      %dma_wait3A_92 = arith.constant 0 : i32
      %dma_wait3A_93 = tpu.memref_slice %arg10[%multiple_of3A_72, %dma_wait3A_92] : memref<10240x128xf32, #tpu.memory_space<vmem_shared>> -> memref<80x128xf32, #tpu.memory_space<vmem_shared>>
      tpu.wait_dma2 semaphore(%run_scoped3A : memref<!tpu.dma_semaphore, #tpu.memory_space<semaphore_mem>>) src(%dma_wait3A_93 : memref<80x128xf32, #tpu.memory_space<vmem_shared>>) dst(%arg9 : memref<80x128xf32, #tpu.memory_space<vmem>>)
      tpu.yield
    }) : () -> ()
    "tpu.region"() ({
      %run_scoped3A = tpu.sem_alloc : memref<!tpu.dma_semaphore, #tpu.memory_space<semaphore_mem>>
      %dma_start3A = arith.constant 0 : i32
      %dma_start3A_88 = tpu.memref_slice %arg6[%multiple_of3A_75, %dma_start3A] : memref<20480x128xf32, #tpu.memory_space<hbm>> -> memref<80x128xf32, #tpu.memory_space<hbm>>
      %dma_start3A_89 = arith.constant 0 : i32
      %dma_start3A_90 = tpu.memref_slice %arg6[%multiple_of3A_75, %dma_start3A_89] : memref<20480x128xf32, #tpu.memory_space<hbm>> -> memref<80x128xf32, #tpu.memory_space<hbm>>
      tpu.enqueue_dma source(%arg9 : memref<80x128xf32, #tpu.memory_space<vmem>>) target(%dma_start3A_90 : memref<80x128xf32, #tpu.memory_space<hbm>>) target_semaphore(%run_scoped3A : memref<!tpu.dma_semaphore, #tpu.memory_space<semaphore_mem>>)
      %dma_wait3A = arith.constant 0 : i32
      %dma_wait3A_91 = tpu.memref_slice %arg6[%multiple_of3A_75, %dma_wait3A] : memref<20480x128xf32, #tpu.memory_space<hbm>> -> memref<80x128xf32, #tpu.memory_space<hbm>>
      %dma_wait3A_92 = arith.constant 0 : i32
      %dma_wait3A_93 = tpu.memref_slice %arg6[%multiple_of3A_75, %dma_wait3A_92] : memref<20480x128xf32, #tpu.memory_space<hbm>> -> memref<80x128xf32, #tpu.memory_space<hbm>>
      tpu.wait_dma2 semaphore(%run_scoped3A : memref<!tpu.dma_semaphore, #tpu.memory_space<semaphore_mem>>) src(%arg9 : memref<80x128xf32, #tpu.memory_space<vmem>>) dst(%dma_wait3A_93 : memref<80x128xf32, #tpu.memory_space<hbm>>)
      tpu.yield
    }) : () -> ()
    %add3A_76 = arith.constant 480 : i32
    %add3A_77 = arith.addi %multiple_of3A, %add3A_76 : i32
    %multiple_of3A_78 = tpu.assume_multiple %add3A_77, 8 : i32
    %add3A_79 = arith.constant 480 : i32
    %add3A_80 = arith.addi %multiple_of3A_39, %add3A_79 : i32
    %multiple_of3A_81 = tpu.assume_multiple %add3A_80, 8 : i32
    "tpu.region"() ({
      %run_scoped3A = tpu.sem_alloc : memref<!tpu.dma_semaphore, #tpu.memory_space<semaphore_mem>>
      %dma_start3A = arith.constant 0 : i32
      %dma_start3A_88 = tpu.memref_slice %arg10[%multiple_of3A_78, %dma_start3A] : memref<10240x128xf32, #tpu.memory_space<vmem_shared>> -> memref<80x128xf32, #tpu.memory_space<vmem_shared>>
      %dma_start3A_89 = arith.constant 0 : i32
      %dma_start3A_90 = tpu.memref_slice %arg10[%multiple_of3A_78, %dma_start3A_89] : memref<10240x128xf32, #tpu.memory_space<vmem_shared>> -> memref<80x128xf32, #tpu.memory_space<vmem_shared>>
      tpu.enqueue_dma source(%dma_start3A_90 : memref<80x128xf32, #tpu.memory_space<vmem_shared>>) target(%arg9 : memref<80x128xf32, #tpu.memory_space<vmem>>) target_semaphore(%run_scoped3A : memref<!tpu.dma_semaphore, #tpu.memory_space<semaphore_mem>>)
      %dma_wait3A = arith.constant 0 : i32
      %dma_wait3A_91 = tpu.memref_slice %arg10[%multiple_of3A_78, %dma_wait3A] : memref<10240x128xf32, #tpu.memory_space<vmem_shared>> -> memref<80x128xf32, #tpu.memory_space<vmem_shared>>
      %dma_wait3A_92 = arith.constant 0 : i32
      %dma_wait3A_93 = tpu.memref_slice %arg10[%multiple_of3A_78, %dma_wait3A_92] : memref<10240x128xf32, #tpu.memory_space<vmem_shared>> -> memref<80x128xf32, #tpu.memory_space<vmem_shared>>
      tpu.wait_dma2 semaphore(%run_scoped3A : memref<!tpu.dma_semaphore, #tpu.memory_space<semaphore_mem>>) src(%dma_wait3A_93 : memref<80x128xf32, #tpu.memory_space<vmem_shared>>) dst(%arg9 : memref<80x128xf32, #tpu.memory_space<vmem>>)
      tpu.yield
    }) : () -> ()
    "tpu.region"() ({
      %run_scoped3A = tpu.sem_alloc : memref<!tpu.dma_semaphore, #tpu.memory_space<semaphore_mem>>
      %dma_start3A = arith.constant 0 : i32
      %dma_start3A_88 = tpu.memref_slice %arg6[%multiple_of3A_81, %dma_start3A] : memref<20480x128xf32, #tpu.memory_space<hbm>> -> memref<80x128xf32, #tpu.memory_space<hbm>>
      %dma_start3A_89 = arith.constant 0 : i32
      %dma_start3A_90 = tpu.memref_slice %arg6[%multiple_of3A_81, %dma_start3A_89] : memref<20480x128xf32, #tpu.memory_space<hbm>> -> memref<80x128xf32, #tpu.memory_space<hbm>>
      tpu.enqueue_dma source(%arg9 : memref<80x128xf32, #tpu.memory_space<vmem>>) target(%dma_start3A_90 : memref<80x128xf32, #tpu.memory_space<hbm>>) target_semaphore(%run_scoped3A : memref<!tpu.dma_semaphore, #tpu.memory_space<semaphore_mem>>)
      %dma_wait3A = arith.constant 0 : i32
      %dma_wait3A_91 = tpu.memref_slice %arg6[%multiple_of3A_81, %dma_wait3A] : memref<20480x128xf32, #tpu.memory_space<hbm>> -> memref<80x128xf32, #tpu.memory_space<hbm>>
      %dma_wait3A_92 = arith.constant 0 : i32
      %dma_wait3A_93 = tpu.memref_slice %arg6[%multiple_of3A_81, %dma_wait3A_92] : memref<20480x128xf32, #tpu.memory_space<hbm>> -> memref<80x128xf32, #tpu.memory_space<hbm>>
      tpu.wait_dma2 semaphore(%run_scoped3A : memref<!tpu.dma_semaphore, #tpu.memory_space<semaphore_mem>>) src(%arg9 : memref<80x128xf32, #tpu.memory_space<vmem>>) dst(%dma_wait3A_93 : memref<80x128xf32, #tpu.memory_space<hbm>>)
      tpu.yield
    }) : () -> ()
    %add3A_82 = arith.constant 560 : i32
    %add3A_83 = arith.addi %multiple_of3A, %add3A_82 : i32
    %multiple_of3A_84 = tpu.assume_multiple %add3A_83, 8 : i32
    %add3A_85 = arith.constant 560 : i32
    %add3A_86 = arith.addi %multiple_of3A_39, %add3A_85 : i32
    %multiple_of3A_87 = tpu.assume_multiple %add3A_86, 8 : i32
    "tpu.region"() ({
      %run_scoped3A = tpu.sem_alloc : memref<!tpu.dma_semaphore, #tpu.memory_space<semaphore_mem>>
      %dma_start3A = arith.constant 0 : i32
      %dma_start3A_88 = tpu.memref_slice %arg10[%multiple_of3A_84, %dma_start3A] : memref<10240x128xf32, #tpu.memory_space<vmem_shared>> -> memref<80x128xf32, #tpu.memory_space<vmem_shared>>
      %dma_start3A_89 = arith.constant 0 : i32
      %dma_start3A_90 = tpu.memref_slice %arg10[%multiple_of3A_84, %dma_start3A_89] : memref<10240x128xf32, #tpu.memory_space<vmem_shared>> -> memref<80x128xf32, #tpu.memory_space<vmem_shared>>
      tpu.enqueue_dma source(%dma_start3A_90 : memref<80x128xf32, #tpu.memory_space<vmem_shared>>) target(%arg9 : memref<80x128xf32, #tpu.memory_space<vmem>>) target_semaphore(%run_scoped3A : memref<!tpu.dma_semaphore, #tpu.memory_space<semaphore_mem>>)
      %dma_wait3A = arith.constant 0 : i32
      %dma_wait3A_91 = tpu.memref_slice %arg10[%multiple_of3A_84, %dma_wait3A] : memref<10240x128xf32, #tpu.memory_space<vmem_shared>> -> memref<80x128xf32, #tpu.memory_space<vmem_shared>>
      %dma_wait3A_92 = arith.constant 0 : i32
      %dma_wait3A_93 = tpu.memref_slice %arg10[%multiple_of3A_84, %dma_wait3A_92] : memref<10240x128xf32, #tpu.memory_space<vmem_shared>> -> memref<80x128xf32, #tpu.memory_space<vmem_shared>>
      tpu.wait_dma2 semaphore(%run_scoped3A : memref<!tpu.dma_semaphore, #tpu.memory_space<semaphore_mem>>) src(%dma_wait3A_93 : memref<80x128xf32, #tpu.memory_space<vmem_shared>>) dst(%arg9 : memref<80x128xf32, #tpu.memory_space<vmem>>)
      tpu.yield
    }) : () -> ()
    "tpu.region"() ({
      %run_scoped3A = tpu.sem_alloc : memref<!tpu.dma_semaphore, #tpu.memory_space<semaphore_mem>>
      %dma_start3A = arith.constant 0 : i32
      %dma_start3A_88 = tpu.memref_slice %arg6[%multiple_of3A_87, %dma_start3A] : memref<20480x128xf32, #tpu.memory_space<hbm>> -> memref<80x128xf32, #tpu.memory_space<hbm>>
      %dma_start3A_89 = arith.constant 0 : i32
      %dma_start3A_90 = tpu.memref_slice %arg6[%multiple_of3A_87, %dma_start3A_89] : memref<20480x128xf32, #tpu.memory_space<hbm>> -> memref<80x128xf32, #tpu.memory_space<hbm>>
      tpu.enqueue_dma source(%arg9 : memref<80x128xf32, #tpu.memory_space<vmem>>) target(%dma_start3A_90 : memref<80x128xf32, #tpu.memory_space<hbm>>) target_semaphore(%run_scoped3A : memref<!tpu.dma_semaphore, #tpu.memory_space<semaphore_mem>>)
      %dma_wait3A = arith.constant 0 : i32
      %dma_wait3A_91 = tpu.memref_slice %arg6[%multiple_of3A_87, %dma_wait3A] : memref<20480x128xf32, #tpu.memory_space<hbm>> -> memref<80x128xf32, #tpu.memory_space<hbm>>
      %dma_wait3A_92 = arith.constant 0 : i32
      %dma_wait3A_93 = tpu.memref_slice %arg6[%multiple_of3A_87, %dma_wait3A_92] : memref<20480x128xf32, #tpu.memory_space<hbm>> -> memref<80x128xf32, #tpu.memory_space<hbm>>
      tpu.wait_dma2 semaphore(%run_scoped3A : memref<!tpu.dma_semaphore, #tpu.memory_space<semaphore_mem>>) src(%arg9 : memref<80x128xf32, #tpu.memory_space<vmem>>) dst(%dma_wait3A_93 : memref<80x128xf32, #tpu.memory_space<hbm>>)
      tpu.yield
    }) : () -> ()
    return
  }
}

#map = affine_map<(d0, d1) -> (0)>
#map1 = affine_map<(d0, d1) -> (0, 0)>
module attributes {stable_mosaic.version = 14 : i64} {
  func.func @body(%arg0: i32, %arg1: i32, %arg2: memref<320000xi32, #tpu.memory_space<hbm>>, %arg3: memref<320000xi32, #tpu.memory_space<hbm>>, %arg4: memref<10240x128xf32, #tpu.memory_space<hbm>>, %arg5: memref<80x128xf32, #tpu.memory_space<hbm>>, %arg6: memref<20480x128xf32, #tpu.memory_space<hbm>>, %arg7: memref<80xi32, #tpu.memory_space<vmem>>, %arg8: memref<80xi32, #tpu.memory_space<vmem>>, %arg9: memref<80x128xf32, #tpu.memory_space<vmem>>, %arg10: memref<10240x128xf32, #tpu.memory_space<vmem_shared>>, %arg11: memref<!tpu.dma_semaphore, #tpu.memory_space<semaphore_mem>>) attributes {dimension_semantics = [#tpu.dimension_semantics<core_parallel>, #tpu.dimension_semantics<subcore_parallel>], iteration_bounds = array<i64: 2, 16>, scalar_prefetch = 0 : i64, scratch_operands = 5 : i64, tpu.core_type = #tpu.core_type<sc_vector_subcore>, window_params = [{transform_indices = #map}, {transform_indices = #map}, {transform_indices = #map1}, {transform_indices = #map1}, {transform_indices = #map1}]} {
    %mul3A = arith.constant 16 : i32
    %mul3A_0 = arith.muli %arg0, %mul3A : i32
    %add3A = arith.addi %mul3A_0, %arg1 : i32
    %mul3A_1 = arith.constant 640 : i32
    %mul3A_2 = arith.muli %arg1, %mul3A_1 : i32
    %multiple_of3A = tpu.assume_multiple %mul3A_2, 8 : i32
    "tpu.region"() ({
      %run_scoped3A = tpu.sem_alloc : memref<!tpu.dma_semaphore, #tpu.memory_space<semaphore_mem>>
      tpu.enqueue_dma source(%arg5 : memref<80x128xf32, #tpu.memory_space<hbm>>) target(%arg9 : memref<80x128xf32, #tpu.memory_space<vmem>>) target_semaphore(%run_scoped3A : memref<!tpu.dma_semaphore, #tpu.memory_space<semaphore_mem>>)
      tpu.wait_dma2 semaphore(%run_scoped3A : memref<!tpu.dma_semaphore, #tpu.memory_space<semaphore_mem>>) src(%arg5 : memref<80x128xf32, #tpu.memory_space<hbm>>) dst(%arg9 : memref<80x128xf32, #tpu.memory_space<vmem>>)
      tpu.yield
    }) : () -> ()
    %add3A_3 = arith.constant 0 : i32
    %add3A_4 = arith.addi %multiple_of3A, %add3A_3 : i32
    %multiple_of3A_5 = tpu.assume_multiple %add3A_4, 8 : i32
    "tpu.region"() ({
      %run_scoped3A = tpu.sem_alloc : memref<!tpu.dma_semaphore, #tpu.memory_space<semaphore_mem>>
      %dma_start3A = arith.constant 0 : i32
      %dma_start3A_88 = tpu.memref_slice %arg10[%multiple_of3A_5, %dma_start3A] : memref<10240x128xf32, #tpu.memory_space<vmem_shared>> -> memref<80x128xf32, #tpu.memory_space<vmem_shared>>
      %dma_start3A_89 = arith.constant 0 : i32
      %dma_start3A_90 = tpu.memref_slice %arg10[%multiple_of3A_5, %dma_start3A_89] : memref<10240x128xf32, #tpu.memory_space<vmem_shared>> -> memref<80x128xf32, #tpu.memory_space<vmem_shared>>
      tpu.enqueue_dma source(%arg9 : memref<80x128xf32, #tpu.memory_space<vmem>>) target(%dma_start3A_90 : memref<80x128xf32, #tpu.memory_space<vmem_shared>>) target_semaphore(%run_scoped3A : memref<!tpu.dma_semaphore, #tpu.memory_space<semaphore_mem>>)
      %dma_wait3A = arith.constant 0 : i32
      %dma_wait3A_91 = tpu.memref_slice %arg10[%multiple_of3A_5, %dma_wait3A] : memref<10240x128xf32, #tpu.memory_space<vmem_shared>> -> memref<80x128xf32, #tpu.memory_space<vmem_shared>>
      %dma_wait3A_92 = arith.constant 0 : i32
      %dma_wait3A_93 = tpu.memref_slice %arg10[%multiple_of3A_5, %dma_wait3A_92] : memref<10240x128xf32, #tpu.memory_space<vmem_shared>> -> memref<80x128xf32, #tpu.memory_space<vmem_shared>>
      tpu.wait_dma2 semaphore(%run_scoped3A : memref<!tpu.dma_semaphore, #tpu.memory_space<semaphore_mem>>) src(%arg9 : memref<80x128xf32, #tpu.memory_space<vmem>>) dst(%dma_wait3A_93 : memref<80x128xf32, #tpu.memory_space<vmem_shared>>)
      tpu.yield
    }) : () -> ()
    %add3A_6 = arith.constant 80 : i32
    %add3A_7 = arith.addi %multiple_of3A, %add3A_6 : i32
    %multiple_of3A_8 = tpu.assume_multiple %add3A_7, 8 : i32
    "tpu.region"() ({
      %run_scoped3A = tpu.sem_alloc : memref<!tpu.dma_semaphore, #tpu.memory_space<semaphore_mem>>
      %dma_start3A = arith.constant 0 : i32
      %dma_start3A_88 = tpu.memref_slice %arg10[%multiple_of3A_8, %dma_start3A] : memref<10240x128xf32, #tpu.memory_space<vmem_shared>> -> memref<80x128xf32, #tpu.memory_space<vmem_shared>>
      %dma_start3A_89 = arith.constant 0 : i32
      %dma_start3A_90 = tpu.memref_slice %arg10[%multiple_of3A_8, %dma_start3A_89] : memref<10240x128xf32, #tpu.memory_space<vmem_shared>> -> memref<80x128xf32, #tpu.memory_space<vmem_shared>>
      tpu.enqueue_dma source(%arg9 : memref<80x128xf32, #tpu.memory_space<vmem>>) target(%dma_start3A_90 : memref<80x128xf32, #tpu.memory_space<vmem_shared>>) target_semaphore(%run_scoped3A : memref<!tpu.dma_semaphore, #tpu.memory_space<semaphore_mem>>)
      %dma_wait3A = arith.constant 0 : i32
      %dma_wait3A_91 = tpu.memref_slice %arg10[%multiple_of3A_8, %dma_wait3A] : memref<10240x128xf32, #tpu.memory_space<vmem_shared>> -> memref<80x128xf32, #tpu.memory_space<vmem_shared>>
      %dma_wait3A_92 = arith.constant 0 : i32
      %dma_wait3A_93 = tpu.memref_slice %arg10[%multiple_of3A_8, %dma_wait3A_92] : memref<10240x128xf32, #tpu.memory_space<vmem_shared>> -> memref<80x128xf32, #tpu.memory_space<vmem_shared>>
      tpu.wait_dma2 semaphore(%run_scoped3A : memref<!tpu.dma_semaphore, #tpu.memory_space<semaphore_mem>>) src(%arg9 : memref<80x128xf32, #tpu.memory_space<vmem>>) dst(%dma_wait3A_93 : memref<80x128xf32, #tpu.memory_space<vmem_shared>>)
      tpu.yield
    }) : () -> ()
    %add3A_9 = arith.constant 160 : i32
    %add3A_10 = arith.addi %multiple_of3A, %add3A_9 : i32
    %multiple_of3A_11 = tpu.assume_multiple %add3A_10, 8 : i32
    "tpu.region"() ({
      %run_scoped3A = tpu.sem_alloc : memref<!tpu.dma_semaphore, #tpu.memory_space<semaphore_mem>>
      %dma_start3A = arith.constant 0 : i32
      %dma_start3A_88 = tpu.memref_slice %arg10[%multiple_of3A_11, %dma_start3A] : memref<10240x128xf32, #tpu.memory_space<vmem_shared>> -> memref<80x128xf32, #tpu.memory_space<vmem_shared>>
      %dma_start3A_89 = arith.constant 0 : i32
      %dma_start3A_90 = tpu.memref_slice %arg10[%multiple_of3A_11, %dma_start3A_89] : memref<10240x128xf32, #tpu.memory_space<vmem_shared>> -> memref<80x128xf32, #tpu.memory_space<vmem_shared>>
      tpu.enqueue_dma source(%arg9 : memref<80x128xf32, #tpu.memory_space<vmem>>) target(%dma_start3A_90 : memref<80x128xf32, #tpu.memory_space<vmem_shared>>) target_semaphore(%run_scoped3A : memref<!tpu.dma_semaphore, #tpu.memory_space<semaphore_mem>>)
      %dma_wait3A = arith.constant 0 : i32
      %dma_wait3A_91 = tpu.memref_slice %arg10[%multiple_of3A_11, %dma_wait3A] : memref<10240x128xf32, #tpu.memory_space<vmem_shared>> -> memref<80x128xf32, #tpu.memory_space<vmem_shared>>
      %dma_wait3A_92 = arith.constant 0 : i32
      %dma_wait3A_93 = tpu.memref_slice %arg10[%multiple_of3A_11, %dma_wait3A_92] : memref<10240x128xf32, #tpu.memory_space<vmem_shared>> -> memref<80x128xf32, #tpu.memory_space<vmem_shared>>
      tpu.wait_dma2 semaphore(%run_scoped3A : memref<!tpu.dma_semaphore, #tpu.memory_space<semaphore_mem>>) src(%arg9 : memref<80x128xf32, #tpu.memory_space<vmem>>) dst(%dma_wait3A_93 : memref<80x128xf32, #tpu.memory_space<vmem_shared>>)
      tpu.yield
    }) : () -> ()
    %add3A_12 = arith.constant 240 : i32
    %add3A_13 = arith.addi %multiple_of3A, %add3A_12 : i32
    %multiple_of3A_14 = tpu.assume_multiple %add3A_13, 8 : i32
    "tpu.region"() ({
      %run_scoped3A = tpu.sem_alloc : memref<!tpu.dma_semaphore, #tpu.memory_space<semaphore_mem>>
      %dma_start3A = arith.constant 0 : i32
      %dma_start3A_88 = tpu.memref_slice %arg10[%multiple_of3A_14, %dma_start3A] : memref<10240x128xf32, #tpu.memory_space<vmem_shared>> -> memref<80x128xf32, #tpu.memory_space<vmem_shared>>
      %dma_start3A_89 = arith.constant 0 : i32
      %dma_start3A_90 = tpu.memref_slice %arg10[%multiple_of3A_14, %dma_start3A_89] : memref<10240x128xf32, #tpu.memory_space<vmem_shared>> -> memref<80x128xf32, #tpu.memory_space<vmem_shared>>
      tpu.enqueue_dma source(%arg9 : memref<80x128xf32, #tpu.memory_space<vmem>>) target(%dma_start3A_90 : memref<80x128xf32, #tpu.memory_space<vmem_shared>>) target_semaphore(%run_scoped3A : memref<!tpu.dma_semaphore, #tpu.memory_space<semaphore_mem>>)
      %dma_wait3A = arith.constant 0 : i32
      %dma_wait3A_91 = tpu.memref_slice %arg10[%multiple_of3A_14, %dma_wait3A] : memref<10240x128xf32, #tpu.memory_space<vmem_shared>> -> memref<80x128xf32, #tpu.memory_space<vmem_shared>>
      %dma_wait3A_92 = arith.constant 0 : i32
      %dma_wait3A_93 = tpu.memref_slice %arg10[%multiple_of3A_14, %dma_wait3A_92] : memref<10240x128xf32, #tpu.memory_space<vmem_shared>> -> memref<80x128xf32, #tpu.memory_space<vmem_shared>>
      tpu.wait_dma2 semaphore(%run_scoped3A : memref<!tpu.dma_semaphore, #tpu.memory_space<semaphore_mem>>) src(%arg9 : memref<80x128xf32, #tpu.memory_space<vmem>>) dst(%dma_wait3A_93 : memref<80x128xf32, #tpu.memory_space<vmem_shared>>)
      tpu.yield
    }) : () -> ()
    %add3A_15 = arith.constant 320 : i32
    %add3A_16 = arith.addi %multiple_of3A, %add3A_15 : i32
    %multiple_of3A_17 = tpu.assume_multiple %add3A_16, 8 : i32
    "tpu.region"() ({
      %run_scoped3A = tpu.sem_alloc : memref<!tpu.dma_semaphore, #tpu.memory_space<semaphore_mem>>
      %dma_start3A = arith.constant 0 : i32
      %dma_start3A_88 = tpu.memref_slice %arg10[%multiple_of3A_17, %dma_start3A] : memref<10240x128xf32, #tpu.memory_space<vmem_shared>> -> memref<80x128xf32, #tpu.memory_space<vmem_shared>>
      %dma_start3A_89 = arith.constant 0 : i32
      %dma_start3A_90 = tpu.memref_slice %arg10[%multiple_of3A_17, %dma_start3A_89] : memref<10240x128xf32, #tpu.memory_space<vmem_shared>> -> memref<80x128xf32, #tpu.memory_space<vmem_shared>>
      tpu.enqueue_dma source(%arg9 : memref<80x128xf32, #tpu.memory_space<vmem>>) target(%dma_start3A_90 : memref<80x128xf32, #tpu.memory_space<vmem_shared>>) target_semaphore(%run_scoped3A : memref<!tpu.dma_semaphore, #tpu.memory_space<semaphore_mem>>)
      %dma_wait3A = arith.constant 0 : i32
      %dma_wait3A_91 = tpu.memref_slice %arg10[%multiple_of3A_17, %dma_wait3A] : memref<10240x128xf32, #tpu.memory_space<vmem_shared>> -> memref<80x128xf32, #tpu.memory_space<vmem_shared>>
      %dma_wait3A_92 = arith.constant 0 : i32
      %dma_wait3A_93 = tpu.memref_slice %arg10[%multiple_of3A_17, %dma_wait3A_92] : memref<10240x128xf32, #tpu.memory_space<vmem_shared>> -> memref<80x128xf32, #tpu.memory_space<vmem_shared>>
      tpu.wait_dma2 semaphore(%run_scoped3A : memref<!tpu.dma_semaphore, #tpu.memory_space<semaphore_mem>>) src(%arg9 : memref<80x128xf32, #tpu.memory_space<vmem>>) dst(%dma_wait3A_93 : memref<80x128xf32, #tpu.memory_space<vmem_shared>>)
      tpu.yield
    }) : () -> ()
    %add3A_18 = arith.constant 400 : i32
    %add3A_19 = arith.addi %multiple_of3A, %add3A_18 : i32
    %multiple_of3A_20 = tpu.assume_multiple %add3A_19, 8 : i32
    "tpu.region"() ({
      %run_scoped3A = tpu.sem_alloc : memref<!tpu.dma_semaphore, #tpu.memory_space<semaphore_mem>>
      %dma_start3A = arith.constant 0 : i32
      %dma_start3A_88 = tpu.memref_slice %arg10[%multiple_of3A_20, %dma_start3A] : memref<10240x128xf32, #tpu.memory_space<vmem_shared>> -> memref<80x128xf32, #tpu.memory_space<vmem_shared>>
      %dma_start3A_89 = arith.constant 0 : i32
      %dma_start3A_90 = tpu.memref_slice %arg10[%multiple_of3A_20, %dma_start3A_89] : memref<10240x128xf32, #tpu.memory_space<vmem_shared>> -> memref<80x128xf32, #tpu.memory_space<vmem_shared>>
      tpu.enqueue_dma source(%arg9 : memref<80x128xf32, #tpu.memory_space<vmem>>) target(%dma_start3A_90 : memref<80x128xf32, #tpu.memory_space<vmem_shared>>) target_semaphore(%run_scoped3A : memref<!tpu.dma_semaphore, #tpu.memory_space<semaphore_mem>>)
      %dma_wait3A = arith.constant 0 : i32
      %dma_wait3A_91 = tpu.memref_slice %arg10[%multiple_of3A_20, %dma_wait3A] : memref<10240x128xf32, #tpu.memory_space<vmem_shared>> -> memref<80x128xf32, #tpu.memory_space<vmem_shared>>
      %dma_wait3A_92 = arith.constant 0 : i32
      %dma_wait3A_93 = tpu.memref_slice %arg10[%multiple_of3A_20, %dma_wait3A_92] : memref<10240x128xf32, #tpu.memory_space<vmem_shared>> -> memref<80x128xf32, #tpu.memory_space<vmem_shared>>
      tpu.wait_dma2 semaphore(%run_scoped3A : memref<!tpu.dma_semaphore, #tpu.memory_space<semaphore_mem>>) src(%arg9 : memref<80x128xf32, #tpu.memory_space<vmem>>) dst(%dma_wait3A_93 : memref<80x128xf32, #tpu.memory_space<vmem_shared>>)
      tpu.yield
    }) : () -> ()
    %add3A_21 = arith.constant 480 : i32
    %add3A_22 = arith.addi %multiple_of3A, %add3A_21 : i32
    %multiple_of3A_23 = tpu.assume_multiple %add3A_22, 8 : i32
    "tpu.region"() ({
      %run_scoped3A = tpu.sem_alloc : memref<!tpu.dma_semaphore, #tpu.memory_space<semaphore_mem>>
      %dma_start3A = arith.constant 0 : i32
      %dma_start3A_88 = tpu.memref_slice %arg10[%multiple_of3A_23, %dma_start3A] : memref<10240x128xf32, #tpu.memory_space<vmem_shared>> -> memref<80x128xf32, #tpu.memory_space<vmem_shared>>
      %dma_start3A_89 = arith.constant 0 : i32
      %dma_start3A_90 = tpu.memref_slice %arg10[%multiple_of3A_23, %dma_start3A_89] : memref<10240x128xf32, #tpu.memory_space<vmem_shared>> -> memref<80x128xf32, #tpu.memory_space<vmem_shared>>
      tpu.enqueue_dma source(%arg9 : memref<80x128xf32, #tpu.memory_space<vmem>>) target(%dma_start3A_90 : memref<80x128xf32, #tpu.memory_space<vmem_shared>>) target_semaphore(%run_scoped3A : memref<!tpu.dma_semaphore, #tpu.memory_space<semaphore_mem>>)
      %dma_wait3A = arith.constant 0 : i32
      %dma_wait3A_91 = tpu.memref_slice %arg10[%multiple_of3A_23, %dma_wait3A] : memref<10240x128xf32, #tpu.memory_space<vmem_shared>> -> memref<80x128xf32, #tpu.memory_space<vmem_shared>>
      %dma_wait3A_92 = arith.constant 0 : i32
      %dma_wait3A_93 = tpu.memref_slice %arg10[%multiple_of3A_23, %dma_wait3A_92] : memref<10240x128xf32, #tpu.memory_space<vmem_shared>> -> memref<80x128xf32, #tpu.memory_space<vmem_shared>>
      tpu.wait_dma2 semaphore(%run_scoped3A : memref<!tpu.dma_semaphore, #tpu.memory_space<semaphore_mem>>) src(%arg9 : memref<80x128xf32, #tpu.memory_space<vmem>>) dst(%dma_wait3A_93 : memref<80x128xf32, #tpu.memory_space<vmem_shared>>)
      tpu.yield
    }) : () -> ()
    %add3A_24 = arith.constant 560 : i32
    %add3A_25 = arith.addi %multiple_of3A, %add3A_24 : i32
    %multiple_of3A_26 = tpu.assume_multiple %add3A_25, 8 : i32
    "tpu.region"() ({
      %run_scoped3A = tpu.sem_alloc : memref<!tpu.dma_semaphore, #tpu.memory_space<semaphore_mem>>
      %dma_start3A = arith.constant 0 : i32
      %dma_start3A_88 = tpu.memref_slice %arg10[%multiple_of3A_26, %dma_start3A] : memref<10240x128xf32, #tpu.memory_space<vmem_shared>> -> memref<80x128xf32, #tpu.memory_space<vmem_shared>>
      %dma_start3A_89 = arith.constant 0 : i32
      %dma_start3A_90 = tpu.memref_slice %arg10[%multiple_of3A_26, %dma_start3A_89] : memref<10240x128xf32, #tpu.memory_space<vmem_shared>> -> memref<80x128xf32, #tpu.memory_space<vmem_shared>>
      tpu.enqueue_dma source(%arg9 : memref<80x128xf32, #tpu.memory_space<vmem>>) target(%dma_start3A_90 : memref<80x128xf32, #tpu.memory_space<vmem_shared>>) target_semaphore(%run_scoped3A : memref<!tpu.dma_semaphore, #tpu.memory_space<semaphore_mem>>)
      %dma_wait3A = arith.constant 0 : i32
      %dma_wait3A_91 = tpu.memref_slice %arg10[%multiple_of3A_26, %dma_wait3A] : memref<10240x128xf32, #tpu.memory_space<vmem_shared>> -> memref<80x128xf32, #tpu.memory_space<vmem_shared>>
      %dma_wait3A_92 = arith.constant 0 : i32
      %dma_wait3A_93 = tpu.memref_slice %arg10[%multiple_of3A_26, %dma_wait3A_92] : memref<10240x128xf32, #tpu.memory_space<vmem_shared>> -> memref<80x128xf32, #tpu.memory_space<vmem_shared>>
      tpu.wait_dma2 semaphore(%run_scoped3A : memref<!tpu.dma_semaphore, #tpu.memory_space<semaphore_mem>>) src(%arg9 : memref<80x128xf32, #tpu.memory_space<vmem>>) dst(%dma_wait3A_93 : memref<80x128xf32, #tpu.memory_space<vmem_shared>>)
      tpu.yield
    }) : () -> ()
    %barrier3A = arith.constant 0 : index
    tpu.barrier barrier_id(%barrier3A)
    %scan3A = arith.constant 0 : i32
    %scan3A_27 = arith.constant 0 : i32
    %scan3A_28 = arith.constant 125 : i32
    %scan3A_29 = arith.addi %scan3A_27, %scan3A_28 : i32
    %scan3A_30 = arith.constant 1 : i32
    %scan3A_31 = scf.for %scan3A_88 = %scan3A_27 to %scan3A_29 step %scan3A_30 iter_args(%scan3A_89 = %scan3A) -> (i32)  : i32 {
      %mul3A_90 = arith.constant 10000 : i32
      %mul3A_91 = arith.muli %add3A, %mul3A_90 : i32
      %mul3A_92 = arith.constant 80 : i32
      %mul3A_93 = arith.muli %scan3A_88, %mul3A_92 : i32
      %add3A_94 = arith.addi %mul3A_91, %mul3A_93 : i32
      %multiple_of3A_95 = tpu.assume_multiple %add3A_94, 8 : i32
      "tpu.region"() ({
        %run_scoped3A = tpu.sem_alloc : memref<!tpu.dma_semaphore, #tpu.memory_space<semaphore_mem>>
        %dma_start3A_101 = tpu.memref_slice %arg3[%multiple_of3A_95] : memref<320000xi32, #tpu.memory_space<hbm>> -> memref<80xi32, #tpu.memory_space<hbm>>
        %dma_start3A_102 = tpu.memref_slice %arg3[%multiple_of3A_95] : memref<320000xi32, #tpu.memory_space<hbm>> -> memref<80xi32, #tpu.memory_space<hbm>>
        tpu.enqueue_dma source(%dma_start3A_102 : memref<80xi32, #tpu.memory_space<hbm>>) target(%arg8 : memref<80xi32, #tpu.memory_space<vmem>>) target_semaphore(%run_scoped3A : memref<!tpu.dma_semaphore, #tpu.memory_space<semaphore_mem>>)
        %dma_wait3A_103 = tpu.memref_slice %arg3[%multiple_of3A_95] : memref<320000xi32, #tpu.memory_space<hbm>> -> memref<80xi32, #tpu.memory_space<hbm>>
        %dma_wait3A_104 = tpu.memref_slice %arg3[%multiple_of3A_95] : memref<320000xi32, #tpu.memory_space<hbm>> -> memref<80xi32, #tpu.memory_space<hbm>>
        tpu.wait_dma2 semaphore(%run_scoped3A : memref<!tpu.dma_semaphore, #tpu.memory_space<semaphore_mem>>) src(%dma_wait3A_104 : memref<80xi32, #tpu.memory_space<hbm>>) dst(%arg8 : memref<80xi32, #tpu.memory_space<vmem>>)
        tpu.yield
      }) : () -> ()
      "tpu.region"() ({
        %run_scoped3A = tpu.sem_alloc : memref<!tpu.dma_semaphore, #tpu.memory_space<semaphore_mem>>
        %dma_start3A_101 = tpu.memref_slice %arg2[%multiple_of3A_95] : memref<320000xi32, #tpu.memory_space<hbm>> -> memref<80xi32, #tpu.memory_space<hbm>>
        %dma_start3A_102 = tpu.memref_slice %arg2[%multiple_of3A_95] : memref<320000xi32, #tpu.memory_space<hbm>> -> memref<80xi32, #tpu.memory_space<hbm>>
        tpu.enqueue_dma source(%dma_start3A_102 : memref<80xi32, #tpu.memory_space<hbm>>) target(%arg7 : memref<80xi32, #tpu.memory_space<vmem>>) target_semaphore(%run_scoped3A : memref<!tpu.dma_semaphore, #tpu.memory_space<semaphore_mem>>)
        %dma_wait3A_103 = tpu.memref_slice %arg2[%multiple_of3A_95] : memref<320000xi32, #tpu.memory_space<hbm>> -> memref<80xi32, #tpu.memory_space<hbm>>
        %dma_wait3A_104 = tpu.memref_slice %arg2[%multiple_of3A_95] : memref<320000xi32, #tpu.memory_space<hbm>> -> memref<80xi32, #tpu.memory_space<hbm>>
        tpu.wait_dma2 semaphore(%run_scoped3A : memref<!tpu.dma_semaphore, #tpu.memory_space<semaphore_mem>>) src(%dma_wait3A_104 : memref<80xi32, #tpu.memory_space<hbm>>) dst(%arg7 : memref<80xi32, #tpu.memory_space<vmem>>)
        tpu.yield
      }) : () -> ()
      %dma_start3A = arith.constant 0 : i32
      %dma_start3A_96 = arith.constant 0 : i32
      %dma_start3A_97 = tpu.memref_slice %arg4[%dma_start3A, %dma_start3A_96] : memref<10240x128xf32, #tpu.memory_space<hbm>> -> memref<10240x128xf32, #tpu.memory_space<hbm>>
      tpu.enqueue_indirect_dma source(%dma_start3A_97 : memref<10240x128xf32, #tpu.memory_space<hbm>>) target(%arg9 : memref<80x128xf32, #tpu.memory_space<vmem>>) offsets(%arg7 : memref<80xi32, #tpu.memory_space<vmem>>) semaphore(%arg11 : memref<!tpu.dma_semaphore, #tpu.memory_space<semaphore_mem>>)
      %dma_wait3A = arith.constant 0 : i32
      %dma_wait3A_98 = arith.constant 0 : i32
      %dma_wait3A_99 = tpu.memref_slice %arg4[%dma_wait3A, %dma_wait3A_98] : memref<10240x128xf32, #tpu.memory_space<hbm>> -> memref<10240x128xf32, #tpu.memory_space<hbm>>
      tpu.wait_indirect_dma semaphore(%arg11 : memref<!tpu.dma_semaphore, #tpu.memory_space<semaphore_mem>>) src(%dma_wait3A_99 : memref<10240x128xf32, #tpu.memory_space<hbm>>) dst(%arg9 : memref<80x128xf32, #tpu.memory_space<vmem>>)
      "tpu.region"() ({
        %run_scoped3A = tpu.sem_alloc : memref<!tpu.dma_semaphore, #tpu.memory_space<semaphore_mem>>
        %dma_start3A_101 = arith.constant 0 : i32
        %dma_start3A_102 = arith.constant 0 : i32
        %dma_start3A_103 = tpu.memref_slice %arg10[%dma_start3A_101, %dma_start3A_102] : memref<10240x128xf32, #tpu.memory_space<vmem_shared>> -> memref<10240x128xf32, #tpu.memory_space<vmem_shared>>
        tpu.enqueue_indirect_dma source(%arg9 : memref<80x128xf32, #tpu.memory_space<vmem>>) target(%dma_start3A_103 : memref<10240x128xf32, #tpu.memory_space<vmem_shared>>) offsets(%arg8 : memref<80xi32, #tpu.memory_space<vmem>>) semaphore(%run_scoped3A : memref<!tpu.dma_semaphore, #tpu.memory_space<semaphore_mem>>) {add = true}
        %dma_wait3A_104 = arith.constant 0 : i32
        %dma_wait3A_105 = arith.constant 0 : i32
        %dma_wait3A_106 = tpu.memref_slice %arg10[%dma_wait3A_104, %dma_wait3A_105] : memref<10240x128xf32, #tpu.memory_space<vmem_shared>> -> memref<10240x128xf32, #tpu.memory_space<vmem_shared>>
        tpu.wait_indirect_dma semaphore(%run_scoped3A : memref<!tpu.dma_semaphore, #tpu.memory_space<semaphore_mem>>) src(%arg9 : memref<80x128xf32, #tpu.memory_space<vmem>>) dst(%dma_wait3A_106 : memref<10240x128xf32, #tpu.memory_space<vmem_shared>>)
        tpu.yield
      }) : () -> ()
      %scan3A_100 = arith.constant 0 : i32
      scf.yield %scan3A_100 : i32
    }
    %scan3A_32 = arith.constant 125 : i32
    %barrier3A_33 = arith.constant 0 : index
    tpu.barrier barrier_id(%barrier3A_33)
    %mul3A_34 = arith.constant 10240 : i32
    %mul3A_35 = arith.muli %arg0, %mul3A_34 : i32
    %mul3A_36 = arith.constant 640 : i32
    %mul3A_37 = arith.muli %arg1, %mul3A_36 : i32
    %add3A_38 = arith.addi %mul3A_35, %mul3A_37 : i32
    %multiple_of3A_39 = tpu.assume_multiple %add3A_38, 8 : i32
    %add3A_40 = arith.constant 0 : i32
    %add3A_41 = arith.addi %multiple_of3A, %add3A_40 : i32
    %multiple_of3A_42 = tpu.assume_multiple %add3A_41, 8 : i32
    %add3A_43 = arith.constant 0 : i32
    %add3A_44 = arith.addi %multiple_of3A_39, %add3A_43 : i32
    %multiple_of3A_45 = tpu.assume_multiple %add3A_44, 8 : i32
    "tpu.region"() ({
      %run_scoped3A = tpu.sem_alloc : memref<!tpu.dma_semaphore, #tpu.memory_space<semaphore_mem>>
      %dma_start3A = arith.constant 0 : i32
      %dma_start3A_88 = tpu.memref_slice %arg10[%multiple_of3A_42, %dma_start3A] : memref<10240x128xf32, #tpu.memory_space<vmem_shared>> -> memref<80x128xf32, #tpu.memory_space<vmem_shared>>
      %dma_start3A_89 = arith.constant 0 : i32
      %dma_start3A_90 = tpu.memref_slice %arg10[%multiple_of3A_42, %dma_start3A_89] : memref<10240x128xf32, #tpu.memory_space<vmem_shared>> -> memref<80x128xf32, #tpu.memory_space<vmem_shared>>
      tpu.enqueue_dma source(%dma_start3A_90 : memref<80x128xf32, #tpu.memory_space<vmem_shared>>) target(%arg9 : memref<80x128xf32, #tpu.memory_space<vmem>>) target_semaphore(%run_scoped3A : memref<!tpu.dma_semaphore, #tpu.memory_space<semaphore_mem>>)
      %dma_wait3A = arith.constant 0 : i32
      %dma_wait3A_91 = tpu.memref_slice %arg10[%multiple_of3A_42, %dma_wait3A] : memref<10240x128xf32, #tpu.memory_space<vmem_shared>> -> memref<80x128xf32, #tpu.memory_space<vmem_shared>>
      %dma_wait3A_92 = arith.constant 0 : i32
      %dma_wait3A_93 = tpu.memref_slice %arg10[%multiple_of3A_42, %dma_wait3A_92] : memref<10240x128xf32, #tpu.memory_space<vmem_shared>> -> memref<80x128xf32, #tpu.memory_space<vmem_shared>>
      tpu.wait_dma2 semaphore(%run_scoped3A : memref<!tpu.dma_semaphore, #tpu.memory_space<semaphore_mem>>) src(%dma_wait3A_93 : memref<80x128xf32, #tpu.memory_space<vmem_shared>>) dst(%arg9 : memref<80x128xf32, #tpu.memory_space<vmem>>)
      tpu.yield
    }) : () -> ()
    "tpu.region"() ({
      %run_scoped3A = tpu.sem_alloc : memref<!tpu.dma_semaphore, #tpu.memory_space<semaphore_mem>>
      %dma_start3A = arith.constant 0 : i32
      %dma_start3A_88 = tpu.memref_slice %arg6[%multiple_of3A_45, %dma_start3A] : memref<20480x128xf32, #tpu.memory_space<hbm>> -> memref<80x128xf32, #tpu.memory_space<hbm>>
      %dma_start3A_89 = arith.constant 0 : i32
      %dma_start3A_90 = tpu.memref_slice %arg6[%multiple_of3A_45, %dma_start3A_89] : memref<20480x128xf32, #tpu.memory_space<hbm>> -> memref<80x128xf32, #tpu.memory_space<hbm>>
      tpu.enqueue_dma source(%arg9 : memref<80x128xf32, #tpu.memory_space<vmem>>) target(%dma_start3A_90 : memref<80x128xf32, #tpu.memory_space<hbm>>) target_semaphore(%run_scoped3A : memref<!tpu.dma_semaphore, #tpu.memory_space<semaphore_mem>>)
      %dma_wait3A = arith.constant 0 : i32
      %dma_wait3A_91 = tpu.memref_slice %arg6[%multiple_of3A_45, %dma_wait3A] : memref<20480x128xf32, #tpu.memory_space<hbm>> -> memref<80x128xf32, #tpu.memory_space<hbm>>
      %dma_wait3A_92 = arith.constant 0 : i32
      %dma_wait3A_93 = tpu.memref_slice %arg6[%multiple_of3A_45, %dma_wait3A_92] : memref<20480x128xf32, #tpu.memory_space<hbm>> -> memref<80x128xf32, #tpu.memory_space<hbm>>
      tpu.wait_dma2 semaphore(%run_scoped3A : memref<!tpu.dma_semaphore, #tpu.memory_space<semaphore_mem>>) src(%arg9 : memref<80x128xf32, #tpu.memory_space<vmem>>) dst(%dma_wait3A_93 : memref<80x128xf32, #tpu.memory_space<hbm>>)
      tpu.yield
    }) : () -> ()
    %add3A_46 = arith.constant 80 : i32
    %add3A_47 = arith.addi %multiple_of3A, %add3A_46 : i32
    %multiple_of3A_48 = tpu.assume_multiple %add3A_47, 8 : i32
    %add3A_49 = arith.constant 80 : i32
    %add3A_50 = arith.addi %multiple_of3A_39, %add3A_49 : i32
    %multiple_of3A_51 = tpu.assume_multiple %add3A_50, 8 : i32
    "tpu.region"() ({
      %run_scoped3A = tpu.sem_alloc : memref<!tpu.dma_semaphore, #tpu.memory_space<semaphore_mem>>
      %dma_start3A = arith.constant 0 : i32
      %dma_start3A_88 = tpu.memref_slice %arg10[%multiple_of3A_48, %dma_start3A] : memref<10240x128xf32, #tpu.memory_space<vmem_shared>> -> memref<80x128xf32, #tpu.memory_space<vmem_shared>>
      %dma_start3A_89 = arith.constant 0 : i32
      %dma_start3A_90 = tpu.memref_slice %arg10[%multiple_of3A_48, %dma_start3A_89] : memref<10240x128xf32, #tpu.memory_space<vmem_shared>> -> memref<80x128xf32, #tpu.memory_space<vmem_shared>>
      tpu.enqueue_dma source(%dma_start3A_90 : memref<80x128xf32, #tpu.memory_space<vmem_shared>>) target(%arg9 : memref<80x128xf32, #tpu.memory_space<vmem>>) target_semaphore(%run_scoped3A : memref<!tpu.dma_semaphore, #tpu.memory_space<semaphore_mem>>)
      %dma_wait3A = arith.constant 0 : i32
      %dma_wait3A_91 = tpu.memref_slice %arg10[%multiple_of3A_48, %dma_wait3A] : memref<10240x128xf32, #tpu.memory_space<vmem_shared>> -> memref<80x128xf32, #tpu.memory_space<vmem_shared>>
      %dma_wait3A_92 = arith.constant 0 : i32
      %dma_wait3A_93 = tpu.memref_slice %arg10[%multiple_of3A_48, %dma_wait3A_92] : memref<10240x128xf32, #tpu.memory_space<vmem_shared>> -> memref<80x128xf32, #tpu.memory_space<vmem_shared>>
      tpu.wait_dma2 semaphore(%run_scoped3A : memref<!tpu.dma_semaphore, #tpu.memory_space<semaphore_mem>>) src(%dma_wait3A_93 : memref<80x128xf32, #tpu.memory_space<vmem_shared>>) dst(%arg9 : memref<80x128xf32, #tpu.memory_space<vmem>>)
      tpu.yield
    }) : () -> ()
    "tpu.region"() ({
      %run_scoped3A = tpu.sem_alloc : memref<!tpu.dma_semaphore, #tpu.memory_space<semaphore_mem>>
      %dma_start3A = arith.constant 0 : i32
      %dma_start3A_88 = tpu.memref_slice %arg6[%multiple_of3A_51, %dma_start3A] : memref<20480x128xf32, #tpu.memory_space<hbm>> -> memref<80x128xf32, #tpu.memory_space<hbm>>
      %dma_start3A_89 = arith.constant 0 : i32
      %dma_start3A_90 = tpu.memref_slice %arg6[%multiple_of3A_51, %dma_start3A_89] : memref<20480x128xf32, #tpu.memory_space<hbm>> -> memref<80x128xf32, #tpu.memory_space<hbm>>
      tpu.enqueue_dma source(%arg9 : memref<80x128xf32, #tpu.memory_space<vmem>>) target(%dma_start3A_90 : memref<80x128xf32, #tpu.memory_space<hbm>>) target_semaphore(%run_scoped3A : memref<!tpu.dma_semaphore, #tpu.memory_space<semaphore_mem>>)
      %dma_wait3A = arith.constant 0 : i32
      %dma_wait3A_91 = tpu.memref_slice %arg6[%multiple_of3A_51, %dma_wait3A] : memref<20480x128xf32, #tpu.memory_space<hbm>> -> memref<80x128xf32, #tpu.memory_space<hbm>>
      %dma_wait3A_92 = arith.constant 0 : i32
      %dma_wait3A_93 = tpu.memref_slice %arg6[%multiple_of3A_51, %dma_wait3A_92] : memref<20480x128xf32, #tpu.memory_space<hbm>> -> memref<80x128xf32, #tpu.memory_space<hbm>>
      tpu.wait_dma2 semaphore(%run_scoped3A : memref<!tpu.dma_semaphore, #tpu.memory_space<semaphore_mem>>) src(%arg9 : memref<80x128xf32, #tpu.memory_space<vmem>>) dst(%dma_wait3A_93 : memref<80x128xf32, #tpu.memory_space<hbm>>)
      tpu.yield
    }) : () -> ()
    %add3A_52 = arith.constant 160 : i32
    %add3A_53 = arith.addi %multiple_of3A, %add3A_52 : i32
    %multiple_of3A_54 = tpu.assume_multiple %add3A_53, 8 : i32
    %add3A_55 = arith.constant 160 : i32
    %add3A_56 = arith.addi %multiple_of3A_39, %add3A_55 : i32
    %multiple_of3A_57 = tpu.assume_multiple %add3A_56, 8 : i32
    "tpu.region"() ({
      %run_scoped3A = tpu.sem_alloc : memref<!tpu.dma_semaphore, #tpu.memory_space<semaphore_mem>>
      %dma_start3A = arith.constant 0 : i32
      %dma_start3A_88 = tpu.memref_slice %arg10[%multiple_of3A_54, %dma_start3A] : memref<10240x128xf32, #tpu.memory_space<vmem_shared>> -> memref<80x128xf32, #tpu.memory_space<vmem_shared>>
      %dma_start3A_89 = arith.constant 0 : i32
      %dma_start3A_90 = tpu.memref_slice %arg10[%multiple_of3A_54, %dma_start3A_89] : memref<10240x128xf32, #tpu.memory_space<vmem_shared>> -> memref<80x128xf32, #tpu.memory_space<vmem_shared>>
      tpu.enqueue_dma source(%dma_start3A_90 : memref<80x128xf32, #tpu.memory_space<vmem_shared>>) target(%arg9 : memref<80x128xf32, #tpu.memory_space<vmem>>) target_semaphore(%run_scoped3A : memref<!tpu.dma_semaphore, #tpu.memory_space<semaphore_mem>>)
      %dma_wait3A = arith.constant 0 : i32
      %dma_wait3A_91 = tpu.memref_slice %arg10[%multiple_of3A_54, %dma_wait3A] : memref<10240x128xf32, #tpu.memory_space<vmem_shared>> -> memref<80x128xf32, #tpu.memory_space<vmem_shared>>
      %dma_wait3A_92 = arith.constant 0 : i32
      %dma_wait3A_93 = tpu.memref_slice %arg10[%multiple_of3A_54, %dma_wait3A_92] : memref<10240x128xf32, #tpu.memory_space<vmem_shared>> -> memref<80x128xf32, #tpu.memory_space<vmem_shared>>
      tpu.wait_dma2 semaphore(%run_scoped3A : memref<!tpu.dma_semaphore, #tpu.memory_space<semaphore_mem>>) src(%dma_wait3A_93 : memref<80x128xf32, #tpu.memory_space<vmem_shared>>) dst(%arg9 : memref<80x128xf32, #tpu.memory_space<vmem>>)
      tpu.yield
    }) : () -> ()
    "tpu.region"() ({
      %run_scoped3A = tpu.sem_alloc : memref<!tpu.dma_semaphore, #tpu.memory_space<semaphore_mem>>
      %dma_start3A = arith.constant 0 : i32
      %dma_start3A_88 = tpu.memref_slice %arg6[%multiple_of3A_57, %dma_start3A] : memref<20480x128xf32, #tpu.memory_space<hbm>> -> memref<80x128xf32, #tpu.memory_space<hbm>>
      %dma_start3A_89 = arith.constant 0 : i32
      %dma_start3A_90 = tpu.memref_slice %arg6[%multiple_of3A_57, %dma_start3A_89] : memref<20480x128xf32, #tpu.memory_space<hbm>> -> memref<80x128xf32, #tpu.memory_space<hbm>>
      tpu.enqueue_dma source(%arg9 : memref<80x128xf32, #tpu.memory_space<vmem>>) target(%dma_start3A_90 : memref<80x128xf32, #tpu.memory_space<hbm>>) target_semaphore(%run_scoped3A : memref<!tpu.dma_semaphore, #tpu.memory_space<semaphore_mem>>)
      %dma_wait3A = arith.constant 0 : i32
      %dma_wait3A_91 = tpu.memref_slice %arg6[%multiple_of3A_57, %dma_wait3A] : memref<20480x128xf32, #tpu.memory_space<hbm>> -> memref<80x128xf32, #tpu.memory_space<hbm>>
      %dma_wait3A_92 = arith.constant 0 : i32
      %dma_wait3A_93 = tpu.memref_slice %arg6[%multiple_of3A_57, %dma_wait3A_92] : memref<20480x128xf32, #tpu.memory_space<hbm>> -> memref<80x128xf32, #tpu.memory_space<hbm>>
      tpu.wait_dma2 semaphore(%run_scoped3A : memref<!tpu.dma_semaphore, #tpu.memory_space<semaphore_mem>>) src(%arg9 : memref<80x128xf32, #tpu.memory_space<vmem>>) dst(%dma_wait3A_93 : memref<80x128xf32, #tpu.memory_space<hbm>>)
      tpu.yield
    }) : () -> ()
    %add3A_58 = arith.constant 240 : i32
    %add3A_59 = arith.addi %multiple_of3A, %add3A_58 : i32
    %multiple_of3A_60 = tpu.assume_multiple %add3A_59, 8 : i32
    %add3A_61 = arith.constant 240 : i32
    %add3A_62 = arith.addi %multiple_of3A_39, %add3A_61 : i32
    %multiple_of3A_63 = tpu.assume_multiple %add3A_62, 8 : i32
    "tpu.region"() ({
      %run_scoped3A = tpu.sem_alloc : memref<!tpu.dma_semaphore, #tpu.memory_space<semaphore_mem>>
      %dma_start3A = arith.constant 0 : i32
      %dma_start3A_88 = tpu.memref_slice %arg10[%multiple_of3A_60, %dma_start3A] : memref<10240x128xf32, #tpu.memory_space<vmem_shared>> -> memref<80x128xf32, #tpu.memory_space<vmem_shared>>
      %dma_start3A_89 = arith.constant 0 : i32
      %dma_start3A_90 = tpu.memref_slice %arg10[%multiple_of3A_60, %dma_start3A_89] : memref<10240x128xf32, #tpu.memory_space<vmem_shared>> -> memref<80x128xf32, #tpu.memory_space<vmem_shared>>
      tpu.enqueue_dma source(%dma_start3A_90 : memref<80x128xf32, #tpu.memory_space<vmem_shared>>) target(%arg9 : memref<80x128xf32, #tpu.memory_space<vmem>>) target_semaphore(%run_scoped3A : memref<!tpu.dma_semaphore, #tpu.memory_space<semaphore_mem>>)
      %dma_wait3A = arith.constant 0 : i32
      %dma_wait3A_91 = tpu.memref_slice %arg10[%multiple_of3A_60, %dma_wait3A] : memref<10240x128xf32, #tpu.memory_space<vmem_shared>> -> memref<80x128xf32, #tpu.memory_space<vmem_shared>>
      %dma_wait3A_92 = arith.constant 0 : i32
      %dma_wait3A_93 = tpu.memref_slice %arg10[%multiple_of3A_60, %dma_wait3A_92] : memref<10240x128xf32, #tpu.memory_space<vmem_shared>> -> memref<80x128xf32, #tpu.memory_space<vmem_shared>>
      tpu.wait_dma2 semaphore(%run_scoped3A : memref<!tpu.dma_semaphore, #tpu.memory_space<semaphore_mem>>) src(%dma_wait3A_93 : memref<80x128xf32, #tpu.memory_space<vmem_shared>>) dst(%arg9 : memref<80x128xf32, #tpu.memory_space<vmem>>)
      tpu.yield
    }) : () -> ()
    "tpu.region"() ({
      %run_scoped3A = tpu.sem_alloc : memref<!tpu.dma_semaphore, #tpu.memory_space<semaphore_mem>>
      %dma_start3A = arith.constant 0 : i32
      %dma_start3A_88 = tpu.memref_slice %arg6[%multiple_of3A_63, %dma_start3A] : memref<20480x128xf32, #tpu.memory_space<hbm>> -> memref<80x128xf32, #tpu.memory_space<hbm>>
      %dma_start3A_89 = arith.constant 0 : i32
      %dma_start3A_90 = tpu.memref_slice %arg6[%multiple_of3A_63, %dma_start3A_89] : memref<20480x128xf32, #tpu.memory_space<hbm>> -> memref<80x128xf32, #tpu.memory_space<hbm>>
      tpu.enqueue_dma source(%arg9 : memref<80x128xf32, #tpu.memory_space<vmem>>) target(%dma_start3A_90 : memref<80x128xf32, #tpu.memory_space<hbm>>) target_semaphore(%run_scoped3A : memref<!tpu.dma_semaphore, #tpu.memory_space<semaphore_mem>>)
      %dma_wait3A = arith.constant 0 : i32
      %dma_wait3A_91 = tpu.memref_slice %arg6[%multiple_of3A_63, %dma_wait3A] : memref<20480x128xf32, #tpu.memory_space<hbm>> -> memref<80x128xf32, #tpu.memory_space<hbm>>
      %dma_wait3A_92 = arith.constant 0 : i32
      %dma_wait3A_93 = tpu.memref_slice %arg6[%multiple_of3A_63, %dma_wait3A_92] : memref<20480x128xf32, #tpu.memory_space<hbm>> -> memref<80x128xf32, #tpu.memory_space<hbm>>
      tpu.wait_dma2 semaphore(%run_scoped3A : memref<!tpu.dma_semaphore, #tpu.memory_space<semaphore_mem>>) src(%arg9 : memref<80x128xf32, #tpu.memory_space<vmem>>) dst(%dma_wait3A_93 : memref<80x128xf32, #tpu.memory_space<hbm>>)
      tpu.yield
    }) : () -> ()
    %add3A_64 = arith.constant 320 : i32
    %add3A_65 = arith.addi %multiple_of3A, %add3A_64 : i32
    %multiple_of3A_66 = tpu.assume_multiple %add3A_65, 8 : i32
    %add3A_67 = arith.constant 320 : i32
    %add3A_68 = arith.addi %multiple_of3A_39, %add3A_67 : i32
    %multiple_of3A_69 = tpu.assume_multiple %add3A_68, 8 : i32
    "tpu.region"() ({
      %run_scoped3A = tpu.sem_alloc : memref<!tpu.dma_semaphore, #tpu.memory_space<semaphore_mem>>
      %dma_start3A = arith.constant 0 : i32
      %dma_start3A_88 = tpu.memref_slice %arg10[%multiple_of3A_66, %dma_start3A] : memref<10240x128xf32, #tpu.memory_space<vmem_shared>> -> memref<80x128xf32, #tpu.memory_space<vmem_shared>>
      %dma_start3A_89 = arith.constant 0 : i32
      %dma_start3A_90 = tpu.memref_slice %arg10[%multiple_of3A_66, %dma_start3A_89] : memref<10240x128xf32, #tpu.memory_space<vmem_shared>> -> memref<80x128xf32, #tpu.memory_space<vmem_shared>>
      tpu.enqueue_dma source(%dma_start3A_90 : memref<80x128xf32, #tpu.memory_space<vmem_shared>>) target(%arg9 : memref<80x128xf32, #tpu.memory_space<vmem>>) target_semaphore(%run_scoped3A : memref<!tpu.dma_semaphore, #tpu.memory_space<semaphore_mem>>)
      %dma_wait3A = arith.constant 0 : i32
      %dma_wait3A_91 = tpu.memref_slice %arg10[%multiple_of3A_66, %dma_wait3A] : memref<10240x128xf32, #tpu.memory_space<vmem_shared>> -> memref<80x128xf32, #tpu.memory_space<vmem_shared>>
      %dma_wait3A_92 = arith.constant 0 : i32
      %dma_wait3A_93 = tpu.memref_slice %arg10[%multiple_of3A_66, %dma_wait3A_92] : memref<10240x128xf32, #tpu.memory_space<vmem_shared>> -> memref<80x128xf32, #tpu.memory_space<vmem_shared>>
      tpu.wait_dma2 semaphore(%run_scoped3A : memref<!tpu.dma_semaphore, #tpu.memory_space<semaphore_mem>>) src(%dma_wait3A_93 : memref<80x128xf32, #tpu.memory_space<vmem_shared>>) dst(%arg9 : memref<80x128xf32, #tpu.memory_space<vmem>>)
      tpu.yield
    }) : () -> ()
    "tpu.region"() ({
      %run_scoped3A = tpu.sem_alloc : memref<!tpu.dma_semaphore, #tpu.memory_space<semaphore_mem>>
      %dma_start3A = arith.constant 0 : i32
      %dma_start3A_88 = tpu.memref_slice %arg6[%multiple_of3A_69, %dma_start3A] : memref<20480x128xf32, #tpu.memory_space<hbm>> -> memref<80x128xf32, #tpu.memory_space<hbm>>
      %dma_start3A_89 = arith.constant 0 : i32
      %dma_start3A_90 = tpu.memref_slice %arg6[%multiple_of3A_69, %dma_start3A_89] : memref<20480x128xf32, #tpu.memory_space<hbm>> -> memref<80x128xf32, #tpu.memory_space<hbm>>
      tpu.enqueue_dma source(%arg9 : memref<80x128xf32, #tpu.memory_space<vmem>>) target(%dma_start3A_90 : memref<80x128xf32, #tpu.memory_space<hbm>>) target_semaphore(%run_scoped3A : memref<!tpu.dma_semaphore, #tpu.memory_space<semaphore_mem>>)
      %dma_wait3A = arith.constant 0 : i32
      %dma_wait3A_91 = tpu.memref_slice %arg6[%multiple_of3A_69, %dma_wait3A] : memref<20480x128xf32, #tpu.memory_space<hbm>> -> memref<80x128xf32, #tpu.memory_space<hbm>>
      %dma_wait3A_92 = arith.constant 0 : i32
      %dma_wait3A_93 = tpu.memref_slice %arg6[%multiple_of3A_69, %dma_wait3A_92] : memref<20480x128xf32, #tpu.memory_space<hbm>> -> memref<80x128xf32, #tpu.memory_space<hbm>>
      tpu.wait_dma2 semaphore(%run_scoped3A : memref<!tpu.dma_semaphore, #tpu.memory_space<semaphore_mem>>) src(%arg9 : memref<80x128xf32, #tpu.memory_space<vmem>>) dst(%dma_wait3A_93 : memref<80x128xf32, #tpu.memory_space<hbm>>)
      tpu.yield
    }) : () -> ()
    %add3A_70 = arith.constant 400 : i32
    %add3A_71 = arith.addi %multiple_of3A, %add3A_70 : i32
    %multiple_of3A_72 = tpu.assume_multiple %add3A_71, 8 : i32
    %add3A_73 = arith.constant 400 : i32
    %add3A_74 = arith.addi %multiple_of3A_39, %add3A_73 : i32
    %multiple_of3A_75 = tpu.assume_multiple %add3A_74, 8 : i32
    "tpu.region"() ({
      %run_scoped3A = tpu.sem_alloc : memref<!tpu.dma_semaphore, #tpu.memory_space<semaphore_mem>>
      %dma_start3A = arith.constant 0 : i32
      %dma_start3A_88 = tpu.memref_slice %arg10[%multiple_of3A_72, %dma_start3A] : memref<10240x128xf32, #tpu.memory_space<vmem_shared>> -> memref<80x128xf32, #tpu.memory_space<vmem_shared>>
      %dma_start3A_89 = arith.constant 0 : i32
      %dma_start3A_90 = tpu.memref_slice %arg10[%multiple_of3A_72, %dma_start3A_89] : memref<10240x128xf32, #tpu.memory_space<vmem_shared>> -> memref<80x128xf32, #tpu.memory_space<vmem_shared>>
      tpu.enqueue_dma source(%dma_start3A_90 : memref<80x128xf32, #tpu.memory_space<vmem_shared>>) target(%arg9 : memref<80x128xf32, #tpu.memory_space<vmem>>) target_semaphore(%run_scoped3A : memref<!tpu.dma_semaphore, #tpu.memory_space<semaphore_mem>>)
      %dma_wait3A = arith.constant 0 : i32
      %dma_wait3A_91 = tpu.memref_slice %arg10[%multiple_of3A_72, %dma_wait3A] : memref<10240x128xf32, #tpu.memory_space<vmem_shared>> -> memref<80x128xf32, #tpu.memory_space<vmem_shared>>
      %dma_wait3A_92 = arith.constant 0 : i32
      %dma_wait3A_93 = tpu.memref_slice %arg10[%multiple_of3A_72, %dma_wait3A_92] : memref<10240x128xf32, #tpu.memory_space<vmem_shared>> -> memref<80x128xf32, #tpu.memory_space<vmem_shared>>
      tpu.wait_dma2 semaphore(%run_scoped3A : memref<!tpu.dma_semaphore, #tpu.memory_space<semaphore_mem>>) src(%dma_wait3A_93 : memref<80x128xf32, #tpu.memory_space<vmem_shared>>) dst(%arg9 : memref<80x128xf32, #tpu.memory_space<vmem>>)
      tpu.yield
    }) : () -> ()
    "tpu.region"() ({
      %run_scoped3A = tpu.sem_alloc : memref<!tpu.dma_semaphore, #tpu.memory_space<semaphore_mem>>
      %dma_start3A = arith.constant 0 : i32
      %dma_start3A_88 = tpu.memref_slice %arg6[%multiple_of3A_75, %dma_start3A] : memref<20480x128xf32, #tpu.memory_space<hbm>> -> memref<80x128xf32, #tpu.memory_space<hbm>>
      %dma_start3A_89 = arith.constant 0 : i32
      %dma_start3A_90 = tpu.memref_slice %arg6[%multiple_of3A_75, %dma_start3A_89] : memref<20480x128xf32, #tpu.memory_space<hbm>> -> memref<80x128xf32, #tpu.memory_space<hbm>>
      tpu.enqueue_dma source(%arg9 : memref<80x128xf32, #tpu.memory_space<vmem>>) target(%dma_start3A_90 : memref<80x128xf32, #tpu.memory_space<hbm>>) target_semaphore(%run_scoped3A : memref<!tpu.dma_semaphore, #tpu.memory_space<semaphore_mem>>)
      %dma_wait3A = arith.constant 0 : i32
      %dma_wait3A_91 = tpu.memref_slice %arg6[%multiple_of3A_75, %dma_wait3A] : memref<20480x128xf32, #tpu.memory_space<hbm>> -> memref<80x128xf32, #tpu.memory_space<hbm>>
      %dma_wait3A_92 = arith.constant 0 : i32
      %dma_wait3A_93 = tpu.memref_slice %arg6[%multiple_of3A_75, %dma_wait3A_92] : memref<20480x128xf32, #tpu.memory_space<hbm>> -> memref<80x128xf32, #tpu.memory_space<hbm>>
      tpu.wait_dma2 semaphore(%run_scoped3A : memref<!tpu.dma_semaphore, #tpu.memory_space<semaphore_mem>>) src(%arg9 : memref<80x128xf32, #tpu.memory_space<vmem>>) dst(%dma_wait3A_93 : memref<80x128xf32, #tpu.memory_space<hbm>>)
      tpu.yield
    }) : () -> ()
    %add3A_76 = arith.constant 480 : i32
    %add3A_77 = arith.addi %multiple_of3A, %add3A_76 : i32
    %multiple_of3A_78 = tpu.assume_multiple %add3A_77, 8 : i32
    %add3A_79 = arith.constant 480 : i32
    %add3A_80 = arith.addi %multiple_of3A_39, %add3A_79 : i32
    %multiple_of3A_81 = tpu.assume_multiple %add3A_80, 8 : i32
    "tpu.region"() ({
      %run_scoped3A = tpu.sem_alloc : memref<!tpu.dma_semaphore, #tpu.memory_space<semaphore_mem>>
      %dma_start3A = arith.constant 0 : i32
      %dma_start3A_88 = tpu.memref_slice %arg10[%multiple_of3A_78, %dma_start3A] : memref<10240x128xf32, #tpu.memory_space<vmem_shared>> -> memref<80x128xf32, #tpu.memory_space<vmem_shared>>
      %dma_start3A_89 = arith.constant 0 : i32
      %dma_start3A_90 = tpu.memref_slice %arg10[%multiple_of3A_78, %dma_start3A_89] : memref<10240x128xf32, #tpu.memory_space<vmem_shared>> -> memref<80x128xf32, #tpu.memory_space<vmem_shared>>
      tpu.enqueue_dma source(%dma_start3A_90 : memref<80x128xf32, #tpu.memory_space<vmem_shared>>) target(%arg9 : memref<80x128xf32, #tpu.memory_space<vmem>>) target_semaphore(%run_scoped3A : memref<!tpu.dma_semaphore, #tpu.memory_space<semaphore_mem>>)
      %dma_wait3A = arith.constant 0 : i32
      %dma_wait3A_91 = tpu.memref_slice %arg10[%multiple_of3A_78, %dma_wait3A] : memref<10240x128xf32, #tpu.memory_space<vmem_shared>> -> memref<80x128xf32, #tpu.memory_space<vmem_shared>>
      %dma_wait3A_92 = arith.constant 0 : i32
      %dma_wait3A_93 = tpu.memref_slice %arg10[%multiple_of3A_78, %dma_wait3A_92] : memref<10240x128xf32, #tpu.memory_space<vmem_shared>> -> memref<80x128xf32, #tpu.memory_space<vmem_shared>>
      tpu.wait_dma2 semaphore(%run_scoped3A : memref<!tpu.dma_semaphore, #tpu.memory_space<semaphore_mem>>) src(%dma_wait3A_93 : memref<80x128xf32, #tpu.memory_space<vmem_shared>>) dst(%arg9 : memref<80x128xf32, #tpu.memory_space<vmem>>)
      tpu.yield
    }) : () -> ()
    "tpu.region"() ({
      %run_scoped3A = tpu.sem_alloc : memref<!tpu.dma_semaphore, #tpu.memory_space<semaphore_mem>>
      %dma_start3A = arith.constant 0 : i32
      %dma_start3A_88 = tpu.memref_slice %arg6[%multiple_of3A_81, %dma_start3A] : memref<20480x128xf32, #tpu.memory_space<hbm>> -> memref<80x128xf32, #tpu.memory_space<hbm>>
      %dma_start3A_89 = arith.constant 0 : i32
      %dma_start3A_90 = tpu.memref_slice %arg6[%multiple_of3A_81, %dma_start3A_89] : memref<20480x128xf32, #tpu.memory_space<hbm>> -> memref<80x128xf32, #tpu.memory_space<hbm>>
      tpu.enqueue_dma source(%arg9 : memref<80x128xf32, #tpu.memory_space<vmem>>) target(%dma_start3A_90 : memref<80x128xf32, #tpu.memory_space<hbm>>) target_semaphore(%run_scoped3A : memref<!tpu.dma_semaphore, #tpu.memory_space<semaphore_mem>>)
      %dma_wait3A = arith.constant 0 : i32
      %dma_wait3A_91 = tpu.memref_slice %arg6[%multiple_of3A_81, %dma_wait3A] : memref<20480x128xf32, #tpu.memory_space<hbm>> -> memref<80x128xf32, #tpu.memory_space<hbm>>
      %dma_wait3A_92 = arith.constant 0 : i32
      %dma_wait3A_93 = tpu.memref_slice %arg6[%multiple_of3A_81, %dma_wait3A_92] : memref<20480x128xf32, #tpu.memory_space<hbm>> -> memref<80x128xf32, #tpu.memory_space<hbm>>
      tpu.wait_dma2 semaphore(%run_scoped3A : memref<!tpu.dma_semaphore, #tpu.memory_space<semaphore_mem>>) src(%arg9 : memref<80x128xf32, #tpu.memory_space<vmem>>) dst(%dma_wait3A_93 : memref<80x128xf32, #tpu.memory_space<hbm>>)
      tpu.yield
    }) : () -> ()
    %add3A_82 = arith.constant 560 : i32
    %add3A_83 = arith.addi %multiple_of3A, %add3A_82 : i32
    %multiple_of3A_84 = tpu.assume_multiple %add3A_83, 8 : i32
    %add3A_85 = arith.constant 560 : i32
    %add3A_86 = arith.addi %multiple_of3A_39, %add3A_85 : i32
    %multiple_of3A_87 = tpu.assume_multiple %add3A_86, 8 : i32
    "tpu.region"() ({
      %run_scoped3A = tpu.sem_alloc : memref<!tpu.dma_semaphore, #tpu.memory_space<semaphore_mem>>
      %dma_start3A = arith.constant 0 : i32
      %dma_start3A_88 = tpu.memref_slice %arg10[%multiple_of3A_84, %dma_start3A] : memref<10240x128xf32, #tpu.memory_space<vmem_shared>> -> memref<80x128xf32, #tpu.memory_space<vmem_shared>>
      %dma_start3A_89 = arith.constant 0 : i32
      %dma_start3A_90 = tpu.memref_slice %arg10[%multiple_of3A_84, %dma_start3A_89] : memref<10240x128xf32, #tpu.memory_space<vmem_shared>> -> memref<80x128xf32, #tpu.memory_space<vmem_shared>>
      tpu.enqueue_dma source(%dma_start3A_90 : memref<80x128xf32, #tpu.memory_space<vmem_shared>>) target(%arg9 : memref<80x128xf32, #tpu.memory_space<vmem>>) target_semaphore(%run_scoped3A : memref<!tpu.dma_semaphore, #tpu.memory_space<semaphore_mem>>)
      %dma_wait3A = arith.constant 0 : i32
      %dma_wait3A_91 = tpu.memref_slice %arg10[%multiple_of3A_84, %dma_wait3A] : memref<10240x128xf32, #tpu.memory_space<vmem_shared>> -> memref<80x128xf32, #tpu.memory_space<vmem_shared>>
      %dma_wait3A_92 = arith.constant 0 : i32
      %dma_wait3A_93 = tpu.memref_slice %arg10[%multiple_of3A_84, %dma_wait3A_92] : memref<10240x128xf32, #tpu.memory_space<vmem_shared>> -> memref<80x128xf32, #tpu.memory_space<vmem_shared>>
      tpu.wait_dma2 semaphore(%run_scoped3A : memref<!tpu.dma_semaphore, #tpu.memory_space<semaphore_mem>>) src(%dma_wait3A_93 : memref<80x128xf32, #tpu.memory_space<vmem_shared>>) dst(%arg9 : memref<80x128xf32, #tpu.memory_space<vmem>>)
      tpu.yield
    }) : () -> ()
    "tpu.region"() ({
      %run_scoped3A = tpu.sem_alloc : memref<!tpu.dma_semaphore, #tpu.memory_space<semaphore_mem>>
      %dma_start3A = arith.constant 0 : i32
      %dma_start3A_88 = tpu.memref_slice %arg6[%multiple_of3A_87, %dma_start3A] : memref<20480x128xf32, #tpu.memory_space<hbm>> -> memref<80x128xf32, #tpu.memory_space<hbm>>
      %dma_start3A_89 = arith.constant 0 : i32
      %dma_start3A_90 = tpu.memref_slice %arg6[%multiple_of3A_87, %dma_start3A_89] : memref<20480x128xf32, #tpu.memory_space<hbm>> -> memref<80x128xf32, #tpu.memory_space<hbm>>
      tpu.enqueue_dma source(%arg9 : memref<80x128xf32, #tpu.memory_space<vmem>>) target(%dma_start3A_90 : memref<80x128xf32, #tpu.memory_space<hbm>>) target_semaphore(%run_scoped3A : memref<!tpu.dma_semaphore, #tpu.memory_space<semaphore_mem>>)
      %dma_wait3A = arith.constant 0 : i32
      %dma_wait3A_91 = tpu.memref_slice %arg6[%multiple_of3A_87, %dma_wait3A] : memref<20480x128xf32, #tpu.memory_space<hbm>> -> memref<80x128xf32, #tpu.memory_space<hbm>>
      %dma_wait3A_92 = arith.constant 0 : i32
      %dma_wait3A_93 = tpu.memref_slice %arg6[%multiple_of3A_87, %dma_wait3A_92] : memref<20480x128xf32, #tpu.memory_space<hbm>> -> memref<80x128xf32, #tpu.memory_space<hbm>>
      tpu.wait_dma2 semaphore(%run_scoped3A : memref<!tpu.dma_semaphore, #tpu.memory_space<semaphore_mem>>) src(%arg9 : memref<80x128xf32, #tpu.memory_space<vmem>>) dst(%dma_wait3A_93 : memref<80x128xf32, #tpu.memory_space<hbm>>)
      tpu.yield
    }) : () -> ()
    return
  }
}

#map = affine_map<(d0, d1) -> (0)>
#map1 = affine_map<(d0, d1) -> (0, 0)>
module attributes {stable_mosaic.version = 14 : i64} {
  func.func @body(%arg0: i32, %arg1: i32, %arg2: memref<320000xi32, #tpu.memory_space<hbm>>, %arg3: memref<320000xi32, #tpu.memory_space<hbm>>, %arg4: memref<320000x128xf32, #tpu.memory_space<hbm>>, %arg5: memref<80x128xf32, #tpu.memory_space<hbm>>, %arg6: memref<20480x128xf32, #tpu.memory_space<hbm>>, %arg7: memref<80xi32, #tpu.memory_space<vmem>>, %arg8: memref<80xi32, #tpu.memory_space<vmem>>, %arg9: memref<80x128xf32, #tpu.memory_space<vmem>>, %arg10: memref<10240x128xf32, #tpu.memory_space<vmem_shared>>, %arg11: memref<!tpu.dma_semaphore, #tpu.memory_space<semaphore_mem>>) attributes {dimension_semantics = [#tpu.dimension_semantics<core_parallel>, #tpu.dimension_semantics<subcore_parallel>], iteration_bounds = array<i64: 2, 16>, scalar_prefetch = 0 : i64, scratch_operands = 5 : i64, tpu.core_type = #tpu.core_type<sc_vector_subcore>, window_params = [{transform_indices = #map}, {transform_indices = #map}, {transform_indices = #map1}, {transform_indices = #map1}, {transform_indices = #map1}]} {
    %mul3A = arith.constant 16 : i32
    %mul3A_0 = arith.muli %arg0, %mul3A : i32
    %add3A = arith.addi %mul3A_0, %arg1 : i32
    %mul3A_1 = arith.constant 640 : i32
    %mul3A_2 = arith.muli %arg1, %mul3A_1 : i32
    %multiple_of3A = tpu.assume_multiple %mul3A_2, 8 : i32
    "tpu.region"() ({
      %run_scoped3A = tpu.sem_alloc : memref<!tpu.dma_semaphore, #tpu.memory_space<semaphore_mem>>
      tpu.enqueue_dma source(%arg5 : memref<80x128xf32, #tpu.memory_space<hbm>>) target(%arg9 : memref<80x128xf32, #tpu.memory_space<vmem>>) target_semaphore(%run_scoped3A : memref<!tpu.dma_semaphore, #tpu.memory_space<semaphore_mem>>)
      tpu.wait_dma2 semaphore(%run_scoped3A : memref<!tpu.dma_semaphore, #tpu.memory_space<semaphore_mem>>) src(%arg5 : memref<80x128xf32, #tpu.memory_space<hbm>>) dst(%arg9 : memref<80x128xf32, #tpu.memory_space<vmem>>)
      tpu.yield
    }) : () -> ()
    %add3A_3 = arith.constant 0 : i32
    %add3A_4 = arith.addi %multiple_of3A, %add3A_3 : i32
    %multiple_of3A_5 = tpu.assume_multiple %add3A_4, 8 : i32
    "tpu.region"() ({
      %run_scoped3A = tpu.sem_alloc : memref<!tpu.dma_semaphore, #tpu.memory_space<semaphore_mem>>
      %dma_start3A = arith.constant 0 : i32
      %dma_start3A_88 = tpu.memref_slice %arg10[%multiple_of3A_5, %dma_start3A] : memref<10240x128xf32, #tpu.memory_space<vmem_shared>> -> memref<80x128xf32, #tpu.memory_space<vmem_shared>>
      %dma_start3A_89 = arith.constant 0 : i32
      %dma_start3A_90 = tpu.memref_slice %arg10[%multiple_of3A_5, %dma_start3A_89] : memref<10240x128xf32, #tpu.memory_space<vmem_shared>> -> memref<80x128xf32, #tpu.memory_space<vmem_shared>>
      tpu.enqueue_dma source(%arg9 : memref<80x128xf32, #tpu.memory_space<vmem>>) target(%dma_start3A_90 : memref<80x128xf32, #tpu.memory_space<vmem_shared>>) target_semaphore(%run_scoped3A : memref<!tpu.dma_semaphore, #tpu.memory_space<semaphore_mem>>)
      %dma_wait3A = arith.constant 0 : i32
      %dma_wait3A_91 = tpu.memref_slice %arg10[%multiple_of3A_5, %dma_wait3A] : memref<10240x128xf32, #tpu.memory_space<vmem_shared>> -> memref<80x128xf32, #tpu.memory_space<vmem_shared>>
      %dma_wait3A_92 = arith.constant 0 : i32
      %dma_wait3A_93 = tpu.memref_slice %arg10[%multiple_of3A_5, %dma_wait3A_92] : memref<10240x128xf32, #tpu.memory_space<vmem_shared>> -> memref<80x128xf32, #tpu.memory_space<vmem_shared>>
      tpu.wait_dma2 semaphore(%run_scoped3A : memref<!tpu.dma_semaphore, #tpu.memory_space<semaphore_mem>>) src(%arg9 : memref<80x128xf32, #tpu.memory_space<vmem>>) dst(%dma_wait3A_93 : memref<80x128xf32, #tpu.memory_space<vmem_shared>>)
      tpu.yield
    }) : () -> ()
    %add3A_6 = arith.constant 80 : i32
    %add3A_7 = arith.addi %multiple_of3A, %add3A_6 : i32
    %multiple_of3A_8 = tpu.assume_multiple %add3A_7, 8 : i32
    "tpu.region"() ({
      %run_scoped3A = tpu.sem_alloc : memref<!tpu.dma_semaphore, #tpu.memory_space<semaphore_mem>>
      %dma_start3A = arith.constant 0 : i32
      %dma_start3A_88 = tpu.memref_slice %arg10[%multiple_of3A_8, %dma_start3A] : memref<10240x128xf32, #tpu.memory_space<vmem_shared>> -> memref<80x128xf32, #tpu.memory_space<vmem_shared>>
      %dma_start3A_89 = arith.constant 0 : i32
      %dma_start3A_90 = tpu.memref_slice %arg10[%multiple_of3A_8, %dma_start3A_89] : memref<10240x128xf32, #tpu.memory_space<vmem_shared>> -> memref<80x128xf32, #tpu.memory_space<vmem_shared>>
      tpu.enqueue_dma source(%arg9 : memref<80x128xf32, #tpu.memory_space<vmem>>) target(%dma_start3A_90 : memref<80x128xf32, #tpu.memory_space<vmem_shared>>) target_semaphore(%run_scoped3A : memref<!tpu.dma_semaphore, #tpu.memory_space<semaphore_mem>>)
      %dma_wait3A = arith.constant 0 : i32
      %dma_wait3A_91 = tpu.memref_slice %arg10[%multiple_of3A_8, %dma_wait3A] : memref<10240x128xf32, #tpu.memory_space<vmem_shared>> -> memref<80x128xf32, #tpu.memory_space<vmem_shared>>
      %dma_wait3A_92 = arith.constant 0 : i32
      %dma_wait3A_93 = tpu.memref_slice %arg10[%multiple_of3A_8, %dma_wait3A_92] : memref<10240x128xf32, #tpu.memory_space<vmem_shared>> -> memref<80x128xf32, #tpu.memory_space<vmem_shared>>
      tpu.wait_dma2 semaphore(%run_scoped3A : memref<!tpu.dma_semaphore, #tpu.memory_space<semaphore_mem>>) src(%arg9 : memref<80x128xf32, #tpu.memory_space<vmem>>) dst(%dma_wait3A_93 : memref<80x128xf32, #tpu.memory_space<vmem_shared>>)
      tpu.yield
    }) : () -> ()
    %add3A_9 = arith.constant 160 : i32
    %add3A_10 = arith.addi %multiple_of3A, %add3A_9 : i32
    %multiple_of3A_11 = tpu.assume_multiple %add3A_10, 8 : i32
    "tpu.region"() ({
      %run_scoped3A = tpu.sem_alloc : memref<!tpu.dma_semaphore, #tpu.memory_space<semaphore_mem>>
      %dma_start3A = arith.constant 0 : i32
      %dma_start3A_88 = tpu.memref_slice %arg10[%multiple_of3A_11, %dma_start3A] : memref<10240x128xf32, #tpu.memory_space<vmem_shared>> -> memref<80x128xf32, #tpu.memory_space<vmem_shared>>
      %dma_start3A_89 = arith.constant 0 : i32
      %dma_start3A_90 = tpu.memref_slice %arg10[%multiple_of3A_11, %dma_start3A_89] : memref<10240x128xf32, #tpu.memory_space<vmem_shared>> -> memref<80x128xf32, #tpu.memory_space<vmem_shared>>
      tpu.enqueue_dma source(%arg9 : memref<80x128xf32, #tpu.memory_space<vmem>>) target(%dma_start3A_90 : memref<80x128xf32, #tpu.memory_space<vmem_shared>>) target_semaphore(%run_scoped3A : memref<!tpu.dma_semaphore, #tpu.memory_space<semaphore_mem>>)
      %dma_wait3A = arith.constant 0 : i32
      %dma_wait3A_91 = tpu.memref_slice %arg10[%multiple_of3A_11, %dma_wait3A] : memref<10240x128xf32, #tpu.memory_space<vmem_shared>> -> memref<80x128xf32, #tpu.memory_space<vmem_shared>>
      %dma_wait3A_92 = arith.constant 0 : i32
      %dma_wait3A_93 = tpu.memref_slice %arg10[%multiple_of3A_11, %dma_wait3A_92] : memref<10240x128xf32, #tpu.memory_space<vmem_shared>> -> memref<80x128xf32, #tpu.memory_space<vmem_shared>>
      tpu.wait_dma2 semaphore(%run_scoped3A : memref<!tpu.dma_semaphore, #tpu.memory_space<semaphore_mem>>) src(%arg9 : memref<80x128xf32, #tpu.memory_space<vmem>>) dst(%dma_wait3A_93 : memref<80x128xf32, #tpu.memory_space<vmem_shared>>)
      tpu.yield
    }) : () -> ()
    %add3A_12 = arith.constant 240 : i32
    %add3A_13 = arith.addi %multiple_of3A, %add3A_12 : i32
    %multiple_of3A_14 = tpu.assume_multiple %add3A_13, 8 : i32
    "tpu.region"() ({
      %run_scoped3A = tpu.sem_alloc : memref<!tpu.dma_semaphore, #tpu.memory_space<semaphore_mem>>
      %dma_start3A = arith.constant 0 : i32
      %dma_start3A_88 = tpu.memref_slice %arg10[%multiple_of3A_14, %dma_start3A] : memref<10240x128xf32, #tpu.memory_space<vmem_shared>> -> memref<80x128xf32, #tpu.memory_space<vmem_shared>>
      %dma_start3A_89 = arith.constant 0 : i32
      %dma_start3A_90 = tpu.memref_slice %arg10[%multiple_of3A_14, %dma_start3A_89] : memref<10240x128xf32, #tpu.memory_space<vmem_shared>> -> memref<80x128xf32, #tpu.memory_space<vmem_shared>>
      tpu.enqueue_dma source(%arg9 : memref<80x128xf32, #tpu.memory_space<vmem>>) target(%dma_start3A_90 : memref<80x128xf32, #tpu.memory_space<vmem_shared>>) target_semaphore(%run_scoped3A : memref<!tpu.dma_semaphore, #tpu.memory_space<semaphore_mem>>)
      %dma_wait3A = arith.constant 0 : i32
      %dma_wait3A_91 = tpu.memref_slice %arg10[%multiple_of3A_14, %dma_wait3A] : memref<10240x128xf32, #tpu.memory_space<vmem_shared>> -> memref<80x128xf32, #tpu.memory_space<vmem_shared>>
      %dma_wait3A_92 = arith.constant 0 : i32
      %dma_wait3A_93 = tpu.memref_slice %arg10[%multiple_of3A_14, %dma_wait3A_92] : memref<10240x128xf32, #tpu.memory_space<vmem_shared>> -> memref<80x128xf32, #tpu.memory_space<vmem_shared>>
      tpu.wait_dma2 semaphore(%run_scoped3A : memref<!tpu.dma_semaphore, #tpu.memory_space<semaphore_mem>>) src(%arg9 : memref<80x128xf32, #tpu.memory_space<vmem>>) dst(%dma_wait3A_93 : memref<80x128xf32, #tpu.memory_space<vmem_shared>>)
      tpu.yield
    }) : () -> ()
    %add3A_15 = arith.constant 320 : i32
    %add3A_16 = arith.addi %multiple_of3A, %add3A_15 : i32
    %multiple_of3A_17 = tpu.assume_multiple %add3A_16, 8 : i32
    "tpu.region"() ({
      %run_scoped3A = tpu.sem_alloc : memref<!tpu.dma_semaphore, #tpu.memory_space<semaphore_mem>>
      %dma_start3A = arith.constant 0 : i32
      %dma_start3A_88 = tpu.memref_slice %arg10[%multiple_of3A_17, %dma_start3A] : memref<10240x128xf32, #tpu.memory_space<vmem_shared>> -> memref<80x128xf32, #tpu.memory_space<vmem_shared>>
      %dma_start3A_89 = arith.constant 0 : i32
      %dma_start3A_90 = tpu.memref_slice %arg10[%multiple_of3A_17, %dma_start3A_89] : memref<10240x128xf32, #tpu.memory_space<vmem_shared>> -> memref<80x128xf32, #tpu.memory_space<vmem_shared>>
      tpu.enqueue_dma source(%arg9 : memref<80x128xf32, #tpu.memory_space<vmem>>) target(%dma_start3A_90 : memref<80x128xf32, #tpu.memory_space<vmem_shared>>) target_semaphore(%run_scoped3A : memref<!tpu.dma_semaphore, #tpu.memory_space<semaphore_mem>>)
      %dma_wait3A = arith.constant 0 : i32
      %dma_wait3A_91 = tpu.memref_slice %arg10[%multiple_of3A_17, %dma_wait3A] : memref<10240x128xf32, #tpu.memory_space<vmem_shared>> -> memref<80x128xf32, #tpu.memory_space<vmem_shared>>
      %dma_wait3A_92 = arith.constant 0 : i32
      %dma_wait3A_93 = tpu.memref_slice %arg10[%multiple_of3A_17, %dma_wait3A_92] : memref<10240x128xf32, #tpu.memory_space<vmem_shared>> -> memref<80x128xf32, #tpu.memory_space<vmem_shared>>
      tpu.wait_dma2 semaphore(%run_scoped3A : memref<!tpu.dma_semaphore, #tpu.memory_space<semaphore_mem>>) src(%arg9 : memref<80x128xf32, #tpu.memory_space<vmem>>) dst(%dma_wait3A_93 : memref<80x128xf32, #tpu.memory_space<vmem_shared>>)
      tpu.yield
    }) : () -> ()
    %add3A_18 = arith.constant 400 : i32
    %add3A_19 = arith.addi %multiple_of3A, %add3A_18 : i32
    %multiple_of3A_20 = tpu.assume_multiple %add3A_19, 8 : i32
    "tpu.region"() ({
      %run_scoped3A = tpu.sem_alloc : memref<!tpu.dma_semaphore, #tpu.memory_space<semaphore_mem>>
      %dma_start3A = arith.constant 0 : i32
      %dma_start3A_88 = tpu.memref_slice %arg10[%multiple_of3A_20, %dma_start3A] : memref<10240x128xf32, #tpu.memory_space<vmem_shared>> -> memref<80x128xf32, #tpu.memory_space<vmem_shared>>
      %dma_start3A_89 = arith.constant 0 : i32
      %dma_start3A_90 = tpu.memref_slice %arg10[%multiple_of3A_20, %dma_start3A_89] : memref<10240x128xf32, #tpu.memory_space<vmem_shared>> -> memref<80x128xf32, #tpu.memory_space<vmem_shared>>
      tpu.enqueue_dma source(%arg9 : memref<80x128xf32, #tpu.memory_space<vmem>>) target(%dma_start3A_90 : memref<80x128xf32, #tpu.memory_space<vmem_shared>>) target_semaphore(%run_scoped3A : memref<!tpu.dma_semaphore, #tpu.memory_space<semaphore_mem>>)
      %dma_wait3A = arith.constant 0 : i32
      %dma_wait3A_91 = tpu.memref_slice %arg10[%multiple_of3A_20, %dma_wait3A] : memref<10240x128xf32, #tpu.memory_space<vmem_shared>> -> memref<80x128xf32, #tpu.memory_space<vmem_shared>>
      %dma_wait3A_92 = arith.constant 0 : i32
      %dma_wait3A_93 = tpu.memref_slice %arg10[%multiple_of3A_20, %dma_wait3A_92] : memref<10240x128xf32, #tpu.memory_space<vmem_shared>> -> memref<80x128xf32, #tpu.memory_space<vmem_shared>>
      tpu.wait_dma2 semaphore(%run_scoped3A : memref<!tpu.dma_semaphore, #tpu.memory_space<semaphore_mem>>) src(%arg9 : memref<80x128xf32, #tpu.memory_space<vmem>>) dst(%dma_wait3A_93 : memref<80x128xf32, #tpu.memory_space<vmem_shared>>)
      tpu.yield
    }) : () -> ()
    %add3A_21 = arith.constant 480 : i32
    %add3A_22 = arith.addi %multiple_of3A, %add3A_21 : i32
    %multiple_of3A_23 = tpu.assume_multiple %add3A_22, 8 : i32
    "tpu.region"() ({
      %run_scoped3A = tpu.sem_alloc : memref<!tpu.dma_semaphore, #tpu.memory_space<semaphore_mem>>
      %dma_start3A = arith.constant 0 : i32
      %dma_start3A_88 = tpu.memref_slice %arg10[%multiple_of3A_23, %dma_start3A] : memref<10240x128xf32, #tpu.memory_space<vmem_shared>> -> memref<80x128xf32, #tpu.memory_space<vmem_shared>>
      %dma_start3A_89 = arith.constant 0 : i32
      %dma_start3A_90 = tpu.memref_slice %arg10[%multiple_of3A_23, %dma_start3A_89] : memref<10240x128xf32, #tpu.memory_space<vmem_shared>> -> memref<80x128xf32, #tpu.memory_space<vmem_shared>>
      tpu.enqueue_dma source(%arg9 : memref<80x128xf32, #tpu.memory_space<vmem>>) target(%dma_start3A_90 : memref<80x128xf32, #tpu.memory_space<vmem_shared>>) target_semaphore(%run_scoped3A : memref<!tpu.dma_semaphore, #tpu.memory_space<semaphore_mem>>)
      %dma_wait3A = arith.constant 0 : i32
      %dma_wait3A_91 = tpu.memref_slice %arg10[%multiple_of3A_23, %dma_wait3A] : memref<10240x128xf32, #tpu.memory_space<vmem_shared>> -> memref<80x128xf32, #tpu.memory_space<vmem_shared>>
      %dma_wait3A_92 = arith.constant 0 : i32
      %dma_wait3A_93 = tpu.memref_slice %arg10[%multiple_of3A_23, %dma_wait3A_92] : memref<10240x128xf32, #tpu.memory_space<vmem_shared>> -> memref<80x128xf32, #tpu.memory_space<vmem_shared>>
      tpu.wait_dma2 semaphore(%run_scoped3A : memref<!tpu.dma_semaphore, #tpu.memory_space<semaphore_mem>>) src(%arg9 : memref<80x128xf32, #tpu.memory_space<vmem>>) dst(%dma_wait3A_93 : memref<80x128xf32, #tpu.memory_space<vmem_shared>>)
      tpu.yield
    }) : () -> ()
    %add3A_24 = arith.constant 560 : i32
    %add3A_25 = arith.addi %multiple_of3A, %add3A_24 : i32
    %multiple_of3A_26 = tpu.assume_multiple %add3A_25, 8 : i32
    "tpu.region"() ({
      %run_scoped3A = tpu.sem_alloc : memref<!tpu.dma_semaphore, #tpu.memory_space<semaphore_mem>>
      %dma_start3A = arith.constant 0 : i32
      %dma_start3A_88 = tpu.memref_slice %arg10[%multiple_of3A_26, %dma_start3A] : memref<10240x128xf32, #tpu.memory_space<vmem_shared>> -> memref<80x128xf32, #tpu.memory_space<vmem_shared>>
      %dma_start3A_89 = arith.constant 0 : i32
      %dma_start3A_90 = tpu.memref_slice %arg10[%multiple_of3A_26, %dma_start3A_89] : memref<10240x128xf32, #tpu.memory_space<vmem_shared>> -> memref<80x128xf32, #tpu.memory_space<vmem_shared>>
      tpu.enqueue_dma source(%arg9 : memref<80x128xf32, #tpu.memory_space<vmem>>) target(%dma_start3A_90 : memref<80x128xf32, #tpu.memory_space<vmem_shared>>) target_semaphore(%run_scoped3A : memref<!tpu.dma_semaphore, #tpu.memory_space<semaphore_mem>>)
      %dma_wait3A = arith.constant 0 : i32
      %dma_wait3A_91 = tpu.memref_slice %arg10[%multiple_of3A_26, %dma_wait3A] : memref<10240x128xf32, #tpu.memory_space<vmem_shared>> -> memref<80x128xf32, #tpu.memory_space<vmem_shared>>
      %dma_wait3A_92 = arith.constant 0 : i32
      %dma_wait3A_93 = tpu.memref_slice %arg10[%multiple_of3A_26, %dma_wait3A_92] : memref<10240x128xf32, #tpu.memory_space<vmem_shared>> -> memref<80x128xf32, #tpu.memory_space<vmem_shared>>
      tpu.wait_dma2 semaphore(%run_scoped3A : memref<!tpu.dma_semaphore, #tpu.memory_space<semaphore_mem>>) src(%arg9 : memref<80x128xf32, #tpu.memory_space<vmem>>) dst(%dma_wait3A_93 : memref<80x128xf32, #tpu.memory_space<vmem_shared>>)
      tpu.yield
    }) : () -> ()
    %barrier3A = arith.constant 0 : index
    tpu.barrier barrier_id(%barrier3A)
    %scan3A = arith.constant 0 : i32
    %scan3A_27 = arith.constant 0 : i32
    %scan3A_28 = arith.constant 125 : i32
    %scan3A_29 = arith.addi %scan3A_27, %scan3A_28 : i32
    %scan3A_30 = arith.constant 1 : i32
    %scan3A_31 = scf.for %scan3A_88 = %scan3A_27 to %scan3A_29 step %scan3A_30 iter_args(%scan3A_89 = %scan3A) -> (i32)  : i32 {
      %mul3A_90 = arith.constant 10000 : i32
      %mul3A_91 = arith.muli %add3A, %mul3A_90 : i32
      %mul3A_92 = arith.constant 80 : i32
      %mul3A_93 = arith.muli %scan3A_88, %mul3A_92 : i32
      %add3A_94 = arith.addi %mul3A_91, %mul3A_93 : i32
      %multiple_of3A_95 = tpu.assume_multiple %add3A_94, 8 : i32
      "tpu.region"() ({
        %run_scoped3A = tpu.sem_alloc : memref<!tpu.dma_semaphore, #tpu.memory_space<semaphore_mem>>
        %dma_start3A = tpu.memref_slice %arg3[%multiple_of3A_95] : memref<320000xi32, #tpu.memory_space<hbm>> -> memref<80xi32, #tpu.memory_space<hbm>>
        %dma_start3A_97 = tpu.memref_slice %arg3[%multiple_of3A_95] : memref<320000xi32, #tpu.memory_space<hbm>> -> memref<80xi32, #tpu.memory_space<hbm>>
        tpu.enqueue_dma source(%dma_start3A_97 : memref<80xi32, #tpu.memory_space<hbm>>) target(%arg8 : memref<80xi32, #tpu.memory_space<vmem>>) target_semaphore(%run_scoped3A : memref<!tpu.dma_semaphore, #tpu.memory_space<semaphore_mem>>)
        %dma_wait3A = tpu.memref_slice %arg3[%multiple_of3A_95] : memref<320000xi32, #tpu.memory_space<hbm>> -> memref<80xi32, #tpu.memory_space<hbm>>
        %dma_wait3A_98 = tpu.memref_slice %arg3[%multiple_of3A_95] : memref<320000xi32, #tpu.memory_space<hbm>> -> memref<80xi32, #tpu.memory_space<hbm>>
        tpu.wait_dma2 semaphore(%run_scoped3A : memref<!tpu.dma_semaphore, #tpu.memory_space<semaphore_mem>>) src(%dma_wait3A_98 : memref<80xi32, #tpu.memory_space<hbm>>) dst(%arg8 : memref<80xi32, #tpu.memory_space<vmem>>)
        tpu.yield
      }) : () -> ()
      "tpu.region"() ({
        %run_scoped3A = tpu.sem_alloc : memref<!tpu.dma_semaphore, #tpu.memory_space<semaphore_mem>>
        %dma_start3A = arith.constant 0 : i32
        %dma_start3A_97 = tpu.memref_slice %arg4[%multiple_of3A_95, %dma_start3A] : memref<320000x128xf32, #tpu.memory_space<hbm>> -> memref<80x128xf32, #tpu.memory_space<hbm>>
        %dma_start3A_98 = arith.constant 0 : i32
        %dma_start3A_99 = tpu.memref_slice %arg4[%multiple_of3A_95, %dma_start3A_98] : memref<320000x128xf32, #tpu.memory_space<hbm>> -> memref<80x128xf32, #tpu.memory_space<hbm>>
        tpu.enqueue_dma source(%dma_start3A_99 : memref<80x128xf32, #tpu.memory_space<hbm>>) target(%arg9 : memref<80x128xf32, #tpu.memory_space<vmem>>) target_semaphore(%run_scoped3A : memref<!tpu.dma_semaphore, #tpu.memory_space<semaphore_mem>>)
        %dma_wait3A = arith.constant 0 : i32
        %dma_wait3A_100 = tpu.memref_slice %arg4[%multiple_of3A_95, %dma_wait3A] : memref<320000x128xf32, #tpu.memory_space<hbm>> -> memref<80x128xf32, #tpu.memory_space<hbm>>
        %dma_wait3A_101 = arith.constant 0 : i32
        %dma_wait3A_102 = tpu.memref_slice %arg4[%multiple_of3A_95, %dma_wait3A_101] : memref<320000x128xf32, #tpu.memory_space<hbm>> -> memref<80x128xf32, #tpu.memory_space<hbm>>
        tpu.wait_dma2 semaphore(%run_scoped3A : memref<!tpu.dma_semaphore, #tpu.memory_space<semaphore_mem>>) src(%dma_wait3A_102 : memref<80x128xf32, #tpu.memory_space<hbm>>) dst(%arg9 : memref<80x128xf32, #tpu.memory_space<vmem>>)
        tpu.yield
      }) : () -> ()
      "tpu.region"() ({
        %run_scoped3A = tpu.sem_alloc : memref<!tpu.dma_semaphore, #tpu.memory_space<semaphore_mem>>
        %dma_start3A = arith.constant 0 : i32
        %dma_start3A_97 = arith.constant 0 : i32
        %dma_start3A_98 = tpu.memref_slice %arg10[%dma_start3A, %dma_start3A_97] : memref<10240x128xf32, #tpu.memory_space<vmem_shared>> -> memref<10240x128xf32, #tpu.memory_space<vmem_shared>>
        tpu.enqueue_indirect_dma source(%arg9 : memref<80x128xf32, #tpu.memory_space<vmem>>) target(%dma_start3A_98 : memref<10240x128xf32, #tpu.memory_space<vmem_shared>>) offsets(%arg8 : memref<80xi32, #tpu.memory_space<vmem>>) semaphore(%run_scoped3A : memref<!tpu.dma_semaphore, #tpu.memory_space<semaphore_mem>>) {add = true}
        %dma_wait3A = arith.constant 0 : i32
        %dma_wait3A_99 = arith.constant 0 : i32
        %dma_wait3A_100 = tpu.memref_slice %arg10[%dma_wait3A, %dma_wait3A_99] : memref<10240x128xf32, #tpu.memory_space<vmem_shared>> -> memref<10240x128xf32, #tpu.memory_space<vmem_shared>>
        tpu.wait_indirect_dma semaphore(%run_scoped3A : memref<!tpu.dma_semaphore, #tpu.memory_space<semaphore_mem>>) src(%arg9 : memref<80x128xf32, #tpu.memory_space<vmem>>) dst(%dma_wait3A_100 : memref<10240x128xf32, #tpu.memory_space<vmem_shared>>)
        tpu.yield
      }) : () -> ()
      %scan3A_96 = arith.constant 0 : i32
      scf.yield %scan3A_96 : i32
    }
    %scan3A_32 = arith.constant 125 : i32
    %barrier3A_33 = arith.constant 0 : index
    tpu.barrier barrier_id(%barrier3A_33)
    %mul3A_34 = arith.constant 10240 : i32
    %mul3A_35 = arith.muli %arg0, %mul3A_34 : i32
    %mul3A_36 = arith.constant 640 : i32
    %mul3A_37 = arith.muli %arg1, %mul3A_36 : i32
    %add3A_38 = arith.addi %mul3A_35, %mul3A_37 : i32
    %multiple_of3A_39 = tpu.assume_multiple %add3A_38, 8 : i32
    %add3A_40 = arith.constant 0 : i32
    %add3A_41 = arith.addi %multiple_of3A, %add3A_40 : i32
    %multiple_of3A_42 = tpu.assume_multiple %add3A_41, 8 : i32
    %add3A_43 = arith.constant 0 : i32
    %add3A_44 = arith.addi %multiple_of3A_39, %add3A_43 : i32
    %multiple_of3A_45 = tpu.assume_multiple %add3A_44, 8 : i32
    "tpu.region"() ({
      %run_scoped3A = tpu.sem_alloc : memref<!tpu.dma_semaphore, #tpu.memory_space<semaphore_mem>>
      %dma_start3A = arith.constant 0 : i32
      %dma_start3A_88 = tpu.memref_slice %arg10[%multiple_of3A_42, %dma_start3A] : memref<10240x128xf32, #tpu.memory_space<vmem_shared>> -> memref<80x128xf32, #tpu.memory_space<vmem_shared>>
      %dma_start3A_89 = arith.constant 0 : i32
      %dma_start3A_90 = tpu.memref_slice %arg10[%multiple_of3A_42, %dma_start3A_89] : memref<10240x128xf32, #tpu.memory_space<vmem_shared>> -> memref<80x128xf32, #tpu.memory_space<vmem_shared>>
      tpu.enqueue_dma source(%dma_start3A_90 : memref<80x128xf32, #tpu.memory_space<vmem_shared>>) target(%arg9 : memref<80x128xf32, #tpu.memory_space<vmem>>) target_semaphore(%run_scoped3A : memref<!tpu.dma_semaphore, #tpu.memory_space<semaphore_mem>>)
      %dma_wait3A = arith.constant 0 : i32
      %dma_wait3A_91 = tpu.memref_slice %arg10[%multiple_of3A_42, %dma_wait3A] : memref<10240x128xf32, #tpu.memory_space<vmem_shared>> -> memref<80x128xf32, #tpu.memory_space<vmem_shared>>
      %dma_wait3A_92 = arith.constant 0 : i32
      %dma_wait3A_93 = tpu.memref_slice %arg10[%multiple_of3A_42, %dma_wait3A_92] : memref<10240x128xf32, #tpu.memory_space<vmem_shared>> -> memref<80x128xf32, #tpu.memory_space<vmem_shared>>
      tpu.wait_dma2 semaphore(%run_scoped3A : memref<!tpu.dma_semaphore, #tpu.memory_space<semaphore_mem>>) src(%dma_wait3A_93 : memref<80x128xf32, #tpu.memory_space<vmem_shared>>) dst(%arg9 : memref<80x128xf32, #tpu.memory_space<vmem>>)
      tpu.yield
    }) : () -> ()
    "tpu.region"() ({
      %run_scoped3A = tpu.sem_alloc : memref<!tpu.dma_semaphore, #tpu.memory_space<semaphore_mem>>
      %dma_start3A = arith.constant 0 : i32
      %dma_start3A_88 = tpu.memref_slice %arg6[%multiple_of3A_45, %dma_start3A] : memref<20480x128xf32, #tpu.memory_space<hbm>> -> memref<80x128xf32, #tpu.memory_space<hbm>>
      %dma_start3A_89 = arith.constant 0 : i32
      %dma_start3A_90 = tpu.memref_slice %arg6[%multiple_of3A_45, %dma_start3A_89] : memref<20480x128xf32, #tpu.memory_space<hbm>> -> memref<80x128xf32, #tpu.memory_space<hbm>>
      tpu.enqueue_dma source(%arg9 : memref<80x128xf32, #tpu.memory_space<vmem>>) target(%dma_start3A_90 : memref<80x128xf32, #tpu.memory_space<hbm>>) target_semaphore(%run_scoped3A : memref<!tpu.dma_semaphore, #tpu.memory_space<semaphore_mem>>)
      %dma_wait3A = arith.constant 0 : i32
      %dma_wait3A_91 = tpu.memref_slice %arg6[%multiple_of3A_45, %dma_wait3A] : memref<20480x128xf32, #tpu.memory_space<hbm>> -> memref<80x128xf32, #tpu.memory_space<hbm>>
      %dma_wait3A_92 = arith.constant 0 : i32
      %dma_wait3A_93 = tpu.memref_slice %arg6[%multiple_of3A_45, %dma_wait3A_92] : memref<20480x128xf32, #tpu.memory_space<hbm>> -> memref<80x128xf32, #tpu.memory_space<hbm>>
      tpu.wait_dma2 semaphore(%run_scoped3A : memref<!tpu.dma_semaphore, #tpu.memory_space<semaphore_mem>>) src(%arg9 : memref<80x128xf32, #tpu.memory_space<vmem>>) dst(%dma_wait3A_93 : memref<80x128xf32, #tpu.memory_space<hbm>>)
      tpu.yield
    }) : () -> ()
    %add3A_46 = arith.constant 80 : i32
    %add3A_47 = arith.addi %multiple_of3A, %add3A_46 : i32
    %multiple_of3A_48 = tpu.assume_multiple %add3A_47, 8 : i32
    %add3A_49 = arith.constant 80 : i32
    %add3A_50 = arith.addi %multiple_of3A_39, %add3A_49 : i32
    %multiple_of3A_51 = tpu.assume_multiple %add3A_50, 8 : i32
    "tpu.region"() ({
      %run_scoped3A = tpu.sem_alloc : memref<!tpu.dma_semaphore, #tpu.memory_space<semaphore_mem>>
      %dma_start3A = arith.constant 0 : i32
      %dma_start3A_88 = tpu.memref_slice %arg10[%multiple_of3A_48, %dma_start3A] : memref<10240x128xf32, #tpu.memory_space<vmem_shared>> -> memref<80x128xf32, #tpu.memory_space<vmem_shared>>
      %dma_start3A_89 = arith.constant 0 : i32
      %dma_start3A_90 = tpu.memref_slice %arg10[%multiple_of3A_48, %dma_start3A_89] : memref<10240x128xf32, #tpu.memory_space<vmem_shared>> -> memref<80x128xf32, #tpu.memory_space<vmem_shared>>
      tpu.enqueue_dma source(%dma_start3A_90 : memref<80x128xf32, #tpu.memory_space<vmem_shared>>) target(%arg9 : memref<80x128xf32, #tpu.memory_space<vmem>>) target_semaphore(%run_scoped3A : memref<!tpu.dma_semaphore, #tpu.memory_space<semaphore_mem>>)
      %dma_wait3A = arith.constant 0 : i32
      %dma_wait3A_91 = tpu.memref_slice %arg10[%multiple_of3A_48, %dma_wait3A] : memref<10240x128xf32, #tpu.memory_space<vmem_shared>> -> memref<80x128xf32, #tpu.memory_space<vmem_shared>>
      %dma_wait3A_92 = arith.constant 0 : i32
      %dma_wait3A_93 = tpu.memref_slice %arg10[%multiple_of3A_48, %dma_wait3A_92] : memref<10240x128xf32, #tpu.memory_space<vmem_shared>> -> memref<80x128xf32, #tpu.memory_space<vmem_shared>>
      tpu.wait_dma2 semaphore(%run_scoped3A : memref<!tpu.dma_semaphore, #tpu.memory_space<semaphore_mem>>) src(%dma_wait3A_93 : memref<80x128xf32, #tpu.memory_space<vmem_shared>>) dst(%arg9 : memref<80x128xf32, #tpu.memory_space<vmem>>)
      tpu.yield
    }) : () -> ()
    "tpu.region"() ({
      %run_scoped3A = tpu.sem_alloc : memref<!tpu.dma_semaphore, #tpu.memory_space<semaphore_mem>>
      %dma_start3A = arith.constant 0 : i32
      %dma_start3A_88 = tpu.memref_slice %arg6[%multiple_of3A_51, %dma_start3A] : memref<20480x128xf32, #tpu.memory_space<hbm>> -> memref<80x128xf32, #tpu.memory_space<hbm>>
      %dma_start3A_89 = arith.constant 0 : i32
      %dma_start3A_90 = tpu.memref_slice %arg6[%multiple_of3A_51, %dma_start3A_89] : memref<20480x128xf32, #tpu.memory_space<hbm>> -> memref<80x128xf32, #tpu.memory_space<hbm>>
      tpu.enqueue_dma source(%arg9 : memref<80x128xf32, #tpu.memory_space<vmem>>) target(%dma_start3A_90 : memref<80x128xf32, #tpu.memory_space<hbm>>) target_semaphore(%run_scoped3A : memref<!tpu.dma_semaphore, #tpu.memory_space<semaphore_mem>>)
      %dma_wait3A = arith.constant 0 : i32
      %dma_wait3A_91 = tpu.memref_slice %arg6[%multiple_of3A_51, %dma_wait3A] : memref<20480x128xf32, #tpu.memory_space<hbm>> -> memref<80x128xf32, #tpu.memory_space<hbm>>
      %dma_wait3A_92 = arith.constant 0 : i32
      %dma_wait3A_93 = tpu.memref_slice %arg6[%multiple_of3A_51, %dma_wait3A_92] : memref<20480x128xf32, #tpu.memory_space<hbm>> -> memref<80x128xf32, #tpu.memory_space<hbm>>
      tpu.wait_dma2 semaphore(%run_scoped3A : memref<!tpu.dma_semaphore, #tpu.memory_space<semaphore_mem>>) src(%arg9 : memref<80x128xf32, #tpu.memory_space<vmem>>) dst(%dma_wait3A_93 : memref<80x128xf32, #tpu.memory_space<hbm>>)
      tpu.yield
    }) : () -> ()
    %add3A_52 = arith.constant 160 : i32
    %add3A_53 = arith.addi %multiple_of3A, %add3A_52 : i32
    %multiple_of3A_54 = tpu.assume_multiple %add3A_53, 8 : i32
    %add3A_55 = arith.constant 160 : i32
    %add3A_56 = arith.addi %multiple_of3A_39, %add3A_55 : i32
    %multiple_of3A_57 = tpu.assume_multiple %add3A_56, 8 : i32
    "tpu.region"() ({
      %run_scoped3A = tpu.sem_alloc : memref<!tpu.dma_semaphore, #tpu.memory_space<semaphore_mem>>
      %dma_start3A = arith.constant 0 : i32
      %dma_start3A_88 = tpu.memref_slice %arg10[%multiple_of3A_54, %dma_start3A] : memref<10240x128xf32, #tpu.memory_space<vmem_shared>> -> memref<80x128xf32, #tpu.memory_space<vmem_shared>>
      %dma_start3A_89 = arith.constant 0 : i32
      %dma_start3A_90 = tpu.memref_slice %arg10[%multiple_of3A_54, %dma_start3A_89] : memref<10240x128xf32, #tpu.memory_space<vmem_shared>> -> memref<80x128xf32, #tpu.memory_space<vmem_shared>>
      tpu.enqueue_dma source(%dma_start3A_90 : memref<80x128xf32, #tpu.memory_space<vmem_shared>>) target(%arg9 : memref<80x128xf32, #tpu.memory_space<vmem>>) target_semaphore(%run_scoped3A : memref<!tpu.dma_semaphore, #tpu.memory_space<semaphore_mem>>)
      %dma_wait3A = arith.constant 0 : i32
      %dma_wait3A_91 = tpu.memref_slice %arg10[%multiple_of3A_54, %dma_wait3A] : memref<10240x128xf32, #tpu.memory_space<vmem_shared>> -> memref<80x128xf32, #tpu.memory_space<vmem_shared>>
      %dma_wait3A_92 = arith.constant 0 : i32
      %dma_wait3A_93 = tpu.memref_slice %arg10[%multiple_of3A_54, %dma_wait3A_92] : memref<10240x128xf32, #tpu.memory_space<vmem_shared>> -> memref<80x128xf32, #tpu.memory_space<vmem_shared>>
      tpu.wait_dma2 semaphore(%run_scoped3A : memref<!tpu.dma_semaphore, #tpu.memory_space<semaphore_mem>>) src(%dma_wait3A_93 : memref<80x128xf32, #tpu.memory_space<vmem_shared>>) dst(%arg9 : memref<80x128xf32, #tpu.memory_space<vmem>>)
      tpu.yield
    }) : () -> ()
    "tpu.region"() ({
      %run_scoped3A = tpu.sem_alloc : memref<!tpu.dma_semaphore, #tpu.memory_space<semaphore_mem>>
      %dma_start3A = arith.constant 0 : i32
      %dma_start3A_88 = tpu.memref_slice %arg6[%multiple_of3A_57, %dma_start3A] : memref<20480x128xf32, #tpu.memory_space<hbm>> -> memref<80x128xf32, #tpu.memory_space<hbm>>
      %dma_start3A_89 = arith.constant 0 : i32
      %dma_start3A_90 = tpu.memref_slice %arg6[%multiple_of3A_57, %dma_start3A_89] : memref<20480x128xf32, #tpu.memory_space<hbm>> -> memref<80x128xf32, #tpu.memory_space<hbm>>
      tpu.enqueue_dma source(%arg9 : memref<80x128xf32, #tpu.memory_space<vmem>>) target(%dma_start3A_90 : memref<80x128xf32, #tpu.memory_space<hbm>>) target_semaphore(%run_scoped3A : memref<!tpu.dma_semaphore, #tpu.memory_space<semaphore_mem>>)
      %dma_wait3A = arith.constant 0 : i32
      %dma_wait3A_91 = tpu.memref_slice %arg6[%multiple_of3A_57, %dma_wait3A] : memref<20480x128xf32, #tpu.memory_space<hbm>> -> memref<80x128xf32, #tpu.memory_space<hbm>>
      %dma_wait3A_92 = arith.constant 0 : i32
      %dma_wait3A_93 = tpu.memref_slice %arg6[%multiple_of3A_57, %dma_wait3A_92] : memref<20480x128xf32, #tpu.memory_space<hbm>> -> memref<80x128xf32, #tpu.memory_space<hbm>>
      tpu.wait_dma2 semaphore(%run_scoped3A : memref<!tpu.dma_semaphore, #tpu.memory_space<semaphore_mem>>) src(%arg9 : memref<80x128xf32, #tpu.memory_space<vmem>>) dst(%dma_wait3A_93 : memref<80x128xf32, #tpu.memory_space<hbm>>)
      tpu.yield
    }) : () -> ()
    %add3A_58 = arith.constant 240 : i32
    %add3A_59 = arith.addi %multiple_of3A, %add3A_58 : i32
    %multiple_of3A_60 = tpu.assume_multiple %add3A_59, 8 : i32
    %add3A_61 = arith.constant 240 : i32
    %add3A_62 = arith.addi %multiple_of3A_39, %add3A_61 : i32
    %multiple_of3A_63 = tpu.assume_multiple %add3A_62, 8 : i32
    "tpu.region"() ({
      %run_scoped3A = tpu.sem_alloc : memref<!tpu.dma_semaphore, #tpu.memory_space<semaphore_mem>>
      %dma_start3A = arith.constant 0 : i32
      %dma_start3A_88 = tpu.memref_slice %arg10[%multiple_of3A_60, %dma_start3A] : memref<10240x128xf32, #tpu.memory_space<vmem_shared>> -> memref<80x128xf32, #tpu.memory_space<vmem_shared>>
      %dma_start3A_89 = arith.constant 0 : i32
      %dma_start3A_90 = tpu.memref_slice %arg10[%multiple_of3A_60, %dma_start3A_89] : memref<10240x128xf32, #tpu.memory_space<vmem_shared>> -> memref<80x128xf32, #tpu.memory_space<vmem_shared>>
      tpu.enqueue_dma source(%dma_start3A_90 : memref<80x128xf32, #tpu.memory_space<vmem_shared>>) target(%arg9 : memref<80x128xf32, #tpu.memory_space<vmem>>) target_semaphore(%run_scoped3A : memref<!tpu.dma_semaphore, #tpu.memory_space<semaphore_mem>>)
      %dma_wait3A = arith.constant 0 : i32
      %dma_wait3A_91 = tpu.memref_slice %arg10[%multiple_of3A_60, %dma_wait3A] : memref<10240x128xf32, #tpu.memory_space<vmem_shared>> -> memref<80x128xf32, #tpu.memory_space<vmem_shared>>
      %dma_wait3A_92 = arith.constant 0 : i32
      %dma_wait3A_93 = tpu.memref_slice %arg10[%multiple_of3A_60, %dma_wait3A_92] : memref<10240x128xf32, #tpu.memory_space<vmem_shared>> -> memref<80x128xf32, #tpu.memory_space<vmem_shared>>
      tpu.wait_dma2 semaphore(%run_scoped3A : memref<!tpu.dma_semaphore, #tpu.memory_space<semaphore_mem>>) src(%dma_wait3A_93 : memref<80x128xf32, #tpu.memory_space<vmem_shared>>) dst(%arg9 : memref<80x128xf32, #tpu.memory_space<vmem>>)
      tpu.yield
    }) : () -> ()
    "tpu.region"() ({
      %run_scoped3A = tpu.sem_alloc : memref<!tpu.dma_semaphore, #tpu.memory_space<semaphore_mem>>
      %dma_start3A = arith.constant 0 : i32
      %dma_start3A_88 = tpu.memref_slice %arg6[%multiple_of3A_63, %dma_start3A] : memref<20480x128xf32, #tpu.memory_space<hbm>> -> memref<80x128xf32, #tpu.memory_space<hbm>>
      %dma_start3A_89 = arith.constant 0 : i32
      %dma_start3A_90 = tpu.memref_slice %arg6[%multiple_of3A_63, %dma_start3A_89] : memref<20480x128xf32, #tpu.memory_space<hbm>> -> memref<80x128xf32, #tpu.memory_space<hbm>>
      tpu.enqueue_dma source(%arg9 : memref<80x128xf32, #tpu.memory_space<vmem>>) target(%dma_start3A_90 : memref<80x128xf32, #tpu.memory_space<hbm>>) target_semaphore(%run_scoped3A : memref<!tpu.dma_semaphore, #tpu.memory_space<semaphore_mem>>)
      %dma_wait3A = arith.constant 0 : i32
      %dma_wait3A_91 = tpu.memref_slice %arg6[%multiple_of3A_63, %dma_wait3A] : memref<20480x128xf32, #tpu.memory_space<hbm>> -> memref<80x128xf32, #tpu.memory_space<hbm>>
      %dma_wait3A_92 = arith.constant 0 : i32
      %dma_wait3A_93 = tpu.memref_slice %arg6[%multiple_of3A_63, %dma_wait3A_92] : memref<20480x128xf32, #tpu.memory_space<hbm>> -> memref<80x128xf32, #tpu.memory_space<hbm>>
      tpu.wait_dma2 semaphore(%run_scoped3A : memref<!tpu.dma_semaphore, #tpu.memory_space<semaphore_mem>>) src(%arg9 : memref<80x128xf32, #tpu.memory_space<vmem>>) dst(%dma_wait3A_93 : memref<80x128xf32, #tpu.memory_space<hbm>>)
      tpu.yield
    }) : () -> ()
    %add3A_64 = arith.constant 320 : i32
    %add3A_65 = arith.addi %multiple_of3A, %add3A_64 : i32
    %multiple_of3A_66 = tpu.assume_multiple %add3A_65, 8 : i32
    %add3A_67 = arith.constant 320 : i32
    %add3A_68 = arith.addi %multiple_of3A_39, %add3A_67 : i32
    %multiple_of3A_69 = tpu.assume_multiple %add3A_68, 8 : i32
    "tpu.region"() ({
      %run_scoped3A = tpu.sem_alloc : memref<!tpu.dma_semaphore, #tpu.memory_space<semaphore_mem>>
      %dma_start3A = arith.constant 0 : i32
      %dma_start3A_88 = tpu.memref_slice %arg10[%multiple_of3A_66, %dma_start3A] : memref<10240x128xf32, #tpu.memory_space<vmem_shared>> -> memref<80x128xf32, #tpu.memory_space<vmem_shared>>
      %dma_start3A_89 = arith.constant 0 : i32
      %dma_start3A_90 = tpu.memref_slice %arg10[%multiple_of3A_66, %dma_start3A_89] : memref<10240x128xf32, #tpu.memory_space<vmem_shared>> -> memref<80x128xf32, #tpu.memory_space<vmem_shared>>
      tpu.enqueue_dma source(%dma_start3A_90 : memref<80x128xf32, #tpu.memory_space<vmem_shared>>) target(%arg9 : memref<80x128xf32, #tpu.memory_space<vmem>>) target_semaphore(%run_scoped3A : memref<!tpu.dma_semaphore, #tpu.memory_space<semaphore_mem>>)
      %dma_wait3A = arith.constant 0 : i32
      %dma_wait3A_91 = tpu.memref_slice %arg10[%multiple_of3A_66, %dma_wait3A] : memref<10240x128xf32, #tpu.memory_space<vmem_shared>> -> memref<80x128xf32, #tpu.memory_space<vmem_shared>>
      %dma_wait3A_92 = arith.constant 0 : i32
      %dma_wait3A_93 = tpu.memref_slice %arg10[%multiple_of3A_66, %dma_wait3A_92] : memref<10240x128xf32, #tpu.memory_space<vmem_shared>> -> memref<80x128xf32, #tpu.memory_space<vmem_shared>>
      tpu.wait_dma2 semaphore(%run_scoped3A : memref<!tpu.dma_semaphore, #tpu.memory_space<semaphore_mem>>) src(%dma_wait3A_93 : memref<80x128xf32, #tpu.memory_space<vmem_shared>>) dst(%arg9 : memref<80x128xf32, #tpu.memory_space<vmem>>)
      tpu.yield
    }) : () -> ()
    "tpu.region"() ({
      %run_scoped3A = tpu.sem_alloc : memref<!tpu.dma_semaphore, #tpu.memory_space<semaphore_mem>>
      %dma_start3A = arith.constant 0 : i32
      %dma_start3A_88 = tpu.memref_slice %arg6[%multiple_of3A_69, %dma_start3A] : memref<20480x128xf32, #tpu.memory_space<hbm>> -> memref<80x128xf32, #tpu.memory_space<hbm>>
      %dma_start3A_89 = arith.constant 0 : i32
      %dma_start3A_90 = tpu.memref_slice %arg6[%multiple_of3A_69, %dma_start3A_89] : memref<20480x128xf32, #tpu.memory_space<hbm>> -> memref<80x128xf32, #tpu.memory_space<hbm>>
      tpu.enqueue_dma source(%arg9 : memref<80x128xf32, #tpu.memory_space<vmem>>) target(%dma_start3A_90 : memref<80x128xf32, #tpu.memory_space<hbm>>) target_semaphore(%run_scoped3A : memref<!tpu.dma_semaphore, #tpu.memory_space<semaphore_mem>>)
      %dma_wait3A = arith.constant 0 : i32
      %dma_wait3A_91 = tpu.memref_slice %arg6[%multiple_of3A_69, %dma_wait3A] : memref<20480x128xf32, #tpu.memory_space<hbm>> -> memref<80x128xf32, #tpu.memory_space<hbm>>
      %dma_wait3A_92 = arith.constant 0 : i32
      %dma_wait3A_93 = tpu.memref_slice %arg6[%multiple_of3A_69, %dma_wait3A_92] : memref<20480x128xf32, #tpu.memory_space<hbm>> -> memref<80x128xf32, #tpu.memory_space<hbm>>
      tpu.wait_dma2 semaphore(%run_scoped3A : memref<!tpu.dma_semaphore, #tpu.memory_space<semaphore_mem>>) src(%arg9 : memref<80x128xf32, #tpu.memory_space<vmem>>) dst(%dma_wait3A_93 : memref<80x128xf32, #tpu.memory_space<hbm>>)
      tpu.yield
    }) : () -> ()
    %add3A_70 = arith.constant 400 : i32
    %add3A_71 = arith.addi %multiple_of3A, %add3A_70 : i32
    %multiple_of3A_72 = tpu.assume_multiple %add3A_71, 8 : i32
    %add3A_73 = arith.constant 400 : i32
    %add3A_74 = arith.addi %multiple_of3A_39, %add3A_73 : i32
    %multiple_of3A_75 = tpu.assume_multiple %add3A_74, 8 : i32
    "tpu.region"() ({
      %run_scoped3A = tpu.sem_alloc : memref<!tpu.dma_semaphore, #tpu.memory_space<semaphore_mem>>
      %dma_start3A = arith.constant 0 : i32
      %dma_start3A_88 = tpu.memref_slice %arg10[%multiple_of3A_72, %dma_start3A] : memref<10240x128xf32, #tpu.memory_space<vmem_shared>> -> memref<80x128xf32, #tpu.memory_space<vmem_shared>>
      %dma_start3A_89 = arith.constant 0 : i32
      %dma_start3A_90 = tpu.memref_slice %arg10[%multiple_of3A_72, %dma_start3A_89] : memref<10240x128xf32, #tpu.memory_space<vmem_shared>> -> memref<80x128xf32, #tpu.memory_space<vmem_shared>>
      tpu.enqueue_dma source(%dma_start3A_90 : memref<80x128xf32, #tpu.memory_space<vmem_shared>>) target(%arg9 : memref<80x128xf32, #tpu.memory_space<vmem>>) target_semaphore(%run_scoped3A : memref<!tpu.dma_semaphore, #tpu.memory_space<semaphore_mem>>)
      %dma_wait3A = arith.constant 0 : i32
      %dma_wait3A_91 = tpu.memref_slice %arg10[%multiple_of3A_72, %dma_wait3A] : memref<10240x128xf32, #tpu.memory_space<vmem_shared>> -> memref<80x128xf32, #tpu.memory_space<vmem_shared>>
      %dma_wait3A_92 = arith.constant 0 : i32
      %dma_wait3A_93 = tpu.memref_slice %arg10[%multiple_of3A_72, %dma_wait3A_92] : memref<10240x128xf32, #tpu.memory_space<vmem_shared>> -> memref<80x128xf32, #tpu.memory_space<vmem_shared>>
      tpu.wait_dma2 semaphore(%run_scoped3A : memref<!tpu.dma_semaphore, #tpu.memory_space<semaphore_mem>>) src(%dma_wait3A_93 : memref<80x128xf32, #tpu.memory_space<vmem_shared>>) dst(%arg9 : memref<80x128xf32, #tpu.memory_space<vmem>>)
      tpu.yield
    }) : () -> ()
    "tpu.region"() ({
      %run_scoped3A = tpu.sem_alloc : memref<!tpu.dma_semaphore, #tpu.memory_space<semaphore_mem>>
      %dma_start3A = arith.constant 0 : i32
      %dma_start3A_88 = tpu.memref_slice %arg6[%multiple_of3A_75, %dma_start3A] : memref<20480x128xf32, #tpu.memory_space<hbm>> -> memref<80x128xf32, #tpu.memory_space<hbm>>
      %dma_start3A_89 = arith.constant 0 : i32
      %dma_start3A_90 = tpu.memref_slice %arg6[%multiple_of3A_75, %dma_start3A_89] : memref<20480x128xf32, #tpu.memory_space<hbm>> -> memref<80x128xf32, #tpu.memory_space<hbm>>
      tpu.enqueue_dma source(%arg9 : memref<80x128xf32, #tpu.memory_space<vmem>>) target(%dma_start3A_90 : memref<80x128xf32, #tpu.memory_space<hbm>>) target_semaphore(%run_scoped3A : memref<!tpu.dma_semaphore, #tpu.memory_space<semaphore_mem>>)
      %dma_wait3A = arith.constant 0 : i32
      %dma_wait3A_91 = tpu.memref_slice %arg6[%multiple_of3A_75, %dma_wait3A] : memref<20480x128xf32, #tpu.memory_space<hbm>> -> memref<80x128xf32, #tpu.memory_space<hbm>>
      %dma_wait3A_92 = arith.constant 0 : i32
      %dma_wait3A_93 = tpu.memref_slice %arg6[%multiple_of3A_75, %dma_wait3A_92] : memref<20480x128xf32, #tpu.memory_space<hbm>> -> memref<80x128xf32, #tpu.memory_space<hbm>>
      tpu.wait_dma2 semaphore(%run_scoped3A : memref<!tpu.dma_semaphore, #tpu.memory_space<semaphore_mem>>) src(%arg9 : memref<80x128xf32, #tpu.memory_space<vmem>>) dst(%dma_wait3A_93 : memref<80x128xf32, #tpu.memory_space<hbm>>)
      tpu.yield
    }) : () -> ()
    %add3A_76 = arith.constant 480 : i32
    %add3A_77 = arith.addi %multiple_of3A, %add3A_76 : i32
    %multiple_of3A_78 = tpu.assume_multiple %add3A_77, 8 : i32
    %add3A_79 = arith.constant 480 : i32
    %add3A_80 = arith.addi %multiple_of3A_39, %add3A_79 : i32
    %multiple_of3A_81 = tpu.assume_multiple %add3A_80, 8 : i32
    "tpu.region"() ({
      %run_scoped3A = tpu.sem_alloc : memref<!tpu.dma_semaphore, #tpu.memory_space<semaphore_mem>>
      %dma_start3A = arith.constant 0 : i32
      %dma_start3A_88 = tpu.memref_slice %arg10[%multiple_of3A_78, %dma_start3A] : memref<10240x128xf32, #tpu.memory_space<vmem_shared>> -> memref<80x128xf32, #tpu.memory_space<vmem_shared>>
      %dma_start3A_89 = arith.constant 0 : i32
      %dma_start3A_90 = tpu.memref_slice %arg10[%multiple_of3A_78, %dma_start3A_89] : memref<10240x128xf32, #tpu.memory_space<vmem_shared>> -> memref<80x128xf32, #tpu.memory_space<vmem_shared>>
      tpu.enqueue_dma source(%dma_start3A_90 : memref<80x128xf32, #tpu.memory_space<vmem_shared>>) target(%arg9 : memref<80x128xf32, #tpu.memory_space<vmem>>) target_semaphore(%run_scoped3A : memref<!tpu.dma_semaphore, #tpu.memory_space<semaphore_mem>>)
      %dma_wait3A = arith.constant 0 : i32
      %dma_wait3A_91 = tpu.memref_slice %arg10[%multiple_of3A_78, %dma_wait3A] : memref<10240x128xf32, #tpu.memory_space<vmem_shared>> -> memref<80x128xf32, #tpu.memory_space<vmem_shared>>
      %dma_wait3A_92 = arith.constant 0 : i32
      %dma_wait3A_93 = tpu.memref_slice %arg10[%multiple_of3A_78, %dma_wait3A_92] : memref<10240x128xf32, #tpu.memory_space<vmem_shared>> -> memref<80x128xf32, #tpu.memory_space<vmem_shared>>
      tpu.wait_dma2 semaphore(%run_scoped3A : memref<!tpu.dma_semaphore, #tpu.memory_space<semaphore_mem>>) src(%dma_wait3A_93 : memref<80x128xf32, #tpu.memory_space<vmem_shared>>) dst(%arg9 : memref<80x128xf32, #tpu.memory_space<vmem>>)
      tpu.yield
    }) : () -> ()
    "tpu.region"() ({
      %run_scoped3A = tpu.sem_alloc : memref<!tpu.dma_semaphore, #tpu.memory_space<semaphore_mem>>
      %dma_start3A = arith.constant 0 : i32
      %dma_start3A_88 = tpu.memref_slice %arg6[%multiple_of3A_81, %dma_start3A] : memref<20480x128xf32, #tpu.memory_space<hbm>> -> memref<80x128xf32, #tpu.memory_space<hbm>>
      %dma_start3A_89 = arith.constant 0 : i32
      %dma_start3A_90 = tpu.memref_slice %arg6[%multiple_of3A_81, %dma_start3A_89] : memref<20480x128xf32, #tpu.memory_space<hbm>> -> memref<80x128xf32, #tpu.memory_space<hbm>>
      tpu.enqueue_dma source(%arg9 : memref<80x128xf32, #tpu.memory_space<vmem>>) target(%dma_start3A_90 : memref<80x128xf32, #tpu.memory_space<hbm>>) target_semaphore(%run_scoped3A : memref<!tpu.dma_semaphore, #tpu.memory_space<semaphore_mem>>)
      %dma_wait3A = arith.constant 0 : i32
      %dma_wait3A_91 = tpu.memref_slice %arg6[%multiple_of3A_81, %dma_wait3A] : memref<20480x128xf32, #tpu.memory_space<hbm>> -> memref<80x128xf32, #tpu.memory_space<hbm>>
      %dma_wait3A_92 = arith.constant 0 : i32
      %dma_wait3A_93 = tpu.memref_slice %arg6[%multiple_of3A_81, %dma_wait3A_92] : memref<20480x128xf32, #tpu.memory_space<hbm>> -> memref<80x128xf32, #tpu.memory_space<hbm>>
      tpu.wait_dma2 semaphore(%run_scoped3A : memref<!tpu.dma_semaphore, #tpu.memory_space<semaphore_mem>>) src(%arg9 : memref<80x128xf32, #tpu.memory_space<vmem>>) dst(%dma_wait3A_93 : memref<80x128xf32, #tpu.memory_space<hbm>>)
      tpu.yield
    }) : () -> ()
    %add3A_82 = arith.constant 560 : i32
    %add3A_83 = arith.addi %multiple_of3A, %add3A_82 : i32
    %multiple_of3A_84 = tpu.assume_multiple %add3A_83, 8 : i32
    %add3A_85 = arith.constant 560 : i32
    %add3A_86 = arith.addi %multiple_of3A_39, %add3A_85 : i32
    %multiple_of3A_87 = tpu.assume_multiple %add3A_86, 8 : i32
    "tpu.region"() ({
      %run_scoped3A = tpu.sem_alloc : memref<!tpu.dma_semaphore, #tpu.memory_space<semaphore_mem>>
      %dma_start3A = arith.constant 0 : i32
      %dma_start3A_88 = tpu.memref_slice %arg10[%multiple_of3A_84, %dma_start3A] : memref<10240x128xf32, #tpu.memory_space<vmem_shared>> -> memref<80x128xf32, #tpu.memory_space<vmem_shared>>
      %dma_start3A_89 = arith.constant 0 : i32
      %dma_start3A_90 = tpu.memref_slice %arg10[%multiple_of3A_84, %dma_start3A_89] : memref<10240x128xf32, #tpu.memory_space<vmem_shared>> -> memref<80x128xf32, #tpu.memory_space<vmem_shared>>
      tpu.enqueue_dma source(%dma_start3A_90 : memref<80x128xf32, #tpu.memory_space<vmem_shared>>) target(%arg9 : memref<80x128xf32, #tpu.memory_space<vmem>>) target_semaphore(%run_scoped3A : memref<!tpu.dma_semaphore, #tpu.memory_space<semaphore_mem>>)
      %dma_wait3A = arith.constant 0 : i32
      %dma_wait3A_91 = tpu.memref_slice %arg10[%multiple_of3A_84, %dma_wait3A] : memref<10240x128xf32, #tpu.memory_space<vmem_shared>> -> memref<80x128xf32, #tpu.memory_space<vmem_shared>>
      %dma_wait3A_92 = arith.constant 0 : i32
      %dma_wait3A_93 = tpu.memref_slice %arg10[%multiple_of3A_84, %dma_wait3A_92] : memref<10240x128xf32, #tpu.memory_space<vmem_shared>> -> memref<80x128xf32, #tpu.memory_space<vmem_shared>>
      tpu.wait_dma2 semaphore(%run_scoped3A : memref<!tpu.dma_semaphore, #tpu.memory_space<semaphore_mem>>) src(%dma_wait3A_93 : memref<80x128xf32, #tpu.memory_space<vmem_shared>>) dst(%arg9 : memref<80x128xf32, #tpu.memory_space<vmem>>)
      tpu.yield
    }) : () -> ()
    "tpu.region"() ({
      %run_scoped3A = tpu.sem_alloc : memref<!tpu.dma_semaphore, #tpu.memory_space<semaphore_mem>>
      %dma_start3A = arith.constant 0 : i32
      %dma_start3A_88 = tpu.memref_slice %arg6[%multiple_of3A_87, %dma_start3A] : memref<20480x128xf32, #tpu.memory_space<hbm>> -> memref<80x128xf32, #tpu.memory_space<hbm>>
      %dma_start3A_89 = arith.constant 0 : i32
      %dma_start3A_90 = tpu.memref_slice %arg6[%multiple_of3A_87, %dma_start3A_89] : memref<20480x128xf32, #tpu.memory_space<hbm>> -> memref<80x128xf32, #tpu.memory_space<hbm>>
      tpu.enqueue_dma source(%arg9 : memref<80x128xf32, #tpu.memory_space<vmem>>) target(%dma_start3A_90 : memref<80x128xf32, #tpu.memory_space<hbm>>) target_semaphore(%run_scoped3A : memref<!tpu.dma_semaphore, #tpu.memory_space<semaphore_mem>>)
      %dma_wait3A = arith.constant 0 : i32
      %dma_wait3A_91 = tpu.memref_slice %arg6[%multiple_of3A_87, %dma_wait3A] : memref<20480x128xf32, #tpu.memory_space<hbm>> -> memref<80x128xf32, #tpu.memory_space<hbm>>
      %dma_wait3A_92 = arith.constant 0 : i32
      %dma_wait3A_93 = tpu.memref_slice %arg6[%multiple_of3A_87, %dma_wait3A_92] : memref<20480x128xf32, #tpu.memory_space<hbm>> -> memref<80x128xf32, #tpu.memory_space<hbm>>
      tpu.wait_dma2 semaphore(%run_scoped3A : memref<!tpu.dma_semaphore, #tpu.memory_space<semaphore_mem>>) src(%arg9 : memref<80x128xf32, #tpu.memory_space<vmem>>) dst(%dma_wait3A_93 : memref<80x128xf32, #tpu.memory_space<hbm>>)
      tpu.yield
    }) : () -> ()
    return
  }
}

#map = affine_map<(d0, d1) -> (0)>
#map1 = affine_map<(d0, d1) -> (0, 0)>
module attributes {stable_mosaic.version = 14 : i64} {
  func.func @body(%arg0: i32, %arg1: i32, %arg2: memref<320000xi32, #tpu.memory_space<hbm>>, %arg3: memref<320000xi32, #tpu.memory_space<hbm>>, %arg4: memref<10240x128xf32, #tpu.memory_space<hbm>>, %arg5: memref<80x128xf32, #tpu.memory_space<hbm>>, %arg6: memref<20480x128xf32, #tpu.memory_space<hbm>>, %arg7: memref<80xi32, #tpu.memory_space<vmem>>, %arg8: memref<80xi32, #tpu.memory_space<vmem>>, %arg9: memref<80x128xf32, #tpu.memory_space<vmem>>, %arg10: memref<10240x128xf32, #tpu.memory_space<vmem_shared>>, %arg11: memref<!tpu.dma_semaphore, #tpu.memory_space<semaphore_mem>>) attributes {dimension_semantics = [#tpu.dimension_semantics<core_parallel>, #tpu.dimension_semantics<subcore_parallel>], iteration_bounds = array<i64: 2, 16>, scalar_prefetch = 0 : i64, scratch_operands = 5 : i64, tpu.core_type = #tpu.core_type<sc_vector_subcore>, window_params = [{transform_indices = #map}, {transform_indices = #map}, {transform_indices = #map1}, {transform_indices = #map1}, {transform_indices = #map1}]} {
    %mul3A = arith.constant 16 : i32
    %mul3A_0 = arith.muli %arg0, %mul3A : i32
    %add3A = arith.addi %mul3A_0, %arg1 : i32
    %mul3A_1 = arith.constant 640 : i32
    %mul3A_2 = arith.muli %arg1, %mul3A_1 : i32
    %multiple_of3A = tpu.assume_multiple %mul3A_2, 8 : i32
    "tpu.region"() ({
      %run_scoped3A = tpu.sem_alloc : memref<!tpu.dma_semaphore, #tpu.memory_space<semaphore_mem>>
      tpu.enqueue_dma source(%arg5 : memref<80x128xf32, #tpu.memory_space<hbm>>) target(%arg9 : memref<80x128xf32, #tpu.memory_space<vmem>>) target_semaphore(%run_scoped3A : memref<!tpu.dma_semaphore, #tpu.memory_space<semaphore_mem>>)
      tpu.wait_dma2 semaphore(%run_scoped3A : memref<!tpu.dma_semaphore, #tpu.memory_space<semaphore_mem>>) src(%arg5 : memref<80x128xf32, #tpu.memory_space<hbm>>) dst(%arg9 : memref<80x128xf32, #tpu.memory_space<vmem>>)
      tpu.yield
    }) : () -> ()
    %add3A_3 = arith.constant 0 : i32
    %add3A_4 = arith.addi %multiple_of3A, %add3A_3 : i32
    %multiple_of3A_5 = tpu.assume_multiple %add3A_4, 8 : i32
    "tpu.region"() ({
      %run_scoped3A = tpu.sem_alloc : memref<!tpu.dma_semaphore, #tpu.memory_space<semaphore_mem>>
      %dma_start3A = arith.constant 0 : i32
      %dma_start3A_88 = tpu.memref_slice %arg10[%multiple_of3A_5, %dma_start3A] : memref<10240x128xf32, #tpu.memory_space<vmem_shared>> -> memref<80x128xf32, #tpu.memory_space<vmem_shared>>
      %dma_start3A_89 = arith.constant 0 : i32
      %dma_start3A_90 = tpu.memref_slice %arg10[%multiple_of3A_5, %dma_start3A_89] : memref<10240x128xf32, #tpu.memory_space<vmem_shared>> -> memref<80x128xf32, #tpu.memory_space<vmem_shared>>
      tpu.enqueue_dma source(%arg9 : memref<80x128xf32, #tpu.memory_space<vmem>>) target(%dma_start3A_90 : memref<80x128xf32, #tpu.memory_space<vmem_shared>>) target_semaphore(%run_scoped3A : memref<!tpu.dma_semaphore, #tpu.memory_space<semaphore_mem>>)
      %dma_wait3A = arith.constant 0 : i32
      %dma_wait3A_91 = tpu.memref_slice %arg10[%multiple_of3A_5, %dma_wait3A] : memref<10240x128xf32, #tpu.memory_space<vmem_shared>> -> memref<80x128xf32, #tpu.memory_space<vmem_shared>>
      %dma_wait3A_92 = arith.constant 0 : i32
      %dma_wait3A_93 = tpu.memref_slice %arg10[%multiple_of3A_5, %dma_wait3A_92] : memref<10240x128xf32, #tpu.memory_space<vmem_shared>> -> memref<80x128xf32, #tpu.memory_space<vmem_shared>>
      tpu.wait_dma2 semaphore(%run_scoped3A : memref<!tpu.dma_semaphore, #tpu.memory_space<semaphore_mem>>) src(%arg9 : memref<80x128xf32, #tpu.memory_space<vmem>>) dst(%dma_wait3A_93 : memref<80x128xf32, #tpu.memory_space<vmem_shared>>)
      tpu.yield
    }) : () -> ()
    %add3A_6 = arith.constant 80 : i32
    %add3A_7 = arith.addi %multiple_of3A, %add3A_6 : i32
    %multiple_of3A_8 = tpu.assume_multiple %add3A_7, 8 : i32
    "tpu.region"() ({
      %run_scoped3A = tpu.sem_alloc : memref<!tpu.dma_semaphore, #tpu.memory_space<semaphore_mem>>
      %dma_start3A = arith.constant 0 : i32
      %dma_start3A_88 = tpu.memref_slice %arg10[%multiple_of3A_8, %dma_start3A] : memref<10240x128xf32, #tpu.memory_space<vmem_shared>> -> memref<80x128xf32, #tpu.memory_space<vmem_shared>>
      %dma_start3A_89 = arith.constant 0 : i32
      %dma_start3A_90 = tpu.memref_slice %arg10[%multiple_of3A_8, %dma_start3A_89] : memref<10240x128xf32, #tpu.memory_space<vmem_shared>> -> memref<80x128xf32, #tpu.memory_space<vmem_shared>>
      tpu.enqueue_dma source(%arg9 : memref<80x128xf32, #tpu.memory_space<vmem>>) target(%dma_start3A_90 : memref<80x128xf32, #tpu.memory_space<vmem_shared>>) target_semaphore(%run_scoped3A : memref<!tpu.dma_semaphore, #tpu.memory_space<semaphore_mem>>)
      %dma_wait3A = arith.constant 0 : i32
      %dma_wait3A_91 = tpu.memref_slice %arg10[%multiple_of3A_8, %dma_wait3A] : memref<10240x128xf32, #tpu.memory_space<vmem_shared>> -> memref<80x128xf32, #tpu.memory_space<vmem_shared>>
      %dma_wait3A_92 = arith.constant 0 : i32
      %dma_wait3A_93 = tpu.memref_slice %arg10[%multiple_of3A_8, %dma_wait3A_92] : memref<10240x128xf32, #tpu.memory_space<vmem_shared>> -> memref<80x128xf32, #tpu.memory_space<vmem_shared>>
      tpu.wait_dma2 semaphore(%run_scoped3A : memref<!tpu.dma_semaphore, #tpu.memory_space<semaphore_mem>>) src(%arg9 : memref<80x128xf32, #tpu.memory_space<vmem>>) dst(%dma_wait3A_93 : memref<80x128xf32, #tpu.memory_space<vmem_shared>>)
      tpu.yield
    }) : () -> ()
    %add3A_9 = arith.constant 160 : i32
    %add3A_10 = arith.addi %multiple_of3A, %add3A_9 : i32
    %multiple_of3A_11 = tpu.assume_multiple %add3A_10, 8 : i32
    "tpu.region"() ({
      %run_scoped3A = tpu.sem_alloc : memref<!tpu.dma_semaphore, #tpu.memory_space<semaphore_mem>>
      %dma_start3A = arith.constant 0 : i32
      %dma_start3A_88 = tpu.memref_slice %arg10[%multiple_of3A_11, %dma_start3A] : memref<10240x128xf32, #tpu.memory_space<vmem_shared>> -> memref<80x128xf32, #tpu.memory_space<vmem_shared>>
      %dma_start3A_89 = arith.constant 0 : i32
      %dma_start3A_90 = tpu.memref_slice %arg10[%multiple_of3A_11, %dma_start3A_89] : memref<10240x128xf32, #tpu.memory_space<vmem_shared>> -> memref<80x128xf32, #tpu.memory_space<vmem_shared>>
      tpu.enqueue_dma source(%arg9 : memref<80x128xf32, #tpu.memory_space<vmem>>) target(%dma_start3A_90 : memref<80x128xf32, #tpu.memory_space<vmem_shared>>) target_semaphore(%run_scoped3A : memref<!tpu.dma_semaphore, #tpu.memory_space<semaphore_mem>>)
      %dma_wait3A = arith.constant 0 : i32
      %dma_wait3A_91 = tpu.memref_slice %arg10[%multiple_of3A_11, %dma_wait3A] : memref<10240x128xf32, #tpu.memory_space<vmem_shared>> -> memref<80x128xf32, #tpu.memory_space<vmem_shared>>
      %dma_wait3A_92 = arith.constant 0 : i32
      %dma_wait3A_93 = tpu.memref_slice %arg10[%multiple_of3A_11, %dma_wait3A_92] : memref<10240x128xf32, #tpu.memory_space<vmem_shared>> -> memref<80x128xf32, #tpu.memory_space<vmem_shared>>
      tpu.wait_dma2 semaphore(%run_scoped3A : memref<!tpu.dma_semaphore, #tpu.memory_space<semaphore_mem>>) src(%arg9 : memref<80x128xf32, #tpu.memory_space<vmem>>) dst(%dma_wait3A_93 : memref<80x128xf32, #tpu.memory_space<vmem_shared>>)
      tpu.yield
    }) : () -> ()
    %add3A_12 = arith.constant 240 : i32
    %add3A_13 = arith.addi %multiple_of3A, %add3A_12 : i32
    %multiple_of3A_14 = tpu.assume_multiple %add3A_13, 8 : i32
    "tpu.region"() ({
      %run_scoped3A = tpu.sem_alloc : memref<!tpu.dma_semaphore, #tpu.memory_space<semaphore_mem>>
      %dma_start3A = arith.constant 0 : i32
      %dma_start3A_88 = tpu.memref_slice %arg10[%multiple_of3A_14, %dma_start3A] : memref<10240x128xf32, #tpu.memory_space<vmem_shared>> -> memref<80x128xf32, #tpu.memory_space<vmem_shared>>
      %dma_start3A_89 = arith.constant 0 : i32
      %dma_start3A_90 = tpu.memref_slice %arg10[%multiple_of3A_14, %dma_start3A_89] : memref<10240x128xf32, #tpu.memory_space<vmem_shared>> -> memref<80x128xf32, #tpu.memory_space<vmem_shared>>
      tpu.enqueue_dma source(%arg9 : memref<80x128xf32, #tpu.memory_space<vmem>>) target(%dma_start3A_90 : memref<80x128xf32, #tpu.memory_space<vmem_shared>>) target_semaphore(%run_scoped3A : memref<!tpu.dma_semaphore, #tpu.memory_space<semaphore_mem>>)
      %dma_wait3A = arith.constant 0 : i32
      %dma_wait3A_91 = tpu.memref_slice %arg10[%multiple_of3A_14, %dma_wait3A] : memref<10240x128xf32, #tpu.memory_space<vmem_shared>> -> memref<80x128xf32, #tpu.memory_space<vmem_shared>>
      %dma_wait3A_92 = arith.constant 0 : i32
      %dma_wait3A_93 = tpu.memref_slice %arg10[%multiple_of3A_14, %dma_wait3A_92] : memref<10240x128xf32, #tpu.memory_space<vmem_shared>> -> memref<80x128xf32, #tpu.memory_space<vmem_shared>>
      tpu.wait_dma2 semaphore(%run_scoped3A : memref<!tpu.dma_semaphore, #tpu.memory_space<semaphore_mem>>) src(%arg9 : memref<80x128xf32, #tpu.memory_space<vmem>>) dst(%dma_wait3A_93 : memref<80x128xf32, #tpu.memory_space<vmem_shared>>)
      tpu.yield
    }) : () -> ()
    %add3A_15 = arith.constant 320 : i32
    %add3A_16 = arith.addi %multiple_of3A, %add3A_15 : i32
    %multiple_of3A_17 = tpu.assume_multiple %add3A_16, 8 : i32
    "tpu.region"() ({
      %run_scoped3A = tpu.sem_alloc : memref<!tpu.dma_semaphore, #tpu.memory_space<semaphore_mem>>
      %dma_start3A = arith.constant 0 : i32
      %dma_start3A_88 = tpu.memref_slice %arg10[%multiple_of3A_17, %dma_start3A] : memref<10240x128xf32, #tpu.memory_space<vmem_shared>> -> memref<80x128xf32, #tpu.memory_space<vmem_shared>>
      %dma_start3A_89 = arith.constant 0 : i32
      %dma_start3A_90 = tpu.memref_slice %arg10[%multiple_of3A_17, %dma_start3A_89] : memref<10240x128xf32, #tpu.memory_space<vmem_shared>> -> memref<80x128xf32, #tpu.memory_space<vmem_shared>>
      tpu.enqueue_dma source(%arg9 : memref<80x128xf32, #tpu.memory_space<vmem>>) target(%dma_start3A_90 : memref<80x128xf32, #tpu.memory_space<vmem_shared>>) target_semaphore(%run_scoped3A : memref<!tpu.dma_semaphore, #tpu.memory_space<semaphore_mem>>)
      %dma_wait3A = arith.constant 0 : i32
      %dma_wait3A_91 = tpu.memref_slice %arg10[%multiple_of3A_17, %dma_wait3A] : memref<10240x128xf32, #tpu.memory_space<vmem_shared>> -> memref<80x128xf32, #tpu.memory_space<vmem_shared>>
      %dma_wait3A_92 = arith.constant 0 : i32
      %dma_wait3A_93 = tpu.memref_slice %arg10[%multiple_of3A_17, %dma_wait3A_92] : memref<10240x128xf32, #tpu.memory_space<vmem_shared>> -> memref<80x128xf32, #tpu.memory_space<vmem_shared>>
      tpu.wait_dma2 semaphore(%run_scoped3A : memref<!tpu.dma_semaphore, #tpu.memory_space<semaphore_mem>>) src(%arg9 : memref<80x128xf32, #tpu.memory_space<vmem>>) dst(%dma_wait3A_93 : memref<80x128xf32, #tpu.memory_space<vmem_shared>>)
      tpu.yield
    }) : () -> ()
    %add3A_18 = arith.constant 400 : i32
    %add3A_19 = arith.addi %multiple_of3A, %add3A_18 : i32
    %multiple_of3A_20 = tpu.assume_multiple %add3A_19, 8 : i32
    "tpu.region"() ({
      %run_scoped3A = tpu.sem_alloc : memref<!tpu.dma_semaphore, #tpu.memory_space<semaphore_mem>>
      %dma_start3A = arith.constant 0 : i32
      %dma_start3A_88 = tpu.memref_slice %arg10[%multiple_of3A_20, %dma_start3A] : memref<10240x128xf32, #tpu.memory_space<vmem_shared>> -> memref<80x128xf32, #tpu.memory_space<vmem_shared>>
      %dma_start3A_89 = arith.constant 0 : i32
      %dma_start3A_90 = tpu.memref_slice %arg10[%multiple_of3A_20, %dma_start3A_89] : memref<10240x128xf32, #tpu.memory_space<vmem_shared>> -> memref<80x128xf32, #tpu.memory_space<vmem_shared>>
      tpu.enqueue_dma source(%arg9 : memref<80x128xf32, #tpu.memory_space<vmem>>) target(%dma_start3A_90 : memref<80x128xf32, #tpu.memory_space<vmem_shared>>) target_semaphore(%run_scoped3A : memref<!tpu.dma_semaphore, #tpu.memory_space<semaphore_mem>>)
      %dma_wait3A = arith.constant 0 : i32
      %dma_wait3A_91 = tpu.memref_slice %arg10[%multiple_of3A_20, %dma_wait3A] : memref<10240x128xf32, #tpu.memory_space<vmem_shared>> -> memref<80x128xf32, #tpu.memory_space<vmem_shared>>
      %dma_wait3A_92 = arith.constant 0 : i32
      %dma_wait3A_93 = tpu.memref_slice %arg10[%multiple_of3A_20, %dma_wait3A_92] : memref<10240x128xf32, #tpu.memory_space<vmem_shared>> -> memref<80x128xf32, #tpu.memory_space<vmem_shared>>
      tpu.wait_dma2 semaphore(%run_scoped3A : memref<!tpu.dma_semaphore, #tpu.memory_space<semaphore_mem>>) src(%arg9 : memref<80x128xf32, #tpu.memory_space<vmem>>) dst(%dma_wait3A_93 : memref<80x128xf32, #tpu.memory_space<vmem_shared>>)
      tpu.yield
    }) : () -> ()
    %add3A_21 = arith.constant 480 : i32
    %add3A_22 = arith.addi %multiple_of3A, %add3A_21 : i32
    %multiple_of3A_23 = tpu.assume_multiple %add3A_22, 8 : i32
    "tpu.region"() ({
      %run_scoped3A = tpu.sem_alloc : memref<!tpu.dma_semaphore, #tpu.memory_space<semaphore_mem>>
      %dma_start3A = arith.constant 0 : i32
      %dma_start3A_88 = tpu.memref_slice %arg10[%multiple_of3A_23, %dma_start3A] : memref<10240x128xf32, #tpu.memory_space<vmem_shared>> -> memref<80x128xf32, #tpu.memory_space<vmem_shared>>
      %dma_start3A_89 = arith.constant 0 : i32
      %dma_start3A_90 = tpu.memref_slice %arg10[%multiple_of3A_23, %dma_start3A_89] : memref<10240x128xf32, #tpu.memory_space<vmem_shared>> -> memref<80x128xf32, #tpu.memory_space<vmem_shared>>
      tpu.enqueue_dma source(%arg9 : memref<80x128xf32, #tpu.memory_space<vmem>>) target(%dma_start3A_90 : memref<80x128xf32, #tpu.memory_space<vmem_shared>>) target_semaphore(%run_scoped3A : memref<!tpu.dma_semaphore, #tpu.memory_space<semaphore_mem>>)
      %dma_wait3A = arith.constant 0 : i32
      %dma_wait3A_91 = tpu.memref_slice %arg10[%multiple_of3A_23, %dma_wait3A] : memref<10240x128xf32, #tpu.memory_space<vmem_shared>> -> memref<80x128xf32, #tpu.memory_space<vmem_shared>>
      %dma_wait3A_92 = arith.constant 0 : i32
      %dma_wait3A_93 = tpu.memref_slice %arg10[%multiple_of3A_23, %dma_wait3A_92] : memref<10240x128xf32, #tpu.memory_space<vmem_shared>> -> memref<80x128xf32, #tpu.memory_space<vmem_shared>>
      tpu.wait_dma2 semaphore(%run_scoped3A : memref<!tpu.dma_semaphore, #tpu.memory_space<semaphore_mem>>) src(%arg9 : memref<80x128xf32, #tpu.memory_space<vmem>>) dst(%dma_wait3A_93 : memref<80x128xf32, #tpu.memory_space<vmem_shared>>)
      tpu.yield
    }) : () -> ()
    %add3A_24 = arith.constant 560 : i32
    %add3A_25 = arith.addi %multiple_of3A, %add3A_24 : i32
    %multiple_of3A_26 = tpu.assume_multiple %add3A_25, 8 : i32
    "tpu.region"() ({
      %run_scoped3A = tpu.sem_alloc : memref<!tpu.dma_semaphore, #tpu.memory_space<semaphore_mem>>
      %dma_start3A = arith.constant 0 : i32
      %dma_start3A_88 = tpu.memref_slice %arg10[%multiple_of3A_26, %dma_start3A] : memref<10240x128xf32, #tpu.memory_space<vmem_shared>> -> memref<80x128xf32, #tpu.memory_space<vmem_shared>>
      %dma_start3A_89 = arith.constant 0 : i32
      %dma_start3A_90 = tpu.memref_slice %arg10[%multiple_of3A_26, %dma_start3A_89] : memref<10240x128xf32, #tpu.memory_space<vmem_shared>> -> memref<80x128xf32, #tpu.memory_space<vmem_shared>>
      tpu.enqueue_dma source(%arg9 : memref<80x128xf32, #tpu.memory_space<vmem>>) target(%dma_start3A_90 : memref<80x128xf32, #tpu.memory_space<vmem_shared>>) target_semaphore(%run_scoped3A : memref<!tpu.dma_semaphore, #tpu.memory_space<semaphore_mem>>)
      %dma_wait3A = arith.constant 0 : i32
      %dma_wait3A_91 = tpu.memref_slice %arg10[%multiple_of3A_26, %dma_wait3A] : memref<10240x128xf32, #tpu.memory_space<vmem_shared>> -> memref<80x128xf32, #tpu.memory_space<vmem_shared>>
      %dma_wait3A_92 = arith.constant 0 : i32
      %dma_wait3A_93 = tpu.memref_slice %arg10[%multiple_of3A_26, %dma_wait3A_92] : memref<10240x128xf32, #tpu.memory_space<vmem_shared>> -> memref<80x128xf32, #tpu.memory_space<vmem_shared>>
      tpu.wait_dma2 semaphore(%run_scoped3A : memref<!tpu.dma_semaphore, #tpu.memory_space<semaphore_mem>>) src(%arg9 : memref<80x128xf32, #tpu.memory_space<vmem>>) dst(%dma_wait3A_93 : memref<80x128xf32, #tpu.memory_space<vmem_shared>>)
      tpu.yield
    }) : () -> ()
    %barrier3A = arith.constant 0 : index
    tpu.barrier barrier_id(%barrier3A)
    %scan3A = arith.constant 0 : i32
    %scan3A_27 = arith.constant 0 : i32
    %scan3A_28 = arith.constant 125 : i32
    %scan3A_29 = arith.addi %scan3A_27, %scan3A_28 : i32
    %scan3A_30 = arith.constant 1 : i32
    %scan3A_31 = scf.for %scan3A_88 = %scan3A_27 to %scan3A_29 step %scan3A_30 iter_args(%scan3A_89 = %scan3A) -> (i32)  : i32 {
      %mul3A_90 = arith.constant 10000 : i32
      %mul3A_91 = arith.muli %add3A, %mul3A_90 : i32
      %mul3A_92 = arith.constant 80 : i32
      %mul3A_93 = arith.muli %scan3A_88, %mul3A_92 : i32
      %add3A_94 = arith.addi %mul3A_91, %mul3A_93 : i32
      %multiple_of3A_95 = tpu.assume_multiple %add3A_94, 8 : i32
      "tpu.region"() ({
        %run_scoped3A = tpu.sem_alloc : memref<!tpu.dma_semaphore, #tpu.memory_space<semaphore_mem>>
        %dma_start3A_101 = tpu.memref_slice %arg3[%multiple_of3A_95] : memref<320000xi32, #tpu.memory_space<hbm>> -> memref<80xi32, #tpu.memory_space<hbm>>
        %dma_start3A_102 = tpu.memref_slice %arg3[%multiple_of3A_95] : memref<320000xi32, #tpu.memory_space<hbm>> -> memref<80xi32, #tpu.memory_space<hbm>>
        tpu.enqueue_dma source(%dma_start3A_102 : memref<80xi32, #tpu.memory_space<hbm>>) target(%arg8 : memref<80xi32, #tpu.memory_space<vmem>>) target_semaphore(%run_scoped3A : memref<!tpu.dma_semaphore, #tpu.memory_space<semaphore_mem>>)
        %dma_wait3A_103 = tpu.memref_slice %arg3[%multiple_of3A_95] : memref<320000xi32, #tpu.memory_space<hbm>> -> memref<80xi32, #tpu.memory_space<hbm>>
        %dma_wait3A_104 = tpu.memref_slice %arg3[%multiple_of3A_95] : memref<320000xi32, #tpu.memory_space<hbm>> -> memref<80xi32, #tpu.memory_space<hbm>>
        tpu.wait_dma2 semaphore(%run_scoped3A : memref<!tpu.dma_semaphore, #tpu.memory_space<semaphore_mem>>) src(%dma_wait3A_104 : memref<80xi32, #tpu.memory_space<hbm>>) dst(%arg8 : memref<80xi32, #tpu.memory_space<vmem>>)
        tpu.yield
      }) : () -> ()
      "tpu.region"() ({
        %run_scoped3A = tpu.sem_alloc : memref<!tpu.dma_semaphore, #tpu.memory_space<semaphore_mem>>
        %dma_start3A_101 = tpu.memref_slice %arg2[%multiple_of3A_95] : memref<320000xi32, #tpu.memory_space<hbm>> -> memref<80xi32, #tpu.memory_space<hbm>>
        %dma_start3A_102 = tpu.memref_slice %arg2[%multiple_of3A_95] : memref<320000xi32, #tpu.memory_space<hbm>> -> memref<80xi32, #tpu.memory_space<hbm>>
        tpu.enqueue_dma source(%dma_start3A_102 : memref<80xi32, #tpu.memory_space<hbm>>) target(%arg7 : memref<80xi32, #tpu.memory_space<vmem>>) target_semaphore(%run_scoped3A : memref<!tpu.dma_semaphore, #tpu.memory_space<semaphore_mem>>)
        %dma_wait3A_103 = tpu.memref_slice %arg2[%multiple_of3A_95] : memref<320000xi32, #tpu.memory_space<hbm>> -> memref<80xi32, #tpu.memory_space<hbm>>
        %dma_wait3A_104 = tpu.memref_slice %arg2[%multiple_of3A_95] : memref<320000xi32, #tpu.memory_space<hbm>> -> memref<80xi32, #tpu.memory_space<hbm>>
        tpu.wait_dma2 semaphore(%run_scoped3A : memref<!tpu.dma_semaphore, #tpu.memory_space<semaphore_mem>>) src(%dma_wait3A_104 : memref<80xi32, #tpu.memory_space<hbm>>) dst(%arg7 : memref<80xi32, #tpu.memory_space<vmem>>)
        tpu.yield
      }) : () -> ()
      %dma_start3A = arith.constant 0 : i32
      %dma_start3A_96 = arith.constant 0 : i32
      %dma_start3A_97 = tpu.memref_slice %arg4[%dma_start3A, %dma_start3A_96] : memref<10240x128xf32, #tpu.memory_space<hbm>> -> memref<10240x128xf32, #tpu.memory_space<hbm>>
      tpu.enqueue_indirect_dma source(%dma_start3A_97 : memref<10240x128xf32, #tpu.memory_space<hbm>>) target(%arg9 : memref<80x128xf32, #tpu.memory_space<vmem>>) offsets(%arg7 : memref<80xi32, #tpu.memory_space<vmem>>) semaphore(%arg11 : memref<!tpu.dma_semaphore, #tpu.memory_space<semaphore_mem>>)
      %dma_wait3A = arith.constant 0 : i32
      %dma_wait3A_98 = arith.constant 0 : i32
      %dma_wait3A_99 = tpu.memref_slice %arg4[%dma_wait3A, %dma_wait3A_98] : memref<10240x128xf32, #tpu.memory_space<hbm>> -> memref<10240x128xf32, #tpu.memory_space<hbm>>
      tpu.wait_indirect_dma semaphore(%arg11 : memref<!tpu.dma_semaphore, #tpu.memory_space<semaphore_mem>>) src(%dma_wait3A_99 : memref<10240x128xf32, #tpu.memory_space<hbm>>) dst(%arg9 : memref<80x128xf32, #tpu.memory_space<vmem>>)
      "tpu.region"() ({
        %run_scoped3A = tpu.sem_alloc : memref<!tpu.dma_semaphore, #tpu.memory_space<semaphore_mem>>
        %dma_start3A_101 = arith.constant 0 : i32
        %dma_start3A_102 = arith.constant 0 : i32
        %dma_start3A_103 = tpu.memref_slice %arg10[%dma_start3A_101, %dma_start3A_102] : memref<10240x128xf32, #tpu.memory_space<vmem_shared>> -> memref<10240x128xf32, #tpu.memory_space<vmem_shared>>
        tpu.enqueue_indirect_dma source(%arg9 : memref<80x128xf32, #tpu.memory_space<vmem>>) target(%dma_start3A_103 : memref<10240x128xf32, #tpu.memory_space<vmem_shared>>) offsets(%arg8 : memref<80xi32, #tpu.memory_space<vmem>>) semaphore(%run_scoped3A : memref<!tpu.dma_semaphore, #tpu.memory_space<semaphore_mem>>) {add = true}
        %dma_wait3A_104 = arith.constant 0 : i32
        %dma_wait3A_105 = arith.constant 0 : i32
        %dma_wait3A_106 = tpu.memref_slice %arg10[%dma_wait3A_104, %dma_wait3A_105] : memref<10240x128xf32, #tpu.memory_space<vmem_shared>> -> memref<10240x128xf32, #tpu.memory_space<vmem_shared>>
        tpu.wait_indirect_dma semaphore(%run_scoped3A : memref<!tpu.dma_semaphore, #tpu.memory_space<semaphore_mem>>) src(%arg9 : memref<80x128xf32, #tpu.memory_space<vmem>>) dst(%dma_wait3A_106 : memref<10240x128xf32, #tpu.memory_space<vmem_shared>>)
        tpu.yield
      }) : () -> ()
      %scan3A_100 = arith.constant 0 : i32
      scf.yield %scan3A_100 : i32
    }
    %scan3A_32 = arith.constant 125 : i32
    %barrier3A_33 = arith.constant 0 : index
    tpu.barrier barrier_id(%barrier3A_33)
    %mul3A_34 = arith.constant 10240 : i32
    %mul3A_35 = arith.muli %arg0, %mul3A_34 : i32
    %mul3A_36 = arith.constant 640 : i32
    %mul3A_37 = arith.muli %arg1, %mul3A_36 : i32
    %add3A_38 = arith.addi %mul3A_35, %mul3A_37 : i32
    %multiple_of3A_39 = tpu.assume_multiple %add3A_38, 8 : i32
    %add3A_40 = arith.constant 0 : i32
    %add3A_41 = arith.addi %multiple_of3A, %add3A_40 : i32
    %multiple_of3A_42 = tpu.assume_multiple %add3A_41, 8 : i32
    %add3A_43 = arith.constant 0 : i32
    %add3A_44 = arith.addi %multiple_of3A_39, %add3A_43 : i32
    %multiple_of3A_45 = tpu.assume_multiple %add3A_44, 8 : i32
    "tpu.region"() ({
      %run_scoped3A = tpu.sem_alloc : memref<!tpu.dma_semaphore, #tpu.memory_space<semaphore_mem>>
      %dma_start3A = arith.constant 0 : i32
      %dma_start3A_88 = tpu.memref_slice %arg10[%multiple_of3A_42, %dma_start3A] : memref<10240x128xf32, #tpu.memory_space<vmem_shared>> -> memref<80x128xf32, #tpu.memory_space<vmem_shared>>
      %dma_start3A_89 = arith.constant 0 : i32
      %dma_start3A_90 = tpu.memref_slice %arg10[%multiple_of3A_42, %dma_start3A_89] : memref<10240x128xf32, #tpu.memory_space<vmem_shared>> -> memref<80x128xf32, #tpu.memory_space<vmem_shared>>
      tpu.enqueue_dma source(%dma_start3A_90 : memref<80x128xf32, #tpu.memory_space<vmem_shared>>) target(%arg9 : memref<80x128xf32, #tpu.memory_space<vmem>>) target_semaphore(%run_scoped3A : memref<!tpu.dma_semaphore, #tpu.memory_space<semaphore_mem>>)
      %dma_wait3A = arith.constant 0 : i32
      %dma_wait3A_91 = tpu.memref_slice %arg10[%multiple_of3A_42, %dma_wait3A] : memref<10240x128xf32, #tpu.memory_space<vmem_shared>> -> memref<80x128xf32, #tpu.memory_space<vmem_shared>>
      %dma_wait3A_92 = arith.constant 0 : i32
      %dma_wait3A_93 = tpu.memref_slice %arg10[%multiple_of3A_42, %dma_wait3A_92] : memref<10240x128xf32, #tpu.memory_space<vmem_shared>> -> memref<80x128xf32, #tpu.memory_space<vmem_shared>>
      tpu.wait_dma2 semaphore(%run_scoped3A : memref<!tpu.dma_semaphore, #tpu.memory_space<semaphore_mem>>) src(%dma_wait3A_93 : memref<80x128xf32, #tpu.memory_space<vmem_shared>>) dst(%arg9 : memref<80x128xf32, #tpu.memory_space<vmem>>)
      tpu.yield
    }) : () -> ()
    "tpu.region"() ({
      %run_scoped3A = tpu.sem_alloc : memref<!tpu.dma_semaphore, #tpu.memory_space<semaphore_mem>>
      %dma_start3A = arith.constant 0 : i32
      %dma_start3A_88 = tpu.memref_slice %arg6[%multiple_of3A_45, %dma_start3A] : memref<20480x128xf32, #tpu.memory_space<hbm>> -> memref<80x128xf32, #tpu.memory_space<hbm>>
      %dma_start3A_89 = arith.constant 0 : i32
      %dma_start3A_90 = tpu.memref_slice %arg6[%multiple_of3A_45, %dma_start3A_89] : memref<20480x128xf32, #tpu.memory_space<hbm>> -> memref<80x128xf32, #tpu.memory_space<hbm>>
      tpu.enqueue_dma source(%arg9 : memref<80x128xf32, #tpu.memory_space<vmem>>) target(%dma_start3A_90 : memref<80x128xf32, #tpu.memory_space<hbm>>) target_semaphore(%run_scoped3A : memref<!tpu.dma_semaphore, #tpu.memory_space<semaphore_mem>>)
      %dma_wait3A = arith.constant 0 : i32
      %dma_wait3A_91 = tpu.memref_slice %arg6[%multiple_of3A_45, %dma_wait3A] : memref<20480x128xf32, #tpu.memory_space<hbm>> -> memref<80x128xf32, #tpu.memory_space<hbm>>
      %dma_wait3A_92 = arith.constant 0 : i32
      %dma_wait3A_93 = tpu.memref_slice %arg6[%multiple_of3A_45, %dma_wait3A_92] : memref<20480x128xf32, #tpu.memory_space<hbm>> -> memref<80x128xf32, #tpu.memory_space<hbm>>
      tpu.wait_dma2 semaphore(%run_scoped3A : memref<!tpu.dma_semaphore, #tpu.memory_space<semaphore_mem>>) src(%arg9 : memref<80x128xf32, #tpu.memory_space<vmem>>) dst(%dma_wait3A_93 : memref<80x128xf32, #tpu.memory_space<hbm>>)
      tpu.yield
    }) : () -> ()
    %add3A_46 = arith.constant 80 : i32
    %add3A_47 = arith.addi %multiple_of3A, %add3A_46 : i32
    %multiple_of3A_48 = tpu.assume_multiple %add3A_47, 8 : i32
    %add3A_49 = arith.constant 80 : i32
    %add3A_50 = arith.addi %multiple_of3A_39, %add3A_49 : i32
    %multiple_of3A_51 = tpu.assume_multiple %add3A_50, 8 : i32
    "tpu.region"() ({
      %run_scoped3A = tpu.sem_alloc : memref<!tpu.dma_semaphore, #tpu.memory_space<semaphore_mem>>
      %dma_start3A = arith.constant 0 : i32
      %dma_start3A_88 = tpu.memref_slice %arg10[%multiple_of3A_48, %dma_start3A] : memref<10240x128xf32, #tpu.memory_space<vmem_shared>> -> memref<80x128xf32, #tpu.memory_space<vmem_shared>>
      %dma_start3A_89 = arith.constant 0 : i32
      %dma_start3A_90 = tpu.memref_slice %arg10[%multiple_of3A_48, %dma_start3A_89] : memref<10240x128xf32, #tpu.memory_space<vmem_shared>> -> memref<80x128xf32, #tpu.memory_space<vmem_shared>>
      tpu.enqueue_dma source(%dma_start3A_90 : memref<80x128xf32, #tpu.memory_space<vmem_shared>>) target(%arg9 : memref<80x128xf32, #tpu.memory_space<vmem>>) target_semaphore(%run_scoped3A : memref<!tpu.dma_semaphore, #tpu.memory_space<semaphore_mem>>)
      %dma_wait3A = arith.constant 0 : i32
      %dma_wait3A_91 = tpu.memref_slice %arg10[%multiple_of3A_48, %dma_wait3A] : memref<10240x128xf32, #tpu.memory_space<vmem_shared>> -> memref<80x128xf32, #tpu.memory_space<vmem_shared>>
      %dma_wait3A_92 = arith.constant 0 : i32
      %dma_wait3A_93 = tpu.memref_slice %arg10[%multiple_of3A_48, %dma_wait3A_92] : memref<10240x128xf32, #tpu.memory_space<vmem_shared>> -> memref<80x128xf32, #tpu.memory_space<vmem_shared>>
      tpu.wait_dma2 semaphore(%run_scoped3A : memref<!tpu.dma_semaphore, #tpu.memory_space<semaphore_mem>>) src(%dma_wait3A_93 : memref<80x128xf32, #tpu.memory_space<vmem_shared>>) dst(%arg9 : memref<80x128xf32, #tpu.memory_space<vmem>>)
      tpu.yield
    }) : () -> ()
    "tpu.region"() ({
      %run_scoped3A = tpu.sem_alloc : memref<!tpu.dma_semaphore, #tpu.memory_space<semaphore_mem>>
      %dma_start3A = arith.constant 0 : i32
      %dma_start3A_88 = tpu.memref_slice %arg6[%multiple_of3A_51, %dma_start3A] : memref<20480x128xf32, #tpu.memory_space<hbm>> -> memref<80x128xf32, #tpu.memory_space<hbm>>
      %dma_start3A_89 = arith.constant 0 : i32
      %dma_start3A_90 = tpu.memref_slice %arg6[%multiple_of3A_51, %dma_start3A_89] : memref<20480x128xf32, #tpu.memory_space<hbm>> -> memref<80x128xf32, #tpu.memory_space<hbm>>
      tpu.enqueue_dma source(%arg9 : memref<80x128xf32, #tpu.memory_space<vmem>>) target(%dma_start3A_90 : memref<80x128xf32, #tpu.memory_space<hbm>>) target_semaphore(%run_scoped3A : memref<!tpu.dma_semaphore, #tpu.memory_space<semaphore_mem>>)
      %dma_wait3A = arith.constant 0 : i32
      %dma_wait3A_91 = tpu.memref_slice %arg6[%multiple_of3A_51, %dma_wait3A] : memref<20480x128xf32, #tpu.memory_space<hbm>> -> memref<80x128xf32, #tpu.memory_space<hbm>>
      %dma_wait3A_92 = arith.constant 0 : i32
      %dma_wait3A_93 = tpu.memref_slice %arg6[%multiple_of3A_51, %dma_wait3A_92] : memref<20480x128xf32, #tpu.memory_space<hbm>> -> memref<80x128xf32, #tpu.memory_space<hbm>>
      tpu.wait_dma2 semaphore(%run_scoped3A : memref<!tpu.dma_semaphore, #tpu.memory_space<semaphore_mem>>) src(%arg9 : memref<80x128xf32, #tpu.memory_space<vmem>>) dst(%dma_wait3A_93 : memref<80x128xf32, #tpu.memory_space<hbm>>)
      tpu.yield
    }) : () -> ()
    %add3A_52 = arith.constant 160 : i32
    %add3A_53 = arith.addi %multiple_of3A, %add3A_52 : i32
    %multiple_of3A_54 = tpu.assume_multiple %add3A_53, 8 : i32
    %add3A_55 = arith.constant 160 : i32
    %add3A_56 = arith.addi %multiple_of3A_39, %add3A_55 : i32
    %multiple_of3A_57 = tpu.assume_multiple %add3A_56, 8 : i32
    "tpu.region"() ({
      %run_scoped3A = tpu.sem_alloc : memref<!tpu.dma_semaphore, #tpu.memory_space<semaphore_mem>>
      %dma_start3A = arith.constant 0 : i32
      %dma_start3A_88 = tpu.memref_slice %arg10[%multiple_of3A_54, %dma_start3A] : memref<10240x128xf32, #tpu.memory_space<vmem_shared>> -> memref<80x128xf32, #tpu.memory_space<vmem_shared>>
      %dma_start3A_89 = arith.constant 0 : i32
      %dma_start3A_90 = tpu.memref_slice %arg10[%multiple_of3A_54, %dma_start3A_89] : memref<10240x128xf32, #tpu.memory_space<vmem_shared>> -> memref<80x128xf32, #tpu.memory_space<vmem_shared>>
      tpu.enqueue_dma source(%dma_start3A_90 : memref<80x128xf32, #tpu.memory_space<vmem_shared>>) target(%arg9 : memref<80x128xf32, #tpu.memory_space<vmem>>) target_semaphore(%run_scoped3A : memref<!tpu.dma_semaphore, #tpu.memory_space<semaphore_mem>>)
      %dma_wait3A = arith.constant 0 : i32
      %dma_wait3A_91 = tpu.memref_slice %arg10[%multiple_of3A_54, %dma_wait3A] : memref<10240x128xf32, #tpu.memory_space<vmem_shared>> -> memref<80x128xf32, #tpu.memory_space<vmem_shared>>
      %dma_wait3A_92 = arith.constant 0 : i32
      %dma_wait3A_93 = tpu.memref_slice %arg10[%multiple_of3A_54, %dma_wait3A_92] : memref<10240x128xf32, #tpu.memory_space<vmem_shared>> -> memref<80x128xf32, #tpu.memory_space<vmem_shared>>
      tpu.wait_dma2 semaphore(%run_scoped3A : memref<!tpu.dma_semaphore, #tpu.memory_space<semaphore_mem>>) src(%dma_wait3A_93 : memref<80x128xf32, #tpu.memory_space<vmem_shared>>) dst(%arg9 : memref<80x128xf32, #tpu.memory_space<vmem>>)
      tpu.yield
    }) : () -> ()
    "tpu.region"() ({
      %run_scoped3A = tpu.sem_alloc : memref<!tpu.dma_semaphore, #tpu.memory_space<semaphore_mem>>
      %dma_start3A = arith.constant 0 : i32
      %dma_start3A_88 = tpu.memref_slice %arg6[%multiple_of3A_57, %dma_start3A] : memref<20480x128xf32, #tpu.memory_space<hbm>> -> memref<80x128xf32, #tpu.memory_space<hbm>>
      %dma_start3A_89 = arith.constant 0 : i32
      %dma_start3A_90 = tpu.memref_slice %arg6[%multiple_of3A_57, %dma_start3A_89] : memref<20480x128xf32, #tpu.memory_space<hbm>> -> memref<80x128xf32, #tpu.memory_space<hbm>>
      tpu.enqueue_dma source(%arg9 : memref<80x128xf32, #tpu.memory_space<vmem>>) target(%dma_start3A_90 : memref<80x128xf32, #tpu.memory_space<hbm>>) target_semaphore(%run_scoped3A : memref<!tpu.dma_semaphore, #tpu.memory_space<semaphore_mem>>)
      %dma_wait3A = arith.constant 0 : i32
      %dma_wait3A_91 = tpu.memref_slice %arg6[%multiple_of3A_57, %dma_wait3A] : memref<20480x128xf32, #tpu.memory_space<hbm>> -> memref<80x128xf32, #tpu.memory_space<hbm>>
      %dma_wait3A_92 = arith.constant 0 : i32
      %dma_wait3A_93 = tpu.memref_slice %arg6[%multiple_of3A_57, %dma_wait3A_92] : memref<20480x128xf32, #tpu.memory_space<hbm>> -> memref<80x128xf32, #tpu.memory_space<hbm>>
      tpu.wait_dma2 semaphore(%run_scoped3A : memref<!tpu.dma_semaphore, #tpu.memory_space<semaphore_mem>>) src(%arg9 : memref<80x128xf32, #tpu.memory_space<vmem>>) dst(%dma_wait3A_93 : memref<80x128xf32, #tpu.memory_space<hbm>>)
      tpu.yield
    }) : () -> ()
    %add3A_58 = arith.constant 240 : i32
    %add3A_59 = arith.addi %multiple_of3A, %add3A_58 : i32
    %multiple_of3A_60 = tpu.assume_multiple %add3A_59, 8 : i32
    %add3A_61 = arith.constant 240 : i32
    %add3A_62 = arith.addi %multiple_of3A_39, %add3A_61 : i32
    %multiple_of3A_63 = tpu.assume_multiple %add3A_62, 8 : i32
    "tpu.region"() ({
      %run_scoped3A = tpu.sem_alloc : memref<!tpu.dma_semaphore, #tpu.memory_space<semaphore_mem>>
      %dma_start3A = arith.constant 0 : i32
      %dma_start3A_88 = tpu.memref_slice %arg10[%multiple_of3A_60, %dma_start3A] : memref<10240x128xf32, #tpu.memory_space<vmem_shared>> -> memref<80x128xf32, #tpu.memory_space<vmem_shared>>
      %dma_start3A_89 = arith.constant 0 : i32
      %dma_start3A_90 = tpu.memref_slice %arg10[%multiple_of3A_60, %dma_start3A_89] : memref<10240x128xf32, #tpu.memory_space<vmem_shared>> -> memref<80x128xf32, #tpu.memory_space<vmem_shared>>
      tpu.enqueue_dma source(%dma_start3A_90 : memref<80x128xf32, #tpu.memory_space<vmem_shared>>) target(%arg9 : memref<80x128xf32, #tpu.memory_space<vmem>>) target_semaphore(%run_scoped3A : memref<!tpu.dma_semaphore, #tpu.memory_space<semaphore_mem>>)
      %dma_wait3A = arith.constant 0 : i32
      %dma_wait3A_91 = tpu.memref_slice %arg10[%multiple_of3A_60, %dma_wait3A] : memref<10240x128xf32, #tpu.memory_space<vmem_shared>> -> memref<80x128xf32, #tpu.memory_space<vmem_shared>>
      %dma_wait3A_92 = arith.constant 0 : i32
      %dma_wait3A_93 = tpu.memref_slice %arg10[%multiple_of3A_60, %dma_wait3A_92] : memref<10240x128xf32, #tpu.memory_space<vmem_shared>> -> memref<80x128xf32, #tpu.memory_space<vmem_shared>>
      tpu.wait_dma2 semaphore(%run_scoped3A : memref<!tpu.dma_semaphore, #tpu.memory_space<semaphore_mem>>) src(%dma_wait3A_93 : memref<80x128xf32, #tpu.memory_space<vmem_shared>>) dst(%arg9 : memref<80x128xf32, #tpu.memory_space<vmem>>)
      tpu.yield
    }) : () -> ()
    "tpu.region"() ({
      %run_scoped3A = tpu.sem_alloc : memref<!tpu.dma_semaphore, #tpu.memory_space<semaphore_mem>>
      %dma_start3A = arith.constant 0 : i32
      %dma_start3A_88 = tpu.memref_slice %arg6[%multiple_of3A_63, %dma_start3A] : memref<20480x128xf32, #tpu.memory_space<hbm>> -> memref<80x128xf32, #tpu.memory_space<hbm>>
      %dma_start3A_89 = arith.constant 0 : i32
      %dma_start3A_90 = tpu.memref_slice %arg6[%multiple_of3A_63, %dma_start3A_89] : memref<20480x128xf32, #tpu.memory_space<hbm>> -> memref<80x128xf32, #tpu.memory_space<hbm>>
      tpu.enqueue_dma source(%arg9 : memref<80x128xf32, #tpu.memory_space<vmem>>) target(%dma_start3A_90 : memref<80x128xf32, #tpu.memory_space<hbm>>) target_semaphore(%run_scoped3A : memref<!tpu.dma_semaphore, #tpu.memory_space<semaphore_mem>>)
      %dma_wait3A = arith.constant 0 : i32
      %dma_wait3A_91 = tpu.memref_slice %arg6[%multiple_of3A_63, %dma_wait3A] : memref<20480x128xf32, #tpu.memory_space<hbm>> -> memref<80x128xf32, #tpu.memory_space<hbm>>
      %dma_wait3A_92 = arith.constant 0 : i32
      %dma_wait3A_93 = tpu.memref_slice %arg6[%multiple_of3A_63, %dma_wait3A_92] : memref<20480x128xf32, #tpu.memory_space<hbm>> -> memref<80x128xf32, #tpu.memory_space<hbm>>
      tpu.wait_dma2 semaphore(%run_scoped3A : memref<!tpu.dma_semaphore, #tpu.memory_space<semaphore_mem>>) src(%arg9 : memref<80x128xf32, #tpu.memory_space<vmem>>) dst(%dma_wait3A_93 : memref<80x128xf32, #tpu.memory_space<hbm>>)
      tpu.yield
    }) : () -> ()
    %add3A_64 = arith.constant 320 : i32
    %add3A_65 = arith.addi %multiple_of3A, %add3A_64 : i32
    %multiple_of3A_66 = tpu.assume_multiple %add3A_65, 8 : i32
    %add3A_67 = arith.constant 320 : i32
    %add3A_68 = arith.addi %multiple_of3A_39, %add3A_67 : i32
    %multiple_of3A_69 = tpu.assume_multiple %add3A_68, 8 : i32
    "tpu.region"() ({
      %run_scoped3A = tpu.sem_alloc : memref<!tpu.dma_semaphore, #tpu.memory_space<semaphore_mem>>
      %dma_start3A = arith.constant 0 : i32
      %dma_start3A_88 = tpu.memref_slice %arg10[%multiple_of3A_66, %dma_start3A] : memref<10240x128xf32, #tpu.memory_space<vmem_shared>> -> memref<80x128xf32, #tpu.memory_space<vmem_shared>>
      %dma_start3A_89 = arith.constant 0 : i32
      %dma_start3A_90 = tpu.memref_slice %arg10[%multiple_of3A_66, %dma_start3A_89] : memref<10240x128xf32, #tpu.memory_space<vmem_shared>> -> memref<80x128xf32, #tpu.memory_space<vmem_shared>>
      tpu.enqueue_dma source(%dma_start3A_90 : memref<80x128xf32, #tpu.memory_space<vmem_shared>>) target(%arg9 : memref<80x128xf32, #tpu.memory_space<vmem>>) target_semaphore(%run_scoped3A : memref<!tpu.dma_semaphore, #tpu.memory_space<semaphore_mem>>)
      %dma_wait3A = arith.constant 0 : i32
      %dma_wait3A_91 = tpu.memref_slice %arg10[%multiple_of3A_66, %dma_wait3A] : memref<10240x128xf32, #tpu.memory_space<vmem_shared>> -> memref<80x128xf32, #tpu.memory_space<vmem_shared>>
      %dma_wait3A_92 = arith.constant 0 : i32
      %dma_wait3A_93 = tpu.memref_slice %arg10[%multiple_of3A_66, %dma_wait3A_92] : memref<10240x128xf32, #tpu.memory_space<vmem_shared>> -> memref<80x128xf32, #tpu.memory_space<vmem_shared>>
      tpu.wait_dma2 semaphore(%run_scoped3A : memref<!tpu.dma_semaphore, #tpu.memory_space<semaphore_mem>>) src(%dma_wait3A_93 : memref<80x128xf32, #tpu.memory_space<vmem_shared>>) dst(%arg9 : memref<80x128xf32, #tpu.memory_space<vmem>>)
      tpu.yield
    }) : () -> ()
    "tpu.region"() ({
      %run_scoped3A = tpu.sem_alloc : memref<!tpu.dma_semaphore, #tpu.memory_space<semaphore_mem>>
      %dma_start3A = arith.constant 0 : i32
      %dma_start3A_88 = tpu.memref_slice %arg6[%multiple_of3A_69, %dma_start3A] : memref<20480x128xf32, #tpu.memory_space<hbm>> -> memref<80x128xf32, #tpu.memory_space<hbm>>
      %dma_start3A_89 = arith.constant 0 : i32
      %dma_start3A_90 = tpu.memref_slice %arg6[%multiple_of3A_69, %dma_start3A_89] : memref<20480x128xf32, #tpu.memory_space<hbm>> -> memref<80x128xf32, #tpu.memory_space<hbm>>
      tpu.enqueue_dma source(%arg9 : memref<80x128xf32, #tpu.memory_space<vmem>>) target(%dma_start3A_90 : memref<80x128xf32, #tpu.memory_space<hbm>>) target_semaphore(%run_scoped3A : memref<!tpu.dma_semaphore, #tpu.memory_space<semaphore_mem>>)
      %dma_wait3A = arith.constant 0 : i32
      %dma_wait3A_91 = tpu.memref_slice %arg6[%multiple_of3A_69, %dma_wait3A] : memref<20480x128xf32, #tpu.memory_space<hbm>> -> memref<80x128xf32, #tpu.memory_space<hbm>>
      %dma_wait3A_92 = arith.constant 0 : i32
      %dma_wait3A_93 = tpu.memref_slice %arg6[%multiple_of3A_69, %dma_wait3A_92] : memref<20480x128xf32, #tpu.memory_space<hbm>> -> memref<80x128xf32, #tpu.memory_space<hbm>>
      tpu.wait_dma2 semaphore(%run_scoped3A : memref<!tpu.dma_semaphore, #tpu.memory_space<semaphore_mem>>) src(%arg9 : memref<80x128xf32, #tpu.memory_space<vmem>>) dst(%dma_wait3A_93 : memref<80x128xf32, #tpu.memory_space<hbm>>)
      tpu.yield
    }) : () -> ()
    %add3A_70 = arith.constant 400 : i32
    %add3A_71 = arith.addi %multiple_of3A, %add3A_70 : i32
    %multiple_of3A_72 = tpu.assume_multiple %add3A_71, 8 : i32
    %add3A_73 = arith.constant 400 : i32
    %add3A_74 = arith.addi %multiple_of3A_39, %add3A_73 : i32
    %multiple_of3A_75 = tpu.assume_multiple %add3A_74, 8 : i32
    "tpu.region"() ({
      %run_scoped3A = tpu.sem_alloc : memref<!tpu.dma_semaphore, #tpu.memory_space<semaphore_mem>>
      %dma_start3A = arith.constant 0 : i32
      %dma_start3A_88 = tpu.memref_slice %arg10[%multiple_of3A_72, %dma_start3A] : memref<10240x128xf32, #tpu.memory_space<vmem_shared>> -> memref<80x128xf32, #tpu.memory_space<vmem_shared>>
      %dma_start3A_89 = arith.constant 0 : i32
      %dma_start3A_90 = tpu.memref_slice %arg10[%multiple_of3A_72, %dma_start3A_89] : memref<10240x128xf32, #tpu.memory_space<vmem_shared>> -> memref<80x128xf32, #tpu.memory_space<vmem_shared>>
      tpu.enqueue_dma source(%dma_start3A_90 : memref<80x128xf32, #tpu.memory_space<vmem_shared>>) target(%arg9 : memref<80x128xf32, #tpu.memory_space<vmem>>) target_semaphore(%run_scoped3A : memref<!tpu.dma_semaphore, #tpu.memory_space<semaphore_mem>>)
      %dma_wait3A = arith.constant 0 : i32
      %dma_wait3A_91 = tpu.memref_slice %arg10[%multiple_of3A_72, %dma_wait3A] : memref<10240x128xf32, #tpu.memory_space<vmem_shared>> -> memref<80x128xf32, #tpu.memory_space<vmem_shared>>
      %dma_wait3A_92 = arith.constant 0 : i32
      %dma_wait3A_93 = tpu.memref_slice %arg10[%multiple_of3A_72, %dma_wait3A_92] : memref<10240x128xf32, #tpu.memory_space<vmem_shared>> -> memref<80x128xf32, #tpu.memory_space<vmem_shared>>
      tpu.wait_dma2 semaphore(%run_scoped3A : memref<!tpu.dma_semaphore, #tpu.memory_space<semaphore_mem>>) src(%dma_wait3A_93 : memref<80x128xf32, #tpu.memory_space<vmem_shared>>) dst(%arg9 : memref<80x128xf32, #tpu.memory_space<vmem>>)
      tpu.yield
    }) : () -> ()
    "tpu.region"() ({
      %run_scoped3A = tpu.sem_alloc : memref<!tpu.dma_semaphore, #tpu.memory_space<semaphore_mem>>
      %dma_start3A = arith.constant 0 : i32
      %dma_start3A_88 = tpu.memref_slice %arg6[%multiple_of3A_75, %dma_start3A] : memref<20480x128xf32, #tpu.memory_space<hbm>> -> memref<80x128xf32, #tpu.memory_space<hbm>>
      %dma_start3A_89 = arith.constant 0 : i32
      %dma_start3A_90 = tpu.memref_slice %arg6[%multiple_of3A_75, %dma_start3A_89] : memref<20480x128xf32, #tpu.memory_space<hbm>> -> memref<80x128xf32, #tpu.memory_space<hbm>>
      tpu.enqueue_dma source(%arg9 : memref<80x128xf32, #tpu.memory_space<vmem>>) target(%dma_start3A_90 : memref<80x128xf32, #tpu.memory_space<hbm>>) target_semaphore(%run_scoped3A : memref<!tpu.dma_semaphore, #tpu.memory_space<semaphore_mem>>)
      %dma_wait3A = arith.constant 0 : i32
      %dma_wait3A_91 = tpu.memref_slice %arg6[%multiple_of3A_75, %dma_wait3A] : memref<20480x128xf32, #tpu.memory_space<hbm>> -> memref<80x128xf32, #tpu.memory_space<hbm>>
      %dma_wait3A_92 = arith.constant 0 : i32
      %dma_wait3A_93 = tpu.memref_slice %arg6[%multiple_of3A_75, %dma_wait3A_92] : memref<20480x128xf32, #tpu.memory_space<hbm>> -> memref<80x128xf32, #tpu.memory_space<hbm>>
      tpu.wait_dma2 semaphore(%run_scoped3A : memref<!tpu.dma_semaphore, #tpu.memory_space<semaphore_mem>>) src(%arg9 : memref<80x128xf32, #tpu.memory_space<vmem>>) dst(%dma_wait3A_93 : memref<80x128xf32, #tpu.memory_space<hbm>>)
      tpu.yield
    }) : () -> ()
    %add3A_76 = arith.constant 480 : i32
    %add3A_77 = arith.addi %multiple_of3A, %add3A_76 : i32
    %multiple_of3A_78 = tpu.assume_multiple %add3A_77, 8 : i32
    %add3A_79 = arith.constant 480 : i32
    %add3A_80 = arith.addi %multiple_of3A_39, %add3A_79 : i32
    %multiple_of3A_81 = tpu.assume_multiple %add3A_80, 8 : i32
    "tpu.region"() ({
      %run_scoped3A = tpu.sem_alloc : memref<!tpu.dma_semaphore, #tpu.memory_space<semaphore_mem>>
      %dma_start3A = arith.constant 0 : i32
      %dma_start3A_88 = tpu.memref_slice %arg10[%multiple_of3A_78, %dma_start3A] : memref<10240x128xf32, #tpu.memory_space<vmem_shared>> -> memref<80x128xf32, #tpu.memory_space<vmem_shared>>
      %dma_start3A_89 = arith.constant 0 : i32
      %dma_start3A_90 = tpu.memref_slice %arg10[%multiple_of3A_78, %dma_start3A_89] : memref<10240x128xf32, #tpu.memory_space<vmem_shared>> -> memref<80x128xf32, #tpu.memory_space<vmem_shared>>
      tpu.enqueue_dma source(%dma_start3A_90 : memref<80x128xf32, #tpu.memory_space<vmem_shared>>) target(%arg9 : memref<80x128xf32, #tpu.memory_space<vmem>>) target_semaphore(%run_scoped3A : memref<!tpu.dma_semaphore, #tpu.memory_space<semaphore_mem>>)
      %dma_wait3A = arith.constant 0 : i32
      %dma_wait3A_91 = tpu.memref_slice %arg10[%multiple_of3A_78, %dma_wait3A] : memref<10240x128xf32, #tpu.memory_space<vmem_shared>> -> memref<80x128xf32, #tpu.memory_space<vmem_shared>>
      %dma_wait3A_92 = arith.constant 0 : i32
      %dma_wait3A_93 = tpu.memref_slice %arg10[%multiple_of3A_78, %dma_wait3A_92] : memref<10240x128xf32, #tpu.memory_space<vmem_shared>> -> memref<80x128xf32, #tpu.memory_space<vmem_shared>>
      tpu.wait_dma2 semaphore(%run_scoped3A : memref<!tpu.dma_semaphore, #tpu.memory_space<semaphore_mem>>) src(%dma_wait3A_93 : memref<80x128xf32, #tpu.memory_space<vmem_shared>>) dst(%arg9 : memref<80x128xf32, #tpu.memory_space<vmem>>)
      tpu.yield
    }) : () -> ()
    "tpu.region"() ({
      %run_scoped3A = tpu.sem_alloc : memref<!tpu.dma_semaphore, #tpu.memory_space<semaphore_mem>>
      %dma_start3A = arith.constant 0 : i32
      %dma_start3A_88 = tpu.memref_slice %arg6[%multiple_of3A_81, %dma_start3A] : memref<20480x128xf32, #tpu.memory_space<hbm>> -> memref<80x128xf32, #tpu.memory_space<hbm>>
      %dma_start3A_89 = arith.constant 0 : i32
      %dma_start3A_90 = tpu.memref_slice %arg6[%multiple_of3A_81, %dma_start3A_89] : memref<20480x128xf32, #tpu.memory_space<hbm>> -> memref<80x128xf32, #tpu.memory_space<hbm>>
      tpu.enqueue_dma source(%arg9 : memref<80x128xf32, #tpu.memory_space<vmem>>) target(%dma_start3A_90 : memref<80x128xf32, #tpu.memory_space<hbm>>) target_semaphore(%run_scoped3A : memref<!tpu.dma_semaphore, #tpu.memory_space<semaphore_mem>>)
      %dma_wait3A = arith.constant 0 : i32
      %dma_wait3A_91 = tpu.memref_slice %arg6[%multiple_of3A_81, %dma_wait3A] : memref<20480x128xf32, #tpu.memory_space<hbm>> -> memref<80x128xf32, #tpu.memory_space<hbm>>
      %dma_wait3A_92 = arith.constant 0 : i32
      %dma_wait3A_93 = tpu.memref_slice %arg6[%multiple_of3A_81, %dma_wait3A_92] : memref<20480x128xf32, #tpu.memory_space<hbm>> -> memref<80x128xf32, #tpu.memory_space<hbm>>
      tpu.wait_dma2 semaphore(%run_scoped3A : memref<!tpu.dma_semaphore, #tpu.memory_space<semaphore_mem>>) src(%arg9 : memref<80x128xf32, #tpu.memory_space<vmem>>) dst(%dma_wait3A_93 : memref<80x128xf32, #tpu.memory_space<hbm>>)
      tpu.yield
    }) : () -> ()
    %add3A_82 = arith.constant 560 : i32
    %add3A_83 = arith.addi %multiple_of3A, %add3A_82 : i32
    %multiple_of3A_84 = tpu.assume_multiple %add3A_83, 8 : i32
    %add3A_85 = arith.constant 560 : i32
    %add3A_86 = arith.addi %multiple_of3A_39, %add3A_85 : i32
    %multiple_of3A_87 = tpu.assume_multiple %add3A_86, 8 : i32
    "tpu.region"() ({
      %run_scoped3A = tpu.sem_alloc : memref<!tpu.dma_semaphore, #tpu.memory_space<semaphore_mem>>
      %dma_start3A = arith.constant 0 : i32
      %dma_start3A_88 = tpu.memref_slice %arg10[%multiple_of3A_84, %dma_start3A] : memref<10240x128xf32, #tpu.memory_space<vmem_shared>> -> memref<80x128xf32, #tpu.memory_space<vmem_shared>>
      %dma_start3A_89 = arith.constant 0 : i32
      %dma_start3A_90 = tpu.memref_slice %arg10[%multiple_of3A_84, %dma_start3A_89] : memref<10240x128xf32, #tpu.memory_space<vmem_shared>> -> memref<80x128xf32, #tpu.memory_space<vmem_shared>>
      tpu.enqueue_dma source(%dma_start3A_90 : memref<80x128xf32, #tpu.memory_space<vmem_shared>>) target(%arg9 : memref<80x128xf32, #tpu.memory_space<vmem>>) target_semaphore(%run_scoped3A : memref<!tpu.dma_semaphore, #tpu.memory_space<semaphore_mem>>)
      %dma_wait3A = arith.constant 0 : i32
      %dma_wait3A_91 = tpu.memref_slice %arg10[%multiple_of3A_84, %dma_wait3A] : memref<10240x128xf32, #tpu.memory_space<vmem_shared>> -> memref<80x128xf32, #tpu.memory_space<vmem_shared>>
      %dma_wait3A_92 = arith.constant 0 : i32
      %dma_wait3A_93 = tpu.memref_slice %arg10[%multiple_of3A_84, %dma_wait3A_92] : memref<10240x128xf32, #tpu.memory_space<vmem_shared>> -> memref<80x128xf32, #tpu.memory_space<vmem_shared>>
      tpu.wait_dma2 semaphore(%run_scoped3A : memref<!tpu.dma_semaphore, #tpu.memory_space<semaphore_mem>>) src(%dma_wait3A_93 : memref<80x128xf32, #tpu.memory_space<vmem_shared>>) dst(%arg9 : memref<80x128xf32, #tpu.memory_space<vmem>>)
      tpu.yield
    }) : () -> ()
    "tpu.region"() ({
      %run_scoped3A = tpu.sem_alloc : memref<!tpu.dma_semaphore, #tpu.memory_space<semaphore_mem>>
      %dma_start3A = arith.constant 0 : i32
      %dma_start3A_88 = tpu.memref_slice %arg6[%multiple_of3A_87, %dma_start3A] : memref<20480x128xf32, #tpu.memory_space<hbm>> -> memref<80x128xf32, #tpu.memory_space<hbm>>
      %dma_start3A_89 = arith.constant 0 : i32
      %dma_start3A_90 = tpu.memref_slice %arg6[%multiple_of3A_87, %dma_start3A_89] : memref<20480x128xf32, #tpu.memory_space<hbm>> -> memref<80x128xf32, #tpu.memory_space<hbm>>
      tpu.enqueue_dma source(%arg9 : memref<80x128xf32, #tpu.memory_space<vmem>>) target(%dma_start3A_90 : memref<80x128xf32, #tpu.memory_space<hbm>>) target_semaphore(%run_scoped3A : memref<!tpu.dma_semaphore, #tpu.memory_space<semaphore_mem>>)
      %dma_wait3A = arith.constant 0 : i32
      %dma_wait3A_91 = tpu.memref_slice %arg6[%multiple_of3A_87, %dma_wait3A] : memref<20480x128xf32, #tpu.memory_space<hbm>> -> memref<80x128xf32, #tpu.memory_space<hbm>>
      %dma_wait3A_92 = arith.constant 0 : i32
      %dma_wait3A_93 = tpu.memref_slice %arg6[%multiple_of3A_87, %dma_wait3A_92] : memref<20480x128xf32, #tpu.memory_space<hbm>> -> memref<80x128xf32, #tpu.memory_space<hbm>>
      tpu.wait_dma2 semaphore(%run_scoped3A : memref<!tpu.dma_semaphore, #tpu.memory_space<semaphore_mem>>) src(%arg9 : memref<80x128xf32, #tpu.memory_space<vmem>>) dst(%dma_wait3A_93 : memref<80x128xf32, #tpu.memory_space<hbm>>)
      tpu.yield
    }) : () -> ()
    return
  }
}

module attributes {stable_mosaic.version = 14 : i64} {
  func.func @_tc_a(%arg0: i32, %arg1: memref<1024x128xf32, #tpu.memory_space<vmem>>, %arg2: memref<128x128xf32, #tpu.memory_space<vmem>>, %arg3: memref<128x128xf32, #tpu.memory_space<vmem>>, %arg4: memref<1024x128xf32, #tpu.memory_space<vmem>>, %arg5: memref<1024x128xf32, #tpu.memory_space<vmem>>) attributes {dimension_semantics = [#tpu.dimension_semantics<arbitrary>], iteration_bounds = array<i64: 10>, scalar_prefetch = 0 : i64, scratch_operands = 0 : i64, tpu.core_type = #tpu.core_type<tc>, window_params = [{transform_indices = @transform_0, window_bounds = array<i64: 1024, 128>}, {pipeline_mode = #tpu.pipeline_mode<synchronous>, transform_indices = @transform_1, window_bounds = array<i64: 128, 128>}, {pipeline_mode = #tpu.pipeline_mode<synchronous>, transform_indices = @transform_2, window_bounds = array<i64: 128, 128>}, {transform_indices = @transform_3, window_bounds = array<i64: 1024, 128>}, {transform_indices = @transform_4, window_bounds = array<i64: 1024, 128>}]} {
    %get3A = arith.constant 0 : index
    %get3A_0 = arith.constant 0 : index
    %get3A_1 = vector.load %arg1[%get3A, %get3A_0] : memref<1024x128xf32, #tpu.memory_space<vmem>>, vector<1024x128xf32>
    %get3A_2 = arith.constant 0 : index
    %get3A_3 = arith.constant 0 : index
    %get3A_4 = vector.load %arg2[%get3A_2, %get3A_3] : memref<128x128xf32, #tpu.memory_space<vmem>>, vector<128x128xf32>
    %dot_general3A = arith.constant dense<0.000000e+00> : vector<1024x128xf32>
    %dot_general3A_5 = tpu.matmul %get3A_1, %get3A_4, %dot_general3A {dimension_numbers = #tpu.dot_dimension_numbers<[1], [0], [0], [1], [0, 0, 1, 1], [], []>, precision = #tpu.contract_precision<fp32>, transpose_lhs_hint = false} : vector<1024x128xf32>, vector<128x128xf32>, vector<1024x128xf32> -> vector<1024x128xf32>
    %swap3A = arith.constant 0 : index
    %swap3A_6 = arith.constant 0 : index
    %swap3A_7 = vector.load %arg4[%swap3A, %swap3A_6] : memref<1024x128xf32, #tpu.memory_space<vmem>>, vector<1024x128xf32>
    tpu.vector_store %arg4[%swap3A, %swap3A_6], %dot_general3A_5 {strides = array<i32>} : memref<1024x128xf32, #tpu.memory_space<vmem>>, vector<1024x128xf32>,
    %get3A_8 = arith.constant 0 : index
    %get3A_9 = arith.constant 0 : index
    %get3A_10 = vector.load %arg3[%get3A_8, %get3A_9] : memref<128x128xf32, #tpu.memory_space<vmem>>, vector<128x128xf32>
    %dot_general3A_11 = arith.constant dense<0.000000e+00> : vector<1024x128xf32>
    %dot_general3A_12 = tpu.matmul %get3A_1, %get3A_10, %dot_general3A_11 {dimension_numbers = #tpu.dot_dimension_numbers<[1], [0], [0], [1], [0, 0, 1, 1], [], []>, precision = #tpu.contract_precision<fp32>, transpose_lhs_hint = false} : vector<1024x128xf32>, vector<128x128xf32>, vector<1024x128xf32> -> vector<1024x128xf32>
    %swap3A_13 = arith.constant 0 : index
    %swap3A_14 = arith.constant 0 : index
    %swap3A_15 = vector.load %arg5[%swap3A_13, %swap3A_14] : memref<1024x128xf32, #tpu.memory_space<vmem>>, vector<1024x128xf32>
    tpu.vector_store %arg5[%swap3A_13, %swap3A_14], %dot_general3A_12 {strides = array<i32>} : memref<1024x128xf32, #tpu.memory_space<vmem>>, vector<1024x128xf32>,
    return
  }
  func.func @transform_0(%arg0: i32) -> (i32, i32) {
    %c0_i32 = arith.constant 0 : i32
    %c0_i32_0 = arith.constant 0 : i32
    return %arg0, %c0_i32 : i32, i32
  }
  func.func @transform_1(%arg0: i32) -> (i32, i32) {
    %c0_i32 = arith.constant 0 : i32
    %c0_i32_0 = arith.constant 0 : i32
    %c0_i32_1 = arith.constant 0 : i32
    return %c0_i32, %c0_i32_0 : i32, i32
  }
  func.func @transform_2(%arg0: i32) -> (i32, i32) {
    %c0_i32 = arith.constant 0 : i32
    %c0_i32_0 = arith.constant 0 : i32
    %c0_i32_1 = arith.constant 0 : i32
    return %c0_i32, %c0_i32_0 : i32, i32
  }
  func.func @transform_3(%arg0: i32) -> (i32, i32) {
    %c0_i32 = arith.constant 0 : i32
    %c0_i32_0 = arith.constant 0 : i32
    return %arg0, %c0_i32 : i32, i32
  }
  func.func @transform_4(%arg0: i32) -> (i32, i32) {
    %c0_i32 = arith.constant 0 : i32
    %c0_i32_0 = arith.constant 0 : i32
    return %arg0, %c0_i32 : i32, i32
  }
}

module attributes {stable_mosaic.version = 14 : i64} {
  func.func @body(%arg0: i32, %arg1: memref<1024x128xf32, #tpu.memory_space<vmem>>, %arg2: memref<1024x128xf32, #tpu.memory_space<vmem>>, %arg3: memref<1024x128xf32, #tpu.memory_space<vmem>>, %arg4: memref<1024x128xf32, #tpu.memory_space<vmem>>, %arg5: memref<1024x128xf32, #tpu.memory_space<vmem>>, %arg6: memref<16x128xf32, #tpu.memory_space<vmem>>, %arg7: memref<1x128xf32, #tpu.memory_space<vmem>>, %arg8: memref<1024x128xf32, #tpu.memory_space<vmem>>, %arg9: memref<1024x16xf32, #tpu.memory_space<vmem>>, %arg10: memref<1x128xf32, #tpu.memory_space<vmem>>, %arg11: memref<1x128xf32, #tpu.memory_space<vmem>>, %arg12: memref<1x128xf32, #tpu.memory_space<vmem>>, %arg13: memref<1x128xf32, #tpu.memory_space<vmem>>) attributes {dimension_semantics = [#tpu.dimension_semantics<arbitrary>], iteration_bounds = array<i64: 10>, scalar_prefetch = 0 : i64, scratch_operands = 2 : i64, tpu.core_type = #tpu.core_type<tc>, window_params = [{transform_indices = @transform_0, window_bounds = array<i64: 1024, 128>}, {transform_indices = @transform_1, window_bounds = array<i64: 1024, 128>}, {transform_indices = @transform_2, window_bounds = array<i64: 1024, 128>}, {transform_indices = @transform_3, window_bounds = array<i64: 1024, 128>}, {transform_indices = @transform_4, window_bounds = array<i64: 1024, 128>}, {pipeline_mode = #tpu.pipeline_mode<synchronous>, transform_indices = @transform_5, window_bounds = array<i64: 16, 128>}, {pipeline_mode = #tpu.pipeline_mode<synchronous>, transform_indices = @transform_6, window_bounds = array<i64: 1, 128>}, {transform_indices = @transform_7, window_bounds = array<i64: 1024, 128>}, {transform_indices = @transform_8, window_bounds = array<i64: 1024, 16>}, {pipeline_mode = #tpu.pipeline_mode<synchronous>, transform_indices = @transform_9, window_bounds = array<i64: 1, 128>}, {pipeline_mode = #tpu.pipeline_mode<synchronous>, transform_indices = @transform_10, window_bounds = array<i64: 1, 128>}]} {
    %get3A = arith.constant 0 : index
    %get3A_0 = arith.constant 0 : index
    %get3A_1 = vector.load %arg4[%get3A, %get3A_0] : memref<1024x128xf32, #tpu.memory_space<vmem>>, vector<1024x16xf32>
    %get3A_2 = arith.constant 0 : index
    %get3A_3 = arith.constant 0 : index
    %get3A_4 = vector.load %arg5[%get3A_2, %get3A_3] : memref<1024x128xf32, #tpu.memory_space<vmem>>, vector<1024x16xf32>
    %add3A = arith.addf %get3A_1, %get3A_4 : vector<1024x16xf32>
    %get3A_5 = arith.constant 0 : index
    %get3A_6 = arith.constant 0 : index
    %get3A_7 = vector.load %arg1[%get3A_5, %get3A_6] : memref<1024x128xf32, #tpu.memory_space<vmem>>, vector<1024x128xf32>
    %get3A_8 = arith.constant 0 : index
    %get3A_9 = arith.constant 0 : index
    %get3A_10 = vector.load %arg2[%get3A_8, %get3A_9] : memref<1024x128xf32, #tpu.memory_space<vmem>>, vector<1024x128xf32>
    %add3A_11 = arith.addf %get3A_7, %get3A_10 : vector<1024x128xf32>
    %get3A_12 = arith.constant 0 : index
    %get3A_13 = arith.constant 0 : index
    %get3A_14 = vector.load %arg3[%get3A_12, %get3A_13] : memref<1024x128xf32, #tpu.memory_space<vmem>>, vector<1024x128xf32>
    %add3A_15 = arith.addf %add3A_11, %get3A_14 : vector<1024x128xf32>
    %get3A_16 = arith.constant 0 : index
    %get3A_17 = arith.constant 0 : index
    %get3A_18 = vector.load %arg6[%get3A_16, %get3A_17] : memref<16x128xf32, #tpu.memory_space<vmem>>, vector<16x128xf32>
    %dot_general3A = arith.constant dense<0.000000e+00> : vector<1024x128xf32>
    %dot_general3A_19 = tpu.matmul %add3A, %get3A_18, %dot_general3A {dimension_numbers = #tpu.dot_dimension_numbers<[1], [0], [0], [1], [0, 0, 1, 1], [], []>, precision = #tpu.contract_precision<fp32>, transpose_lhs_hint = false} : vector<1024x16xf32>, vector<16x128xf32>, vector<1024x128xf32> -> vector<1024x128xf32>
    %add3A_20 = arith.addf %add3A_15, %dot_general3A_19 : vector<1024x128xf32>
    %get3A_21 = arith.constant 0 : index
    %get3A_22 = arith.constant 0 : index
    %get3A_23 = vector.load %arg7[%get3A_21, %get3A_22] : memref<1x128xf32, #tpu.memory_space<vmem>>, vector<1x128xf32>
    %add3A_24 = vector.broadcast %get3A_23 : vector<1x128xf32> to vector<1024x128xf32>
    %add3A_25 = arith.addf %add3A_20, %add3A_24 : vector<1024x128xf32>
    %mul3A = arith.constant 1024 : i32
    %mul3A_26 = arith.muli %arg0, %mul3A : i32
    %iota3A = tpu.iota {dimensions = array<i32: 0>} : vector<1024x1xi32>
    %add3A_27 = vector.broadcast %mul3A_26 : i32 to vector<1024x1xi32>
    %add3A_28 = arith.addi %add3A_27, %iota3A : vector<1024x1xi32>
    %lt3A = arith.constant 10000 : i32
    %lt3A_29 = vector.broadcast %lt3A : i32 to vector<1024x1xi32>
    %lt3A_30 = arith.cmpi slt, %add3A_28, %lt3A_29 : vector<1024x1xi32>
    %max3A = arith.constant 0.000000e+00 : f32
    %max3A_31 = vector.broadcast %max3A : f32 to vector<1024x128xf32>
    %max3A_32 = arith.maximumf %add3A_25, %max3A_31 : vector<1024x128xf32>
    %jit3A = arith.constant 0.000000e+00 : f32
    %broadcast_in_dim3A = vector.shape_cast %lt3A_30 : vector<1024x1xi1> to vector<1024x1xi1>
    %broadcast_in_dim3A_33 = vector.broadcast %broadcast_in_dim3A : vector<1024x1xi1> to vector<1024x128xi1>
    %broadcast_in_dim3A_34 = vector.broadcast %jit3A : f32 to vector<1024x128xf32>
    %select_n3A = arith.select %broadcast_in_dim3A_33, %max3A_32, %broadcast_in_dim3A_34 : vector<1024x128xi1>, vector<1024x128xf32>
    %swap3A = arith.constant 0 : index
    %swap3A_35 = arith.constant 0 : index
    %swap3A_36 = vector.load %arg8[%swap3A, %swap3A_35] : memref<1024x128xf32, #tpu.memory_space<vmem>>, vector<1024x128xf32>
    tpu.vector_store %arg8[%swap3A, %swap3A_35], %select_n3A {strides = array<i32>} : memref<1024x128xf32, #tpu.memory_space<vmem>>, vector<1024x128xf32>,
    %swap3A_37 = arith.constant 0 : index
    %swap3A_38 = arith.constant 0 : index
    %swap3A_39 = vector.load %arg9[%swap3A_37, %swap3A_38] : memref<1024x16xf32, #tpu.memory_space<vmem>>, vector<1024x16xf32>
    tpu.vector_store %arg9[%swap3A_37, %swap3A_38], %add3A {strides = array<i32>} : memref<1024x16xf32, #tpu.memory_space<vmem>>, vector<1024x16xf32>,
    %eq3A = arith.constant 0 : i32
    %eq3A_40 = arith.cmpi eq, %arg0, %eq3A : i32
    %convert_element_type3A = arith.extui %eq3A_40 : i1 to i32
    %cond3A = arith.constant 0 : i32
    %cond3A_41 = arith.cmpi ne, %convert_element_type3A, %cond3A : i32
    scf.if %cond3A_41 {
      %broadcast_in_dim3A_67 = arith.constant 0.000000e+00 : f32
      %broadcast_in_dim3A_68 = vector.broadcast %broadcast_in_dim3A_67 : f32 to vector<1x128xf32>
      %swap3A_69 = arith.constant 0 : index
      %swap3A_70 = arith.constant 0 : index
      %swap3A_71 = vector.load %arg12[%swap3A_69, %swap3A_70] : memref<1x128xf32, #tpu.memory_space<vmem>>, vector<1x128xf32>
      tpu.vector_store %arg12[%swap3A_69, %swap3A_70], %broadcast_in_dim3A_68 {strides = array<i32>} : memref<1x128xf32, #tpu.memory_space<vmem>>, vector<1x128xf32>,
      %broadcast_in_dim3A_72 = arith.constant 0.000000e+00 : f32
      %broadcast_in_dim3A_73 = vector.broadcast %broadcast_in_dim3A_72 : f32 to vector<1x128xf32>
      %swap3A_74 = arith.constant 0 : index
      %swap3A_75 = arith.constant 0 : index
      %swap3A_76 = vector.load %arg13[%swap3A_74, %swap3A_75] : memref<1x128xf32, #tpu.memory_space<vmem>>, vector<1x128xf32>
      tpu.vector_store %arg13[%swap3A_74, %swap3A_75], %broadcast_in_dim3A_73 {strides = array<i32>} : memref<1x128xf32, #tpu.memory_space<vmem>>, vector<1x128xf32>,
    } else {
    }
    %get3A_42 = arith.constant 0 : index
    %get3A_43 = arith.constant 0 : index
    %get3A_44 = vector.load %arg12[%get3A_42, %get3A_43] : memref<1x128xf32, #tpu.memory_space<vmem>>, vector<1x128xf32>
    %reduce_sum3A = arith.constant dense<0.000000e+00> : vector<128xf32>
    %reduce_sum3A_45 = vector.multi_reduction <add>, %select_n3A, %reduce_sum3A [0] : vector<1024x128xf32> to vector<128xf32>
    %broadcast_in_dim3A_46 = vector.shape_cast %reduce_sum3A_45 : vector<128xf32> to vector<1x128xf32>
    %add3A_47 = arith.addf %get3A_44, %broadcast_in_dim3A_46 : vector<1x128xf32>
    %swap3A_48 = arith.constant 0 : index
    %swap3A_49 = arith.constant 0 : index
    %swap3A_50 = vector.load %arg12[%swap3A_48, %swap3A_49] : memref<1x128xf32, #tpu.memory_space<vmem>>, vector<1x128xf32>
    tpu.vector_store %arg12[%swap3A_48, %swap3A_49], %add3A_47 {strides = array<i32>} : memref<1x128xf32, #tpu.memory_space<vmem>>, vector<1x128xf32>,
    %get3A_51 = arith.constant 0 : index
    %get3A_52 = arith.constant 0 : index
    %get3A_53 = vector.load %arg13[%get3A_51, %get3A_52] : memref<1x128xf32, #tpu.memory_space<vmem>>, vector<1x128xf32>
    %mul3A_54 = arith.mulf %select_n3A, %select_n3A : vector<1024x128xf32>
    %reduce_sum3A_55 = arith.constant dense<0.000000e+00> : vector<128xf32>
    %reduce_sum3A_56 = vector.multi_reduction <add>, %mul3A_54, %reduce_sum3A_55 [0] : vector<1024x128xf32> to vector<128xf32>
    %broadcast_in_dim3A_57 = vector.shape_cast %reduce_sum3A_56 : vector<128xf32> to vector<1x128xf32>
    %add3A_58 = arith.addf %get3A_53, %broadcast_in_dim3A_57 : vector<1x128xf32>
    %swap3A_59 = arith.constant 0 : index
    %swap3A_60 = arith.constant 0 : index
    %swap3A_61 = vector.load %arg13[%swap3A_59, %swap3A_60] : memref<1x128xf32, #tpu.memory_space<vmem>>, vector<1x128xf32>
    tpu.vector_store %arg13[%swap3A_59, %swap3A_60], %add3A_58 {strides = array<i32>} : memref<1x128xf32, #tpu.memory_space<vmem>>, vector<1x128xf32>,
    %eq3A_62 = arith.constant 9 : i32
    %eq3A_63 = arith.cmpi eq, %arg0, %eq3A_62 : i32
    %convert_element_type3A_64 = arith.extui %eq3A_63 : i1 to i32
    %cond3A_65 = arith.constant 0 : i32
    %cond3A_66 = arith.cmpi ne, %convert_element_type3A_64, %cond3A_65 : i32
    scf.if %cond3A_66 {
      %get3A_67 = arith.constant 0 : index
      %get3A_68 = arith.constant 0 : index
      %get3A_69 = vector.load %arg12[%get3A_67, %get3A_68] : memref<1x128xf32, #tpu.memory_space<vmem>>, vector<1x128xf32>
      %swap3A_70 = arith.constant 0 : index
      %swap3A_71 = arith.constant 0 : index
      %swap3A_72 = vector.load %arg10[%swap3A_70, %swap3A_71] : memref<1x128xf32, #tpu.memory_space<vmem>>, vector<1x128xf32>
      tpu.vector_store %arg10[%swap3A_70, %swap3A_71], %get3A_69 {strides = array<i32>} : memref<1x128xf32, #tpu.memory_space<vmem>>, vector<1x128xf32>,
      %get3A_73 = arith.constant 0 : index
      %get3A_74 = arith.constant 0 : index
      %get3A_75 = vector.load %arg13[%get3A_73, %get3A_74] : memref<1x128xf32, #tpu.memory_space<vmem>>, vector<1x128xf32>
      %swap3A_76 = arith.constant 0 : index
      %swap3A_77 = arith.constant 0 : index
      %swap3A_78 = vector.load %arg11[%swap3A_76, %swap3A_77] : memref<1x128xf32, #tpu.memory_space<vmem>>, vector<1x128xf32>
      tpu.vector_store %arg11[%swap3A_76, %swap3A_77], %get3A_75 {strides = array<i32>} : memref<1x128xf32, #tpu.memory_space<vmem>>, vector<1x128xf32>,
    } else {
    }
    return
  }
  func.func @transform_0(%arg0: i32) -> (i32, i32) {
    %c0_i32 = arith.constant 0 : i32
    %c0_i32_0 = arith.constant 0 : i32
    return %arg0, %c0_i32 : i32, i32
  }
  func.func @transform_1(%arg0: i32) -> (i32, i32) {
    %c0_i32 = arith.constant 0 : i32
    %c0_i32_0 = arith.constant 0 : i32
    return %arg0, %c0_i32 : i32, i32
  }
  func.func @transform_2(%arg0: i32) -> (i32, i32) {
    %add3A = arith.constant 10 : i32
    %add3A_0 = arith.addi %arg0, %add3A : i32
    %c0_i32 = arith.constant 0 : i32
    %c0_i32_1 = arith.constant 0 : i32
    return %add3A_0, %c0_i32 : i32, i32
  }
  func.func @transform_3(%arg0: i32) -> (i32, i32) {
    %c0_i32 = arith.constant 0 : i32
    %c0_i32_0 = arith.constant 0 : i32
    return %arg0, %c0_i32 : i32, i32
  }
  func.func @transform_4(%arg0: i32) -> (i32, i32) {
    %add3A = arith.constant 10 : i32
    %add3A_0 = arith.addi %arg0, %add3A : i32
    %c0_i32 = arith.constant 0 : i32
    %c0_i32_1 = arith.constant 0 : i32
    return %add3A_0, %c0_i32 : i32, i32
  }
  func.func @transform_5(%arg0: i32) -> (i32, i32) {
    %c0_i32 = arith.constant 0 : i32
    %c0_i32_0 = arith.constant 0 : i32
    %c0_i32_1 = arith.constant 0 : i32
    return %c0_i32, %c0_i32_0 : i32, i32
  }
  func.func @transform_6(%arg0: i32) -> (i32, i32) {
    %c0_i32 = arith.constant 0 : i32
    %c0_i32_0 = arith.constant 0 : i32
    %c0_i32_1 = arith.constant 0 : i32
    return %c0_i32, %c0_i32_0 : i32, i32
  }
  func.func @transform_7(%arg0: i32) -> (i32, i32) {
    %c0_i32 = arith.constant 0 : i32
    %c0_i32_0 = arith.constant 0 : i32
    return %arg0, %c0_i32 : i32, i32
  }
  func.func @transform_8(%arg0: i32) -> (i32, i32) {
    %c0_i32 = arith.constant 0 : i32
    %c0_i32_0 = arith.constant 0 : i32
    return %arg0, %c0_i32 : i32, i32
  }
  func.func @transform_9(%arg0: i32) -> (i32, i32) {
    %c0_i32 = arith.constant 0 : i32
    %c0_i32_0 = arith.constant 0 : i32
    %c0_i32_1 = arith.constant 0 : i32
    return %c0_i32, %c0_i32_0 : i32, i32
  }
  func.func @transform_10(%arg0: i32) -> (i32, i32) {
    %c0_i32 = arith.constant 0 : i32
    %c0_i32_0 = arith.constant 0 : i32
    %c0_i32_1 = arith.constant 0 : i32
    return %c0_i32, %c0_i32_0 : i32, i32
  }
}

module attributes {stable_mosaic.version = 14 : i64} {
  func.func @_tc_norm(%arg0: i32, %arg1: memref<1024x128xf32, #tpu.memory_space<vmem>>, %arg2: memref<1x128xf32, #tpu.memory_space<vmem>>, %arg3: memref<1x128xf32, #tpu.memory_space<vmem>>, %arg4: memref<1x128xf32, #tpu.memory_space<vmem>>, %arg5: memref<1x128xf32, #tpu.memory_space<vmem>>, %arg6: memref<128x128xf32, #tpu.memory_space<vmem>>, %arg7: memref<128x64xf32, #tpu.memory_space<vmem>>, %arg8: memref<1024x128xf32, #tpu.memory_space<vmem>>, %arg9: memref<1024x64xf32, #tpu.memory_space<vmem>>) attributes {dimension_semantics = [#tpu.dimension_semantics<arbitrary>], iteration_bounds = array<i64: 10>, scalar_prefetch = 0 : i64, scratch_operands = 0 : i64, tpu.core_type = #tpu.core_type<tc>, window_params = [{transform_indices = @transform_0, window_bounds = array<i64: 1024, 128>}, {pipeline_mode = #tpu.pipeline_mode<synchronous>, transform_indices = @transform_1, window_bounds = array<i64: 1, 128>}, {pipeline_mode = #tpu.pipeline_mode<synchronous>, transform_indices = @transform_2, window_bounds = array<i64: 1, 128>}, {pipeline_mode = #tpu.pipeline_mode<synchronous>, transform_indices = @transform_3, window_bounds = array<i64: 1, 128>}, {pipeline_mode = #tpu.pipeline_mode<synchronous>, transform_indices = @transform_4, window_bounds = array<i64: 1, 128>}, {pipeline_mode = #tpu.pipeline_mode<synchronous>, transform_indices = @transform_5, window_bounds = array<i64: 128, 128>}, {pipeline_mode = #tpu.pipeline_mode<synchronous>, transform_indices = @transform_6, window_bounds = array<i64: 128, 64>}, {transform_indices = @transform_7, window_bounds = array<i64: 1024, 128>}, {transform_indices = @transform_8, window_bounds = array<i64: 1024, 64>}]} {
    %get3A = arith.constant 0 : index
    %get3A_0 = arith.constant 0 : index
    %get3A_1 = vector.load %arg2[%get3A, %get3A_0] : memref<1x128xf32, #tpu.memory_space<vmem>>, vector<1x128xf32>
    %div3A = arith.constant 1.000000e+04 : f32
    %div3A_2 = vector.broadcast %div3A : f32 to vector<1x128xf32>
    %div3A_3 = arith.divf %get3A_1, %div3A_2 : vector<1x128xf32>
    %get3A_4 = arith.constant 0 : index
    %get3A_5 = arith.constant 0 : index
    %get3A_6 = vector.load %arg3[%get3A_4, %get3A_5] : memref<1x128xf32, #tpu.memory_space<vmem>>, vector<1x128xf32>
    %div3A_7 = arith.constant 1.000000e+04 : f32
    %div3A_8 = vector.broadcast %div3A_7 : f32 to vector<1x128xf32>
    %div3A_9 = arith.divf %get3A_6, %div3A_8 : vector<1x128xf32>
    %mul3A = arith.mulf %div3A_3, %div3A_3 : vector<1x128xf32>
    %sub3A = arith.subf %div3A_9, %mul3A : vector<1x128xf32>
    %add3A = arith.constant 9.99999974E-6 : f32
    %add3A_10 = vector.broadcast %add3A : f32 to vector<1x128xf32>
    %add3A_11 = arith.addf %sub3A, %add3A_10 : vector<1x128xf32>
    %rsqrt3A = math.rsqrt %add3A_11 : vector<1x128xf32>
    %get3A_12 = arith.constant 0 : index
    %get3A_13 = arith.constant 0 : index
    %get3A_14 = vector.load %arg4[%get3A_12, %get3A_13] : memref<1x128xf32, #tpu.memory_space<vmem>>, vector<1x128xf32>
    %mul3A_15 = arith.mulf %rsqrt3A, %get3A_14 : vector<1x128xf32>
    %mul3A_16 = arith.constant 1024 : i32
    %mul3A_17 = arith.muli %arg0, %mul3A_16 : i32
    %iota3A = tpu.iota {dimensions = array<i32: 0>} : vector<1024x1xi32>
    %add3A_18 = vector.broadcast %mul3A_17 : i32 to vector<1024x1xi32>
    %add3A_19 = arith.addi %add3A_18, %iota3A : vector<1024x1xi32>
    %lt3A = arith.constant 10000 : i32
    %lt3A_20 = vector.broadcast %lt3A : i32 to vector<1024x1xi32>
    %lt3A_21 = arith.cmpi slt, %add3A_19, %lt3A_20 : vector<1024x1xi32>
    %get3A_22 = arith.constant 0 : index
    %get3A_23 = arith.constant 0 : index
    %get3A_24 = vector.load %arg1[%get3A_22, %get3A_23] : memref<1024x128xf32, #tpu.memory_space<vmem>>, vector<1024x128xf32>
    %sub3A_25 = vector.broadcast %div3A_3 : vector<1x128xf32> to vector<1024x128xf32>
    %sub3A_26 = arith.subf %get3A_24, %sub3A_25 : vector<1024x128xf32>
    %mul3A_27 = vector.broadcast %mul3A_15 : vector<1x128xf32> to vector<1024x128xf32>
    %mul3A_28 = arith.mulf %sub3A_26, %mul3A_27 : vector<1024x128xf32>
    %get3A_29 = arith.constant 0 : index
    %get3A_30 = arith.constant 0 : index
    %get3A_31 = vector.load %arg5[%get3A_29, %get3A_30] : memref<1x128xf32, #tpu.memory_space<vmem>>, vector<1x128xf32>
    %add3A_32 = vector.broadcast %get3A_31 : vector<1x128xf32> to vector<1024x128xf32>
    %add3A_33 = arith.addf %mul3A_28, %add3A_32 : vector<1024x128xf32>
    %jit3A = arith.constant 0.000000e+00 : f32
    %broadcast_in_dim3A = vector.shape_cast %lt3A_21 : vector<1024x1xi1> to vector<1024x1xi1>
    %broadcast_in_dim3A_34 = vector.broadcast %broadcast_in_dim3A : vector<1024x1xi1> to vector<1024x128xi1>
    %broadcast_in_dim3A_35 = vector.broadcast %jit3A : f32 to vector<1024x128xf32>
    %select_n3A = arith.select %broadcast_in_dim3A_34, %add3A_33, %broadcast_in_dim3A_35 : vector<1024x128xi1>, vector<1024x128xf32>
    %get3A_36 = arith.constant 0 : index
    %get3A_37 = arith.constant 0 : index
    %get3A_38 = vector.load %arg6[%get3A_36, %get3A_37] : memref<128x128xf32, #tpu.memory_space<vmem>>, vector<128x128xf32>
    %dot_general3A = arith.constant dense<0.000000e+00> : vector<1024x128xf32>
    %dot_general3A_39 = tpu.matmul %select_n3A, %get3A_38, %dot_general3A {dimension_numbers = #tpu.dot_dimension_numbers<[1], [0], [0], [1], [0, 0, 1, 1], [], []>, precision = #tpu.contract_precision<fp32>, transpose_lhs_hint = false} : vector<1024x128xf32>, vector<128x128xf32>, vector<1024x128xf32> -> vector<1024x128xf32>
    %swap3A = arith.constant 0 : index
    %swap3A_40 = arith.constant 0 : index
    %swap3A_41 = vector.load %arg8[%swap3A, %swap3A_40] : memref<1024x128xf32, #tpu.memory_space<vmem>>, vector<1024x128xf32>
    tpu.vector_store %arg8[%swap3A, %swap3A_40], %dot_general3A_39 {strides = array<i32>} : memref<1024x128xf32, #tpu.memory_space<vmem>>, vector<1024x128xf32>,
    %get3A_42 = arith.constant 0 : index
    %get3A_43 = arith.constant 0 : index
    %get3A_44 = vector.load %arg7[%get3A_42, %get3A_43] : memref<128x64xf32, #tpu.memory_space<vmem>>, vector<128x64xf32>
    %dot_general3A_45 = arith.constant dense<0.000000e+00> : vector<1024x64xf32>
    %dot_general3A_46 = tpu.matmul %select_n3A, %get3A_44, %dot_general3A_45 {dimension_numbers = #tpu.dot_dimension_numbers<[1], [0], [0], [1], [0, 0, 1, 1], [], []>, precision = #tpu.contract_precision<fp32>, transpose_lhs_hint = false} : vector<1024x128xf32>, vector<128x64xf32>, vector<1024x64xf32> -> vector<1024x64xf32>
    %swap3A_47 = arith.constant 0 : index
    %swap3A_48 = arith.constant 0 : index
    %swap3A_49 = vector.load %arg9[%swap3A_47, %swap3A_48] : memref<1024x64xf32, #tpu.memory_space<vmem>>, vector<1024x64xf32>
    tpu.vector_store %arg9[%swap3A_47, %swap3A_48], %dot_general3A_46 {strides = array<i32>} : memref<1024x64xf32, #tpu.memory_space<vmem>>, vector<1024x64xf32>,
    return
  }
  func.func @transform_0(%arg0: i32) -> (i32, i32) {
    %c0_i32 = arith.constant 0 : i32
    %c0_i32_0 = arith.constant 0 : i32
    return %arg0, %c0_i32 : i32, i32
  }
  func.func @transform_1(%arg0: i32) -> (i32, i32) {
    %c0_i32 = arith.constant 0 : i32
    %c0_i32_0 = arith.constant 0 : i32
    %c0_i32_1 = arith.constant 0 : i32
    return %c0_i32, %c0_i32_0 : i32, i32
  }
  func.func @transform_2(%arg0: i32) -> (i32, i32) {
    %c0_i32 = arith.constant 0 : i32
    %c0_i32_0 = arith.constant 0 : i32
    %c0_i32_1 = arith.constant 0 : i32
    return %c0_i32, %c0_i32_0 : i32, i32
  }
  func.func @transform_3(%arg0: i32) -> (i32, i32) {
    %c0_i32 = arith.constant 0 : i32
    %c0_i32_0 = arith.constant 0 : i32
    %c0_i32_1 = arith.constant 0 : i32
    return %c0_i32, %c0_i32_0 : i32, i32
  }
  func.func @transform_4(%arg0: i32) -> (i32, i32) {
    %c0_i32 = arith.constant 0 : i32
    %c0_i32_0 = arith.constant 0 : i32
    %c0_i32_1 = arith.constant 0 : i32
    return %c0_i32, %c0_i32_0 : i32, i32
  }
  func.func @transform_5(%arg0: i32) -> (i32, i32) {
    %c0_i32 = arith.constant 0 : i32
    %c0_i32_0 = arith.constant 0 : i32
    %c0_i32_1 = arith.constant 0 : i32
    return %c0_i32, %c0_i32_0 : i32, i32
  }
  func.func @transform_6(%arg0: i32) -> (i32, i32) {
    %c0_i32 = arith.constant 0 : i32
    %c0_i32_0 = arith.constant 0 : i32
    %c0_i32_1 = arith.constant 0 : i32
    return %c0_i32, %c0_i32_0 : i32, i32
  }
  func.func @transform_7(%arg0: i32) -> (i32, i32) {
    %c0_i32 = arith.constant 0 : i32
    %c0_i32_0 = arith.constant 0 : i32
    return %arg0, %c0_i32 : i32, i32
  }
  func.func @transform_8(%arg0: i32) -> (i32, i32) {
    %c0_i32 = arith.constant 0 : i32
    %c0_i32_0 = arith.constant 0 : i32
    return %arg0, %c0_i32 : i32, i32
  }
}

module attributes {stable_mosaic.version = 14 : i64} {
  func.func @body(%arg0: i32, %arg1: memref<1024x64xf32, #tpu.memory_space<vmem>>, %arg2: memref<1024x128xf32, #tpu.memory_space<vmem>>, %arg3: memref<1024x128xf32, #tpu.memory_space<vmem>>, %arg4: memref<1024x16xf32, #tpu.memory_space<vmem>>, %arg5: memref<1024x16xf32, #tpu.memory_space<vmem>>, %arg6: memref<16x64xf32, #tpu.memory_space<vmem>>, %arg7: memref<1x64xf32, #tpu.memory_space<vmem>>, %arg8: memref<1024x64xf32, #tpu.memory_space<vmem>>, %arg9: memref<1024x16xf32, #tpu.memory_space<vmem>>, %arg10: memref<1x64xf32, #tpu.memory_space<vmem>>, %arg11: memref<1x64xf32, #tpu.memory_space<vmem>>, %arg12: memref<1x64xf32, #tpu.memory_space<vmem>>, %arg13: memref<1x64xf32, #tpu.memory_space<vmem>>) attributes {dimension_semantics = [#tpu.dimension_semantics<arbitrary>], iteration_bounds = array<i64: 10>, scalar_prefetch = 0 : i64, scratch_operands = 2 : i64, tpu.core_type = #tpu.core_type<tc>, window_params = [{transform_indices = @transform_0, window_bounds = array<i64: 1024, 64>}, {transform_indices = @transform_1, window_bounds = array<i64: 1024, 128>}, {transform_indices = @transform_2, window_bounds = array<i64: 1024, 128>}, {transform_indices = @transform_3, window_bounds = array<i64: 1024, 16>}, {transform_indices = @transform_4, window_bounds = array<i64: 1024, 16>}, {pipeline_mode = #tpu.pipeline_mode<synchronous>, transform_indices = @transform_5, window_bounds = array<i64: 16, 64>}, {pipeline_mode = #tpu.pipeline_mode<synchronous>, transform_indices = @transform_6, window_bounds = array<i64: 1, 64>}, {transform_indices = @transform_7, window_bounds = array<i64: 1024, 64>}, {transform_indices = @transform_8, window_bounds = array<i64: 1024, 16>}, {pipeline_mode = #tpu.pipeline_mode<synchronous>, transform_indices = @transform_9, window_bounds = array<i64: 1, 64>}, {pipeline_mode = #tpu.pipeline_mode<synchronous>, transform_indices = @transform_10, window_bounds = array<i64: 1, 64>}]} {
    %get3A = arith.constant 0 : index
    %get3A_0 = arith.constant 0 : index
    %get3A_1 = vector.load %arg4[%get3A, %get3A_0] : memref<1024x16xf32, #tpu.memory_space<vmem>>, vector<1024x16xf32>
    %get3A_2 = arith.constant 0 : index
    %get3A_3 = arith.constant 0 : index
    %get3A_4 = vector.load %arg5[%get3A_2, %get3A_3] : memref<1024x16xf32, #tpu.memory_space<vmem>>, vector<1024x16xf32>
    %add3A = arith.addf %get3A_1, %get3A_4 : vector<1024x16xf32>
    %get3A_5 = arith.constant 0 : index
    %get3A_6 = arith.constant 0 : index
    %get3A_7 = vector.load %arg1[%get3A_5, %get3A_6] : memref<1024x64xf32, #tpu.memory_space<vmem>>, vector<1024x64xf32>
    %get3A_8 = arith.constant 0 : index
    %get3A_9 = arith.constant 0 : index
    %get3A_10 = vector.load %arg2[%get3A_8, %get3A_9] : memref<1024x128xf32, #tpu.memory_space<vmem>>, vector<1024x64xf32>
    %add3A_11 = arith.addf %get3A_7, %get3A_10 : vector<1024x64xf32>
    %get3A_12 = arith.constant 0 : index
    %get3A_13 = arith.constant 0 : index
    %get3A_14 = vector.load %arg3[%get3A_12, %get3A_13] : memref<1024x128xf32, #tpu.memory_space<vmem>>, vector<1024x64xf32>
    %add3A_15 = arith.addf %add3A_11, %get3A_14 : vector<1024x64xf32>
    %get3A_16 = arith.constant 0 : index
    %get3A_17 = arith.constant 0 : index
    %get3A_18 = vector.load %arg6[%get3A_16, %get3A_17] : memref<16x64xf32, #tpu.memory_space<vmem>>, vector<16x64xf32>
    %dot_general3A = arith.constant dense<0.000000e+00> : vector<1024x64xf32>
    %dot_general3A_19 = tpu.matmul %add3A, %get3A_18, %dot_general3A {dimension_numbers = #tpu.dot_dimension_numbers<[1], [0], [0], [1], [0, 0, 1, 1], [], []>, precision = #tpu.contract_precision<fp32>, transpose_lhs_hint = false} : vector<1024x16xf32>, vector<16x64xf32>, vector<1024x64xf32> -> vector<1024x64xf32>
    %add3A_20 = arith.addf %add3A_15, %dot_general3A_19 : vector<1024x64xf32>
    %get3A_21 = arith.constant 0 : index
    %get3A_22 = arith.constant 0 : index
    %get3A_23 = vector.load %arg7[%get3A_21, %get3A_22] : memref<1x64xf32, #tpu.memory_space<vmem>>, vector<1x64xf32>
    %add3A_24 = vector.broadcast %get3A_23 : vector<1x64xf32> to vector<1024x64xf32>
    %add3A_25 = arith.addf %add3A_20, %add3A_24 : vector<1024x64xf32>
    %mul3A = arith.constant 1024 : i32
    %mul3A_26 = arith.muli %arg0, %mul3A : i32
    %iota3A = tpu.iota {dimensions = array<i32: 0>} : vector<1024x1xi32>
    %add3A_27 = vector.broadcast %mul3A_26 : i32 to vector<1024x1xi32>
    %add3A_28 = arith.addi %add3A_27, %iota3A : vector<1024x1xi32>
    %lt3A = arith.constant 10000 : i32
    %lt3A_29 = vector.broadcast %lt3A : i32 to vector<1024x1xi32>
    %lt3A_30 = arith.cmpi slt, %add3A_28, %lt3A_29 : vector<1024x1xi32>
    %max3A = arith.constant 0.000000e+00 : f32
    %max3A_31 = vector.broadcast %max3A : f32 to vector<1024x64xf32>
    %max3A_32 = arith.maximumf %add3A_25, %max3A_31 : vector<1024x64xf32>
    %jit3A = arith.constant 0.000000e+00 : f32
    %broadcast_in_dim3A = vector.shape_cast %lt3A_30 : vector<1024x1xi1> to vector<1024x1xi1>
    %broadcast_in_dim3A_33 = vector.broadcast %broadcast_in_dim3A : vector<1024x1xi1> to vector<1024x64xi1>
    %broadcast_in_dim3A_34 = vector.broadcast %jit3A : f32 to vector<1024x64xf32>
    %select_n3A = arith.select %broadcast_in_dim3A_33, %max3A_32, %broadcast_in_dim3A_34 : vector<1024x64xi1>, vector<1024x64xf32>
    %swap3A = arith.constant 0 : index
    %swap3A_35 = arith.constant 0 : index
    %swap3A_36 = vector.load %arg8[%swap3A, %swap3A_35] : memref<1024x64xf32, #tpu.memory_space<vmem>>, vector<1024x64xf32>
    tpu.vector_store %arg8[%swap3A, %swap3A_35], %select_n3A {strides = array<i32>} : memref<1024x64xf32, #tpu.memory_space<vmem>>, vector<1024x64xf32>,
    %swap3A_37 = arith.constant 0 : index
    %swap3A_38 = arith.constant 0 : index
    %swap3A_39 = vector.load %arg9[%swap3A_37, %swap3A_38] : memref<1024x16xf32, #tpu.memory_space<vmem>>, vector<1024x16xf32>
    tpu.vector_store %arg9[%swap3A_37, %swap3A_38], %add3A {strides = array<i32>} : memref<1024x16xf32, #tpu.memory_space<vmem>>, vector<1024x16xf32>,
    %eq3A = arith.constant 0 : i32
    %eq3A_40 = arith.cmpi eq, %arg0, %eq3A : i32
    %convert_element_type3A = arith.extui %eq3A_40 : i1 to i32
    %cond3A = arith.constant 0 : i32
    %cond3A_41 = arith.cmpi ne, %convert_element_type3A, %cond3A : i32
    scf.if %cond3A_41 {
      %broadcast_in_dim3A_67 = arith.constant 0.000000e+00 : f32
      %broadcast_in_dim3A_68 = vector.broadcast %broadcast_in_dim3A_67 : f32 to vector<1x64xf32>
      %swap3A_69 = arith.constant 0 : index
      %swap3A_70 = arith.constant 0 : index
      %swap3A_71 = vector.load %arg12[%swap3A_69, %swap3A_70] : memref<1x64xf32, #tpu.memory_space<vmem>>, vector<1x64xf32>
      tpu.vector_store %arg12[%swap3A_69, %swap3A_70], %broadcast_in_dim3A_68 {strides = array<i32>} : memref<1x64xf32, #tpu.memory_space<vmem>>, vector<1x64xf32>,
      %broadcast_in_dim3A_72 = arith.constant 0.000000e+00 : f32
      %broadcast_in_dim3A_73 = vector.broadcast %broadcast_in_dim3A_72 : f32 to vector<1x64xf32>
      %swap3A_74 = arith.constant 0 : index
      %swap3A_75 = arith.constant 0 : index
      %swap3A_76 = vector.load %arg13[%swap3A_74, %swap3A_75] : memref<1x64xf32, #tpu.memory_space<vmem>>, vector<1x64xf32>
      tpu.vector_store %arg13[%swap3A_74, %swap3A_75], %broadcast_in_dim3A_73 {strides = array<i32>} : memref<1x64xf32, #tpu.memory_space<vmem>>, vector<1x64xf32>,
    } else {
    }
    %get3A_42 = arith.constant 0 : index
    %get3A_43 = arith.constant 0 : index
    %get3A_44 = vector.load %arg12[%get3A_42, %get3A_43] : memref<1x64xf32, #tpu.memory_space<vmem>>, vector<1x64xf32>
    %reduce_sum3A = arith.constant dense<0.000000e+00> : vector<64xf32>
    %reduce_sum3A_45 = vector.multi_reduction <add>, %select_n3A, %reduce_sum3A [0] : vector<1024x64xf32> to vector<64xf32>
    %broadcast_in_dim3A_46 = vector.shape_cast %reduce_sum3A_45 : vector<64xf32> to vector<1x64xf32>
    %add3A_47 = arith.addf %get3A_44, %broadcast_in_dim3A_46 : vector<1x64xf32>
    %swap3A_48 = arith.constant 0 : index
    %swap3A_49 = arith.constant 0 : index
    %swap3A_50 = vector.load %arg12[%swap3A_48, %swap3A_49] : memref<1x64xf32, #tpu.memory_space<vmem>>, vector<1x64xf32>
    tpu.vector_store %arg12[%swap3A_48, %swap3A_49], %add3A_47 {strides = array<i32>} : memref<1x64xf32, #tpu.memory_space<vmem>>, vector<1x64xf32>,
    %get3A_51 = arith.constant 0 : index
    %get3A_52 = arith.constant 0 : index
    %get3A_53 = vector.load %arg13[%get3A_51, %get3A_52] : memref<1x64xf32, #tpu.memory_space<vmem>>, vector<1x64xf32>
    %mul3A_54 = arith.mulf %select_n3A, %select_n3A : vector<1024x64xf32>
    %reduce_sum3A_55 = arith.constant dense<0.000000e+00> : vector<64xf32>
    %reduce_sum3A_56 = vector.multi_reduction <add>, %mul3A_54, %reduce_sum3A_55 [0] : vector<1024x64xf32> to vector<64xf32>
    %broadcast_in_dim3A_57 = vector.shape_cast %reduce_sum3A_56 : vector<64xf32> to vector<1x64xf32>
    %add3A_58 = arith.addf %get3A_53, %broadcast_in_dim3A_57 : vector<1x64xf32>
    %swap3A_59 = arith.constant 0 : index
    %swap3A_60 = arith.constant 0 : index
    %swap3A_61 = vector.load %arg13[%swap3A_59, %swap3A_60] : memref<1x64xf32, #tpu.memory_space<vmem>>, vector<1x64xf32>
    tpu.vector_store %arg13[%swap3A_59, %swap3A_60], %add3A_58 {strides = array<i32>} : memref<1x64xf32, #tpu.memory_space<vmem>>, vector<1x64xf32>,
    %eq3A_62 = arith.constant 9 : i32
    %eq3A_63 = arith.cmpi eq, %arg0, %eq3A_62 : i32
    %convert_element_type3A_64 = arith.extui %eq3A_63 : i1 to i32
    %cond3A_65 = arith.constant 0 : i32
    %cond3A_66 = arith.cmpi ne, %convert_element_type3A_64, %cond3A_65 : i32
    scf.if %cond3A_66 {
      %get3A_67 = arith.constant 0 : index
      %get3A_68 = arith.constant 0 : index
      %get3A_69 = vector.load %arg12[%get3A_67, %get3A_68] : memref<1x64xf32, #tpu.memory_space<vmem>>, vector<1x64xf32>
      %swap3A_70 = arith.constant 0 : index
      %swap3A_71 = arith.constant 0 : index
      %swap3A_72 = vector.load %arg10[%swap3A_70, %swap3A_71] : memref<1x64xf32, #tpu.memory_space<vmem>>, vector<1x64xf32>
      tpu.vector_store %arg10[%swap3A_70, %swap3A_71], %get3A_69 {strides = array<i32>} : memref<1x64xf32, #tpu.memory_space<vmem>>, vector<1x64xf32>,
      %get3A_73 = arith.constant 0 : index
      %get3A_74 = arith.constant 0 : index
      %get3A_75 = vector.load %arg13[%get3A_73, %get3A_74] : memref<1x64xf32, #tpu.memory_space<vmem>>, vector<1x64xf32>
      %swap3A_76 = arith.constant 0 : index
      %swap3A_77 = arith.constant 0 : index
      %swap3A_78 = vector.load %arg11[%swap3A_76, %swap3A_77] : memref<1x64xf32, #tpu.memory_space<vmem>>, vector<1x64xf32>
      tpu.vector_store %arg11[%swap3A_76, %swap3A_77], %get3A_75 {strides = array<i32>} : memref<1x64xf32, #tpu.memory_space<vmem>>, vector<1x64xf32>,
    } else {
    }
    return
  }
  func.func @transform_0(%arg0: i32) -> (i32, i32) {
    %c0_i32 = arith.constant 0 : i32
    %c0_i32_0 = arith.constant 0 : i32
    return %arg0, %c0_i32 : i32, i32
  }
  func.func @transform_1(%arg0: i32) -> (i32, i32) {
    %c0_i32 = arith.constant 0 : i32
    %c0_i32_0 = arith.constant 0 : i32
    return %arg0, %c0_i32 : i32, i32
  }
  func.func @transform_2(%arg0: i32) -> (i32, i32) {
    %add3A = arith.constant 10 : i32
    %add3A_0 = arith.addi %arg0, %add3A : i32
    %c0_i32 = arith.constant 0 : i32
    %c0_i32_1 = arith.constant 0 : i32
    return %add3A_0, %c0_i32 : i32, i32
  }
  func.func @transform_3(%arg0: i32) -> (i32, i32) {
    %c0_i32 = arith.constant 0 : i32
    %c0_i32_0 = arith.constant 0 : i32
    return %arg0, %c0_i32 : i32, i32
  }
  func.func @transform_4(%arg0: i32) -> (i32, i32) {
    %c0_i32 = arith.constant 0 : i32
    %c0_i32_0 = arith.constant 0 : i32
    return %arg0, %c0_i32 : i32, i32
  }
  func.func @transform_5(%arg0: i32) -> (i32, i32) {
    %c0_i32 = arith.constant 0 : i32
    %c0_i32_0 = arith.constant 0 : i32
    %c0_i32_1 = arith.constant 0 : i32
    return %c0_i32, %c0_i32_0 : i32, i32
  }
  func.func @transform_6(%arg0: i32) -> (i32, i32) {
    %c0_i32 = arith.constant 0 : i32
    %c0_i32_0 = arith.constant 0 : i32
    %c0_i32_1 = arith.constant 0 : i32
    return %c0_i32, %c0_i32_0 : i32, i32
  }
  func.func @transform_7(%arg0: i32) -> (i32, i32) {
    %c0_i32 = arith.constant 0 : i32
    %c0_i32_0 = arith.constant 0 : i32
    return %arg0, %c0_i32 : i32, i32
  }
  func.func @transform_8(%arg0: i32) -> (i32, i32) {
    %c0_i32 = arith.constant 0 : i32
    %c0_i32_0 = arith.constant 0 : i32
    return %arg0, %c0_i32 : i32, i32
  }
  func.func @transform_9(%arg0: i32) -> (i32, i32) {
    %c0_i32 = arith.constant 0 : i32
    %c0_i32_0 = arith.constant 0 : i32
    %c0_i32_1 = arith.constant 0 : i32
    return %c0_i32, %c0_i32_0 : i32, i32
  }
  func.func @transform_10(%arg0: i32) -> (i32, i32) {
    %c0_i32 = arith.constant 0 : i32
    %c0_i32_0 = arith.constant 0 : i32
    %c0_i32_1 = arith.constant 0 : i32
    return %c0_i32, %c0_i32_0 : i32, i32
  }
}

module attributes {stable_mosaic.version = 14 : i64} {
  func.func @_tc_norm(%arg0: i32, %arg1: memref<1024x64xf32, #tpu.memory_space<vmem>>, %arg2: memref<1x64xf32, #tpu.memory_space<vmem>>, %arg3: memref<1x64xf32, #tpu.memory_space<vmem>>, %arg4: memref<1x64xf32, #tpu.memory_space<vmem>>, %arg5: memref<1x64xf32, #tpu.memory_space<vmem>>, %arg6: memref<64x128xf32, #tpu.memory_space<vmem>>, %arg7: memref<64x16xf32, #tpu.memory_space<vmem>>, %arg8: memref<1024x128xf32, #tpu.memory_space<vmem>>, %arg9: memref<1024x16xf32, #tpu.memory_space<vmem>>) attributes {dimension_semantics = [#tpu.dimension_semantics<arbitrary>], iteration_bounds = array<i64: 10>, scalar_prefetch = 0 : i64, scratch_operands = 0 : i64, tpu.core_type = #tpu.core_type<tc>, window_params = [{transform_indices = @transform_0, window_bounds = array<i64: 1024, 64>}, {pipeline_mode = #tpu.pipeline_mode<synchronous>, transform_indices = @transform_1, window_bounds = array<i64: 1, 64>}, {pipeline_mode = #tpu.pipeline_mode<synchronous>, transform_indices = @transform_2, window_bounds = array<i64: 1, 64>}, {pipeline_mode = #tpu.pipeline_mode<synchronous>, transform_indices = @transform_3, window_bounds = array<i64: 1, 64>}, {pipeline_mode = #tpu.pipeline_mode<synchronous>, transform_indices = @transform_4, window_bounds = array<i64: 1, 64>}, {pipeline_mode = #tpu.pipeline_mode<synchronous>, transform_indices = @transform_5, window_bounds = array<i64: 64, 128>}, {pipeline_mode = #tpu.pipeline_mode<synchronous>, transform_indices = @transform_6, window_bounds = array<i64: 64, 16>}, {transform_indices = @transform_7, window_bounds = array<i64: 1024, 128>}, {transform_indices = @transform_8, window_bounds = array<i64: 1024, 16>}]} {
    %get3A = arith.constant 0 : index
    %get3A_0 = arith.constant 0 : index
    %get3A_1 = vector.load %arg2[%get3A, %get3A_0] : memref<1x64xf32, #tpu.memory_space<vmem>>, vector<1x64xf32>
    %div3A = arith.constant 1.000000e+04 : f32
    %div3A_2 = vector.broadcast %div3A : f32 to vector<1x64xf32>
    %div3A_3 = arith.divf %get3A_1, %div3A_2 : vector<1x64xf32>
    %get3A_4 = arith.constant 0 : index
    %get3A_5 = arith.constant 0 : index
    %get3A_6 = vector.load %arg3[%get3A_4, %get3A_5] : memref<1x64xf32, #tpu.memory_space<vmem>>, vector<1x64xf32>
    %div3A_7 = arith.constant 1.000000e+04 : f32
    %div3A_8 = vector.broadcast %div3A_7 : f32 to vector<1x64xf32>
    %div3A_9 = arith.divf %get3A_6, %div3A_8 : vector<1x64xf32>
    %mul3A = arith.mulf %div3A_3, %div3A_3 : vector<1x64xf32>
    %sub3A = arith.subf %div3A_9, %mul3A : vector<1x64xf32>
    %add3A = arith.constant 9.99999974E-6 : f32
    %add3A_10 = vector.broadcast %add3A : f32 to vector<1x64xf32>
    %add3A_11 = arith.addf %sub3A, %add3A_10 : vector<1x64xf32>
    %rsqrt3A = math.rsqrt %add3A_11 : vector<1x64xf32>
    %get3A_12 = arith.constant 0 : index
    %get3A_13 = arith.constant 0 : index
    %get3A_14 = vector.load %arg4[%get3A_12, %get3A_13] : memref<1x64xf32, #tpu.memory_space<vmem>>, vector<1x64xf32>
    %mul3A_15 = arith.mulf %rsqrt3A, %get3A_14 : vector<1x64xf32>
    %mul3A_16 = arith.constant 1024 : i32
    %mul3A_17 = arith.muli %arg0, %mul3A_16 : i32
    %iota3A = tpu.iota {dimensions = array<i32: 0>} : vector<1024x1xi32>
    %add3A_18 = vector.broadcast %mul3A_17 : i32 to vector<1024x1xi32>
    %add3A_19 = arith.addi %add3A_18, %iota3A : vector<1024x1xi32>
    %lt3A = arith.constant 10000 : i32
    %lt3A_20 = vector.broadcast %lt3A : i32 to vector<1024x1xi32>
    %lt3A_21 = arith.cmpi slt, %add3A_19, %lt3A_20 : vector<1024x1xi32>
    %get3A_22 = arith.constant 0 : index
    %get3A_23 = arith.constant 0 : index
    %get3A_24 = vector.load %arg1[%get3A_22, %get3A_23] : memref<1024x64xf32, #tpu.memory_space<vmem>>, vector<1024x64xf32>
    %sub3A_25 = vector.broadcast %div3A_3 : vector<1x64xf32> to vector<1024x64xf32>
    %sub3A_26 = arith.subf %get3A_24, %sub3A_25 : vector<1024x64xf32>
    %mul3A_27 = vector.broadcast %mul3A_15 : vector<1x64xf32> to vector<1024x64xf32>
    %mul3A_28 = arith.mulf %sub3A_26, %mul3A_27 : vector<1024x64xf32>
    %get3A_29 = arith.constant 0 : index
    %get3A_30 = arith.constant 0 : index
    %get3A_31 = vector.load %arg5[%get3A_29, %get3A_30] : memref<1x64xf32, #tpu.memory_space<vmem>>, vector<1x64xf32>
    %add3A_32 = vector.broadcast %get3A_31 : vector<1x64xf32> to vector<1024x64xf32>
    %add3A_33 = arith.addf %mul3A_28, %add3A_32 : vector<1024x64xf32>
    %jit3A = arith.constant 0.000000e+00 : f32
    %broadcast_in_dim3A = vector.shape_cast %lt3A_21 : vector<1024x1xi1> to vector<1024x1xi1>
    %broadcast_in_dim3A_34 = vector.broadcast %broadcast_in_dim3A : vector<1024x1xi1> to vector<1024x64xi1>
    %broadcast_in_dim3A_35 = vector.broadcast %jit3A : f32 to vector<1024x64xf32>
    %select_n3A = arith.select %broadcast_in_dim3A_34, %add3A_33, %broadcast_in_dim3A_35 : vector<1024x64xi1>, vector<1024x64xf32>
    %get3A_36 = arith.constant 0 : index
    %get3A_37 = arith.constant 0 : index
    %get3A_38 = vector.load %arg6[%get3A_36, %get3A_37] : memref<64x128xf32, #tpu.memory_space<vmem>>, vector<64x128xf32>
    %dot_general3A = arith.constant dense<0.000000e+00> : vector<1024x128xf32>
    %dot_general3A_39 = tpu.matmul %select_n3A, %get3A_38, %dot_general3A {dimension_numbers = #tpu.dot_dimension_numbers<[1], [0], [0], [1], [0, 0, 1, 1], [], []>, precision = #tpu.contract_precision<fp32>, transpose_lhs_hint = false} : vector<1024x64xf32>, vector<64x128xf32>, vector<1024x128xf32> -> vector<1024x128xf32>
    %swap3A = arith.constant 0 : index
    %swap3A_40 = arith.constant 0 : index
    %swap3A_41 = vector.load %arg8[%swap3A, %swap3A_40] : memref<1024x128xf32, #tpu.memory_space<vmem>>, vector<1024x128xf32>
    tpu.vector_store %arg8[%swap3A, %swap3A_40], %dot_general3A_39 {strides = array<i32>} : memref<1024x128xf32, #tpu.memory_space<vmem>>, vector<1024x128xf32>,
    %get3A_42 = arith.constant 0 : index
    %get3A_43 = arith.constant 0 : index
    %get3A_44 = vector.load %arg7[%get3A_42, %get3A_43] : memref<64x16xf32, #tpu.memory_space<vmem>>, vector<64x16xf32>
    %dot_general3A_45 = arith.constant dense<0.000000e+00> : vector<1024x16xf32>
    %dot_general3A_46 = tpu.matmul %select_n3A, %get3A_44, %dot_general3A_45 {dimension_numbers = #tpu.dot_dimension_numbers<[1], [0], [0], [1], [0, 0, 1, 1], [], []>, precision = #tpu.contract_precision<fp32>, transpose_lhs_hint = false} : vector<1024x64xf32>, vector<64x16xf32>, vector<1024x16xf32> -> vector<1024x16xf32>
    %swap3A_47 = arith.constant 0 : index
    %swap3A_48 = arith.constant 0 : index
    %swap3A_49 = vector.load %arg9[%swap3A_47, %swap3A_48] : memref<1024x16xf32, #tpu.memory_space<vmem>>, vector<1024x16xf32>
    tpu.vector_store %arg9[%swap3A_47, %swap3A_48], %dot_general3A_46 {strides = array<i32>} : memref<1024x16xf32, #tpu.memory_space<vmem>>, vector<1024x16xf32>,
    return
  }
  func.func @transform_0(%arg0: i32) -> (i32, i32) {
    %c0_i32 = arith.constant 0 : i32
    %c0_i32_0 = arith.constant 0 : i32
    return %arg0, %c0_i32 : i32, i32
  }
  func.func @transform_1(%arg0: i32) -> (i32, i32) {
    %c0_i32 = arith.constant 0 : i32
    %c0_i32_0 = arith.constant 0 : i32
    %c0_i32_1 = arith.constant 0 : i32
    return %c0_i32, %c0_i32_0 : i32, i32
  }
  func.func @transform_2(%arg0: i32) -> (i32, i32) {
    %c0_i32 = arith.constant 0 : i32
    %c0_i32_0 = arith.constant 0 : i32
    %c0_i32_1 = arith.constant 0 : i32
    return %c0_i32, %c0_i32_0 : i32, i32
  }
  func.func @transform_3(%arg0: i32) -> (i32, i32) {
    %c0_i32 = arith.constant 0 : i32
    %c0_i32_0 = arith.constant 0 : i32
    %c0_i32_1 = arith.constant 0 : i32
    return %c0_i32, %c0_i32_0 : i32, i32
  }
  func.func @transform_4(%arg0: i32) -> (i32, i32) {
    %c0_i32 = arith.constant 0 : i32
    %c0_i32_0 = arith.constant 0 : i32
    %c0_i32_1 = arith.constant 0 : i32
    return %c0_i32, %c0_i32_0 : i32, i32
  }
  func.func @transform_5(%arg0: i32) -> (i32, i32) {
    %c0_i32 = arith.constant 0 : i32
    %c0_i32_0 = arith.constant 0 : i32
    %c0_i32_1 = arith.constant 0 : i32
    return %c0_i32, %c0_i32_0 : i32, i32
  }
  func.func @transform_6(%arg0: i32) -> (i32, i32) {
    %c0_i32 = arith.constant 0 : i32
    %c0_i32_0 = arith.constant 0 : i32
    %c0_i32_1 = arith.constant 0 : i32
    return %c0_i32, %c0_i32_0 : i32, i32
  }
  func.func @transform_7(%arg0: i32) -> (i32, i32) {
    %c0_i32 = arith.constant 0 : i32
    %c0_i32_0 = arith.constant 0 : i32
    return %arg0, %c0_i32 : i32, i32
  }
  func.func @transform_8(%arg0: i32) -> (i32, i32) {
    %c0_i32 = arith.constant 0 : i32
    %c0_i32_0 = arith.constant 0 : i32
    return %arg0, %c0_i32 : i32, i32
  }
}

module attributes {stable_mosaic.version = 14 : i64} {
  func.func @_tc_d(%arg0: memref<10240x16xf32, #tpu.memory_space<vmem>>, %arg1: memref<20480x128xf32, #tpu.memory_space<vmem>>, %arg2: memref<10240x16xf32, #tpu.memory_space<vmem>>, %arg3: memref<16x16xf32, #tpu.memory_space<vmem>>, %arg4: memref<1x16xf32, #tpu.memory_space<vmem>>, %arg5: memref<1x1xf32, #tpu.memory_space<vmem>>, %arg6: memref<1x1xf32, #tpu.memory_space<vmem>>, %arg7: memref<1x10000xi32, #tpu.memory_space<vmem>>, %arg8: memref<1x512xf32, #tpu.memory_space<vmem>>, %arg9: memref<1x512xf32, #tpu.memory_space<vmem>>, %arg10: memref<512x128xf32, #tpu.memory_space<vmem>>, %arg11: memref<1x128xf32, #tpu.memory_space<vmem>>, %arg12: memref<128x32xf32, #tpu.memory_space<vmem>>, %arg13: memref<1x32xf32, #tpu.memory_space<vmem>>, %arg14: memref<32x1xf32, #tpu.memory_space<vmem>>, %arg15: memref<1x1xf32, #tpu.memory_space<vmem>>, %arg16: memref<256x1xf32, #tpu.memory_space<vmem>>) attributes {dimension_semantics = [], scalar_prefetch = 0 : i64, scratch_operands = 0 : i64, tpu.core_type = #tpu.core_type<tc>} {
    %get3A = arith.constant 0 : index
    %get3A_0 = arith.constant 0 : index
    %get3A_1 = vector.load %arg0[%get3A, %get3A_0] : memref<10240x16xf32, #tpu.memory_space<vmem>>, vector<10240x16xf32>
    %get3A_2 = arith.constant 0 : index
    %get3A_3 = arith.constant 0 : index
    %get3A_4 = vector.load %arg1[%get3A_2, %get3A_3] : memref<20480x128xf32, #tpu.memory_space<vmem>>, vector<10240x16xf32>
    %add3A = arith.addf %get3A_1, %get3A_4 : vector<10240x16xf32>
    %get3A_5 = arith.constant 10240 : index
    %get3A_6 = arith.constant 0 : index
    %get3A_7 = vector.load %arg1[%get3A_5, %get3A_6] : memref<20480x128xf32, #tpu.memory_space<vmem>>, vector<10240x16xf32>
    %add3A_8 = arith.addf %add3A, %get3A_7 : vector<10240x16xf32>
    %get3A_9 = arith.constant 0 : index
    %get3A_10 = arith.constant 0 : index
    %get3A_11 = vector.load %arg2[%get3A_9, %get3A_10] : memref<10240x16xf32, #tpu.memory_space<vmem>>, vector<10240x16xf32>
    %get3A_12 = arith.constant 0 : index
    %get3A_13 = arith.constant 0 : index
    %get3A_14 = vector.load %arg3[%get3A_12, %get3A_13] : memref<16x16xf32, #tpu.memory_space<vmem>>, vector<16x16xf32>
    %dot_general3A = arith.constant dense<0.000000e+00> : vector<10240x16xf32>
    %dot_general3A_15 = tpu.matmul %get3A_11, %get3A_14, %dot_general3A {dimension_numbers = #tpu.dot_dimension_numbers<[1], [0], [0], [1], [0, 0, 1, 1], [], []>, precision = #tpu.contract_precision<fp32>, transpose_lhs_hint = false} : vector<10240x16xf32>, vector<16x16xf32>, vector<10240x16xf32> -> vector<10240x16xf32>
    %add3A_16 = arith.addf %add3A_8, %dot_general3A_15 : vector<10240x16xf32>
    %get3A_17 = arith.constant 0 : index
    %get3A_18 = arith.constant 0 : index
    %get3A_19 = vector.load %arg4[%get3A_17, %get3A_18] : memref<1x16xf32, #tpu.memory_space<vmem>>, vector<1x16xf32>
    %add3A_20 = vector.broadcast %get3A_19 : vector<1x16xf32> to vector<10240x16xf32>
    %add3A_21 = arith.addf %add3A_16, %add3A_20 : vector<10240x16xf32>
    %slice3A = vector.extract_strided_slice %add3A_21 {offsets = [0, 0], sizes = [10000, 16], strides = [1, 1]} : vector<10240x16xf32> to vector<10000x16xf32>
    %max3A = arith.constant 0.000000e+00 : f32
    %max3A_22 = vector.broadcast %max3A : f32 to vector<10000x16xf32>
    %max3A_23 = arith.maximumf %slice3A, %max3A_22 : vector<10000x16xf32>
    %reduce_sum3A = vector.shape_cast %max3A_23 : vector<10000x16xf32> to vector<1x10000x16xf32>
    %reduce_sum3A_24 = arith.constant dense<0.000000e+00> : vector<1xf32>
    %reduce_sum3A_25 = vector.multi_reduction <add>, %reduce_sum3A, %reduce_sum3A_24 [1, 2] : vector<1x10000x16xf32> to vector<1xf32>
    %reduce_sum3A_26 = vector.shape_cast %reduce_sum3A_25 : vector<1xf32> to vector<1x1x1xf32>
    %reduce_sum3A_27 = vector.extract %reduce_sum3A_26[0, 0, 0] : f32 from vector<1x1x1xf32>
    %div3A = arith.constant 1.000000e+04 : f32
    %div3A_28 = arith.divf %reduce_sum3A_27, %div3A : f32
    %mul3A = arith.mulf %max3A_23, %max3A_23 : vector<10000x16xf32>
    %reduce_sum3A_29 = vector.shape_cast %mul3A : vector<10000x16xf32> to vector<1x10000x16xf32>
    %reduce_sum3A_30 = arith.constant dense<0.000000e+00> : vector<1xf32>
    %reduce_sum3A_31 = vector.multi_reduction <add>, %reduce_sum3A_29, %reduce_sum3A_30 [1, 2] : vector<1x10000x16xf32> to vector<1xf32>
    %reduce_sum3A_32 = vector.shape_cast %reduce_sum3A_31 : vector<1xf32> to vector<1x1x1xf32>
    %reduce_sum3A_33 = vector.extract %reduce_sum3A_32[0, 0, 0] : f32 from vector<1x1x1xf32>
    %div3A_34 = arith.constant 1.000000e+04 : f32
    %div3A_35 = arith.divf %reduce_sum3A_33, %div3A_34 : f32
    %mul3A_36 = arith.mulf %div3A_28, %div3A_28 : f32
    %sub3A = arith.subf %div3A_35, %mul3A_36 : f32
    %get3A_37 = arith.constant 0 : index
    %get3A_38 = arith.constant 0 : index
    %get3A_39 = vector.load %arg5[%get3A_37, %get3A_38] : memref<1x1xf32, #tpu.memory_space<vmem>>, vector<1x1xf32>
    %get3A_40 = vector.extract %get3A_39[0, 0] : f32 from vector<1x1xf32>
    %add3A_41 = arith.constant 9.99999974E-6 : f32
    %add3A_42 = arith.addf %sub3A, %add3A_41 : f32
    %rsqrt3A = math.rsqrt %add3A_42 : f32
    %mul3A_43 = arith.mulf %get3A_40, %rsqrt3A : f32
    %get3A_44 = arith.constant 0 : index
    %get3A_45 = arith.constant 0 : index
    %get3A_46 = vector.load %arg6[%get3A_44, %get3A_45] : memref<1x1xf32, #tpu.memory_space<vmem>>, vector<1x1xf32>
    %get3A_47 = vector.extract %get3A_46[0, 0] : f32 from vector<1x1xf32>
    %mul3A_48 = arith.mulf %div3A_28, %mul3A_43 : f32
    %sub3A_49 = arith.subf %get3A_47, %mul3A_48 : f32
    %iota3A = tpu.iota {dimensions = array<i32: 1>} : vector<10000x16xi32>
    %eq3A = arith.constant 1 : i32
    %eq3A_50 = vector.broadcast %eq3A : i32 to vector<10000x16xi32>
    %eq3A_51 = arith.cmpi eq, %iota3A, %eq3A_50 : vector<10000x16xi32>
    %jit3A = arith.constant 1.000000e+00 : f32
    %jit3A_52 = arith.constant 0.000000e+00 : f32
    %broadcast_in_dim3A = vector.broadcast %jit3A : f32 to vector<10000x16xf32>
    %broadcast_in_dim3A_53 = vector.broadcast %jit3A_52 : f32 to vector<10000x16xf32>
    %select_n3A = arith.select %eq3A_51, %broadcast_in_dim3A, %broadcast_in_dim3A_53 : vector<10000x16xi1>, vector<10000x16xf32>
    %add3A_54 = arith.addf %max3A_23, %select_n3A : vector<10000x16xf32>
    %iota3A_55 = tpu.iota {dimensions = array<i32: 0>} : vector<256x1xi32>
    %get3A_56 = arith.constant 0 : index
    %get3A_57 = arith.constant 0 : index
    %get3A_58 = vector.load %arg7[%get3A_56, %get3A_57] : memref<1x10000xi32, #tpu.memory_space<vmem>>, vector<1x10000xi32>
    %eq3A_59 = vector.broadcast %get3A_58 : vector<1x10000xi32> to vector<256x10000xi32>
    %eq3A_60 = vector.broadcast %iota3A_55 : vector<256x1xi32> to vector<256x10000xi32>
    %eq3A_61 = arith.cmpi eq, %eq3A_59, %eq3A_60 : vector<256x10000xi32>
    %convert_element_type3A = arith.extui %eq3A_61 : vector<256x10000xi1> to vector<256x10000xi32>
    %convert_element_type3A_62 = arith.sitofp %convert_element_type3A : vector<256x10000xi32> to vector<256x10000xf32>
    %dot_general3A_63 = arith.constant dense<0.000000e+00> : vector<256x16xf32>
    %dot_general3A_64 = tpu.matmul %convert_element_type3A_62, %add3A_54, %dot_general3A_63 {dimension_numbers = #tpu.dot_dimension_numbers<[1], [0], [0], [1], [0, 0, 1, 1], [], []>, precision = #tpu.contract_precision<fp32>, transpose_lhs_hint = false} : vector<256x10000xf32>, vector<10000x16xf32>, vector<256x16xf32> -> vector<256x16xf32>
    %slice3A_65 = vector.extract_strided_slice %dot_general3A_64 {offsets = [0, 0], sizes = [256, 1], strides = [1, 1]} : vector<256x16xf32> to vector<256x1xf32>
    %mul3A_66 = vector.broadcast %mul3A_43 : f32 to vector<256x1xf32>
    %mul3A_67 = arith.mulf %slice3A_65, %mul3A_66 : vector<256x1xf32>
    %slice3A_68 = vector.extract_strided_slice %dot_general3A_64 {offsets = [0, 1], sizes = [256, 1], strides = [1, 1]} : vector<256x16xf32> to vector<256x1xf32>
    %mul3A_69 = vector.broadcast %sub3A_49 : f32 to vector<256x1xf32>
    %mul3A_70 = arith.mulf %slice3A_68, %mul3A_69 : vector<256x1xf32>
    %add3A_71 = arith.addf %mul3A_67, %mul3A_70 : vector<256x1xf32>
    %get3A_72 = arith.constant 0 : index
    %get3A_73 = arith.constant 0 : index
    %get3A_74 = vector.load %arg8[%get3A_72, %get3A_73] : memref<1x512xf32, #tpu.memory_space<vmem>>, vector<1x512xf32>
    %dot_general3A_75 = arith.constant dense<0.000000e+00> : vector<256x512xf32>
    %dot_general3A_76 = tpu.matmul %add3A_71, %get3A_74, %dot_general3A_75 {dimension_numbers = #tpu.dot_dimension_numbers<[1], [0], [0], [1], [0, 0, 1, 1], [], []>, precision = #tpu.contract_precision<fp32>, transpose_lhs_hint = false} : vector<256x1xf32>, vector<1x512xf32>, vector<256x512xf32> -> vector<256x512xf32>
    %get3A_77 = arith.constant 0 : index
    %get3A_78 = arith.constant 0 : index
    %get3A_79 = vector.load %arg9[%get3A_77, %get3A_78] : memref<1x512xf32, #tpu.memory_space<vmem>>, vector<1x512xf32>
    %add3A_80 = vector.broadcast %get3A_79 : vector<1x512xf32> to vector<256x512xf32>
    %add3A_81 = arith.addf %dot_general3A_76, %add3A_80 : vector<256x512xf32>
    %max3A_82 = arith.constant 0.000000e+00 : f32
    %max3A_83 = vector.broadcast %max3A_82 : f32 to vector<256x512xf32>
    %max3A_84 = arith.maximumf %add3A_81, %max3A_83 : vector<256x512xf32>
    %get3A_85 = arith.constant 0 : index
    %get3A_86 = arith.constant 0 : index
    %get3A_87 = vector.load %arg10[%get3A_85, %get3A_86] : memref<512x128xf32, #tpu.memory_space<vmem>>, vector<512x128xf32>
    %dot_general3A_88 = arith.constant dense<0.000000e+00> : vector<256x128xf32>
    %dot_general3A_89 = tpu.matmul %max3A_84, %get3A_87, %dot_general3A_88 {dimension_numbers = #tpu.dot_dimension_numbers<[1], [0], [0], [1], [0, 0, 1, 1], [], []>, precision = #tpu.contract_precision<fp32>, transpose_lhs_hint = false} : vector<256x512xf32>, vector<512x128xf32>, vector<256x128xf32> -> vector<256x128xf32>
    %get3A_90 = arith.constant 0 : index
    %get3A_91 = arith.constant 0 : index
    %get3A_92 = vector.load %arg11[%get3A_90, %get3A_91] : memref<1x128xf32, #tpu.memory_space<vmem>>, vector<1x128xf32>
    %add3A_93 = vector.broadcast %get3A_92 : vector<1x128xf32> to vector<256x128xf32>
    %add3A_94 = arith.addf %dot_general3A_89, %add3A_93 : vector<256x128xf32>
    %max3A_95 = arith.constant 0.000000e+00 : f32
    %max3A_96 = vector.broadcast %max3A_95 : f32 to vector<256x128xf32>
    %max3A_97 = arith.maximumf %add3A_94, %max3A_96 : vector<256x128xf32>
    %get3A_98 = arith.constant 0 : index
    %get3A_99 = arith.constant 0 : index
    %get3A_100 = vector.load %arg12[%get3A_98, %get3A_99] : memref<128x32xf32, #tpu.memory_space<vmem>>, vector<128x32xf32>
    %dot_general3A_101 = arith.constant dense<0.000000e+00> : vector<256x32xf32>
    %dot_general3A_102 = tpu.matmul %max3A_97, %get3A_100, %dot_general3A_101 {dimension_numbers = #tpu.dot_dimension_numbers<[1], [0], [0], [1], [0, 0, 1, 1], [], []>, precision = #tpu.contract_precision<fp32>, transpose_lhs_hint = false} : vector<256x128xf32>, vector<128x32xf32>, vector<256x32xf32> -> vector<256x32xf32>
    %get3A_103 = arith.constant 0 : index
    %get3A_104 = arith.constant 0 : index
    %get3A_105 = vector.load %arg13[%get3A_103, %get3A_104] : memref<1x32xf32, #tpu.memory_space<vmem>>, vector<1x32xf32>
    %add3A_106 = vector.broadcast %get3A_105 : vector<1x32xf32> to vector<256x32xf32>
    %add3A_107 = arith.addf %dot_general3A_102, %add3A_106 : vector<256x32xf32>
    %max3A_108 = arith.constant 0.000000e+00 : f32
    %max3A_109 = vector.broadcast %max3A_108 : f32 to vector<256x32xf32>
    %max3A_110 = arith.maximumf %add3A_107, %max3A_109 : vector<256x32xf32>
    %get3A_111 = arith.constant 0 : index
    %get3A_112 = arith.constant 0 : index
    %get3A_113 = vector.load %arg14[%get3A_111, %get3A_112] : memref<32x1xf32, #tpu.memory_space<vmem>>, vector<32x1xf32>
    %dot_general3A_114 = arith.constant dense<0.000000e+00> : vector<256x1xf32>
    %dot_general3A_115 = tpu.matmul %max3A_110, %get3A_113, %dot_general3A_114 {dimension_numbers = #tpu.dot_dimension_numbers<[1], [0], [0], [1], [0, 0, 1, 1], [], []>, precision = #tpu.contract_precision<fp32>, transpose_lhs_hint = false} : vector<256x32xf32>, vector<32x1xf32>, vector<256x1xf32> -> vector<256x1xf32>
    %get3A_116 = arith.constant 0 : index
    %get3A_117 = arith.constant 0 : index
    %get3A_118 = vector.load %arg15[%get3A_116, %get3A_117] : memref<1x1xf32, #tpu.memory_space<vmem>>, vector<1x1xf32>
    %add3A_119 = vector.broadcast %get3A_118 : vector<1x1xf32> to vector<256x1xf32>
    %add3A_120 = arith.addf %dot_general3A_115, %add3A_119 : vector<256x1xf32>
    %swap3A = arith.constant 0 : index
    %swap3A_121 = arith.constant 0 : index
    %swap3A_122 = vector.load %arg16[%swap3A, %swap3A_121] : memref<256x1xf32, #tpu.memory_space<vmem>>, vector<256x1xf32>
    tpu.vector_store %arg16[%swap3A, %swap3A_121], %add3A_120 {strides = array<i32>} : memref<256x1xf32, #tpu.memory_space<vmem>>, vector<256x1xf32>,
    return
  }
}

</mosaic_0001>

<sc_bundles>
// kernel: kernel.12.cloned.1.call-start
scs
__scs_entry_jumppad:
0x0: {  	(pc) =	sbr.rel $0x88, $3  }
0x1: {  	(tag) =	ssettag $0x0;
	lr =	simm.s32 $0x1  }
0x2: {  	[smem:$0x3F83] =	sst lr;
	_ =	strace $0xD0000000  }
0x3: {  	_ = 	snop  }
0x4: {  	_ = 	snop  }
0x5: {  	_ = 	snop  }
0x6: {  	_ = 	snop  }
0x7: {  	_ = 	snop  }
__scs_overlays_trampoline_lowered:
0x8: {  	[smem:$0x3F92] =	sst s0  }
0x9: {  	[smem:$0x3F93] =	sst s1  }
0xa: {  	[smem:$0x3F94] =	sst s2  }
0xb: {  	[smem:$0x3F95] =	sst s3  }
0xc: {  	[smem:$0x3F96] =	sst s4  }
0xd: {  	[smem:$0x3F97] =	sst s5  }
0xe: {  	[smem:$0x3F98] =	sst s6  }
0xf: {  	[smem:$0x3F99] =	sst s7  }
0x10: {  	[smem:$0x3F9A] =	sst s8  }
0x11: {  	[smem:$0x3F9B] =	sst s9;
	s0 =	simm.s32 @!p0 $0x0  }
0x12: {  	s1 =	sld [smem:$0x3F81];
	s0 =	simm.s32 @p0 $0x1  }
0x13: {  	[smem:$0x3F9C] =	sst s0;
	s0 =	simm.s32 @!p1 $0x0  }
0x14: {  	s2 =	sld [smem:$0x3F80];
	s0 =	simm.s32 @p1 $0x1  }
0x15: {  	[smem:$0x3F9D] =	sst s0;
	s0 =	simm.s32 @!p2 $0x0  }
0x16: {  	s3 =	sld [smem:$0x3FDB];
	s0 =	simm.s32 @p2 $0x1  }
0x17: {  	s4 =	simm.s32 $0x1BF5;
	[smem:$0x3F9F] =	sst s0  }
0x18: {  	s0 =	sld [smem:$0x3F82];
	_ =	swait.ge [sflag:s4], $0x0  }
0x19: {  	s7 =	sld [smem:$0x3F83]  }
0x1a: {  	s8 =	sadd.s32 $0xFFFFE003, lr  }
0x1b: {  	s9 =	sadd.s32 $0xFFFFFEF7, lr;
	s5 =	simm.s32 $0xFFFFFFFF;
	p2 =	slt.u32 s8, $0xFFFFF086  }
0x1c: {  	p1 =	slt.u32 s9, $0xF7A;
	s5 =	simm.s32 @!p2 $0x0  }
0x1d: {  	s5 =	simm.s32 @p1 $0x1;
	p0 =	seq.s32 s7, s2  }
0x1e: {  	s7 =	smul.u32 @!p0 $0xF7A, s2;
	p2 =	seq.s32 @!p0 s5, $0x0  }
0x1f: {  	s9 =	smul.u32 $0xF7A, s1;
	s8 =	simm.s32 @!p0 $0x1BF5;
	p2 =	por !p2, p0  }
0x20: {  	[sflag:s8] =	ssyncset.s32 @!p0 $0xFFFFF086;
	s6 =	sadd.s32 @!p0 s3, s7;
	s7 =	simm.s32 @!p0 $0x108  }
0x21: {  	s3 =	sadd.s32 s3, s9;
	s6 =	sadd.s32 @!p0 $0x88, s6;
	s7 =	simm.s32 @p2 $0x1082  }
0x22: {  	[simem:s7], [sflag:s8] =	dma.local @!p0 [hbm:s6], $0xF7A  }
0x23: {  	s9 =	sor.u32 $0xD0000000, s2;
	s6 =	simm.s32 $0x108;
	_ =	swait.ge @!p0 [sflag:s8], $0x0  }
0x24: {  	s3 =	sadd.s32 $0x88, s3;
	s6 =	simm.s32 @!p1 $0x1082;
	[sflag:s4] =	ssyncset.s32 $0xFFFFF086  }
0x25: {  	[simem:s6], [sflag:s4] =	dma.local [hbm:s3], $0xF7A  }
0x26: {  	[smem:$0x3F83] =	sst s1;
	(tag) =	ssettag s2;
	_ =	strace s9  }
0x27: {  	s1 =	sld [smem:$0x3F93]  }
0x28: {  	s2 =	sld [smem:$0x3F94]  }
0x29: {  	s4 =	sld [smem:$0x3F96]  }
0x2a: {  	p0 =	seq.s32 s5, $0x0;
	s5 =	sld [smem:$0x3F97]  }
0x2b: {  	s6 =	sld [smem:$0x3F98]  }
0x2c: {  	s7 =	sld [smem:$0x3F99]  }
0x2d: {  	s3 =	simm.s32 $0x108;
	s8 =	sld [smem:$0x3F9A]  }
0x2e: {  	s3 =	simm.s32 @!p0 $0x1082;
	s9 =	sld [smem:$0x3F9B]  }
0x2f: {  	lr =	sadd.s32 s0, s3;
	s0 =	sld [smem:$0x3F92]  }
0x30: {  	s3 =	sld [smem:$0x3F95]  }
0x31: {  	[smem:$0x3F9E] =	sst s10  }
0x32: {  	s10 =	sld [smem:$0x3F9C];
	_ =	sdelay $0x3  }
0x33: {  	p0 =	seq.s32 s10, $0x1;
	s10 =	sld [smem:$0x3F9E];
	_ =	sdelay $0x3  }
0x34: {  	[smem:$0x3F9E] =	sst s10  }
0x35: {  	s10 =	sld [smem:$0x3F9D];
	_ =	sdelay $0x3  }
0x36: {  	p1 =	seq.s32 s10, $0x1;
	s10 =	sld [smem:$0x3F9E];
	_ =	sdelay $0x3  }
0x37: {  	[smem:$0x3F9E] =	sst s10  }
0x38: {  	s10 =	sld [smem:$0x3F9F]  }
0x39: {  	_ = 	snop;
	(pc) =	sbr.ind lr, $3  }
0x3a: {  	_ = 	snop  }
0x3b: {  	_ = 	snop  }
0x3c: {  	p2 =	seq.s32 s10, $0x1;
	s10 =	sld [smem:$0x3F9E]  }
0x3d: {  	_ =	shalt  }
0x3e: {  	_ =	shalt  }
0x3f: {  	_ =	shalt  }
0x40: {  	_ =	shalt  }
0x41: {  	_ =	shalt  }
0x42: {  	_ =	shalt  }
0x43: {  	_ =	shalt  }
0x44: {  	_ =	shalt  }
0x45: {  	_ =	shalt  }
0x46: {  	_ =	shalt  }
0x47: {  	_ =	shalt  }
0x48: {  	_ =	shalt  }
0x49: {  	_ =	shalt  }
0x4a: {  	_ =	shalt  }
0x4b: {  	_ =	shalt  }
0x4c: {  	_ =	shalt  }
0x4d: {  	_ =	shalt  }
0x4e: {  	_ =	shalt  }
0x4f: {  	_ =	shalt  }
0x50: {  	_ =	shalt  }
0x51: {  	_ =	shalt  }
0x52: {  	_ =	shalt  }
0x53: {  	_ =	shalt  }
0x54: {  	_ =	shalt  }
0x55: {  	_ =	shalt  }
0x56: {  	_ =	shalt  }
0x57: {  	_ =	shalt  }
0x58: {  	_ =	shalt  }
0x59: {  	_ =	shalt  }
0x5a: {  	_ =	shalt  }
0x5b: {  	_ =	shalt  }
0x5c: {  	_ =	shalt  }
0x5d: {  	_ =	shalt  }
0x5e: {  	_ =	shalt  }
0x5f: {  	_ =	shalt  }
0x60: {  	_ =	shalt  }
0x61: {  	_ =	shalt  }
0x62: {  	_ =	shalt  }
0x63: {  	_ =	shalt  }
0x64: {  	_ =	shalt  }
0x65: {  	_ =	shalt  }
0x66: {  	_ =	shalt  }
0x67: {  	_ =	shalt  }
0x68: {  	_ =	shalt  }
0x69: {  	_ =	shalt  }
0x6a: {  	_ =	shalt  }
0x6b: {  	_ =	shalt  }
0x6c: {  	_ =	shalt  }
0x6d: {  	_ =	shalt  }
0x6e: {  	_ =	shalt  }
0x6f: {  	_ =	shalt  }
0x70: {  	_ =	shalt  }
0x71: {  	_ =	shalt  }
0x72: {  	_ =	shalt  }
0x73: {  	_ =	shalt  }
0x74: {  	_ =	shalt  }
0x75: {  	_ =	shalt  }
0x76: {  	_ =	shalt  }
0x77: {  	_ =	shalt  }
0x78: {  	_ =	shalt  }
0x79: {  	_ =	shalt  }
0x7a: {  	_ =	shalt  }
0x7b: {  	_ =	shalt  }
0x7c: {  	_ =	shalt  }
0x7d: {  	_ =	shalt  }
0x7e: {  	_ =	shalt  }
0x7f: {  	_ =	shalt  }
0x80: {  	_ =	shalt  }
0x81: {  	_ =	shalt  }
0x82: {  	_ =	shalt  }
0x83: {  	_ =	shalt  }
0x84: {  	_ =	shalt  }
0x85: {  	_ =	shalt  }
0x86: {  	_ =	shalt  }
0x87: {  	_ =	shalt  }
.Lfunc_end0:
.L_simem_size_0:
called_computation_lowered:
.L_overlay_start_0:
0x88: {  	s2 =	sld [smem:$0x3FD9]  }
0x89: {  	s3 =	sld [smem:$0x3FFE];
	_ =	sdelay $0x1  }
0x8a: {  	s1 =	srdreg.scid  }
0x8b: {  	s0 =	sand.u32 $0x1, s1  }
0x8c: {  	s17 =	sshll.u32 s0, $0xA;
	s2 =	sadd.s32 s3, s2  }
0x8d: {  	s2 =	sadd.s32 s2, s17  }
0x8e: {  	[smem:$0x3FAA] =	sst s2  }
0x8f: {  	_ = 	snop  }
0x90: {  	(tm) =	ssettm $0x1  }
0x91: {  	s18 =	sld [smem:$0x3FFB];
	_ =	sdelay $0x3  }
0x92: {  	_ =	strace s18  }
0x93: {  	s2 =	sld [smem:$0x3FFC];
	_ =	sdelay $0x3  }
0x94: {  	_ =	strace s2  }
0x95: {  	s2 =	sld [smem:$0x3FFD];
	_ =	sdelay $0x3  }
0x96: {  	_ =	strace s2  }
0x97: {  	_ =	strace $0x8FFFFFFF  }
0x98: {  	s19 =	sld [smem:$0x3FDB];
	_ =	sdelay $0x1  }
0x99: {  	s20 =	simm.s32 $_scs_section_size  }
0x9a: {  	s4 =	simm.s32 $_size__tile_overlayer_lowered;
	s5 =	simm.s32 $_tile_overlayer_lowered  }
0x9b: {  	s6 =	simm.s32 $0x1BFF;
	s21 =	sshll.u32 s5, $0x1;
	s3 =	sadd.s32 s20, s19  }
0x9c: {  	s22 =	simm.s32 $0x0;
	s4 =	sshll.u32 s4, $0x1;
	s5 =	sadd.s32 s21, s3  }
0x9d: {  	[timem:s22], [sflag:s6] =	dma.local [hbm:s5], s4  }
0x9e: {  	_ =	swait.ge [sflag:s6], s4  }
0x9f: {  	s4 =	ssub.s32 $0x0, s4;
	[sflag:s6] =	ssyncset.done $0x0  }
0xa0: {  	[sflag:s6] =	ssyncadd.s32 s4;
	_ =	sdelay $0x1  }
0xa1: {  	s23 =	simm.s32 $0x1B8B  }
0xa2: {  	_ =	swait.ge [sflag:s23], $0x1  }
0xa3: {  	[sflag:s23] =	ssyncset.done $0x0  }
0xa4: {  	[sflag:s23] =	ssyncadd.s32 $0xFFFFFFFF  }
0xa5: {  	s4 =	sld [smem:$0x0]  }
0xa6: {  	s5 =	sand.u32 $0xFFFFFFFE, s1  }
0xa7: {  	p0 =	sne.s32 s1, s5  }
0xa8: {  	s5 =	sshll.u32 @p0 s5, $0xE  }
0xa9: {  	s5 =	sadd.s32 @p0 $0x11B8D, s5;
	s6 =	sshll.u32 @p0 s4, $0x11  }
0xaa: {  	s5 =	sor.u32 @p0 s6, s5  }
0xab: {  	[sflag:s5] =	ssyncadd.remote.s32 @p0 $0x1;
	_ =	sdelay $0x1  }
0xac: {  	s5 =	simm.s32 @p0 $0x1B8D  }
0xad: {  	_ =	swait.eq @p0 [sflag:s5], $0x1  }
0xae: {  	[sflag:s5] =	ssyncadd.s32 @p0 $0xFFFFFFFF  }
0xaf: {  	s6 =	sshll.u32 @!p0 s1, $0xE  }
0xb0: {  	s6 =	sor.u32 @!p0 $0x4000, s6;
	s5 =	simm.s32 @!p0 $0x1B8D  }
0xb1: {  	s4 =	sshll.u32 @!p0 s4, $0x11;
	s6 =	sadd.s32 @!p0 $0x11B8D, s6;
	_ =	swait.eq @!p0 [sflag:s5], $0x1  }
0xb2: {  	s4 =	sor.u32 @!p0 s4, s6;
	[sflag:s5] =	ssyncadd.s32 @!p0 $0xFFFFFFFF  }
0xb3: {  	s25 =	simm.s32 $0x1B8E;
	s24 =	sld [smem:$0x3FFE];
	[sflag:s4] =	ssyncadd.remote.s32 @!p0 $0x1  }
0xb4: {  	s26 =	simm.s32 $execute0_lowered;
	[smem:$0x3FD2] =	sst s25  }
0xb5: {  	s5 =	sshll.u32 s26, $0x1;
	_ =	strace $0x80000049;
	[dreg:$0x1] =	wrdreg $0xFFFFFFFF  }
0xb6: {  	s28 =	simm.s32 $_size_execute0_lowered;
	s3 =	sadd.s32 s3, s5;
	[dreg:$0x0] =	wrdreg $0x0  }
0xb7: {  	s5 =	sshll.u32 s28, $0x1;
	[dreg:$0x2] =	wrdreg s3  }
0xb8: {  	[dreg:$0x3] =	wrdreg s5  }
0xb9: {  	[dreg:$0x4] =	wrdreg $0xC0  }
0xba: {  	_ =	task [dreg:s22], $0x5FFFF  }
0xbb: {  	[dreg:$0x1] =	wrdreg $0xFFFFFFFF  }
0xbc: {  	[dreg:$0x0] =	wrdreg $0x60  }
0xbd: {  	[dreg:$0x2] =	wrdreg s24  }
0xbe: {  	[dreg:$0x3] =	wrdreg $0x28800  }
0xbf: {  	[dreg:$0x4] =	wrdreg $0x9  }
0xc0: {  	_ =	task.clear_ibuf [dreg:s22], $0x5FFFF;
	_ =	strace $0x90000049  }
0xc1: {  	s29 =	simm.s32 $0x9;
	_ =	strace $0x8000004B  }
0xc2: {  	_ =	swait.ge [sflag:s29], $0x1  }
0xc3: {  	[sflag:s29] =	ssyncadd.s32 $0xFFFFFFFF  }
0xc4: {  	_ =	strace $0x9000004B  }
0xc5: {  	_ =	sfence  }
0xc6: {  	s30 =	sld [smem:$0x0];
	_ =	sdelay $0x2  }
0xc7: {  	s31 =	sshll.u32 s1, $0xD;
	s1 =	sshrl.u32 s1, $0x2  }
0xc8: {  	s4 =	sand.u32 $0x4000, s31;
	s1 =	sadd.s32 s1, s30  }
0xc9: {  	s0 =	sor.u32 s4, s0;
	s1 =	sshll.u32 s1, $0x11  }
0xca: {  	s0 =	sor.u32 s1, s0  }
0xcb: {  	s0 =	sadd.s32 $0x8F2B, s0  }
0xcc: {  	[sflag:s0] =	ssyncadd.remote.s32 $0x1  }
0xcd: {  	_ =	sfence.sel $0xFFFF  }
0xce: {  	[dreg:$0x0] =	wrdreg $0xFFFFFFFF;
	(pc) =	sbr.abs _section_cstart, $3  }
0xcf: {  	[dreg:$0x1] =	wrdreg $0xFFFFFFFF  }
0xd0: {  	_ =	task.clear_ibuf [dreg:s22], $0x2FFFF;
	_ =	strace $0x9FFFFFFF  }
0xd1: {  	(tm) =	ssettm $0x7FFFFFFF  }
tec
execute0_lowered:
.L_overlay_start_1:
0x0: {  	(tag) =	ssettag $0x1  }
0x1: {  	s26 =	stileid.u32  }
0x2: {  	s7 =	smul.u32 $0x2710, s26  }
0x3: {  	s0 =	srdreg.scid;
	s29 =	smul.u32 $0x280, s26  }
0x4: {  	s5 =	rddreg [dreg:$0x0];
	s30 =	smul.u32 $0x50000, s26  }
0x5: {  	s2 =	rddreg [dreg:$0x1];
	s6 =	sand.u32 $0x1, s0;
	s24 =	smul.u32 $0x27100, s26  }
0x6: {  	s3 =	simm.s32 $0x0;
	s25 =	simm.s32 $0x1;
	s4 =	smul.u32 $0x27100, s6  }
0x7: {  	s28 =	simm.s32 $0x0;
	[smem:$0x7FF] =	sst s3;
	s8 =	smul.u32 $0x271000, s6  }
0x8: {  	s26 =	simm.s32 $0x50;
	s9 =	smul.u32 $0x2800, s6;
	s6 =	ssub.s32 $0x2, s6  }
0x9: {  	_ =	strace $0x8000004A;
	s31 =	sshrl.u32 s6, $0x1;
	s4 =	sadd.s32 s7, s4  }
0xa: {  	s22 =	sadd.s32 s8, s5;
	s7 =	sadd.s32 s29, s9;
	s8 =	sshrl.u32 s30, $0x2  }
0xb: {  	s21 =	ssub.s32 s6, s31;
	s4 =	sshrl.u32 s4, $0x3;
	s7 =	sshll.u32 s7, $0x4  }
0xc: {  	s21 =	smax.u32 s21, $0x1;
	s22 =	sadd.s32 s24, s22;
	s23 =	sadd.s32 s4, s5  }
0xd: {  	s4 =	sadd.s32 $0x69E00, s5;
	s20 =	sadd.s32 s7, s5;
	s5 =	sadd.s32 s8, s2  }
0xe: {  	s24 =	simm.s32 $0x80;
	s22 =	sadd.s32 $0x59C400, s22;
	s6 =	sadd.s32 $0x2800, s5  }
0xf: {  	s7 =	sadd.s32 $0x5000, s5;
	s8 =	sadd.s32 $0x7800, s5;
	s9 =	sadd.s32 $0xA000, s5  }
0x10: {  	s10 =	sadd.s32 $0xC800, s5;
	s11 =	sadd.s32 $0xF000, s5;
	s12 =	sadd.s32 $0x11800, s5  }
0x11: {  	s13 =	sadd.s32 $0xBA400, s20;
	s14 =	sadd.s32 $0xBA900, s20;
	s15 =	sadd.s32 $0xBAE00, s20  }
0x12: {  	s16 =	sadd.s32 $0xBB300, s20;
	s17 =	sadd.s32 $0xBB800, s20;
	s18 =	sadd.s32 $0xBBD00, s20  }
0x13: {  	s19 =	sadd.s32 $0xBC200, s20;
	s20 =	sadd.s32 $0xBC700, s20;
	s23 =	sadd.s32 $0x6200, s23  }
.LBB2_1:
0x14: {  	[tilespmem:s24], [sflag:$0x1] =	stream.linear.gather [hbm4b:s4+s3], $0x2800, $0x38;
	[tilespmem:$0x16880] =	vst v63  }
0x15: {  	_ =	swait.ge [sflag:s25], $0x2800  }
0x16: {  	[sflag:s25] =	ssyncset.done $0x0  }
0x17: {  	[sflag:s25] =	ssyncadd.s32 $0xFFFFD800  }
0x18: {  	[spmem:s5] =	stream.linear.scatter [tilespmem:s24], [sflag:$0x1], $0x2800, $0x38;
	[tilespmem:$0x16880] =	vst v63  }
0x19: {  	_ =	swait.ge [sflag:s25], $0x2800  }
0x1a: {  	[sflag:s25] =	ssyncset.done $0x0  }
0x1b: {  	[sflag:s25] =	ssyncadd.s32 $0xFFFFD800  }
0x1c: {  	[spmem:s6] =	stream.linear.scatter [tilespmem:s24], [sflag:$0x1], $0x2800, $0x38;
	[tilespmem:$0x16880] =	vst v63  }
0x1d: {  	_ =	swait.ge [sflag:s25], $0x2800  }
0x1e: {  	[sflag:s25] =	ssyncset.done $0x0  }
0x1f: {  	[sflag:s25] =	ssyncadd.s32 $0xFFFFD800  }
0x20: {  	[spmem:s7] =	stream.linear.scatter [tilespmem:s24], [sflag:$0x1], $0x2800, $0x38;
	[tilespmem:$0x16880] =	vst v63  }
0x21: {  	_ =	swait.ge [sflag:s25], $0x2800  }
0x22: {  	[sflag:s25] =	ssyncset.done $0x0  }
0x23: {  	[sflag:s25] =	ssyncadd.s32 $0xFFFFD800  }
0x24: {  	[spmem:s8] =	stream.linear.scatter [tilespmem:s24], [sflag:$0x1], $0x2800, $0x38;
	[tilespmem:$0x16880] =	vst v63  }
0x25: {  	_ =	swait.ge [sflag:s25], $0x2800  }
0x26: {  	[sflag:s25] =	ssyncset.done $0x0  }
0x27: {  	[sflag:s25] =	ssyncadd.s32 $0xFFFFD800  }
0x28: {  	[spmem:s9] =	stream.linear.scatter [tilespmem:s24], [sflag:$0x1], $0x2800, $0x38;
	[tilespmem:$0x16880] =	vst v63  }
0x29: {  	_ =	swait.ge [sflag:s25], $0x2800  }
0x2a: {  	[sflag:s25] =	ssyncset.done $0x0  }
0x2b: {  	[sflag:s25] =	ssyncadd.s32 $0xFFFFD800  }
0x2c: {  	[spmem:s10] =	stream.linear.scatter [tilespmem:s24], [sflag:$0x1], $0x2800, $0x38;
	[tilespmem:$0x16880] =	vst v63  }
0x2d: {  	_ =	swait.ge [sflag:s25], $0x2800  }
0x2e: {  	[sflag:s25] =	ssyncset.done $0x0  }
0x2f: {  	[sflag:s25] =	ssyncadd.s32 $0xFFFFD800  }
0x30: {  	[spmem:s11] =	stream.linear.scatter [tilespmem:s24], [sflag:$0x1], $0x2800, $0x38;
	[tilespmem:$0x16880] =	vst v63  }
0x31: {  	_ =	swait.ge [sflag:s25], $0x2800  }
0x32: {  	[sflag:s25] =	ssyncset.done $0x0  }
0x33: {  	[sflag:s25] =	ssyncadd.s32 $0xFFFFD800  }
0x34: {  	[spmem:s12] =	stream.linear.scatter [tilespmem:s24], [sflag:$0x1], $0x2800, $0x38;
	[tilespmem:$0x16880] =	vst v63  }
0x35: {  	_ =	swait.ge [sflag:s25], $0x2800  }
0x36: {  	[sflag:s25] =	ssyncset.done $0x0  }
0x37: {  	[sflag:s25] =	ssyncadd.s32 $0xFFFFD800  }
0x38: {  	s29 =	sadd.s32 $0x0, s23;
	[bflag:$0x0] =	sbarrier.arrive $0xFFFF  }
0x39: {  	[tilespmem:s3], [sflag:$0x1] =	stream.linear.gather [hbm4b:s29+s3], $0x50, $0x38;
	[tilespmem:$0x16880] =	vst v63  }
0x3a: {  	_ =	swait.ge [sflag:s25], $0x50  }
0x3b: {  	[sflag:s25] =	ssyncset.done $0x0  }
0x3c: {  	[sflag:s25] =	ssyncadd.s32 $0xFFFFFFB0  }
0x3d: {  	[tilespmem:s24], [sflag:$0x1] =	stream.linear.gather [hbm4b:s22+s3], $0x2800, $0x38;
	[tilespmem:$0x16880] =	vst v63  }
0x3e: {  	_ =	swait.ge [sflag:s25], $0x2800  }
0x3f: {  	[sflag:s25] =	ssyncset.done $0x0  }
0x40: {  	[sflag:s25] =	ssyncadd.s32 $0xFFFFD800  }
0x41: {  	[spmem:s2] =	stream.indirect.scatter.add.f32 [tilespmem:s24], [sflag:$0x1], $0x80, s3, s26, $0xb8;
	[tilespmem:$0x16880] =	vst v63  }
0x42: {  	s30 =	simm.s32 $0xA;
	_ =	swait.ge [sflag:s25], $0x2800  }
0x43: {  	s31 =	simm.s32 $0x14;
	s29 =	sadd.s32 $0x500, s22;
	[sflag:s25] =	ssyncset.done $0x0  }
.LBB2_2:
0x44: {  	s1 =	sadd.s32 s30, s23  }
0x45: {  	[sflag:s25] =	ssyncadd.s32 $0xFFFFD800;
	s30 =	smov.u32 s31;
	s0 =	sadd.s32 $0xA, s31  }
0x46: {  	[tilespmem:s3], [sflag:$0x1] =	stream.linear.gather [hbm4b:s1+s3], $0x50, $0x38;
	[tilespmem:$0x16880] =	vst v63  }
0x47: {  	p0 =	sne.s32 s31, $0x4D8;
	_ =	swait.ge [sflag:s25], $0x50  }
0x48: {  	[sflag:s25] =	ssyncset.done $0x0  }
0x49: {  	[sflag:s25] =	ssyncadd.s32 $0xFFFFFFB0  }
0x4a: {  	[tilespmem:s24], [sflag:$0x1] =	stream.linear.gather [hbm4b:s29+s3], $0x2800, $0x38;
	[tilespmem:$0x16880] =	vst v63  }
0x4b: {  	_ =	swait.ge [sflag:s25], $0x2800  }
.Ltmp0:
0x4c: {  	[sflag:s25] =	ssyncset.done $0x0;
	(pc) =	sbr.rel @p0 .LBB2_2-.Ltmp0, $4  }
0x4d: {  	[sflag:s25] =	ssyncadd.s32 $0xFFFFD800  }
0x4e: {  	[spmem:s2] =	stream.indirect.scatter.add.f32 [tilespmem:s24], [sflag:$0x1], $0x80, s3, s26, $0xb8;
	[tilespmem:$0x16880] =	vst v63  }
0x4f: {  	_ =	swait.ge [sflag:s25], $0x2800  }
0x50: {  	s31 =	smov.u32 s0;
	s29 =	sadd.s32 $0x500, s29;
	[sflag:s25] =	ssyncset.done $0x0  }
0x51: {  	s0 =	sadd.s32 s30, s23;
	[sflag:s25] =	ssyncadd.s32 $0xFFFFD800  }
0x52: {  	[tilespmem:s3], [sflag:$0x1] =	stream.linear.gather [hbm4b:s0+s3], $0x50, $0x38;
	[tilespmem:$0x16880] =	vst v63  }
0x53: {  	_ =	swait.ge [sflag:s25], $0x50  }
0x54: {  	[sflag:s25] =	ssyncset.done $0x0  }
0x55: {  	[sflag:s25] =	ssyncadd.s32 $0xFFFFFFB0  }
0x56: {  	[tilespmem:s24], [sflag:$0x1] =	stream.linear.gather [hbm4b:s29+s3], $0x2800, $0x38;
	[tilespmem:$0x16880] =	vst v63  }
0x57: {  	_ =	swait.ge [sflag:s25], $0x2800  }
0x58: {  	[sflag:s25] =	ssyncset.done $0x0  }
0x59: {  	[sflag:s25] =	ssyncadd.s32 $0xFFFFD800  }
0x5a: {  	[spmem:s2] =	stream.indirect.scatter.add.f32 [tilespmem:s24], [sflag:$0x1], $0x80, s3, s26, $0xb8;
	[tilespmem:$0x16880] =	vst v63  }
0x5b: {  	_ =	swait.ge [sflag:s25], $0x2800  }
0x5c: {  	[sflag:s25] =	ssyncset.done $0x0  }
0x5d: {  	[sflag:s25] =	ssyncadd.s32 $0xFFFFD800  }
0x5e: {  	[bflag:$0x0] =	sbarrier.arrive $0xFFFF  }
0x5f: {  	[tilespmem:s24], [sflag:$0x1] =	stream.linear.gather [spmem:s5], $0x2800, $0x38;
	[tilespmem:$0x16880] =	vst v63  }
0x60: {  	_ =	swait.ge [sflag:s25], $0x2800  }
0x61: {  	[sflag:s25] =	ssyncset.done $0x0  }
0x62: {  	[sflag:s25] =	ssyncadd.s32 $0xFFFFD800  }
0x63: {  	[hbm4b:s13+s3] =	stream.linear.scatter [tilespmem:s24], [sflag:$0x1], $0x2800, $0x38;
	[tilespmem:$0x16880] =	vst v63  }
0x64: {  	_ =	swait.ge [sflag:s25], $0x2800  }
0x65: {  	[sflag:s25] =	ssyncset.done $0x0  }
0x66: {  	[sflag:s25] =	ssyncadd.s32 $0xFFFFD800  }
0x67: {  	[tilespmem:s24], [sflag:$0x1] =	stream.linear.gather [spmem:s6], $0x2800, $0x38;
	[tilespmem:$0x16880] =	vst v63  }
0x68: {  	_ =	swait.ge [sflag:s25], $0x2800  }
0x69: {  	[sflag:s25] =	ssyncset.done $0x0  }
0x6a: {  	[sflag:s25] =	ssyncadd.s32 $0xFFFFD800  }
0x6b: {  	[hbm4b:s14+s3] =	stream.linear.scatter [tilespmem:s24], [sflag:$0x1], $0x2800, $0x38;
	[tilespmem:$0x16880] =	vst v63  }
0x6c: {  	_ =	swait.ge [sflag:s25], $0x2800  }
0x6d: {  	[sflag:s25] =	ssyncset.done $0x0  }
0x6e: {  	[sflag:s25] =	ssyncadd.s32 $0xFFFFD800  }
0x6f: {  	[tilespmem:s24], [sflag:$0x1] =	stream.linear.gather [spmem:s7], $0x2800, $0x38;
	[tilespmem:$0x16880] =	vst v63  }
0x70: {  	_ =	swait.ge [sflag:s25], $0x2800  }
0x71: {  	[sflag:s25] =	ssyncset.done $0x0  }
0x72: {  	[sflag:s25] =	ssyncadd.s32 $0xFFFFD800  }
0x73: {  	[hbm4b:s15+s3] =	stream.linear.scatter [tilespmem:s24], [sflag:$0x1], $0x2800, $0x38;
	[tilespmem:$0x16880] =	vst v63  }
0x74: {  	_ =	swait.ge [sflag:s25], $0x2800  }
0x75: {  	[sflag:s25] =	ssyncset.done $0x0  }
0x76: {  	[sflag:s25] =	ssyncadd.s32 $0xFFFFD800  }
0x77: {  	[tilespmem:s24], [sflag:$0x1] =	stream.linear.gather [spmem:s8], $0x2800, $0x38;
	[tilespmem:$0x16880] =	vst v63  }
0x78: {  	_ =	swait.ge [sflag:s25], $0x2800  }
0x79: {  	[sflag:s25] =	ssyncset.done $0x0  }
0x7a: {  	[sflag:s25] =	ssyncadd.s32 $0xFFFFD800  }
0x7b: {  	[hbm4b:s16+s3] =	stream.linear.scatter [tilespmem:s24], [sflag:$0x1], $0x2800, $0x38;
	[tilespmem:$0x16880] =	vst v63  }
0x7c: {  	_ =	swait.ge [sflag:s25], $0x2800  }
0x7d: {  	[sflag:s25] =	ssyncset.done $0x0  }
0x7e: {  	[sflag:s25] =	ssyncadd.s32 $0xFFFFD800  }
0x7f: {  	[tilespmem:s24], [sflag:$0x1] =	stream.linear.gather [spmem:s9], $0x2800, $0x38;
	[tilespmem:$0x16880] =	vst v63  }
0x80: {  	_ =	swait.ge [sflag:s25], $0x2800  }
0x81: {  	[sflag:s25] =	ssyncset.done $0x0  }
0x82: {  	[sflag:s25] =	ssyncadd.s32 $0xFFFFD800  }
0x83: {  	[hbm4b:s17+s3] =	stream.linear.scatter [tilespmem:s24], [sflag:$0x1], $0x2800, $0x38;
	[tilespmem:$0x16880] =	vst v63  }
0x84: {  	_ =	swait.ge [sflag:s25], $0x2800  }
0x85: {  	[sflag:s25] =	ssyncset.done $0x0  }
0x86: {  	[sflag:s25] =	ssyncadd.s32 $0xFFFFD800  }
0x87: {  	[tilespmem:s24], [sflag:$0x1] =	stream.linear.gather [spmem:s10], $0x2800, $0x38;
	[tilespmem:$0x16880] =	vst v63  }
0x88: {  	_ =	swait.ge [sflag:s25], $0x2800  }
0x89: {  	[sflag:s25] =	ssyncset.done $0x0  }
0x8a: {  	[sflag:s25] =	ssyncadd.s32 $0xFFFFD800  }
0x8b: {  	[hbm4b:s18+s3] =	stream.linear.scatter [tilespmem:s24], [sflag:$0x1], $0x2800, $0x38;
	[tilespmem:$0x16880] =	vst v63  }
0x8c: {  	_ =	swait.ge [sflag:s25], $0x2800  }
0x8d: {  	[sflag:s25] =	ssyncset.done $0x0  }
0x8e: {  	[sflag:s25] =	ssyncadd.s32 $0xFFFFD800  }
0x8f: {  	[tilespmem:s24], [sflag:$0x1] =	stream.linear.gather [spmem:s11], $0x2800, $0x38;
	[tilespmem:$0x16880] =	vst v63  }
0x90: {  	_ =	swait.ge [sflag:s25], $0x2800  }
0x91: {  	[sflag:s25] =	ssyncset.done $0x0  }
0x92: {  	[sflag:s25] =	ssyncadd.s32 $0xFFFFD800  }
0x93: {  	[hbm4b:s19+s3] =	stream.linear.scatter [tilespmem:s24], [sflag:$0x1], $0x2800, $0x38;
	[tilespmem:$0x16880] =	vst v63  }
0x94: {  	_ =	swait.ge [sflag:s25], $0x2800  }
0x95: {  	[sflag:s25] =	ssyncset.done $0x0  }
0x96: {  	[sflag:s25] =	ssyncadd.s32 $0xFFFFD800  }
0x97: {  	[tilespmem:s24], [sflag:$0x1] =	stream.linear.gather [spmem:s12], $0x2800, $0x38;
	[tilespmem:$0x16880] =	vst v63  }
0x98: {  	s28 =	sadd.s32 $0x1, s28;
	_ =	swait.ge [sflag:s25], $0x2800  }
0x99: {  	p0 =	sne.s32 s28, s21;
	[sflag:s25] =	ssyncset.done $0x0  }
.Ltmp1:
0x9a: {  	[sflag:s25] =	ssyncadd.s32 $0xFFFFD800;
	(pc) =	sbr.rel @p0 .LBB2_1-.Ltmp1, $4  }
0x9b: {  	[hbm4b:s20+s3] =	stream.linear.scatter [tilespmem:s24], [sflag:$0x1], $0x2800, $0x38;
	[tilespmem:$0x16880] =	vst v63  }
0x9c: {  	_ =	swait.ge [sflag:s25], $0x2800  }
0x9d: {  	[sflag:s25] =	ssyncset.done $0x0  }
0x9e: {  	[sflag:s25] =	ssyncadd.s32 $0xFFFFD800  }
0x9f: {  	_ =	sfence.sel $0x180000  }
0xa0: {  	[bflag:$0x0] =	sbarrier.arrive $0xFFFF  }
0xa1: {  	_ =	strace $0x9000004A  }
0xa2: {  	s0 =	stileid.u32;
	[bflag:$0x2] =	sbarrier.arrive $0xFFFF  }
0xa3: {  	p0 =	sne.s32 s0, $0x0;
	s0 =	rddreg [dreg:$0x2]  }
0xa4: {  	s0 =	sadd.s32 @!p0 $0x100000, s0  }
0xa5: {  	[sflag:s0] =	ssyncadd.tile.s32 @!p0 $0x1;
	_ =	shalt  }
.Lfunc_end2:
_tile_overlayer_lowered:
.L_overlay_start_2:
0xa6: {  	(tag) =	ssettag $0x2  }
0xa7: {  	s0 =	rddreg [dreg:$0x0];
	s2 =	stileid.u32  }
0xa8: {  	s1 =	rddreg [dreg:$0x1];
	p0 =	sne.s32 s2, $0x0  }
0xa9: {  	s3 =	rddreg [dreg:$0x2];
	[bflag:$0x3] =	sbarrier.arrive $0xFFFF;
	s2 =	simm.s32 @!p0 $0x1C01  }
0xaa: {  	[timem:s3], [sflag:s2] =	dma.local @!p0 [hbm:s0], s1  }
0xab: {  	s0 =	simm.s32 @!p0 $0x1  }
0xac: {  	_ =	swait.ge @!p0 [sflag:s0], s1  }
0xad: {  	s1 =	ssub.s32 @!p0 $0x0, s1;
	[sflag:s0] =	ssyncset.done @!p0 $0x0  }
0xae: {  	[sflag:s0] =	ssyncadd.s32 @!p0 s1  }
0xaf: {  	[bflag:$0x3] =	sbarrier.arrive $0xFFFF  }
0xb0: {  	_ =	shalt  }

// kernel: kernel.15.cloned.1.call-start
scs
__scs_entry_jumppad:
0x0: {  	(pc) =	sbr.rel $0x88, $3  }
0x1: {  	(tag) =	ssettag $0x0;
	lr =	simm.s32 $0x1  }
0x2: {  	[smem:$0x3F83] =	sst lr;
	_ =	strace $0xD0000000  }
0x3: {  	_ = 	snop  }
0x4: {  	_ = 	snop  }
0x5: {  	_ = 	snop  }
0x6: {  	_ = 	snop  }
0x7: {  	_ = 	snop  }
__scs_overlays_trampoline_lowered:
0x8: {  	[smem:$0x3F92] =	sst s0  }
0x9: {  	[smem:$0x3F93] =	sst s1  }
0xa: {  	[smem:$0x3F94] =	sst s2  }
0xb: {  	[smem:$0x3F95] =	sst s3  }
0xc: {  	[smem:$0x3F96] =	sst s4  }
0xd: {  	[smem:$0x3F97] =	sst s5  }
0xe: {  	[smem:$0x3F98] =	sst s6  }
0xf: {  	[smem:$0x3F99] =	sst s7  }
0x10: {  	[smem:$0x3F9A] =	sst s8  }
0x11: {  	[smem:$0x3F9B] =	sst s9;
	s0 =	simm.s32 @!p0 $0x0  }
0x12: {  	s1 =	sld [smem:$0x3F81];
	s0 =	simm.s32 @p0 $0x1  }
0x13: {  	[smem:$0x3F9C] =	sst s0;
	s0 =	simm.s32 @!p1 $0x0  }
0x14: {  	s2 =	sld [smem:$0x3F80];
	s0 =	simm.s32 @p1 $0x1  }
0x15: {  	[smem:$0x3F9D] =	sst s0;
	s0 =	simm.s32 @!p2 $0x0  }
0x16: {  	s3 =	sld [smem:$0x3FDB];
	s0 =	simm.s32 @p2 $0x1  }
0x17: {  	s4 =	simm.s32 $0x1BF5;
	[smem:$0x3F9F] =	sst s0  }
0x18: {  	s0 =	sld [smem:$0x3F82];
	_ =	swait.ge [sflag:s4], $0x0  }
0x19: {  	s7 =	sld [smem:$0x3F83]  }
0x1a: {  	s8 =	sadd.s32 $0xFFFFE003, lr  }
0x1b: {  	s9 =	sadd.s32 $0xFFFFFEF7, lr;
	s5 =	simm.s32 $0xFFFFFFFF;
	p2 =	slt.u32 s8, $0xFFFFF086  }
0x1c: {  	p1 =	slt.u32 s9, $0xF7A;
	s5 =	simm.s32 @!p2 $0x0  }
0x1d: {  	s5 =	simm.s32 @p1 $0x1;
	p0 =	seq.s32 s7, s2  }
0x1e: {  	s7 =	smul.u32 @!p0 $0xF7A, s2;
	p2 =	seq.s32 @!p0 s5, $0x0  }
0x1f: {  	s9 =	smul.u32 $0xF7A, s1;
	s8 =	simm.s32 @!p0 $0x1BF5;
	p2 =	por !p2, p0  }
0x20: {  	[sflag:s8] =	ssyncset.s32 @!p0 $0xFFFFF086;
	s6 =	sadd.s32 @!p0 s3, s7;
	s7 =	simm.s32 @!p0 $0x108  }
0x21: {  	s3 =	sadd.s32 s3, s9;
	s6 =	sadd.s32 @!p0 $0x88, s6;
	s7 =	simm.s32 @p2 $0x1082  }
0x22: {  	[simem:s7], [sflag:s8] =	dma.local @!p0 [hbm:s6], $0xF7A  }
0x23: {  	s9 =	sor.u32 $0xD0000000, s2;
	s6 =	simm.s32 $0x108;
	_ =	swait.ge @!p0 [sflag:s8], $0x0  }
0x24: {  	s3 =	sadd.s32 $0x88, s3;
	s6 =	simm.s32 @!p1 $0x1082;
	[sflag:s4] =	ssyncset.s32 $0xFFFFF086  }
0x25: {  	[simem:s6], [sflag:s4] =	dma.local [hbm:s3], $0xF7A  }
0x26: {  	[smem:$0x3F83] =	sst s1;
	(tag) =	ssettag s2;
	_ =	strace s9  }
0x27: {  	s1 =	sld [smem:$0x3F93]  }
0x28: {  	s2 =	sld [smem:$0x3F94]  }
0x29: {  	s4 =	sld [smem:$0x3F96]  }
0x2a: {  	p0 =	seq.s32 s5, $0x0;
	s5 =	sld [smem:$0x3F97]  }
0x2b: {  	s6 =	sld [smem:$0x3F98]  }
0x2c: {  	s7 =	sld [smem:$0x3F99]  }
0x2d: {  	s3 =	simm.s32 $0x108;
	s8 =	sld [smem:$0x3F9A]  }
0x2e: {  	s3 =	simm.s32 @!p0 $0x1082;
	s9 =	sld [smem:$0x3F9B]  }
0x2f: {  	lr =	sadd.s32 s0, s3;
	s0 =	sld [smem:$0x3F92]  }
0x30: {  	s3 =	sld [smem:$0x3F95]  }
0x31: {  	[smem:$0x3F9E] =	sst s10  }
0x32: {  	s10 =	sld [smem:$0x3F9C];
	_ =	sdelay $0x3  }
0x33: {  	p0 =	seq.s32 s10, $0x1;
	s10 =	sld [smem:$0x3F9E];
	_ =	sdelay $0x3  }
0x34: {  	[smem:$0x3F9E] =	sst s10  }
0x35: {  	s10 =	sld [smem:$0x3F9D];
	_ =	sdelay $0x3  }
0x36: {  	p1 =	seq.s32 s10, $0x1;
	s10 =	sld [smem:$0x3F9E];
	_ =	sdelay $0x3  }
0x37: {  	[smem:$0x3F9E] =	sst s10  }
0x38: {  	s10 =	sld [smem:$0x3F9F]  }
0x39: {  	_ = 	snop;
	(pc) =	sbr.ind lr, $3  }
0x3a: {  	_ = 	snop  }
0x3b: {  	_ = 	snop  }
0x3c: {  	p2 =	seq.s32 s10, $0x1;
	s10 =	sld [smem:$0x3F9E]  }
0x3d: {  	_ =	shalt  }
0x3e: {  	_ =	shalt  }
0x3f: {  	_ =	shalt  }
0x40: {  	_ =	shalt  }
0x41: {  	_ =	shalt  }
0x42: {  	_ =	shalt  }
0x43: {  	_ =	shalt  }
0x44: {  	_ =	shalt  }
0x45: {  	_ =	shalt  }
0x46: {  	_ =	shalt  }
0x47: {  	_ =	shalt  }
0x48: {  	_ =	shalt  }
0x49: {  	_ =	shalt  }
0x4a: {  	_ =	shalt  }
0x4b: {  	_ =	shalt  }
0x4c: {  	_ =	shalt  }
0x4d: {  	_ =	shalt  }
0x4e: {  	_ =	shalt  }
0x4f: {  	_ =	shalt  }
0x50: {  	_ =	shalt  }
0x51: {  	_ =	shalt  }
0x52: {  	_ =	shalt  }
0x53: {  	_ =	shalt  }
0x54: {  	_ =	shalt  }
0x55: {  	_ =	shalt  }
0x56: {  	_ =	shalt  }
0x57: {  	_ =	shalt  }
0x58: {  	_ =	shalt  }
0x59: {  	_ =	shalt  }
0x5a: {  	_ =	shalt  }
0x5b: {  	_ =	shalt  }
0x5c: {  	_ =	shalt  }
0x5d: {  	_ =	shalt  }
0x5e: {  	_ =	shalt  }
0x5f: {  	_ =	shalt  }
0x60: {  	_ =	shalt  }
0x61: {  	_ =	shalt  }
0x62: {  	_ =	shalt  }
0x63: {  	_ =	shalt  }
0x64: {  	_ =	shalt  }
0x65: {  	_ =	shalt  }
0x66: {  	_ =	shalt  }
0x67: {  	_ =	shalt  }
0x68: {  	_ =	shalt  }
0x69: {  	_ =	shalt  }
0x6a: {  	_ =	shalt  }
0x6b: {  	_ =	shalt  }
0x6c: {  	_ =	shalt  }
0x6d: {  	_ =	shalt  }
0x6e: {  	_ =	shalt  }
0x6f: {  	_ =	shalt  }
0x70: {  	_ =	shalt  }
0x71: {  	_ =	shalt  }
0x72: {  	_ =	shalt  }
0x73: {  	_ =	shalt  }
0x74: {  	_ =	shalt  }
0x75: {  	_ =	shalt  }
0x76: {  	_ =	shalt  }
0x77: {  	_ =	shalt  }
0x78: {  	_ =	shalt  }
0x79: {  	_ =	shalt  }
0x7a: {  	_ =	shalt  }
0x7b: {  	_ =	shalt  }
0x7c: {  	_ =	shalt  }
0x7d: {  	_ =	shalt  }
0x7e: {  	_ =	shalt  }
0x7f: {  	_ =	shalt  }
0x80: {  	_ =	shalt  }
0x81: {  	_ =	shalt  }
0x82: {  	_ =	shalt  }
0x83: {  	_ =	shalt  }
0x84: {  	_ =	shalt  }
0x85: {  	_ =	shalt  }
0x86: {  	_ =	shalt  }
0x87: {  	_ =	shalt  }
.Lfunc_end0:
.L_simem_size_0:
called_computation.1_lowered:
.L_overlay_start_0:
0x88: {  	s2 =	sld [smem:$0x3FD9]  }
0x89: {  	s3 =	sld [smem:$0x3FFE];
	_ =	sdelay $0x1  }
0x8a: {  	s1 =	srdreg.scid  }
0x8b: {  	s0 =	sand.u32 $0x1, s1  }
0x8c: {  	s16 =	sshll.u32 s0, $0xA;
	s2 =	sadd.s32 s3, s2  }
0x8d: {  	s2 =	sadd.s32 s2, s16  }
0x8e: {  	[smem:$0x3FAA] =	sst s2  }
0x8f: {  	_ = 	snop  }
0x90: {  	(tm) =	ssettm $0x1  }
0x91: {  	s17 =	sld [smem:$0x3FFB];
	_ =	sdelay $0x3  }
0x92: {  	_ =	strace s17  }
0x93: {  	s2 =	sld [smem:$0x3FFC];
	_ =	sdelay $0x3  }
0x94: {  	_ =	strace s2  }
0x95: {  	s2 =	sld [smem:$0x3FFD];
	_ =	sdelay $0x3  }
0x96: {  	_ =	strace s2  }
0x97: {  	_ =	strace $0x8FFFFFFF  }
0x98: {  	s18 =	sld [smem:$0x3FDB];
	_ =	sdelay $0x1  }
0x99: {  	s19 =	simm.s32 $_scs_section_size  }
0x9a: {  	s4 =	simm.s32 $_size__tile_overlayer_lowered;
	s5 =	simm.s32 $_tile_overlayer_lowered  }
0x9b: {  	s22 =	simm.s32 $0x1BFF;
	s21 =	sshll.u32 s5, $0x1;
	s2 =	sadd.s32 s19, s18  }
0x9c: {  	s6 =	simm.s32 $0x0;
	s20 =	sshll.u32 s4, $0x1;
	s4 =	sadd.s32 s21, s2  }
0x9d: {  	[timem:s6], [sflag:s22] =	dma.local [hbm:s4], s20  }
0x9e: {  	_ =	swait.ge [sflag:s22], s20  }
0x9f: {  	s3 =	ssub.s32 $0x0, s20;
	[sflag:s22] =	ssyncset.done $0x0  }
0xa0: {  	[sflag:s22] =	ssyncadd.s32 s3;
	_ =	sdelay $0x1  }
0xa1: {  	s23 =	simm.s32 $0x1B8B  }
0xa2: {  	_ =	swait.ge [sflag:s23], $0x1  }
0xa3: {  	[sflag:s23] =	ssyncset.done $0x0  }
0xa4: {  	s25 =	simm.s32 $0x1B8E;
	s24 =	sld [smem:$0x3FFE];
	[sflag:s23] =	ssyncadd.s32 $0xFFFFFFFF  }
0xa5: {  	s26 =	simm.s32 $execute0_lowered;
	[smem:$0x3FD2] =	sst s25  }
0xa6: {  	s4 =	sshll.u32 s26, $0x1;
	_ =	strace $0x80000046;
	[dreg:$0x1] =	wrdreg $0xFFFFFFFF  }
0xa7: {  	s28 =	simm.s32 $_size_execute0_lowered;
	s2 =	sadd.s32 s2, s4;
	[dreg:$0x0] =	wrdreg $0x0  }
0xa8: {  	s4 =	sshll.u32 s28, $0x1;
	[dreg:$0x2] =	wrdreg s2  }
0xa9: {  	[dreg:$0x3] =	wrdreg s4  }
0xaa: {  	[dreg:$0x4] =	wrdreg $0xC0  }
0xab: {  	_ =	task [dreg:s6], $0x5FFFF  }
0xac: {  	[dreg:$0x1] =	wrdreg $0xFFFFFFFF  }
0xad: {  	[dreg:$0x0] =	wrdreg $0x60  }
0xae: {  	[dreg:$0x2] =	wrdreg s24  }
0xaf: {  	[dreg:$0x3] =	wrdreg $0x29000  }
0xb0: {  	[dreg:$0x4] =	wrdreg $0xA  }
0xb1: {  	_ =	task.clear_ibuf [dreg:s6], $0x5FFFF;
	_ =	strace $0x90000046  }
0xb2: {  	s29 =	simm.s32 $0xA;
	_ =	strace $0x80000048  }
0xb3: {  	_ =	swait.ge [sflag:s29], $0x1  }
0xb4: {  	[sflag:s29] =	ssyncadd.s32 $0xFFFFFFFF  }
0xb5: {  	_ =	strace $0x90000048  }
0xb6: {  	_ =	sfence  }
0xb7: {  	s30 =	sld [smem:$0x0];
	_ =	sdelay $0x2  }
0xb8: {  	s31 =	sshll.u32 s1, $0xD;
	s1 =	sshrl.u32 s1, $0x2  }
0xb9: {  	s3 =	sand.u32 $0x4000, s31;
	s1 =	sadd.s32 s1, s30  }
0xba: {  	s0 =	sor.u32 s3, s0;
	s1 =	sshll.u32 s1, $0x11  }
0xbb: {  	s0 =	sor.u32 s1, s0  }
0xbc: {  	s0 =	sadd.s32 $0x8F2B, s0  }
0xbd: {  	[sflag:s0] =	ssyncadd.remote.s32 $0x1  }
0xbe: {  	_ =	sfence.sel $0xFFFF  }
0xbf: {  	[dreg:$0x0] =	wrdreg $0xFFFFFFFF;
	(pc) =	sbr.abs _section_cstart, $3  }
0xc0: {  	[dreg:$0x1] =	wrdreg $0xFFFFFFFF  }
0xc1: {  	_ =	task.clear_ibuf [dreg:s6], $0x2FFFF;
	_ =	strace $0x9FFFFFFF  }
0xc2: {  	(tm) =	ssettm $0x7FFFFFFF  }
0xc3: {  	_ =	shalt  }
tec
execute0_lowered:
.L_overlay_start_1:
0x0: {  	(tag) =	ssettag $0x1  }
0x1: {  	s0 =	srdreg.scid;
	s1 =	rddreg [dreg:$0x0]  }
0x2: {  	s8 =	stileid.u32;
	s2 =	rddreg [dreg:$0x1];
	s3 =	simm.s32 $0x0  }
0x3: {  	s28 =	simm.s32 $0x80;
	s29 =	simm.s32 $0x50;
	s5 =	smul.u32 $0x2710, s8  }
0x4: {  	s30 =	simm.s32 $0x1;
	s31 =	simm.s32 $0x0;
	s6 =	smul.u32 $0x280, s8  }
0x5: {  	s0 =	sand.u32 $0x1, s0;
	[smem:$0x7FF] =	sst s3;
	s8 =	smul.u32 $0x50000, s8  }
0x6: {  	s22 =	sadd.s32 $0x69E00, s1;
	s4 =	smul.u32 $0x27100, s0;
	_ =	strace $0x80000047  }
0x7: {  	s7 =	smul.u32 $0x2800, s0;
	[dreg:$0x3] =	wrdreg s22;
	s0 =	ssub.s32 $0x2, s0  }
0x8: {  	s23 =	sshrl.u32 s0, $0x1;
	s8 =	sshrl.u32 s8, $0x2;
	s4 =	sadd.s32 s5, s4  }
0x9: {  	s6 =	sadd.s32 s6, s7;
	s0 =	ssub.s32 s0, s23;
	s4 =	sshrl.u32 s4, $0x3  }
0xa: {  	s6 =	sshll.u32 s6, $0x4;
	s22 =	smax.u32 s0, $0x1;
	s24 =	sadd.s32 s4, s1  }
0xb: {  	s4 =	sadd.s32 $0x19E00, s1;
	s1 =	sadd.s32 s6, s1;
	s6 =	sadd.s32 s8, s2  }
0xc: {  	s7 =	sadd.s32 $0x2800, s6;
	s8 =	sadd.s32 $0x5000, s6;
	s9 =	sadd.s32 $0x7800, s6  }
0xd: {  	s10 =	sadd.s32 $0xA000, s6;
	s11 =	sadd.s32 $0xC800, s6;
	s12 =	sadd.s32 $0xF000, s6  }
0xe: {  	s13 =	sadd.s32 $0x11800, s6;
	s25 =	sadd.s32 $0x6A400, s1;
	s26 =	sadd.s32 $0x6A900, s1  }
0xf: {  	s16 =	sadd.s32 $0x6AE00, s1;
	s17 =	sadd.s32 $0x6B300, s1;
	s18 =	sadd.s32 $0x6B800, s1  }
0x10: {  	s19 =	sadd.s32 $0x6BD00, s1;
	s20 =	sadd.s32 $0x6C200, s1;
	s21 =	sadd.s32 $0x6C700, s1  }
0x11: {  	s23 =	sadd.s32 $0x10000, s24;
	s24 =	sadd.s32 $0x6200, s24;
	[dreg:$0x4] =	wrdreg s25  }
0x12: {  	[dreg:$0x5] =	wrdreg s26;
	s25 =	simm.s32 $0x100;
	s26 =	simm.s32 $0x2  }
.LBB2_1:
0x13: {  	s0 =	rddreg [dreg:$0x3]  }
0x14: {  	[tilespmem:s25], [sflag:$0x2] =	stream.linear.gather [hbm4b:s0+s3], $0x2800, $0x38;
	[tilespmem:$0x16900] =	vst v63  }
0x15: {  	_ =	swait.ge [sflag:s26], $0x2800  }
0x16: {  	[sflag:s26] =	ssyncset.done $0x0  }
0x17: {  	[sflag:s26] =	ssyncadd.s32 $0xFFFFD800  }
0x18: {  	[spmem:s6] =	stream.linear.scatter [tilespmem:s25], [sflag:$0x2], $0x2800, $0x38;
	[tilespmem:$0x16900] =	vst v63  }
0x19: {  	_ =	swait.ge [sflag:s26], $0x2800  }
0x1a: {  	[sflag:s26] =	ssyncset.done $0x0  }
0x1b: {  	[sflag:s26] =	ssyncadd.s32 $0xFFFFD800  }
0x1c: {  	[spmem:s7] =	stream.linear.scatter [tilespmem:s25], [sflag:$0x2], $0x2800, $0x38;
	[tilespmem:$0x16900] =	vst v63  }
0x1d: {  	_ =	swait.ge [sflag:s26], $0x2800  }
0x1e: {  	[sflag:s26] =	ssyncset.done $0x0  }
0x1f: {  	[sflag:s26] =	ssyncadd.s32 $0xFFFFD800  }
0x20: {  	[spmem:s8] =	stream.linear.scatter [tilespmem:s25], [sflag:$0x2], $0x2800, $0x38;
	[tilespmem:$0x16900] =	vst v63  }
0x21: {  	_ =	swait.ge [sflag:s26], $0x2800  }
0x22: {  	[sflag:s26] =	ssyncset.done $0x0  }
0x23: {  	[sflag:s26] =	ssyncadd.s32 $0xFFFFD800  }
0x24: {  	[spmem:s9] =	stream.linear.scatter [tilespmem:s25], [sflag:$0x2], $0x2800, $0x38;
	[tilespmem:$0x16900] =	vst v63  }
0x25: {  	_ =	swait.ge [sflag:s26], $0x2800  }
0x26: {  	[sflag:s26] =	ssyncset.done $0x0  }
0x27: {  	[sflag:s26] =	ssyncadd.s32 $0xFFFFD800  }
0x28: {  	[spmem:s10] =	stream.linear.scatter [tilespmem:s25], [sflag:$0x2], $0x2800, $0x38;
	[tilespmem:$0x16900] =	vst v63  }
0x29: {  	_ =	swait.ge [sflag:s26], $0x2800  }
0x2a: {  	[sflag:s26] =	ssyncset.done $0x0  }
0x2b: {  	[sflag:s26] =	ssyncadd.s32 $0xFFFFD800  }
0x2c: {  	[spmem:s11] =	stream.linear.scatter [tilespmem:s25], [sflag:$0x2], $0x2800, $0x38;
	[tilespmem:$0x16900] =	vst v63  }
0x2d: {  	_ =	swait.ge [sflag:s26], $0x2800  }
0x2e: {  	[sflag:s26] =	ssyncset.done $0x0  }
0x2f: {  	[sflag:s26] =	ssyncadd.s32 $0xFFFFD800  }
0x30: {  	[spmem:s12] =	stream.linear.scatter [tilespmem:s25], [sflag:$0x2], $0x2800, $0x38;
	[tilespmem:$0x16900] =	vst v63  }
0x31: {  	_ =	swait.ge [sflag:s26], $0x2800  }
0x32: {  	[sflag:s26] =	ssyncset.done $0x0  }
0x33: {  	[sflag:s26] =	ssyncadd.s32 $0xFFFFD800  }
0x34: {  	[spmem:s13] =	stream.linear.scatter [tilespmem:s25], [sflag:$0x2], $0x2800, $0x38;
	[tilespmem:$0x16900] =	vst v63  }
0x35: {  	_ =	swait.ge [sflag:s26], $0x2800  }
0x36: {  	[sflag:s26] =	ssyncset.done $0x0  }
0x37: {  	[sflag:s26] =	ssyncadd.s32 $0xFFFFD800  }
0x38: {  	s14 =	sadd.s32 $0x0, s24;
	[bflag:$0x0] =	sbarrier.arrive $0xFFFF  }
0x39: {  	[tilespmem:s28], [sflag:$0x2] =	stream.linear.gather [hbm4b:s14+s3], $0x50, $0x38;
	[tilespmem:$0x16900] =	vst v63  }
0x3a: {  	_ =	swait.ge [sflag:s26], $0x50  }
0x3b: {  	[sflag:s26] =	ssyncset.done $0x0  }
0x3c: {  	s15 =	sadd.s32 $0x0, s23;
	[sflag:s26] =	ssyncadd.s32 $0xFFFFFFB0  }
0x3d: {  	[tilespmem:s3], [sflag:$0x2] =	stream.linear.gather [hbm4b:s15+s3], $0x50, $0x38;
	[tilespmem:$0x16900] =	vst v63  }
0x3e: {  	_ =	swait.ge [sflag:s26], $0x50  }
0x3f: {  	[sflag:s26] =	ssyncset.done $0x0  }
0x40: {  	[sflag:s26] =	ssyncadd.s32 $0xFFFFFFB0  }
0x41: {  	[tilespmem:s25], [sflag:$0x1] =	stream.indirect.gather [hbm4b:s4+s29], $0x80, s3, s29, $0xb8;
	[tilespmem:$0x16900] =	vst v63  }
0x42: {  	_ =	swait.ge [sflag:s30], $0x2800  }
0x43: {  	[sflag:s30] =	ssyncset.done $0x0  }
0x44: {  	[sflag:s30] =	ssyncadd.s32 $0xFFFFD800  }
0x45: {  	[spmem:s2] =	stream.indirect.scatter.add.f32 [tilespmem:s25], [sflag:$0x2], $0x80, s28, s29, $0xb8;
	[tilespmem:$0x16900] =	vst v63  }
0x46: {  	_ =	swait.ge [sflag:s26], $0x2800  }
0x47: {  	s1 =	simm.s32 $0xA;
	s0 =	simm.s32 $0x14;
	[sflag:s26] =	ssyncset.done $0x0  }
.LBB2_2:
0x48: {  	s5 =	sadd.s32 s1, s24  }
0x49: {  	[sflag:s26] =	ssyncadd.s32 $0xFFFFD800;
	s14 =	smov.u32 s0;
	s15 =	sadd.s32 $0xA, s0  }
0x4a: {  	[tilespmem:s28], [sflag:$0x2] =	stream.linear.gather [hbm4b:s5+s3], $0x50, $0x38;
	[tilespmem:$0x16900] =	vst v63  }
0x4b: {  	p0 =	sne.s32 s0, $0x4D8;
	_ =	swait.ge [sflag:s26], $0x50  }
0x4c: {  	[sflag:s26] =	ssyncset.done $0x0  }
0x4d: {  	s0 =	sadd.s32 s1, s23;
	s1 =	smov.u32 s14;
	[sflag:s26] =	ssyncadd.s32 $0xFFFFFFB0  }
0x4e: {  	[tilespmem:s3], [sflag:$0x2] =	stream.linear.gather [hbm4b:s0+s3], $0x50, $0x38;
	[tilespmem:$0x16900] =	vst v63  }
0x4f: {  	_ =	swait.ge [sflag:s26], $0x50  }
0x50: {  	[sflag:s26] =	ssyncset.done $0x0  }
0x51: {  	[sflag:s26] =	ssyncadd.s32 $0xFFFFFFB0  }
0x52: {  	[tilespmem:s25], [sflag:$0x1] =	stream.indirect.gather [hbm4b:s4+s29], $0x80, s3, s29, $0xb8;
	[tilespmem:$0x16900] =	vst v63  }
0x53: {  	_ =	swait.ge [sflag:s30], $0x2800  }
.Ltmp0:
0x54: {  	[sflag:s30] =	ssyncset.done $0x0;
	(pc) =	sbr.rel @p0 .LBB2_2-.Ltmp0, $4  }
0x55: {  	[sflag:s30] =	ssyncadd.s32 $0xFFFFD800  }
0x56: {  	[spmem:s2] =	stream.indirect.scatter.add.f32 [tilespmem:s25], [sflag:$0x2], $0x80, s28, s29, $0xb8;
	[tilespmem:$0x16900] =	vst v63  }
0x57: {  	_ =	swait.ge [sflag:s26], $0x2800  }
0x58: {  	s0 =	smov.u32 s15;
	[sflag:s26] =	ssyncset.done $0x0  }
0x59: {  	s0 =	sadd.s32 s1, s24;
	[sflag:s26] =	ssyncadd.s32 $0xFFFFD800  }
0x5a: {  	[tilespmem:s28], [sflag:$0x2] =	stream.linear.gather [hbm4b:s0+s3], $0x50, $0x38;
	[tilespmem:$0x16900] =	vst v63  }
0x5b: {  	_ =	swait.ge [sflag:s26], $0x50  }
0x5c: {  	[sflag:s26] =	ssyncset.done $0x0  }
0x5d: {  	s5 =	sadd.s32 s1, s23;
	[sflag:s26] =	ssyncadd.s32 $0xFFFFFFB0  }
0x5e: {  	[tilespmem:s3], [sflag:$0x2] =	stream.linear.gather [hbm4b:s5+s3], $0x50, $0x38;
	[tilespmem:$0x16900] =	vst v63  }
0x5f: {  	_ =	swait.ge [sflag:s26], $0x50  }
0x60: {  	[sflag:s26] =	ssyncset.done $0x0  }
0x61: {  	[sflag:s26] =	ssyncadd.s32 $0xFFFFFFB0  }
0x62: {  	[tilespmem:s25], [sflag:$0x1] =	stream.indirect.gather [hbm4b:s4+s29], $0x80, s3, s29, $0xb8;
	[tilespmem:$0x16900] =	vst v63  }
0x63: {  	_ =	swait.ge [sflag:s30], $0x2800  }
0x64: {  	[sflag:s30] =	ssyncset.done $0x0  }
0x65: {  	[sflag:s30] =	ssyncadd.s32 $0xFFFFD800  }
0x66: {  	[spmem:s2] =	stream.indirect.scatter.add.f32 [tilespmem:s25], [sflag:$0x2], $0x80, s28, s29, $0xb8;
	[tilespmem:$0x16900] =	vst v63  }
0x67: {  	_ =	swait.ge [sflag:s26], $0x2800  }
0x68: {  	[sflag:s26] =	ssyncset.done $0x0  }
0x69: {  	[sflag:s26] =	ssyncadd.s32 $0xFFFFD800  }
0x6a: {  	[bflag:$0x0] =	sbarrier.arrive $0xFFFF  }
0x6b: {  	[tilespmem:s25], [sflag:$0x2] =	stream.linear.gather [spmem:s6], $0x2800, $0x38;
	[tilespmem:$0x16900] =	vst v63  }
0x6c: {  	_ =	swait.ge [sflag:s26], $0x2800  }
0x6d: {  	[sflag:s26] =	ssyncset.done $0x0  }
0x6e: {  	s14 =	rddreg [dreg:$0x4];
	[sflag:s26] =	ssyncadd.s32 $0xFFFFD800  }
0x6f: {  	[hbm4b:s14+s3] =	stream.linear.scatter [tilespmem:s25], [sflag:$0x2], $0x2800, $0x38;
	[tilespmem:$0x16900] =	vst v63  }
0x70: {  	_ =	swait.ge [sflag:s26], $0x2800  }
0x71: {  	[sflag:s26] =	ssyncset.done $0x0  }
0x72: {  	[sflag:s26] =	ssyncadd.s32 $0xFFFFD800  }
0x73: {  	[tilespmem:s25], [sflag:$0x2] =	stream.linear.gather [spmem:s7], $0x2800, $0x38;
	[tilespmem:$0x16900] =	vst v63  }
0x74: {  	_ =	swait.ge [sflag:s26], $0x2800  }
0x75: {  	[sflag:s26] =	ssyncset.done $0x0  }
0x76: {  	s15 =	rddreg [dreg:$0x5];
	[sflag:s26] =	ssyncadd.s32 $0xFFFFD800  }
0x77: {  	[hbm4b:s15+s3] =	stream.linear.scatter [tilespmem:s25], [sflag:$0x2], $0x2800, $0x38;
	[tilespmem:$0x16900] =	vst v63  }
0x78: {  	_ =	swait.ge [sflag:s26], $0x2800  }
0x79: {  	[sflag:s26] =	ssyncset.done $0x0  }
0x7a: {  	[sflag:s26] =	ssyncadd.s32 $0xFFFFD800  }
0x7b: {  	[tilespmem:s25], [sflag:$0x2] =	stream.linear.gather [spmem:s8], $0x2800, $0x38;
	[tilespmem:$0x16900] =	vst v63  }
0x7c: {  	_ =	swait.ge [sflag:s26], $0x2800  }
0x7d: {  	[sflag:s26] =	ssyncset.done $0x0  }
0x7e: {  	[sflag:s26] =	ssyncadd.s32 $0xFFFFD800  }
0x7f: {  	[hbm4b:s16+s3] =	stream.linear.scatter [tilespmem:s25], [sflag:$0x2], $0x2800, $0x38;
	[tilespmem:$0x16900] =	vst v63  }
0x80: {  	_ =	swait.ge [sflag:s26], $0x2800  }
0x81: {  	[sflag:s26] =	ssyncset.done $0x0  }
0x82: {  	[sflag:s26] =	ssyncadd.s32 $0xFFFFD800  }
0x83: {  	[tilespmem:s25], [sflag:$0x2] =	stream.linear.gather [spmem:s9], $0x2800, $0x38;
	[tilespmem:$0x16900] =	vst v63  }
0x84: {  	_ =	swait.ge [sflag:s26], $0x2800  }
0x85: {  	[sflag:s26] =	ssyncset.done $0x0  }
0x86: {  	[sflag:s26] =	ssyncadd.s32 $0xFFFFD800  }
0x87: {  	[hbm4b:s17+s3] =	stream.linear.scatter [tilespmem:s25], [sflag:$0x2], $0x2800, $0x38;
	[tilespmem:$0x16900] =	vst v63  }
0x88: {  	_ =	swait.ge [sflag:s26], $0x2800  }
0x89: {  	[sflag:s26] =	ssyncset.done $0x0  }
0x8a: {  	[sflag:s26] =	ssyncadd.s32 $0xFFFFD800  }
0x8b: {  	[tilespmem:s25], [sflag:$0x2] =	stream.linear.gather [spmem:s10], $0x2800, $0x38;
	[tilespmem:$0x16900] =	vst v63  }
0x8c: {  	_ =	swait.ge [sflag:s26], $0x2800  }
0x8d: {  	[sflag:s26] =	ssyncset.done $0x0  }
0x8e: {  	[sflag:s26] =	ssyncadd.s32 $0xFFFFD800  }
0x8f: {  	[hbm4b:s18+s3] =	stream.linear.scatter [tilespmem:s25], [sflag:$0x2], $0x2800, $0x38;
	[tilespmem:$0x16900] =	vst v63  }
0x90: {  	_ =	swait.ge [sflag:s26], $0x2800  }
0x91: {  	[sflag:s26] =	ssyncset.done $0x0  }
0x92: {  	[sflag:s26] =	ssyncadd.s32 $0xFFFFD800  }
0x93: {  	[tilespmem:s25], [sflag:$0x2] =	stream.linear.gather [spmem:s11], $0x2800, $0x38;
	[tilespmem:$0x16900] =	vst v63  }
0x94: {  	_ =	swait.ge [sflag:s26], $0x2800  }
0x95: {  	[sflag:s26] =	ssyncset.done $0x0  }
0x96: {  	[sflag:s26] =	ssyncadd.s32 $0xFFFFD800  }
0x97: {  	[hbm4b:s19+s3] =	stream.linear.scatter [tilespmem:s25], [sflag:$0x2], $0x2800, $0x38;
	[tilespmem:$0x16900] =	vst v63  }
0x98: {  	_ =	swait.ge [sflag:s26], $0x2800  }
0x99: {  	[sflag:s26] =	ssyncset.done $0x0  }
0x9a: {  	[sflag:s26] =	ssyncadd.s32 $0xFFFFD800  }
0x9b: {  	[tilespmem:s25], [sflag:$0x2] =	stream.linear.gather [spmem:s12], $0x2800, $0x38;
	[tilespmem:$0x16900] =	vst v63  }
0x9c: {  	_ =	swait.ge [sflag:s26], $0x2800  }
0x9d: {  	[sflag:s26] =	ssyncset.done $0x0  }
0x9e: {  	[sflag:s26] =	ssyncadd.s32 $0xFFFFD800  }
0x9f: {  	[hbm4b:s20+s3] =	stream.linear.scatter [tilespmem:s25], [sflag:$0x2], $0x2800, $0x38;
	[tilespmem:$0x16900] =	vst v63  }
0xa0: {  	_ =	swait.ge [sflag:s26], $0x2800  }
0xa1: {  	[sflag:s26] =	ssyncset.done $0x0  }
0xa2: {  	[sflag:s26] =	ssyncadd.s32 $0xFFFFD800  }
0xa3: {  	[tilespmem:s25], [sflag:$0x2] =	stream.linear.gather [spmem:s13], $0x2800, $0x38;
	[tilespmem:$0x16900] =	vst v63  }
0xa4: {  	s31 =	sadd.s32 $0x1, s31;
	_ =	swait.ge [sflag:s26], $0x2800  }
0xa5: {  	p0 =	sne.s32 s31, s22;
	[sflag:s26] =	ssyncset.done $0x0  }
.Ltmp1:
0xa6: {  	[sflag:s26] =	ssyncadd.s32 $0xFFFFD800;
	(pc) =	sbr.rel @p0 .LBB2_1-.Ltmp1, $4  }
0xa7: {  	[hbm4b:s21+s3] =	stream.linear.scatter [tilespmem:s25], [sflag:$0x2], $0x2800, $0x38;
	[tilespmem:$0x16900] =	vst v63  }
0xa8: {  	_ =	swait.ge [sflag:s26], $0x2800  }
0xa9: {  	[sflag:s26] =	ssyncset.done $0x0  }
0xaa: {  	[sflag:s26] =	ssyncadd.s32 $0xFFFFD800  }
0xab: {  	_ =	sfence.sel $0x180000  }
0xac: {  	[bflag:$0x0] =	sbarrier.arrive $0xFFFF  }
0xad: {  	_ =	strace $0x90000047  }
0xae: {  	s0 =	stileid.u32;
	[bflag:$0x2] =	sbarrier.arrive $0xFFFF  }
0xaf: {  	p0 =	sne.s32 s0, $0x0;
	s0 =	rddreg [dreg:$0x2]  }
0xb0: {  	s0 =	sadd.s32 @!p0 $0x100000, s0  }
0xb1: {  	[sflag:s0] =	ssyncadd.tile.s32 @!p0 $0x1;
	_ =	shalt  }
.Lfunc_end2:
_tile_overlayer_lowered:
.L_overlay_start_2:
0xb2: {  	(tag) =	ssettag $0x2  }
0xb3: {  	s0 =	rddreg [dreg:$0x0];
	s2 =	stileid.u32  }
0xb4: {  	s1 =	rddreg [dreg:$0x1];
	p0 =	sne.s32 s2, $0x0  }
0xb5: {  	s3 =	rddreg [dreg:$0x2];
	[bflag:$0x3] =	sbarrier.arrive $0xFFFF;
	s2 =	simm.s32 @!p0 $0x1C02  }
0xb6: {  	[timem:s3], [sflag:s2] =	dma.local @!p0 [hbm:s0], s1  }
0xb7: {  	s0 =	simm.s32 @!p0 $0x2  }
0xb8: {  	_ =	swait.ge @!p0 [sflag:s0], s1  }
0xb9: {  	s1 =	ssub.s32 @!p0 $0x0, s1;
	[sflag:s0] =	ssyncset.done @!p0 $0x0  }
0xba: {  	[sflag:s0] =	ssyncadd.s32 @!p0 s1  }
0xbb: {  	[bflag:$0x3] =	sbarrier.arrive $0xFFFF  }
0xbc: {  	_ =	shalt  }

// kernel: kernel.18.cloned.1.call-start
scs
__scs_entry_jumppad:
0x0: {  	(pc) =	sbr.rel $0x88, $3  }
0x1: {  	(tag) =	ssettag $0x0;
	lr =	simm.s32 $0x1  }
0x2: {  	[smem:$0x3F83] =	sst lr;
	_ =	strace $0xD0000000  }
0x3: {  	_ = 	snop  }
0x4: {  	_ = 	snop  }
0x5: {  	_ = 	snop  }
0x6: {  	_ = 	snop  }
0x7: {  	_ = 	snop  }
__scs_overlays_trampoline_lowered:
0x8: {  	[smem:$0x3F92] =	sst s0  }
0x9: {  	[smem:$0x3F93] =	sst s1  }
0xa: {  	[smem:$0x3F94] =	sst s2  }
0xb: {  	[smem:$0x3F95] =	sst s3  }
0xc: {  	[smem:$0x3F96] =	sst s4  }
0xd: {  	[smem:$0x3F97] =	sst s5  }
0xe: {  	[smem:$0x3F98] =	sst s6  }
0xf: {  	[smem:$0x3F99] =	sst s7  }
0x10: {  	[smem:$0x3F9A] =	sst s8  }
0x11: {  	[smem:$0x3F9B] =	sst s9;
	s0 =	simm.s32 @!p0 $0x0  }
0x12: {  	s1 =	sld [smem:$0x3F81];
	s0 =	simm.s32 @p0 $0x1  }
0x13: {  	[smem:$0x3F9C] =	sst s0;
	s0 =	simm.s32 @!p1 $0x0  }
0x14: {  	s2 =	sld [smem:$0x3F80];
	s0 =	simm.s32 @p1 $0x1  }
0x15: {  	[smem:$0x3F9D] =	sst s0;
	s0 =	simm.s32 @!p2 $0x0  }
0x16: {  	s3 =	sld [smem:$0x3FDB];
	s0 =	simm.s32 @p2 $0x1  }
0x17: {  	s4 =	simm.s32 $0x1BF5;
	[smem:$0x3F9F] =	sst s0  }
0x18: {  	s0 =	sld [smem:$0x3F82];
	_ =	swait.ge [sflag:s4], $0x0  }
0x19: {  	s7 =	sld [smem:$0x3F83]  }
0x1a: {  	s8 =	sadd.s32 $0xFFFFE003, lr  }
0x1b: {  	s9 =	sadd.s32 $0xFFFFFEF7, lr;
	s5 =	simm.s32 $0xFFFFFFFF;
	p2 =	slt.u32 s8, $0xFFFFF086  }
0x1c: {  	p1 =	slt.u32 s9, $0xF7A;
	s5 =	simm.s32 @!p2 $0x0  }
0x1d: {  	s5 =	simm.s32 @p1 $0x1;
	p0 =	seq.s32 s7, s2  }
0x1e: {  	s7 =	smul.u32 @!p0 $0xF7A, s2;
	p2 =	seq.s32 @!p0 s5, $0x0  }
0x1f: {  	s9 =	smul.u32 $0xF7A, s1;
	s8 =	simm.s32 @!p0 $0x1BF5;
	p2 =	por !p2, p0  }
0x20: {  	[sflag:s8] =	ssyncset.s32 @!p0 $0xFFFFF086;
	s6 =	sadd.s32 @!p0 s3, s7;
	s7 =	simm.s32 @!p0 $0x108  }
0x21: {  	s3 =	sadd.s32 s3, s9;
	s6 =	sadd.s32 @!p0 $0x88, s6;
	s7 =	simm.s32 @p2 $0x1082  }
0x22: {  	[simem:s7], [sflag:s8] =	dma.local @!p0 [hbm:s6], $0xF7A  }
0x23: {  	s9 =	sor.u32 $0xD0000000, s2;
	s6 =	simm.s32 $0x108;
	_ =	swait.ge @!p0 [sflag:s8], $0x0  }
0x24: {  	s3 =	sadd.s32 $0x88, s3;
	s6 =	simm.s32 @!p1 $0x1082;
	[sflag:s4] =	ssyncset.s32 $0xFFFFF086  }
0x25: {  	[simem:s6], [sflag:s4] =	dma.local [hbm:s3], $0xF7A  }
0x26: {  	[smem:$0x3F83] =	sst s1;
	(tag) =	ssettag s2;
	_ =	strace s9  }
0x27: {  	s1 =	sld [smem:$0x3F93]  }
0x28: {  	s2 =	sld [smem:$0x3F94]  }
0x29: {  	s4 =	sld [smem:$0x3F96]  }
0x2a: {  	p0 =	seq.s32 s5, $0x0;
	s5 =	sld [smem:$0x3F97]  }
0x2b: {  	s6 =	sld [smem:$0x3F98]  }
0x2c: {  	s7 =	sld [smem:$0x3F99]  }
0x2d: {  	s3 =	simm.s32 $0x108;
	s8 =	sld [smem:$0x3F9A]  }
0x2e: {  	s3 =	simm.s32 @!p0 $0x1082;
	s9 =	sld [smem:$0x3F9B]  }
0x2f: {  	lr =	sadd.s32 s0, s3;
	s0 =	sld [smem:$0x3F92]  }
0x30: {  	s3 =	sld [smem:$0x3F95]  }
0x31: {  	[smem:$0x3F9E] =	sst s10  }
0x32: {  	s10 =	sld [smem:$0x3F9C];
	_ =	sdelay $0x3  }
0x33: {  	p0 =	seq.s32 s10, $0x1;
	s10 =	sld [smem:$0x3F9E];
	_ =	sdelay $0x3  }
0x34: {  	[smem:$0x3F9E] =	sst s10  }
0x35: {  	s10 =	sld [smem:$0x3F9D];
	_ =	sdelay $0x3  }
0x36: {  	p1 =	seq.s32 s10, $0x1;
	s10 =	sld [smem:$0x3F9E];
	_ =	sdelay $0x3  }
0x37: {  	[smem:$0x3F9E] =	sst s10  }
0x38: {  	s10 =	sld [smem:$0x3F9F]  }
0x39: {  	_ = 	snop;
	(pc) =	sbr.ind lr, $3  }
0x3a: {  	_ = 	snop  }
0x3b: {  	_ = 	snop  }
0x3c: {  	p2 =	seq.s32 s10, $0x1;
	s10 =	sld [smem:$0x3F9E]  }
0x3d: {  	_ =	shalt  }
0x3e: {  	_ =	shalt  }
0x3f: {  	_ =	shalt  }
0x40: {  	_ =	shalt  }
0x41: {  	_ =	shalt  }
0x42: {  	_ =	shalt  }
0x43: {  	_ =	shalt  }
0x44: {  	_ =	shalt  }
0x45: {  	_ =	shalt  }
0x46: {  	_ =	shalt  }
0x47: {  	_ =	shalt  }
0x48: {  	_ =	shalt  }
0x49: {  	_ =	shalt  }
0x4a: {  	_ =	shalt  }
0x4b: {  	_ =	shalt  }
0x4c: {  	_ =	shalt  }
0x4d: {  	_ =	shalt  }
0x4e: {  	_ =	shalt  }
0x4f: {  	_ =	shalt  }
0x50: {  	_ =	shalt  }
0x51: {  	_ =	shalt  }
0x52: {  	_ =	shalt  }
0x53: {  	_ =	shalt  }
0x54: {  	_ =	shalt  }
0x55: {  	_ =	shalt  }
0x56: {  	_ =	shalt  }
0x57: {  	_ =	shalt  }
0x58: {  	_ =	shalt  }
0x59: {  	_ =	shalt  }
0x5a: {  	_ =	shalt  }
0x5b: {  	_ =	shalt  }
0x5c: {  	_ =	shalt  }
0x5d: {  	_ =	shalt  }
0x5e: {  	_ =	shalt  }
0x5f: {  	_ =	shalt  }
0x60: {  	_ =	shalt  }
0x61: {  	_ =	shalt  }
0x62: {  	_ =	shalt  }
0x63: {  	_ =	shalt  }
0x64: {  	_ =	shalt  }
0x65: {  	_ =	shalt  }
0x66: {  	_ =	shalt  }
0x67: {  	_ =	shalt  }
0x68: {  	_ =	shalt  }
0x69: {  	_ =	shalt  }
0x6a: {  	_ =	shalt  }
0x6b: {  	_ =	shalt  }
0x6c: {  	_ =	shalt  }
0x6d: {  	_ =	shalt  }
0x6e: {  	_ =	shalt  }
0x6f: {  	_ =	shalt  }
0x70: {  	_ =	shalt  }
0x71: {  	_ =	shalt  }
0x72: {  	_ =	shalt  }
0x73: {  	_ =	shalt  }
0x74: {  	_ =	shalt  }
0x75: {  	_ =	shalt  }
0x76: {  	_ =	shalt  }
0x77: {  	_ =	shalt  }
0x78: {  	_ =	shalt  }
0x79: {  	_ =	shalt  }
0x7a: {  	_ =	shalt  }
0x7b: {  	_ =	shalt  }
0x7c: {  	_ =	shalt  }
0x7d: {  	_ =	shalt  }
0x7e: {  	_ =	shalt  }
0x7f: {  	_ =	shalt  }
0x80: {  	_ =	shalt  }
0x81: {  	_ =	shalt  }
0x82: {  	_ =	shalt  }
0x83: {  	_ =	shalt  }
0x84: {  	_ =	shalt  }
0x85: {  	_ =	shalt  }
0x86: {  	_ =	shalt  }
0x87: {  	_ =	shalt  }
.Lfunc_end0:
.L_simem_size_0:
called_computation.2_lowered:
.L_overlay_start_0:
0x88: {  	s2 =	sld [smem:$0x3FD9]  }
0x89: {  	s3 =	sld [smem:$0x3FFE];
	_ =	sdelay $0x1  }
0x8a: {  	s1 =	srdreg.scid  }
0x8b: {  	s0 =	sand.u32 $0x1, s1  }
0x8c: {  	s16 =	sshll.u32 s0, $0xA;
	s2 =	sadd.s32 s3, s2  }
0x8d: {  	s2 =	sadd.s32 s2, s16  }
0x8e: {  	[smem:$0x3FAA] =	sst s2  }
0x8f: {  	_ = 	snop  }
0x90: {  	(tm) =	ssettm $0x1  }
0x91: {  	s17 =	sld [smem:$0x3FFB];
	_ =	sdelay $0x3  }
0x92: {  	_ =	strace s17  }
0x93: {  	s2 =	sld [smem:$0x3FFC];
	_ =	sdelay $0x3  }
0x94: {  	_ =	strace s2  }
0x95: {  	s2 =	sld [smem:$0x3FFD];
	_ =	sdelay $0x3  }
0x96: {  	_ =	strace s2  }
0x97: {  	_ =	strace $0x8FFFFFFF  }
0x98: {  	s18 =	sld [smem:$0x3FDB];
	_ =	sdelay $0x1  }
0x99: {  	s19 =	simm.s32 $_scs_section_size  }
0x9a: {  	s4 =	simm.s32 $_size__tile_overlayer_lowered;
	s5 =	simm.s32 $_tile_overlayer_lowered  }
0x9b: {  	s22 =	simm.s32 $0x1BFF;
	s21 =	sshll.u32 s5, $0x1;
	s2 =	sadd.s32 s19, s18  }
0x9c: {  	s6 =	simm.s32 $0x0;
	s20 =	sshll.u32 s4, $0x1;
	s4 =	sadd.s32 s21, s2  }
0x9d: {  	[timem:s6], [sflag:s22] =	dma.local [hbm:s4], s20  }
0x9e: {  	_ =	swait.ge [sflag:s22], s20  }
0x9f: {  	s3 =	ssub.s32 $0x0, s20;
	[sflag:s22] =	ssyncset.done $0x0  }
0xa0: {  	[sflag:s22] =	ssyncadd.s32 s3;
	_ =	sdelay $0x1  }
0xa1: {  	s23 =	simm.s32 $0x1B8B  }
0xa2: {  	_ =	swait.ge [sflag:s23], $0x1  }
0xa3: {  	[sflag:s23] =	ssyncset.done $0x0  }
0xa4: {  	s25 =	simm.s32 $0x1B8E;
	s24 =	sld [smem:$0x3FFE];
	[sflag:s23] =	ssyncadd.s32 $0xFFFFFFFF  }
0xa5: {  	s26 =	simm.s32 $execute0_lowered;
	[smem:$0x3FD2] =	sst s25  }
0xa6: {  	s4 =	sshll.u32 s26, $0x1;
	_ =	strace $0x8000004C;
	[dreg:$0x1] =	wrdreg $0xFFFFFFFF  }
0xa7: {  	s28 =	simm.s32 $_size_execute0_lowered;
	s2 =	sadd.s32 s2, s4;
	[dreg:$0x0] =	wrdreg $0x0  }
0xa8: {  	s4 =	sshll.u32 s28, $0x1;
	[dreg:$0x2] =	wrdreg s2  }
0xa9: {  	[dreg:$0x3] =	wrdreg s4  }
0xaa: {  	[dreg:$0x4] =	wrdreg $0xC0  }
0xab: {  	_ =	task [dreg:s6], $0x5FFFF  }
0xac: {  	[dreg:$0x1] =	wrdreg $0xFFFFFFFF  }
0xad: {  	[dreg:$0x0] =	wrdreg $0x60  }
0xae: {  	[dreg:$0x2] =	wrdreg s24  }
0xaf: {  	[dreg:$0x3] =	wrdreg $0x29000  }
0xb0: {  	[dreg:$0x4] =	wrdreg $0x9  }
0xb1: {  	_ =	task.clear_ibuf [dreg:s6], $0x5FFFF;
	_ =	strace $0x9000004C  }
0xb2: {  	s29 =	simm.s32 $0x9;
	_ =	strace $0x8000004E  }
0xb3: {  	_ =	swait.ge [sflag:s29], $0x1  }
0xb4: {  	[sflag:s29] =	ssyncadd.s32 $0xFFFFFFFF  }
0xb5: {  	_ =	strace $0x9000004E  }
0xb6: {  	_ =	sfence  }
0xb7: {  	s30 =	sld [smem:$0x0];
	_ =	sdelay $0x2  }
0xb8: {  	s31 =	sshll.u32 s1, $0xD;
	s1 =	sshrl.u32 s1, $0x2  }
0xb9: {  	s3 =	sand.u32 $0x4000, s31;
	s1 =	sadd.s32 s1, s30  }
0xba: {  	s0 =	sor.u32 s3, s0;
	s1 =	sshll.u32 s1, $0x11  }
0xbb: {  	s0 =	sor.u32 s1, s0  }
0xbc: {  	s0 =	sadd.s32 $0x8F2B, s0  }
0xbd: {  	[sflag:s0] =	ssyncadd.remote.s32 $0x1  }
0xbe: {  	_ =	sfence.sel $0xFFFF  }
0xbf: {  	[dreg:$0x0] =	wrdreg $0xFFFFFFFF;
	(pc) =	sbr.abs _section_cstart, $3  }
0xc0: {  	[dreg:$0x1] =	wrdreg $0xFFFFFFFF  }
0xc1: {  	_ =	task.clear_ibuf [dreg:s6], $0x2FFFF;
	_ =	strace $0x9FFFFFFF  }
0xc2: {  	(tm) =	ssettm $0x7FFFFFFF  }
0xc3: {  	_ =	shalt  }
tec
execute0_lowered:
.L_overlay_start_1:
0x0: {  	(tag) =	ssettag $0x1  }
0x1: {  	s0 =	srdreg.scid;
	s1 =	rddreg [dreg:$0x0]  }
0x2: {  	s8 =	stileid.u32;
	s2 =	rddreg [dreg:$0x1];
	s3 =	simm.s32 $0x0  }
0x3: {  	s28 =	simm.s32 $0x80;
	s29 =	simm.s32 $0x50;
	s5 =	smul.u32 $0x2710, s8  }
0x4: {  	s30 =	simm.s32 $0x1;
	s31 =	simm.s32 $0x0;
	s6 =	smul.u32 $0x280, s8  }
0x5: {  	s0 =	sand.u32 $0x1, s0;
	[smem:$0x7FF] =	sst s3;
	s8 =	smul.u32 $0x50000, s8  }
0x6: {  	s22 =	sadd.s32 $0x69E00, s1;
	s4 =	smul.u32 $0x27100, s0;
	_ =	strace $0x8000004D  }
0x7: {  	s7 =	smul.u32 $0x2800, s0;
	[dreg:$0x3] =	wrdreg s22;
	s0 =	ssub.s32 $0x2, s0  }
0x8: {  	s23 =	sshrl.u32 s0, $0x1;
	s8 =	sshrl.u32 s8, $0x2;
	s4 =	sadd.s32 s5, s4  }
0x9: {  	s6 =	sadd.s32 s6, s7;
	s0 =	ssub.s32 s0, s23;
	s4 =	sshrl.u32 s4, $0x3  }
0xa: {  	s6 =	sshll.u32 s6, $0x4;
	s22 =	smax.u32 s0, $0x1;
	s24 =	sadd.s32 s4, s1  }
0xb: {  	s4 =	sadd.s32 $0x19E00, s1;
	s1 =	sadd.s32 s6, s1;
	s6 =	sadd.s32 s8, s2  }
0xc: {  	s7 =	sadd.s32 $0x2800, s6;
	s8 =	sadd.s32 $0x5000, s6;
	s9 =	sadd.s32 $0x7800, s6  }
0xd: {  	s10 =	sadd.s32 $0xA000, s6;
	s11 =	sadd.s32 $0xC800, s6;
	s12 =	sadd.s32 $0xF000, s6  }
0xe: {  	s13 =	sadd.s32 $0x11800, s6;
	s25 =	sadd.s32 $0x6A400, s1;
	s26 =	sadd.s32 $0x6A900, s1  }
0xf: {  	s16 =	sadd.s32 $0x6AE00, s1;
	s17 =	sadd.s32 $0x6B300, s1;
	s18 =	sadd.s32 $0x6B800, s1  }
0x10: {  	s19 =	sadd.s32 $0x6BD00, s1;
	s20 =	sadd.s32 $0x6C200, s1;
	s21 =	sadd.s32 $0x6C700, s1  }
0x11: {  	s23 =	sadd.s32 $0x10000, s24;
	s24 =	sadd.s32 $0x6200, s24;
	[dreg:$0x4] =	wrdreg s25  }
0x12: {  	[dreg:$0x5] =	wrdreg s26;
	s25 =	simm.s32 $0x100;
	s26 =	simm.s32 $0x2  }
.LBB2_1:
0x13: {  	s0 =	rddreg [dreg:$0x3]  }
0x14: {  	[tilespmem:s25], [sflag:$0x2] =	stream.linear.gather [hbm4b:s0+s3], $0x2800, $0x38;
	[tilespmem:$0x16900] =	vst v63  }
0x15: {  	_ =	swait.ge [sflag:s26], $0x2800  }
0x16: {  	[sflag:s26] =	ssyncset.done $0x0  }
0x17: {  	[sflag:s26] =	ssyncadd.s32 $0xFFFFD800  }
0x18: {  	[spmem:s6] =	stream.linear.scatter [tilespmem:s25], [sflag:$0x2], $0x2800, $0x38;
	[tilespmem:$0x16900] =	vst v63  }
0x19: {  	_ =	swait.ge [sflag:s26], $0x2800  }
0x1a: {  	[sflag:s26] =	ssyncset.done $0x0  }
0x1b: {  	[sflag:s26] =	ssyncadd.s32 $0xFFFFD800  }
0x1c: {  	[spmem:s7] =	stream.linear.scatter [tilespmem:s25], [sflag:$0x2], $0x2800, $0x38;
	[tilespmem:$0x16900] =	vst v63  }
0x1d: {  	_ =	swait.ge [sflag:s26], $0x2800  }
0x1e: {  	[sflag:s26] =	ssyncset.done $0x0  }
0x1f: {  	[sflag:s26] =	ssyncadd.s32 $0xFFFFD800  }
0x20: {  	[spmem:s8] =	stream.linear.scatter [tilespmem:s25], [sflag:$0x2], $0x2800, $0x38;
	[tilespmem:$0x16900] =	vst v63  }
0x21: {  	_ =	swait.ge [sflag:s26], $0x2800  }
0x22: {  	[sflag:s26] =	ssyncset.done $0x0  }
0x23: {  	[sflag:s26] =	ssyncadd.s32 $0xFFFFD800  }
0x24: {  	[spmem:s9] =	stream.linear.scatter [tilespmem:s25], [sflag:$0x2], $0x2800, $0x38;
	[tilespmem:$0x16900] =	vst v63  }
0x25: {  	_ =	swait.ge [sflag:s26], $0x2800  }
0x26: {  	[sflag:s26] =	ssyncset.done $0x0  }
0x27: {  	[sflag:s26] =	ssyncadd.s32 $0xFFFFD800  }
0x28: {  	[spmem:s10] =	stream.linear.scatter [tilespmem:s25], [sflag:$0x2], $0x2800, $0x38;
	[tilespmem:$0x16900] =	vst v63  }
0x29: {  	_ =	swait.ge [sflag:s26], $0x2800  }
0x2a: {  	[sflag:s26] =	ssyncset.done $0x0  }
0x2b: {  	[sflag:s26] =	ssyncadd.s32 $0xFFFFD800  }
0x2c: {  	[spmem:s11] =	stream.linear.scatter [tilespmem:s25], [sflag:$0x2], $0x2800, $0x38;
	[tilespmem:$0x16900] =	vst v63  }
0x2d: {  	_ =	swait.ge [sflag:s26], $0x2800  }
0x2e: {  	[sflag:s26] =	ssyncset.done $0x0  }
0x2f: {  	[sflag:s26] =	ssyncadd.s32 $0xFFFFD800  }
0x30: {  	[spmem:s12] =	stream.linear.scatter [tilespmem:s25], [sflag:$0x2], $0x2800, $0x38;
	[tilespmem:$0x16900] =	vst v63  }
0x31: {  	_ =	swait.ge [sflag:s26], $0x2800  }
0x32: {  	[sflag:s26] =	ssyncset.done $0x0  }
0x33: {  	[sflag:s26] =	ssyncadd.s32 $0xFFFFD800  }
0x34: {  	[spmem:s13] =	stream.linear.scatter [tilespmem:s25], [sflag:$0x2], $0x2800, $0x38;
	[tilespmem:$0x16900] =	vst v63  }
0x35: {  	_ =	swait.ge [sflag:s26], $0x2800  }
0x36: {  	[sflag:s26] =	ssyncset.done $0x0  }
0x37: {  	[sflag:s26] =	ssyncadd.s32 $0xFFFFD800  }
0x38: {  	s14 =	sadd.s32 $0x0, s24;
	[bflag:$0x0] =	sbarrier.arrive $0xFFFF  }
0x39: {  	[tilespmem:s28], [sflag:$0x2] =	stream.linear.gather [hbm4b:s14+s3], $0x50, $0x38;
	[tilespmem:$0x16900] =	vst v63  }
0x3a: {  	_ =	swait.ge [sflag:s26], $0x50  }
0x3b: {  	[sflag:s26] =	ssyncset.done $0x0  }
0x3c: {  	s15 =	sadd.s32 $0x0, s23;
	[sflag:s26] =	ssyncadd.s32 $0xFFFFFFB0  }
0x3d: {  	[tilespmem:s3], [sflag:$0x2] =	stream.linear.gather [hbm4b:s15+s3], $0x50, $0x38;
	[tilespmem:$0x16900] =	vst v63  }
0x3e: {  	_ =	swait.ge [sflag:s26], $0x50  }
0x3f: {  	[sflag:s26] =	ssyncset.done $0x0  }
0x40: {  	[sflag:s26] =	ssyncadd.s32 $0xFFFFFFB0  }
0x41: {  	[tilespmem:s25], [sflag:$0x1] =	stream.indirect.gather [hbm4b:s4+s29], $0x80, s3, s29, $0xb8;
	[tilespmem:$0x16900] =	vst v63  }
0x42: {  	_ =	swait.ge [sflag:s30], $0x2800  }
0x43: {  	[sflag:s30] =	ssyncset.done $0x0  }
0x44: {  	[sflag:s30] =	ssyncadd.s32 $0xFFFFD800  }
0x45: {  	[spmem:s2] =	stream.indirect.scatter.add.f32 [tilespmem:s25], [sflag:$0x2], $0x80, s28, s29, $0xb8;
	[tilespmem:$0x16900] =	vst v63  }
0x46: {  	_ =	swait.ge [sflag:s26], $0x2800  }
0x47: {  	s1 =	simm.s32 $0xA;
	s0 =	simm.s32 $0x14;
	[sflag:s26] =	ssyncset.done $0x0  }
.LBB2_2:
0x48: {  	s5 =	sadd.s32 s1, s24  }
0x49: {  	[sflag:s26] =	ssyncadd.s32 $0xFFFFD800;
	s14 =	smov.u32 s0;
	s15 =	sadd.s32 $0xA, s0  }
0x4a: {  	[tilespmem:s28], [sflag:$0x2] =	stream.linear.gather [hbm4b:s5+s3], $0x50, $0x38;
	[tilespmem:$0x16900] =	vst v63  }
0x4b: {  	p0 =	sne.s32 s0, $0x4D8;
	_ =	swait.ge [sflag:s26], $0x50  }
0x4c: {  	[sflag:s26] =	ssyncset.done $0x0  }
0x4d: {  	s0 =	sadd.s32 s1, s23;
	s1 =	smov.u32 s14;
	[sflag:s26] =	ssyncadd.s32 $0xFFFFFFB0  }
0x4e: {  	[tilespmem:s3], [sflag:$0x2] =	stream.linear.gather [hbm4b:s0+s3], $0x50, $0x38;
	[tilespmem:$0x16900] =	vst v63  }
0x4f: {  	_ =	swait.ge [sflag:s26], $0x50  }
0x50: {  	[sflag:s26] =	ssyncset.done $0x0  }
0x51: {  	[sflag:s26] =	ssyncadd.s32 $0xFFFFFFB0  }
0x52: {  	[tilespmem:s25], [sflag:$0x1] =	stream.indirect.gather [hbm4b:s4+s29], $0x80, s3, s29, $0xb8;
	[tilespmem:$0x16900] =	vst v63  }
0x53: {  	_ =	swait.ge [sflag:s30], $0x2800  }
.Ltmp0:
0x54: {  	[sflag:s30] =	ssyncset.done $0x0;
	(pc) =	sbr.rel @p0 .LBB2_2-.Ltmp0, $4  }
0x55: {  	[sflag:s30] =	ssyncadd.s32 $0xFFFFD800  }
0x56: {  	[spmem:s2] =	stream.indirect.scatter.add.f32 [tilespmem:s25], [sflag:$0x2], $0x80, s28, s29, $0xb8;
	[tilespmem:$0x16900] =	vst v63  }
0x57: {  	_ =	swait.ge [sflag:s26], $0x2800  }
0x58: {  	s0 =	smov.u32 s15;
	[sflag:s26] =	ssyncset.done $0x0  }
0x59: {  	s0 =	sadd.s32 s1, s24;
	[sflag:s26] =	ssyncadd.s32 $0xFFFFD800  }
0x5a: {  	[tilespmem:s28], [sflag:$0x2] =	stream.linear.gather [hbm4b:s0+s3], $0x50, $0x38;
	[tilespmem:$0x16900] =	vst v63  }
0x5b: {  	_ =	swait.ge [sflag:s26], $0x50  }
0x5c: {  	[sflag:s26] =	ssyncset.done $0x0  }
0x5d: {  	s5 =	sadd.s32 s1, s23;
	[sflag:s26] =	ssyncadd.s32 $0xFFFFFFB0  }
0x5e: {  	[tilespmem:s3], [sflag:$0x2] =	stream.linear.gather [hbm4b:s5+s3], $0x50, $0x38;
	[tilespmem:$0x16900] =	vst v63  }
0x5f: {  	_ =	swait.ge [sflag:s26], $0x50  }
0x60: {  	[sflag:s26] =	ssyncset.done $0x0  }
0x61: {  	[sflag:s26] =	ssyncadd.s32 $0xFFFFFFB0  }
0x62: {  	[tilespmem:s25], [sflag:$0x1] =	stream.indirect.gather [hbm4b:s4+s29], $0x80, s3, s29, $0xb8;
	[tilespmem:$0x16900] =	vst v63  }
0x63: {  	_ =	swait.ge [sflag:s30], $0x2800  }
0x64: {  	[sflag:s30] =	ssyncset.done $0x0  }
0x65: {  	[sflag:s30] =	ssyncadd.s32 $0xFFFFD800  }
0x66: {  	[spmem:s2] =	stream.indirect.scatter.add.f32 [tilespmem:s25], [sflag:$0x2], $0x80, s28, s29, $0xb8;
	[tilespmem:$0x16900] =	vst v63  }
0x67: {  	_ =	swait.ge [sflag:s26], $0x2800  }
0x68: {  	[sflag:s26] =	ssyncset.done $0x0  }
0x69: {  	[sflag:s26] =	ssyncadd.s32 $0xFFFFD800  }
0x6a: {  	[bflag:$0x0] =	sbarrier.arrive $0xFFFF  }
0x6b: {  	[tilespmem:s25], [sflag:$0x2] =	stream.linear.gather [spmem:s6], $0x2800, $0x38;
	[tilespmem:$0x16900] =	vst v63  }
0x6c: {  	_ =	swait.ge [sflag:s26], $0x2800  }
0x6d: {  	[sflag:s26] =	ssyncset.done $0x0  }
0x6e: {  	s14 =	rddreg [dreg:$0x4];
	[sflag:s26] =	ssyncadd.s32 $0xFFFFD800  }
0x6f: {  	[hbm4b:s14+s3] =	stream.linear.scatter [tilespmem:s25], [sflag:$0x2], $0x2800, $0x38;
	[tilespmem:$0x16900] =	vst v63  }
0x70: {  	_ =	swait.ge [sflag:s26], $0x2800  }
0x71: {  	[sflag:s26] =	ssyncset.done $0x0  }
0x72: {  	[sflag:s26] =	ssyncadd.s32 $0xFFFFD800  }
0x73: {  	[tilespmem:s25], [sflag:$0x2] =	stream.linear.gather [spmem:s7], $0x2800, $0x38;
	[tilespmem:$0x16900] =	vst v63  }
0x74: {  	_ =	swait.ge [sflag:s26], $0x2800  }
0x75: {  	[sflag:s26] =	ssyncset.done $0x0  }
0x76: {  	s15 =	rddreg [dreg:$0x5];
	[sflag:s26] =	ssyncadd.s32 $0xFFFFD800  }
0x77: {  	[hbm4b:s15+s3] =	stream.linear.scatter [tilespmem:s25], [sflag:$0x2], $0x2800, $0x38;
	[tilespmem:$0x16900] =	vst v63  }
0x78: {  	_ =	swait.ge [sflag:s26], $0x2800  }
0x79: {  	[sflag:s26] =	ssyncset.done $0x0  }
0x7a: {  	[sflag:s26] =	ssyncadd.s32 $0xFFFFD800  }
0x7b: {  	[tilespmem:s25], [sflag:$0x2] =	stream.linear.gather [spmem:s8], $0x2800, $0x38;
	[tilespmem:$0x16900] =	vst v63  }
0x7c: {  	_ =	swait.ge [sflag:s26], $0x2800  }
0x7d: {  	[sflag:s26] =	ssyncset.done $0x0  }
0x7e: {  	[sflag:s26] =	ssyncadd.s32 $0xFFFFD800  }
0x7f: {  	[hbm4b:s16+s3] =	stream.linear.scatter [tilespmem:s25], [sflag:$0x2], $0x2800, $0x38;
	[tilespmem:$0x16900] =	vst v63  }
0x80: {  	_ =	swait.ge [sflag:s26], $0x2800  }
0x81: {  	[sflag:s26] =	ssyncset.done $0x0  }
0x82: {  	[sflag:s26] =	ssyncadd.s32 $0xFFFFD800  }
0x83: {  	[tilespmem:s25], [sflag:$0x2] =	stream.linear.gather [spmem:s9], $0x2800, $0x38;
	[tilespmem:$0x16900] =	vst v63  }
0x84: {  	_ =	swait.ge [sflag:s26], $0x2800  }
0x85: {  	[sflag:s26] =	ssyncset.done $0x0  }
0x86: {  	[sflag:s26] =	ssyncadd.s32 $0xFFFFD800  }
0x87: {  	[hbm4b:s17+s3] =	stream.linear.scatter [tilespmem:s25], [sflag:$0x2], $0x2800, $0x38;
	[tilespmem:$0x16900] =	vst v63  }
0x88: {  	_ =	swait.ge [sflag:s26], $0x2800  }
0x89: {  	[sflag:s26] =	ssyncset.done $0x0  }
0x8a: {  	[sflag:s26] =	ssyncadd.s32 $0xFFFFD800  }
0x8b: {  	[tilespmem:s25], [sflag:$0x2] =	stream.linear.gather [spmem:s10], $0x2800, $0x38;
	[tilespmem:$0x16900] =	vst v63  }
0x8c: {  	_ =	swait.ge [sflag:s26], $0x2800  }
0x8d: {  	[sflag:s26] =	ssyncset.done $0x0  }
0x8e: {  	[sflag:s26] =	ssyncadd.s32 $0xFFFFD800  }
0x8f: {  	[hbm4b:s18+s3] =	stream.linear.scatter [tilespmem:s25], [sflag:$0x2], $0x2800, $0x38;
	[tilespmem:$0x16900] =	vst v63  }
0x90: {  	_ =	swait.ge [sflag:s26], $0x2800  }
0x91: {  	[sflag:s26] =	ssyncset.done $0x0  }
0x92: {  	[sflag:s26] =	ssyncadd.s32 $0xFFFFD800  }
0x93: {  	[tilespmem:s25], [sflag:$0x2] =	stream.linear.gather [spmem:s11], $0x2800, $0x38;
	[tilespmem:$0x16900] =	vst v63  }
0x94: {  	_ =	swait.ge [sflag:s26], $0x2800  }
0x95: {  	[sflag:s26] =	ssyncset.done $0x0  }
0x96: {  	[sflag:s26] =	ssyncadd.s32 $0xFFFFD800  }
0x97: {  	[hbm4b:s19+s3] =	stream.linear.scatter [tilespmem:s25], [sflag:$0x2], $0x2800, $0x38;
	[tilespmem:$0x16900] =	vst v63  }
0x98: {  	_ =	swait.ge [sflag:s26], $0x2800  }
0x99: {  	[sflag:s26] =	ssyncset.done $0x0  }
0x9a: {  	[sflag:s26] =	ssyncadd.s32 $0xFFFFD800  }
0x9b: {  	[tilespmem:s25], [sflag:$0x2] =	stream.linear.gather [spmem:s12], $0x2800, $0x38;
	[tilespmem:$0x16900] =	vst v63  }
0x9c: {  	_ =	swait.ge [sflag:s26], $0x2800  }
0x9d: {  	[sflag:s26] =	ssyncset.done $0x0  }
0x9e: {  	[sflag:s26] =	ssyncadd.s32 $0xFFFFD800  }
0x9f: {  	[hbm4b:s20+s3] =	stream.linear.scatter [tilespmem:s25], [sflag:$0x2], $0x2800, $0x38;
	[tilespmem:$0x16900] =	vst v63  }
0xa0: {  	_ =	swait.ge [sflag:s26], $0x2800  }
0xa1: {  	[sflag:s26] =	ssyncset.done $0x0  }
0xa2: {  	[sflag:s26] =	ssyncadd.s32 $0xFFFFD800  }
0xa3: {  	[tilespmem:s25], [sflag:$0x2] =	stream.linear.gather [spmem:s13], $0x2800, $0x38;
	[tilespmem:$0x16900] =	vst v63  }
0xa4: {  	s31 =	sadd.s32 $0x1, s31;
	_ =	swait.ge [sflag:s26], $0x2800  }
0xa5: {  	p0 =	sne.s32 s31, s22;
	[sflag:s26] =	ssyncset.done $0x0  }
.Ltmp1:
0xa6: {  	[sflag:s26] =	ssyncadd.s32 $0xFFFFD800;
	(pc) =	sbr.rel @p0 .LBB2_1-.Ltmp1, $4  }
0xa7: {  	[hbm4b:s21+s3] =	stream.linear.scatter [tilespmem:s25], [sflag:$0x2], $0x2800, $0x38;
	[tilespmem:$0x16900] =	vst v63  }
0xa8: {  	_ =	swait.ge [sflag:s26], $0x2800  }
0xa9: {  	[sflag:s26] =	ssyncset.done $0x0  }
0xaa: {  	[sflag:s26] =	ssyncadd.s32 $0xFFFFD800  }
0xab: {  	_ =	sfence.sel $0x180000  }
0xac: {  	[bflag:$0x0] =	sbarrier.arrive $0xFFFF  }
0xad: {  	_ =	strace $0x9000004D  }
0xae: {  	s0 =	stileid.u32;
	[bflag:$0x2] =	sbarrier.arrive $0xFFFF  }
0xaf: {  	p0 =	sne.s32 s0, $0x0;
	s0 =	rddreg [dreg:$0x2]  }
0xb0: {  	s0 =	sadd.s32 @!p0 $0x100000, s0  }
0xb1: {  	[sflag:s0] =	ssyncadd.tile.s32 @!p0 $0x1;
	_ =	shalt  }
.Lfunc_end2:
_tile_overlayer_lowered:
.L_overlay_start_2:
0xb2: {  	(tag) =	ssettag $0x2  }
0xb3: {  	s0 =	rddreg [dreg:$0x0];
	s2 =	stileid.u32  }
0xb4: {  	s1 =	rddreg [dreg:$0x1];
	p0 =	sne.s32 s2, $0x0  }
0xb5: {  	s3 =	rddreg [dreg:$0x2];
	[bflag:$0x3] =	sbarrier.arrive $0xFFFF;
	s2 =	simm.s32 @!p0 $0x1C02  }
0xb6: {  	[timem:s3], [sflag:s2] =	dma.local @!p0 [hbm:s0], s1  }
0xb7: {  	s0 =	simm.s32 @!p0 $0x2  }
0xb8: {  	_ =	swait.ge @!p0 [sflag:s0], s1  }
0xb9: {  	s1 =	ssub.s32 @!p0 $0x0, s1;
	[sflag:s0] =	ssyncset.done @!p0 $0x0  }
0xba: {  	[sflag:s0] =	ssyncadd.s32 @!p0 s1  }
0xbb: {  	[bflag:$0x3] =	sbarrier.arrive $0xFFFF  }
0xbc: {  	_ =	shalt  }

// kernel: kernel.21.cloned.1.call-start
scs
__scs_entry_jumppad:
0x0: {  	(pc) =	sbr.rel $0x88, $3  }
0x1: {  	(tag) =	ssettag $0x0;
	lr =	simm.s32 $0x1  }
0x2: {  	[smem:$0x3F83] =	sst lr;
	_ =	strace $0xD0000000  }
0x3: {  	_ = 	snop  }
0x4: {  	_ = 	snop  }
0x5: {  	_ = 	snop  }
0x6: {  	_ = 	snop  }
0x7: {  	_ = 	snop  }
__scs_overlays_trampoline_lowered:
0x8: {  	[smem:$0x3F92] =	sst s0  }
0x9: {  	[smem:$0x3F93] =	sst s1  }
0xa: {  	[smem:$0x3F94] =	sst s2  }
0xb: {  	[smem:$0x3F95] =	sst s3  }
0xc: {  	[smem:$0x3F96] =	sst s4  }
0xd: {  	[smem:$0x3F97] =	sst s5  }
0xe: {  	[smem:$0x3F98] =	sst s6  }
0xf: {  	[smem:$0x3F99] =	sst s7  }
0x10: {  	[smem:$0x3F9A] =	sst s8  }
0x11: {  	[smem:$0x3F9B] =	sst s9;
	s0 =	simm.s32 @!p0 $0x0  }
0x12: {  	s1 =	sld [smem:$0x3F81];
	s0 =	simm.s32 @p0 $0x1  }
0x13: {  	[smem:$0x3F9C] =	sst s0;
	s0 =	simm.s32 @!p1 $0x0  }
0x14: {  	s2 =	sld [smem:$0x3F80];
	s0 =	simm.s32 @p1 $0x1  }
0x15: {  	[smem:$0x3F9D] =	sst s0;
	s0 =	simm.s32 @!p2 $0x0  }
0x16: {  	s3 =	sld [smem:$0x3FDB];
	s0 =	simm.s32 @p2 $0x1  }
0x17: {  	s4 =	simm.s32 $0x1BF5;
	[smem:$0x3F9F] =	sst s0  }
0x18: {  	s0 =	sld [smem:$0x3F82];
	_ =	swait.ge [sflag:s4], $0x0  }
0x19: {  	s7 =	sld [smem:$0x3F83]  }
0x1a: {  	s8 =	sadd.s32 $0xFFFFE003, lr  }
0x1b: {  	s9 =	sadd.s32 $0xFFFFFEF7, lr;
	s5 =	simm.s32 $0xFFFFFFFF;
	p2 =	slt.u32 s8, $0xFFFFF086  }
0x1c: {  	p1 =	slt.u32 s9, $0xF7A;
	s5 =	simm.s32 @!p2 $0x0  }
0x1d: {  	s5 =	simm.s32 @p1 $0x1;
	p0 =	seq.s32 s7, s2  }
0x1e: {  	s7 =	smul.u32 @!p0 $0xF7A, s2;
	p2 =	seq.s32 @!p0 s5, $0x0  }
0x1f: {  	s9 =	smul.u32 $0xF7A, s1;
	s8 =	simm.s32 @!p0 $0x1BF5;
	p2 =	por !p2, p0  }
0x20: {  	[sflag:s8] =	ssyncset.s32 @!p0 $0xFFFFF086;
	s6 =	sadd.s32 @!p0 s3, s7;
	s7 =	simm.s32 @!p0 $0x108  }
0x21: {  	s3 =	sadd.s32 s3, s9;
	s6 =	sadd.s32 @!p0 $0x88, s6;
	s7 =	simm.s32 @p2 $0x1082  }
0x22: {  	[simem:s7], [sflag:s8] =	dma.local @!p0 [hbm:s6], $0xF7A  }
0x23: {  	s9 =	sor.u32 $0xD0000000, s2;
	s6 =	simm.s32 $0x108;
	_ =	swait.ge @!p0 [sflag:s8], $0x0  }
0x24: {  	s3 =	sadd.s32 $0x88, s3;
	s6 =	simm.s32 @!p1 $0x1082;
	[sflag:s4] =	ssyncset.s32 $0xFFFFF086  }
0x25: {  	[simem:s6], [sflag:s4] =	dma.local [hbm:s3], $0xF7A  }
0x26: {  	[smem:$0x3F83] =	sst s1;
	(tag) =	ssettag s2;
	_ =	strace s9  }
0x27: {  	s1 =	sld [smem:$0x3F93]  }
0x28: {  	s2 =	sld [smem:$0x3F94]  }
0x29: {  	s4 =	sld [smem:$0x3F96]  }
0x2a: {  	p0 =	seq.s32 s5, $0x0;
	s5 =	sld [smem:$0x3F97]  }
0x2b: {  	s6 =	sld [smem:$0x3F98]  }
0x2c: {  	s7 =	sld [smem:$0x3F99]  }
0x2d: {  	s3 =	simm.s32 $0x108;
	s8 =	sld [smem:$0x3F9A]  }
0x2e: {  	s3 =	simm.s32 @!p0 $0x1082;
	s9 =	sld [smem:$0x3F9B]  }
0x2f: {  	lr =	sadd.s32 s0, s3;
	s0 =	sld [smem:$0x3F92]  }
0x30: {  	s3 =	sld [smem:$0x3F95]  }
0x31: {  	[smem:$0x3F9E] =	sst s10  }
0x32: {  	s10 =	sld [smem:$0x3F9C];
	_ =	sdelay $0x3  }
0x33: {  	p0 =	seq.s32 s10, $0x1;
	s10 =	sld [smem:$0x3F9E];
	_ =	sdelay $0x3  }
0x34: {  	[smem:$0x3F9E] =	sst s10  }
0x35: {  	s10 =	sld [smem:$0x3F9D];
	_ =	sdelay $0x3  }
0x36: {  	p1 =	seq.s32 s10, $0x1;
	s10 =	sld [smem:$0x3F9E];
	_ =	sdelay $0x3  }
0x37: {  	[smem:$0x3F9E] =	sst s10  }
0x38: {  	s10 =	sld [smem:$0x3F9F]  }
0x39: {  	_ = 	snop;
	(pc) =	sbr.ind lr, $3  }
0x3a: {  	_ = 	snop  }
0x3b: {  	_ = 	snop  }
0x3c: {  	p2 =	seq.s32 s10, $0x1;
	s10 =	sld [smem:$0x3F9E]  }
0x3d: {  	_ =	shalt  }
0x3e: {  	_ =	shalt  }
0x3f: {  	_ =	shalt  }
0x40: {  	_ =	shalt  }
0x41: {  	_ =	shalt  }
0x42: {  	_ =	shalt  }
0x43: {  	_ =	shalt  }
0x44: {  	_ =	shalt  }
0x45: {  	_ =	shalt  }
0x46: {  	_ =	shalt  }
0x47: {  	_ =	shalt  }
0x48: {  	_ =	shalt  }
0x49: {  	_ =	shalt  }
0x4a: {  	_ =	shalt  }
0x4b: {  	_ =	shalt  }
0x4c: {  	_ =	shalt  }
0x4d: {  	_ =	shalt  }
0x4e: {  	_ =	shalt  }
0x4f: {  	_ =	shalt  }
0x50: {  	_ =	shalt  }
0x51: {  	_ =	shalt  }
0x52: {  	_ =	shalt  }
0x53: {  	_ =	shalt  }
0x54: {  	_ =	shalt  }
0x55: {  	_ =	shalt  }
0x56: {  	_ =	shalt  }
0x57: {  	_ =	shalt  }
0x58: {  	_ =	shalt  }
0x59: {  	_ =	shalt  }
0x5a: {  	_ =	shalt  }
0x5b: {  	_ =	shalt  }
0x5c: {  	_ =	shalt  }
0x5d: {  	_ =	shalt  }
0x5e: {  	_ =	shalt  }
0x5f: {  	_ =	shalt  }
0x60: {  	_ =	shalt  }
0x61: {  	_ =	shalt  }
0x62: {  	_ =	shalt  }
0x63: {  	_ =	shalt  }
0x64: {  	_ =	shalt  }
0x65: {  	_ =	shalt  }
0x66: {  	_ =	shalt  }
0x67: {  	_ =	shalt  }
0x68: {  	_ =	shalt  }
0x69: {  	_ =	shalt  }
0x6a: {  	_ =	shalt  }
0x6b: {  	_ =	shalt  }
0x6c: {  	_ =	shalt  }
0x6d: {  	_ =	shalt  }
0x6e: {  	_ =	shalt  }
0x6f: {  	_ =	shalt  }
0x70: {  	_ =	shalt  }
0x71: {  	_ =	shalt  }
0x72: {  	_ =	shalt  }
0x73: {  	_ =	shalt  }
0x74: {  	_ =	shalt  }
0x75: {  	_ =	shalt  }
0x76: {  	_ =	shalt  }
0x77: {  	_ =	shalt  }
0x78: {  	_ =	shalt  }
0x79: {  	_ =	shalt  }
0x7a: {  	_ =	shalt  }
0x7b: {  	_ =	shalt  }
0x7c: {  	_ =	shalt  }
0x7d: {  	_ =	shalt  }
0x7e: {  	_ =	shalt  }
0x7f: {  	_ =	shalt  }
0x80: {  	_ =	shalt  }
0x81: {  	_ =	shalt  }
0x82: {  	_ =	shalt  }
0x83: {  	_ =	shalt  }
0x84: {  	_ =	shalt  }
0x85: {  	_ =	shalt  }
0x86: {  	_ =	shalt  }
0x87: {  	_ =	shalt  }
.Lfunc_end0:
.L_simem_size_0:
called_computation.3_lowered:
.L_overlay_start_0:
0x88: {  	s2 =	sld [smem:$0x3FD9]  }
0x89: {  	s3 =	sld [smem:$0x3FFE];
	_ =	sdelay $0x1  }
0x8a: {  	s1 =	srdreg.scid  }
0x8b: {  	s0 =	sand.u32 $0x1, s1  }
0x8c: {  	s16 =	sshll.u32 s0, $0xA;
	s2 =	sadd.s32 s3, s2  }
0x8d: {  	s2 =	sadd.s32 s2, s16  }
0x8e: {  	[smem:$0x3FAA] =	sst s2  }
0x8f: {  	_ = 	snop  }
0x90: {  	(tm) =	ssettm $0x1  }
0x91: {  	s17 =	sld [smem:$0x3FFB];
	_ =	sdelay $0x3  }
0x92: {  	_ =	strace s17  }
0x93: {  	s2 =	sld [smem:$0x3FFC];
	_ =	sdelay $0x3  }
0x94: {  	_ =	strace s2  }
0x95: {  	s2 =	sld [smem:$0x3FFD];
	_ =	sdelay $0x3  }
0x96: {  	_ =	strace s2  }
0x97: {  	_ =	strace $0x8FFFFFFF  }
0x98: {  	s18 =	sld [smem:$0x3FDB];
	_ =	sdelay $0x1  }
0x99: {  	s19 =	simm.s32 $_scs_section_size  }
0x9a: {  	s4 =	simm.s32 $_size__tile_overlayer_lowered;
	s5 =	simm.s32 $_tile_overlayer_lowered  }
0x9b: {  	s22 =	simm.s32 $0x1BFF;
	s21 =	sshll.u32 s5, $0x1;
	s2 =	sadd.s32 s19, s18  }
0x9c: {  	s6 =	simm.s32 $0x0;
	s20 =	sshll.u32 s4, $0x1;
	s4 =	sadd.s32 s21, s2  }
0x9d: {  	[timem:s6], [sflag:s22] =	dma.local [hbm:s4], s20  }
0x9e: {  	_ =	swait.ge [sflag:s22], s20  }
0x9f: {  	s3 =	ssub.s32 $0x0, s20;
	[sflag:s22] =	ssyncset.done $0x0  }
0xa0: {  	[sflag:s22] =	ssyncadd.s32 s3;
	_ =	sdelay $0x1  }
0xa1: {  	s23 =	simm.s32 $0x1B8B  }
0xa2: {  	_ =	swait.ge [sflag:s23], $0x1  }
0xa3: {  	[sflag:s23] =	ssyncset.done $0x0  }
0xa4: {  	s25 =	simm.s32 $0x1B8E;
	s24 =	sld [smem:$0x3FFE];
	[sflag:s23] =	ssyncadd.s32 $0xFFFFFFFF  }
0xa5: {  	s26 =	simm.s32 $execute0_lowered;
	[smem:$0x3FD2] =	sst s25  }
0xa6: {  	s4 =	sshll.u32 s26, $0x1;
	_ =	strace $0x8000004F;
	[dreg:$0x1] =	wrdreg $0xFFFFFFFF  }
0xa7: {  	s28 =	simm.s32 $_size_execute0_lowered;
	s2 =	sadd.s32 s2, s4;
	[dreg:$0x0] =	wrdreg $0x0  }
0xa8: {  	s4 =	sshll.u32 s28, $0x1;
	[dreg:$0x2] =	wrdreg s2  }
0xa9: {  	[dreg:$0x3] =	wrdreg s4  }
0xaa: {  	[dreg:$0x4] =	wrdreg $0xC0  }
0xab: {  	_ =	task [dreg:s6], $0x5FFFF  }
0xac: {  	[dreg:$0x1] =	wrdreg $0xFFFFFFFF  }
0xad: {  	[dreg:$0x0] =	wrdreg $0x60  }
0xae: {  	[dreg:$0x2] =	wrdreg s24  }
0xaf: {  	[dreg:$0x3] =	wrdreg $0x29000  }
0xb0: {  	[dreg:$0x4] =	wrdreg $0x9  }
0xb1: {  	_ =	task.clear_ibuf [dreg:s6], $0x5FFFF;
	_ =	strace $0x9000004F  }
0xb2: {  	s29 =	simm.s32 $0x9;
	_ =	strace $0x80000051  }
0xb3: {  	_ =	swait.ge [sflag:s29], $0x1  }
0xb4: {  	[sflag:s29] =	ssyncadd.s32 $0xFFFFFFFF  }
0xb5: {  	_ =	strace $0x90000051  }
0xb6: {  	_ =	sfence  }
0xb7: {  	s30 =	sld [smem:$0x0];
	_ =	sdelay $0x2  }
0xb8: {  	s31 =	sshll.u32 s1, $0xD;
	s1 =	sshrl.u32 s1, $0x2  }
0xb9: {  	s3 =	sand.u32 $0x4000, s31;
	s1 =	sadd.s32 s1, s30  }
0xba: {  	s0 =	sor.u32 s3, s0;
	s1 =	sshll.u32 s1, $0x11  }
0xbb: {  	s0 =	sor.u32 s1, s0  }
0xbc: {  	s0 =	sadd.s32 $0x8F2B, s0  }
0xbd: {  	[sflag:s0] =	ssyncadd.remote.s32 $0x1  }
0xbe: {  	_ =	sfence.sel $0xFFFF  }
0xbf: {  	[dreg:$0x0] =	wrdreg $0xFFFFFFFF;
	(pc) =	sbr.abs _section_cstart, $3  }
0xc0: {  	[dreg:$0x1] =	wrdreg $0xFFFFFFFF  }
0xc1: {  	_ =	task.clear_ibuf [dreg:s6], $0x2FFFF;
	_ =	strace $0x9FFFFFFF  }
0xc2: {  	(tm) =	ssettm $0x7FFFFFFF  }
0xc3: {  	_ =	shalt  }
tec
execute0_lowered:
.L_overlay_start_1:
0x0: {  	(tag) =	ssettag $0x1  }
0x1: {  	s0 =	srdreg.scid;
	s1 =	rddreg [dreg:$0x0]  }
0x2: {  	s8 =	stileid.u32;
	s2 =	rddreg [dreg:$0x1];
	s3 =	simm.s32 $0x0  }
0x3: {  	s28 =	simm.s32 $0x80;
	s29 =	simm.s32 $0x50;
	s5 =	smul.u32 $0x2710, s8  }
0x4: {  	s30 =	simm.s32 $0x1;
	s31 =	simm.s32 $0x0;
	s6 =	smul.u32 $0x280, s8  }
0x5: {  	s0 =	sand.u32 $0x1, s0;
	[smem:$0x7FF] =	sst s3;
	s8 =	smul.u32 $0x50000, s8  }
0x6: {  	s22 =	sadd.s32 $0x69E00, s1;
	s4 =	smul.u32 $0x27100, s0;
	_ =	strace $0x80000050  }
0x7: {  	s7 =	smul.u32 $0x2800, s0;
	[dreg:$0x3] =	wrdreg s22;
	s0 =	ssub.s32 $0x2, s0  }
0x8: {  	s23 =	sshrl.u32 s0, $0x1;
	s8 =	sshrl.u32 s8, $0x2;
	s4 =	sadd.s32 s5, s4  }
0x9: {  	s6 =	sadd.s32 s6, s7;
	s0 =	ssub.s32 s0, s23;
	s4 =	sshrl.u32 s4, $0x3  }
0xa: {  	s6 =	sshll.u32 s6, $0x4;
	s22 =	smax.u32 s0, $0x1;
	s24 =	sadd.s32 s4, s1  }
0xb: {  	s4 =	sadd.s32 $0x19E00, s1;
	s1 =	sadd.s32 s6, s1;
	s6 =	sadd.s32 s8, s2  }
0xc: {  	s7 =	sadd.s32 $0x2800, s6;
	s8 =	sadd.s32 $0x5000, s6;
	s9 =	sadd.s32 $0x7800, s6  }
0xd: {  	s10 =	sadd.s32 $0xA000, s6;
	s11 =	sadd.s32 $0xC800, s6;
	s12 =	sadd.s32 $0xF000, s6  }
0xe: {  	s13 =	sadd.s32 $0x11800, s6;
	s25 =	sadd.s32 $0x6A400, s1;
	s26 =	sadd.s32 $0x6A900, s1  }
0xf: {  	s16 =	sadd.s32 $0x6AE00, s1;
	s17 =	sadd.s32 $0x6B300, s1;
	s18 =	sadd.s32 $0x6B800, s1  }
0x10: {  	s19 =	sadd.s32 $0x6BD00, s1;
	s20 =	sadd.s32 $0x6C200, s1;
	s21 =	sadd.s32 $0x6C700, s1  }
0x11: {  	s23 =	sadd.s32 $0x10000, s24;
	s24 =	sadd.s32 $0x6200, s24;
	[dreg:$0x4] =	wrdreg s25  }
0x12: {  	[dreg:$0x5] =	wrdreg s26;
	s25 =	simm.s32 $0x100;
	s26 =	simm.s32 $0x2  }
.LBB2_1:
0x13: {  	s0 =	rddreg [dreg:$0x3]  }
0x14: {  	[tilespmem:s25], [sflag:$0x2] =	stream.linear.gather [hbm4b:s0+s3], $0x2800, $0x38;
	[tilespmem:$0x16900] =	vst v63  }
0x15: {  	_ =	swait.ge [sflag:s26], $0x2800  }
0x16: {  	[sflag:s26] =	ssyncset.done $0x0  }
0x17: {  	[sflag:s26] =	ssyncadd.s32 $0xFFFFD800  }
0x18: {  	[spmem:s6] =	stream.linear.scatter [tilespmem:s25], [sflag:$0x2], $0x2800, $0x38;
	[tilespmem:$0x16900] =	vst v63  }
0x19: {  	_ =	swait.ge [sflag:s26], $0x2800  }
0x1a: {  	[sflag:s26] =	ssyncset.done $0x0  }
0x1b: {  	[sflag:s26] =	ssyncadd.s32 $0xFFFFD800  }
0x1c: {  	[spmem:s7] =	stream.linear.scatter [tilespmem:s25], [sflag:$0x2], $0x2800, $0x38;
	[tilespmem:$0x16900] =	vst v63  }
0x1d: {  	_ =	swait.ge [sflag:s26], $0x2800  }
0x1e: {  	[sflag:s26] =	ssyncset.done $0x0  }
0x1f: {  	[sflag:s26] =	ssyncadd.s32 $0xFFFFD800  }
0x20: {  	[spmem:s8] =	stream.linear.scatter [tilespmem:s25], [sflag:$0x2], $0x2800, $0x38;
	[tilespmem:$0x16900] =	vst v63  }
0x21: {  	_ =	swait.ge [sflag:s26], $0x2800  }
0x22: {  	[sflag:s26] =	ssyncset.done $0x0  }
0x23: {  	[sflag:s26] =	ssyncadd.s32 $0xFFFFD800  }
0x24: {  	[spmem:s9] =	stream.linear.scatter [tilespmem:s25], [sflag:$0x2], $0x2800, $0x38;
	[tilespmem:$0x16900] =	vst v63  }
0x25: {  	_ =	swait.ge [sflag:s26], $0x2800  }
0x26: {  	[sflag:s26] =	ssyncset.done $0x0  }
0x27: {  	[sflag:s26] =	ssyncadd.s32 $0xFFFFD800  }
0x28: {  	[spmem:s10] =	stream.linear.scatter [tilespmem:s25], [sflag:$0x2], $0x2800, $0x38;
	[tilespmem:$0x16900] =	vst v63  }
0x29: {  	_ =	swait.ge [sflag:s26], $0x2800  }
0x2a: {  	[sflag:s26] =	ssyncset.done $0x0  }
0x2b: {  	[sflag:s26] =	ssyncadd.s32 $0xFFFFD800  }
0x2c: {  	[spmem:s11] =	stream.linear.scatter [tilespmem:s25], [sflag:$0x2], $0x2800, $0x38;
	[tilespmem:$0x16900] =	vst v63  }
0x2d: {  	_ =	swait.ge [sflag:s26], $0x2800  }
0x2e: {  	[sflag:s26] =	ssyncset.done $0x0  }
0x2f: {  	[sflag:s26] =	ssyncadd.s32 $0xFFFFD800  }
0x30: {  	[spmem:s12] =	stream.linear.scatter [tilespmem:s25], [sflag:$0x2], $0x2800, $0x38;
	[tilespmem:$0x16900] =	vst v63  }
0x31: {  	_ =	swait.ge [sflag:s26], $0x2800  }
0x32: {  	[sflag:s26] =	ssyncset.done $0x0  }
0x33: {  	[sflag:s26] =	ssyncadd.s32 $0xFFFFD800  }
0x34: {  	[spmem:s13] =	stream.linear.scatter [tilespmem:s25], [sflag:$0x2], $0x2800, $0x38;
	[tilespmem:$0x16900] =	vst v63  }
0x35: {  	_ =	swait.ge [sflag:s26], $0x2800  }
0x36: {  	[sflag:s26] =	ssyncset.done $0x0  }
0x37: {  	[sflag:s26] =	ssyncadd.s32 $0xFFFFD800  }
0x38: {  	s14 =	sadd.s32 $0x0, s24;
	[bflag:$0x0] =	sbarrier.arrive $0xFFFF  }
0x39: {  	[tilespmem:s28], [sflag:$0x2] =	stream.linear.gather [hbm4b:s14+s3], $0x50, $0x38;
	[tilespmem:$0x16900] =	vst v63  }
0x3a: {  	_ =	swait.ge [sflag:s26], $0x50  }
0x3b: {  	[sflag:s26] =	ssyncset.done $0x0  }
0x3c: {  	s15 =	sadd.s32 $0x0, s23;
	[sflag:s26] =	ssyncadd.s32 $0xFFFFFFB0  }
0x3d: {  	[tilespmem:s3], [sflag:$0x2] =	stream.linear.gather [hbm4b:s15+s3], $0x50, $0x38;
	[tilespmem:$0x16900] =	vst v63  }
0x3e: {  	_ =	swait.ge [sflag:s26], $0x50  }
0x3f: {  	[sflag:s26] =	ssyncset.done $0x0  }
0x40: {  	[sflag:s26] =	ssyncadd.s32 $0xFFFFFFB0  }
0x41: {  	[tilespmem:s25], [sflag:$0x1] =	stream.indirect.gather [hbm4b:s4+s29], $0x80, s3, s29, $0xb8;
	[tilespmem:$0x16900] =	vst v63  }
0x42: {  	_ =	swait.ge [sflag:s30], $0x2800  }
0x43: {  	[sflag:s30] =	ssyncset.done $0x0  }
0x44: {  	[sflag:s30] =	ssyncadd.s32 $0xFFFFD800  }
0x45: {  	[spmem:s2] =	stream.indirect.scatter.add.f32 [tilespmem:s25], [sflag:$0x2], $0x80, s28, s29, $0xb8;
	[tilespmem:$0x16900] =	vst v63  }
0x46: {  	_ =	swait.ge [sflag:s26], $0x2800  }
0x47: {  	s1 =	simm.s32 $0xA;
	s0 =	simm.s32 $0x14;
	[sflag:s26] =	ssyncset.done $0x0  }
.LBB2_2:
0x48: {  	s5 =	sadd.s32 s1, s24  }
0x49: {  	[sflag:s26] =	ssyncadd.s32 $0xFFFFD800;
	s14 =	smov.u32 s0;
	s15 =	sadd.s32 $0xA, s0  }
0x4a: {  	[tilespmem:s28], [sflag:$0x2] =	stream.linear.gather [hbm4b:s5+s3], $0x50, $0x38;
	[tilespmem:$0x16900] =	vst v63  }
0x4b: {  	p0 =	sne.s32 s0, $0x4D8;
	_ =	swait.ge [sflag:s26], $0x50  }
0x4c: {  	[sflag:s26] =	ssyncset.done $0x0  }
0x4d: {  	s0 =	sadd.s32 s1, s23;
	s1 =	smov.u32 s14;
	[sflag:s26] =	ssyncadd.s32 $0xFFFFFFB0  }
0x4e: {  	[tilespmem:s3], [sflag:$0x2] =	stream.linear.gather [hbm4b:s0+s3], $0x50, $0x38;
	[tilespmem:$0x16900] =	vst v63  }
0x4f: {  	_ =	swait.ge [sflag:s26], $0x50  }
0x50: {  	[sflag:s26] =	ssyncset.done $0x0  }
0x51: {  	[sflag:s26] =	ssyncadd.s32 $0xFFFFFFB0  }
0x52: {  	[tilespmem:s25], [sflag:$0x1] =	stream.indirect.gather [hbm4b:s4+s29], $0x80, s3, s29, $0xb8;
	[tilespmem:$0x16900] =	vst v63  }
0x53: {  	_ =	swait.ge [sflag:s30], $0x2800  }
.Ltmp0:
0x54: {  	[sflag:s30] =	ssyncset.done $0x0;
	(pc) =	sbr.rel @p0 .LBB2_2-.Ltmp0, $4  }
0x55: {  	[sflag:s30] =	ssyncadd.s32 $0xFFFFD800  }
0x56: {  	[spmem:s2] =	stream.indirect.scatter.add.f32 [tilespmem:s25], [sflag:$0x2], $0x80, s28, s29, $0xb8;
	[tilespmem:$0x16900] =	vst v63  }
0x57: {  	_ =	swait.ge [sflag:s26], $0x2800  }
0x58: {  	s0 =	smov.u32 s15;
	[sflag:s26] =	ssyncset.done $0x0  }
0x59: {  	s0 =	sadd.s32 s1, s24;
	[sflag:s26] =	ssyncadd.s32 $0xFFFFD800  }
0x5a: {  	[tilespmem:s28], [sflag:$0x2] =	stream.linear.gather [hbm4b:s0+s3], $0x50, $0x38;
	[tilespmem:$0x16900] =	vst v63  }
0x5b: {  	_ =	swait.ge [sflag:s26], $0x50  }
0x5c: {  	[sflag:s26] =	ssyncset.done $0x0  }
0x5d: {  	s5 =	sadd.s32 s1, s23;
	[sflag:s26] =	ssyncadd.s32 $0xFFFFFFB0  }
0x5e: {  	[tilespmem:s3], [sflag:$0x2] =	stream.linear.gather [hbm4b:s5+s3], $0x50, $0x38;
	[tilespmem:$0x16900] =	vst v63  }
0x5f: {  	_ =	swait.ge [sflag:s26], $0x50  }
0x60: {  	[sflag:s26] =	ssyncset.done $0x0  }
0x61: {  	[sflag:s26] =	ssyncadd.s32 $0xFFFFFFB0  }
0x62: {  	[tilespmem:s25], [sflag:$0x1] =	stream.indirect.gather [hbm4b:s4+s29], $0x80, s3, s29, $0xb8;
	[tilespmem:$0x16900] =	vst v63  }
0x63: {  	_ =	swait.ge [sflag:s30], $0x2800  }
0x64: {  	[sflag:s30] =	ssyncset.done $0x0  }
0x65: {  	[sflag:s30] =	ssyncadd.s32 $0xFFFFD800  }
0x66: {  	[spmem:s2] =	stream.indirect.scatter.add.f32 [tilespmem:s25], [sflag:$0x2], $0x80, s28, s29, $0xb8;
	[tilespmem:$0x16900] =	vst v63  }
0x67: {  	_ =	swait.ge [sflag:s26], $0x2800  }
0x68: {  	[sflag:s26] =	ssyncset.done $0x0  }
0x69: {  	[sflag:s26] =	ssyncadd.s32 $0xFFFFD800  }
0x6a: {  	[bflag:$0x0] =	sbarrier.arrive $0xFFFF  }
0x6b: {  	[tilespmem:s25], [sflag:$0x2] =	stream.linear.gather [spmem:s6], $0x2800, $0x38;
	[tilespmem:$0x16900] =	vst v63  }
0x6c: {  	_ =	swait.ge [sflag:s26], $0x2800  }
0x6d: {  	[sflag:s26] =	ssyncset.done $0x0  }
0x6e: {  	s14 =	rddreg [dreg:$0x4];
	[sflag:s26] =	ssyncadd.s32 $0xFFFFD800  }
0x6f: {  	[hbm4b:s14+s3] =	stream.linear.scatter [tilespmem:s25], [sflag:$0x2], $0x2800, $0x38;
	[tilespmem:$0x16900] =	vst v63  }
0x70: {  	_ =	swait.ge [sflag:s26], $0x2800  }
0x71: {  	[sflag:s26] =	ssyncset.done $0x0  }
0x72: {  	[sflag:s26] =	ssyncadd.s32 $0xFFFFD800  }
0x73: {  	[tilespmem:s25], [sflag:$0x2] =	stream.linear.gather [spmem:s7], $0x2800, $0x38;
	[tilespmem:$0x16900] =	vst v63  }
0x74: {  	_ =	swait.ge [sflag:s26], $0x2800  }
0x75: {  	[sflag:s26] =	ssyncset.done $0x0  }
0x76: {  	s15 =	rddreg [dreg:$0x5];
	[sflag:s26] =	ssyncadd.s32 $0xFFFFD800  }
0x77: {  	[hbm4b:s15+s3] =	stream.linear.scatter [tilespmem:s25], [sflag:$0x2], $0x2800, $0x38;
	[tilespmem:$0x16900] =	vst v63  }
0x78: {  	_ =	swait.ge [sflag:s26], $0x2800  }
0x79: {  	[sflag:s26] =	ssyncset.done $0x0  }
0x7a: {  	[sflag:s26] =	ssyncadd.s32 $0xFFFFD800  }
0x7b: {  	[tilespmem:s25], [sflag:$0x2] =	stream.linear.gather [spmem:s8], $0x2800, $0x38;
	[tilespmem:$0x16900] =	vst v63  }
0x7c: {  	_ =	swait.ge [sflag:s26], $0x2800  }
0x7d: {  	[sflag:s26] =	ssyncset.done $0x0  }
0x7e: {  	[sflag:s26] =	ssyncadd.s32 $0xFFFFD800  }
0x7f: {  	[hbm4b:s16+s3] =	stream.linear.scatter [tilespmem:s25], [sflag:$0x2], $0x2800, $0x38;
	[tilespmem:$0x16900] =	vst v63  }
0x80: {  	_ =	swait.ge [sflag:s26], $0x2800  }
0x81: {  	[sflag:s26] =	ssyncset.done $0x0  }
0x82: {  	[sflag:s26] =	ssyncadd.s32 $0xFFFFD800  }
0x83: {  	[tilespmem:s25], [sflag:$0x2] =	stream.linear.gather [spmem:s9], $0x2800, $0x38;
	[tilespmem:$0x16900] =	vst v63  }
0x84: {  	_ =	swait.ge [sflag:s26], $0x2800  }
0x85: {  	[sflag:s26] =	ssyncset.done $0x0  }
0x86: {  	[sflag:s26] =	ssyncadd.s32 $0xFFFFD800  }
0x87: {  	[hbm4b:s17+s3] =	stream.linear.scatter [tilespmem:s25], [sflag:$0x2], $0x2800, $0x38;
	[tilespmem:$0x16900] =	vst v63  }
0x88: {  	_ =	swait.ge [sflag:s26], $0x2800  }
0x89: {  	[sflag:s26] =	ssyncset.done $0x0  }
0x8a: {  	[sflag:s26] =	ssyncadd.s32 $0xFFFFD800  }
0x8b: {  	[tilespmem:s25], [sflag:$0x2] =	stream.linear.gather [spmem:s10], $0x2800, $0x38;
	[tilespmem:$0x16900] =	vst v63  }
0x8c: {  	_ =	swait.ge [sflag:s26], $0x2800  }
0x8d: {  	[sflag:s26] =	ssyncset.done $0x0  }
0x8e: {  	[sflag:s26] =	ssyncadd.s32 $0xFFFFD800  }
0x8f: {  	[hbm4b:s18+s3] =	stream.linear.scatter [tilespmem:s25], [sflag:$0x2], $0x2800, $0x38;
	[tilespmem:$0x16900] =	vst v63  }
0x90: {  	_ =	swait.ge [sflag:s26], $0x2800  }
0x91: {  	[sflag:s26] =	ssyncset.done $0x0  }
0x92: {  	[sflag:s26] =	ssyncadd.s32 $0xFFFFD800  }
0x93: {  	[tilespmem:s25], [sflag:$0x2] =	stream.linear.gather [spmem:s11], $0x2800, $0x38;
	[tilespmem:$0x16900] =	vst v63  }
0x94: {  	_ =	swait.ge [sflag:s26], $0x2800  }
0x95: {  	[sflag:s26] =	ssyncset.done $0x0  }
0x96: {  	[sflag:s26] =	ssyncadd.s32 $0xFFFFD800  }
0x97: {  	[hbm4b:s19+s3] =	stream.linear.scatter [tilespmem:s25], [sflag:$0x2], $0x2800, $0x38;
	[tilespmem:$0x16900] =	vst v63  }
0x98: {  	_ =	swait.ge [sflag:s26], $0x2800  }
0x99: {  	[sflag:s26] =	ssyncset.done $0x0  }
0x9a: {  	[sflag:s26] =	ssyncadd.s32 $0xFFFFD800  }
0x9b: {  	[tilespmem:s25], [sflag:$0x2] =	stream.linear.gather [spmem:s12], $0x2800, $0x38;
	[tilespmem:$0x16900] =	vst v63  }
0x9c: {  	_ =	swait.ge [sflag:s26], $0x2800  }
0x9d: {  	[sflag:s26] =	ssyncset.done $0x0  }
0x9e: {  	[sflag:s26] =	ssyncadd.s32 $0xFFFFD800  }
0x9f: {  	[hbm4b:s20+s3] =	stream.linear.scatter [tilespmem:s25], [sflag:$0x2], $0x2800, $0x38;
	[tilespmem:$0x16900] =	vst v63  }
0xa0: {  	_ =	swait.ge [sflag:s26], $0x2800  }
0xa1: {  	[sflag:s26] =	ssyncset.done $0x0  }
0xa2: {  	[sflag:s26] =	ssyncadd.s32 $0xFFFFD800  }
0xa3: {  	[tilespmem:s25], [sflag:$0x2] =	stream.linear.gather [spmem:s13], $0x2800, $0x38;
	[tilespmem:$0x16900] =	vst v63  }
0xa4: {  	s31 =	sadd.s32 $0x1, s31;
	_ =	swait.ge [sflag:s26], $0x2800  }
0xa5: {  	p0 =	sne.s32 s31, s22;
	[sflag:s26] =	ssyncset.done $0x0  }
.Ltmp1:
0xa6: {  	[sflag:s26] =	ssyncadd.s32 $0xFFFFD800;
	(pc) =	sbr.rel @p0 .LBB2_1-.Ltmp1, $4  }
0xa7: {  	[hbm4b:s21+s3] =	stream.linear.scatter [tilespmem:s25], [sflag:$0x2], $0x2800, $0x38;
	[tilespmem:$0x16900] =	vst v63  }
0xa8: {  	_ =	swait.ge [sflag:s26], $0x2800  }
0xa9: {  	[sflag:s26] =	ssyncset.done $0x0  }
0xaa: {  	[sflag:s26] =	ssyncadd.s32 $0xFFFFD800  }
0xab: {  	_ =	sfence.sel $0x180000  }
0xac: {  	[bflag:$0x0] =	sbarrier.arrive $0xFFFF  }
0xad: {  	_ =	strace $0x90000050  }
0xae: {  	s0 =	stileid.u32;
	[bflag:$0x2] =	sbarrier.arrive $0xFFFF  }
0xaf: {  	p0 =	sne.s32 s0, $0x0;
	s0 =	rddreg [dreg:$0x2]  }
0xb0: {  	s0 =	sadd.s32 @!p0 $0x100000, s0  }
0xb1: {  	[sflag:s0] =	ssyncadd.tile.s32 @!p0 $0x1;
	_ =	shalt  }
.Lfunc_end2:
_tile_overlayer_lowered:
.L_overlay_start_2:
0xb2: {  	(tag) =	ssettag $0x2  }
0xb3: {  	s0 =	rddreg [dreg:$0x0];
	s2 =	stileid.u32  }
0xb4: {  	s1 =	rddreg [dreg:$0x1];
	p0 =	sne.s32 s2, $0x0  }
0xb5: {  	s3 =	rddreg [dreg:$0x2];
	[bflag:$0x3] =	sbarrier.arrive $0xFFFF;
	s2 =	simm.s32 @!p0 $0x1C02  }
0xb6: {  	[timem:s3], [sflag:s2] =	dma.local @!p0 [hbm:s0], s1  }
0xb7: {  	s0 =	simm.s32 @!p0 $0x2  }
0xb8: {  	_ =	swait.ge @!p0 [sflag:s0], s1  }
0xb9: {  	s1 =	ssub.s32 @!p0 $0x0, s1;
	[sflag:s0] =	ssyncset.done @!p0 $0x0  }
0xba: {  	[sflag:s0] =	ssyncadd.s32 @!p0 s1  }
0xbb: {  	[bflag:$0x3] =	sbarrier.arrive $0xFFFF  }
0xbc: {  	_ =	shalt  }

</sc_bundles>
